<compile_context>
chip_gen: v7x
topology: tpu7x:2x2x1
jax: 0.10.2.dev20260603
libtpu: 0.0.44.dev20260713+nightly
codegen_flags: <defaults>
</compile_context>

<pallas_src>
import functools

import jax
import jax.numpy as jnp
from jax import lax
from jax.experimental import pallas as pl
from jax.experimental.pallas import tpu as pltpu
from jax.experimental.pallas import tpu_sc as plsc

C = 19
NBIN = 64
TBL = C * NBIN
TRASH = 2 * TBL
TBLP = 2560
R = 64
GRID = (4, 512 // R)

NW = 32
MAIN_BLOCKS = 4 * C * (512 // R)
MAIN_PER_W = MAIN_BLOCKS // NW


def _bin_kernel(logits_ref, labels_ref, idx_main_ref, ex_ref):
    labels = labels_ref[0]
    valid = labels != 0

    def _den_body(c, d):
        ex = jnp.exp(logits_ref[0, c])
        ex_ref[c] = ex
        return d + ex
    den = lax.fori_loop(0, C, _den_body,
                        jnp.zeros_like(labels, dtype=jnp.float32))
    inv = 1.0 / den

    col = lax.broadcasted_iota(jnp.int32, (R, 512), 1)
    lane_pat = (col % 16) * TBLP

    def _class_body(c, _):
        p = ex_ref[c] * inv
        iseq = labels == c
        fg = valid & iseq
        e = jnp.where(fg, 1.0 - p, p)
        b = jnp.minimum((e * NBIN).astype(jnp.int32), NBIN - 1)
        base = jnp.where(fg, c * NBIN + TBL, c * NBIN)
        idx = jnp.where(valid, base + b, TRASH)
        idx_main_ref[0, c] = idx + lane_pat
        return 0

    lax.fori_loop(0, C, _class_body, 0)


_sc_mesh = plsc.VectorSubcoreMesh(core_axis_name="c", subcore_axis_name="s")


RC = 16
NBH = 1
MAIN_CHUNKS_W = NBH * C * (512 // RC) // NW
RING_ITERS = (MAIN_CHUNKS_W + 1) // 2


@functools.partial(
    pl.kernel,
    mesh=_sc_mesh,
    compiler_params=pltpu.CompilerParams(needs_layout_passes=False),
    out_type=jax.ShapeDtypeStruct((NW, 16 * TBLP), jnp.float32),
    scratch_types=[
        pltpu.VMEM((16 * TBLP,), jnp.float32),
        pltpu.VMEM((RC, 512), jnp.int32),
        pltpu.VMEM((RC, 512), jnp.int32),
        pltpu.SemaphoreType.DMA,
        pltpu.SemaphoreType.DMA,
    ],
)
def _sc_hist(idx_main_hbm, out_hbm, hist, buf0, buf1, sem0, sem1):
    cid = lax.axis_index("c")
    sid = lax.axis_index("s")
    wid = sid * 2 + cid
    ones = jnp.ones((16,), jnp.float32)
    zeros = jnp.zeros((16,), jnp.float32)
    bufs = (buf0, buf1)
    sems = (sem0, sem1)

    def _zero_body(j, _):
        for u in range(8):
            hist[pl.ds((j * 8 + u) * 16, 16)] = zeros
        return 0
    lax.fori_loop(0, 16 * TBLP // 16 // 8, _zero_body, 0)

    def _main_slice(t):
        blk = wid * MAIN_CHUNKS_W + t
        per_b = C * (512 // RC)
        b = blk // per_b
        rem = blk % per_b
        c = rem // (512 // RC)
        rc = rem % (512 // RC)
        return idx_main_hbm.at[b, c, pl.ds(rc * RC, RC), :]

    def _consume(buf):
        def _row(r, _):
            for k in range(512 // 16):
                v = buf[r, pl.ds(k * 16, 16)]
                plsc.addupdate_scatter(hist, [v], ones)
            return 0
        lax.fori_loop(0, RC, _row, 0)

    pltpu.async_copy(_main_slice(0), buf0, sem0)

    def _ring_body(i, _):
        for b2 in range(2):
            t = i * 2 + b2
            nxt = t + 1
            nb = (b2 + 1) % 2

            @pl.when(t < MAIN_CHUNKS_W)
            def _():
                @pl.when(nxt < MAIN_CHUNKS_W)
                def _():
                    pltpu.async_copy(_main_slice(nxt), bufs[nb], sems[nb])

                pltpu.make_async_copy(_main_slice(t), bufs[b2],
                                      sems[b2]).wait()
                _consume(bufs[b2])
        return 0

    lax.fori_loop(0, RING_ITERS, _ring_body, 0)

    pltpu.sync_copy(hist, out_hbm.at[wid])


def _final_kernel(*refs):
    out_ref = refs[-1]
    cnt_refs = refs[0:8:2]
    fg_refs = refs[1:8:2]
    fgc = sum(jnp.sum(r[...], axis=0) for r in fg_refs)
    cnt = sum(jnp.sum(r[...], axis=0) for r in cnt_refs) + fgc
    jj = lax.broadcasted_iota(jnp.int32, (NBIN, NBIN), 0)
    ii = lax.broadcasted_iota(jnp.int32, (NBIN, NBIN), 1)
    ge = jnp.where(jj >= ii, 1.0, 0.0)
    S = jnp.dot(cnt, ge, preferred_element_type=jnp.float32)
    SF = jnp.dot(fgc, ge, preferred_element_type=jnp.float32)
    G = SF[:, 0:1]
    J_end = 1.0 - (G - SF) / jnp.maximum(G + S - SF, 1.0)
    S0 = S - cnt
    SF0 = SF - fgc
    J_st = 1.0 - (G - SF0) / jnp.maximum(G + S0 - SF0, 1.0)
    mid = lax.broadcasted_iota(jnp.int32, (C, NBIN), 1)
    ebar = (mid.astype(jnp.float32) + 0.5) * (1.0 / NBIN)
    v = jnp.sum(ebar * (J_end - J_st), axis=1)
    present = jnp.where(G[:, 0] > 0, 1.0, 0.0)
    total = jnp.sum(v * present)
    count = jnp.sum(present)
    loss = total / jnp.maximum(count, 1.0)
    out_ref[...] = jnp.full((1, 1), loss, dtype=jnp.float32)


def kernel(logits, labels):
    def bin_half(h):
        return pl.pallas_call(
            _bin_kernel,
            grid=(NBH, 512 // R),
            in_specs=[
                pl.BlockSpec((1, C, R, 512),
                             lambda b, r: (h * NBH + b, 0, r, 0)),
                pl.BlockSpec((1, R, 512), lambda b, r: (h * NBH + b, r, 0)),
            ],
            out_specs=pl.BlockSpec((1, C, R, 512),
                                   lambda b, r: (b, 0, r, 0)),
            out_shape=jax.ShapeDtypeStruct((NBH, C, 512, 512), jnp.int32),
            scratch_shapes=[pltpu.VMEM((C, R, 512), jnp.float32)],
        )(logits, labels)

    parts = []
    for h in range(4):
        idx_h = bin_half(h)
        p = _sc_hist(idx_h).reshape(NW * 16, TBLP)
        parts.append(p[:, 0:TBL].reshape(NW * 16, C, NBIN))
        parts.append(p[:, TBL:2 * TBL].reshape(NW * 16, C, NBIN))

    out = pl.pallas_call(
        _final_kernel,
        out_shape=jax.ShapeDtypeStruct((1, 1), jnp.float32),
    )(*parts)
    return out[0, 0]

# --- scband reference (transcript-rebuilt; emitter-appended) ---
"""Pipeline reference for scband-lovasz-softmax-35330400977515 (READ-ONLY COPY).

The authoritative reference and input builder live on the scoring server;
editing this copy changes nothing except your own understanding.
"""

import jax, jax.numpy as jnp
import numpy as np


def lovasz_grad(gt_sorted):
    p = gt_sorted.shape[0]
    gts = gt_sorted.sum()
    intersection = gts - jnp.cumsum(gt_sorted, 0)
    union = gts + jnp.cumsum(1.0 - gt_sorted, 0)
    jaccard = 1.0 - intersection / union
    if p > 1:
        jaccard = jnp.concatenate([jaccard[:1], jaccard[1:] - jaccard[:-1]])
    return jaccard


def setup_inputs(seed: int = 0) -> dict:
    key = jax.random.key(seed)
    k1, k2 = jax.random.split(key)
    logits = jax.random.normal(k1, (4, 19, 512, 512), dtype=jnp.float32)
    labels = jax.random.randint(k2, (4, 512, 512), 0, 19, dtype=jnp.int32)
    return {"logits": logits, "labels": labels}


def reference(logits, labels):
    ignore = 0
    B, C, H, W = logits.shape
    probas = jax.nn.softmax(logits, axis=1)
    probas = jnp.transpose(probas, (0, 2, 3, 1)).reshape(-1, C)
    labels_flat = labels.reshape(-1)
    valid = labels_flat != ignore
    n_valid = valid.astype(jnp.float32).sum()
    total = jnp.asarray(0.0, dtype=jnp.float32)
    count = jnp.asarray(0.0, dtype=jnp.float32)
    for c in range(C):
        fg = jnp.where(valid, (labels_flat == c).astype(jnp.float32), 0.0)
        present = fg.sum() > 0
        class_pred = probas[:, c]
        errors = jnp.abs(fg - class_pred)
        errors_key = jnp.where(valid, errors, -1.0)
        errors_dot = jnp.where(valid, errors, 0.0)
        perm = jnp.argsort(-errors_key)
        errors_sorted = jnp.take(errors_dot, perm)
        fg_sorted = jnp.take(fg, perm)
        v = jnp.dot(errors_sorted, lovasz_grad(fg_sorted))
        total = total + jnp.where(present, v, 0.0)
        count = count + present.astype(jnp.float32)
    loss = jnp.where(
        n_valid == 0,
        jnp.asarray(0.0, dtype=jnp.float32),
        total / jnp.maximum(count, 1.0),
    )
    return loss

if __name__ == "__main__":
    import jax
    _d = setup_inputs()
    print(jax.jit(kernel)(*tuple(_d.values())))

</pallas_src>

<mosaic_0001>
#map = affine_map<(d0, d1) -> (0, 0, 0, 0)>
#map1 = affine_map<(d0, d1) -> (0, 0)>
module attributes {stable_mosaic.version = 14 : i64} {
  func.func @_sc_hist(%arg0: i32, %arg1: i32, %arg2: memref<1x19x512x512xi32, #tpu.memory_space<hbm>>, %arg3: memref<32x40960xf32, #tpu.memory_space<hbm>>, %arg4: memref<40960xf32, #tpu.memory_space<vmem>>, %arg5: memref<16x512xi32, #tpu.memory_space<vmem>>, %arg6: memref<16x512xi32, #tpu.memory_space<vmem>>, %arg7: memref<!tpu.dma_semaphore, #tpu.memory_space<semaphore_mem>>, %arg8: memref<!tpu.dma_semaphore, #tpu.memory_space<semaphore_mem>>) attributes {dimension_semantics = [#tpu.dimension_semantics<core_parallel>, #tpu.dimension_semantics<subcore_parallel>], iteration_bounds = array<i64: 2, 16>, scalar_prefetch = 0 : i64, scratch_operands = 5 : i64, tpu.core_type = #tpu.core_type<sc_vector_subcore>, window_params = [{transform_indices = #map}, {transform_indices = #map1}]} {
    %mul3A = arith.constant 2 : i32
    %mul3A_0 = arith.muli %arg1, %mul3A : i32
    %add3A = arith.addi %mul3A_0, %arg0 : i32
    %broadcast_in_dim3A = arith.constant 1.000000e+00 : f32
    %broadcast_in_dim3A_1 = vector.broadcast %broadcast_in_dim3A : f32 to vector<16xf32>
    %broadcast_in_dim3A_2 = arith.constant 0.000000e+00 : f32
    %broadcast_in_dim3A_3 = vector.broadcast %broadcast_in_dim3A_2 : f32 to vector<16xf32>
    %scan3A = arith.constant 0 : i32
    %scan3A_4 = arith.constant 0 : i32
    %scan3A_5 = arith.constant 320 : i32
    %scan3A_6 = arith.addi %scan3A_4, %scan3A_5 : i32
    %scan3A_7 = arith.constant 1 : i32
    %scan3A_8 = scf.for %scan3A_98 = %scan3A_4 to %scan3A_6 step %scan3A_7 iter_args(%scan3A_99 = %scan3A) -> (i32)  : i32 {
      %mul3A_100 = arith.constant 8 : i32
      %mul3A_101 = arith.muli %scan3A_98, %mul3A_100 : i32
      %add3A_102 = arith.constant 0 : i32
      %add3A_103 = arith.addi %mul3A_101, %add3A_102 : i32
      %mul3A_104 = arith.constant 16 : i32
      %mul3A_105 = arith.muli %add3A_103, %mul3A_104 : i32
      %swap3A = arith.index_cast %mul3A_105 : i32 to index
      %swap3A_106 = tpu.vector_load %arg4[%swap3A] {strides = array<i32>} : memref<40960xf32, #tpu.memory_space<vmem>>, vector<16xf32>,
      tpu.vector_store %arg4[%swap3A], %broadcast_in_dim3A_3 {strides = array<i32>} : memref<40960xf32, #tpu.memory_space<vmem>>, vector<16xf32>,
      %mul3A_107 = arith.constant 8 : i32
      %mul3A_108 = arith.muli %scan3A_98, %mul3A_107 : i32
      %add3A_109 = arith.constant 1 : i32
      %add3A_110 = arith.addi %mul3A_108, %add3A_109 : i32
      %mul3A_111 = arith.constant 16 : i32
      %mul3A_112 = arith.muli %add3A_110, %mul3A_111 : i32
      %swap3A_113 = arith.index_cast %mul3A_112 : i32 to index
      %swap3A_114 = tpu.vector_load %arg4[%swap3A_113] {strides = array<i32>} : memref<40960xf32, #tpu.memory_space<vmem>>, vector<16xf32>,
      tpu.vector_store %arg4[%swap3A_113], %broadcast_in_dim3A_3 {strides = array<i32>} : memref<40960xf32, #tpu.memory_space<vmem>>, vector<16xf32>,
      %mul3A_115 = arith.constant 8 : i32
      %mul3A_116 = arith.muli %scan3A_98, %mul3A_115 : i32
      %add3A_117 = arith.constant 2 : i32
      %add3A_118 = arith.addi %mul3A_116, %add3A_117 : i32
      %mul3A_119 = arith.constant 16 : i32
      %mul3A_120 = arith.muli %add3A_118, %mul3A_119 : i32
      %swap3A_121 = arith.index_cast %mul3A_120 : i32 to index
      %swap3A_122 = tpu.vector_load %arg4[%swap3A_121] {strides = array<i32>} : memref<40960xf32, #tpu.memory_space<vmem>>, vector<16xf32>,
      tpu.vector_store %arg4[%swap3A_121], %broadcast_in_dim3A_3 {strides = array<i32>} : memref<40960xf32, #tpu.memory_space<vmem>>, vector<16xf32>,
      %mul3A_123 = arith.constant 8 : i32
      %mul3A_124 = arith.muli %scan3A_98, %mul3A_123 : i32
      %add3A_125 = arith.constant 3 : i32
      %add3A_126 = arith.addi %mul3A_124, %add3A_125 : i32
      %mul3A_127 = arith.constant 16 : i32
      %mul3A_128 = arith.muli %add3A_126, %mul3A_127 : i32
      %swap3A_129 = arith.index_cast %mul3A_128 : i32 to index
      %swap3A_130 = tpu.vector_load %arg4[%swap3A_129] {strides = array<i32>} : memref<40960xf32, #tpu.memory_space<vmem>>, vector<16xf32>,
      tpu.vector_store %arg4[%swap3A_129], %broadcast_in_dim3A_3 {strides = array<i32>} : memref<40960xf32, #tpu.memory_space<vmem>>, vector<16xf32>,
      %mul3A_131 = arith.constant 8 : i32
      %mul3A_132 = arith.muli %scan3A_98, %mul3A_131 : i32
      %add3A_133 = arith.constant 4 : i32
      %add3A_134 = arith.addi %mul3A_132, %add3A_133 : i32
      %mul3A_135 = arith.constant 16 : i32
      %mul3A_136 = arith.muli %add3A_134, %mul3A_135 : i32
      %swap3A_137 = arith.index_cast %mul3A_136 : i32 to index
      %swap3A_138 = tpu.vector_load %arg4[%swap3A_137] {strides = array<i32>} : memref<40960xf32, #tpu.memory_space<vmem>>, vector<16xf32>,
      tpu.vector_store %arg4[%swap3A_137], %broadcast_in_dim3A_3 {strides = array<i32>} : memref<40960xf32, #tpu.memory_space<vmem>>, vector<16xf32>,
      %mul3A_139 = arith.constant 8 : i32
      %mul3A_140 = arith.muli %scan3A_98, %mul3A_139 : i32
      %add3A_141 = arith.constant 5 : i32
      %add3A_142 = arith.addi %mul3A_140, %add3A_141 : i32
      %mul3A_143 = arith.constant 16 : i32
      %mul3A_144 = arith.muli %add3A_142, %mul3A_143 : i32
      %swap3A_145 = arith.index_cast %mul3A_144 : i32 to index
      %swap3A_146 = tpu.vector_load %arg4[%swap3A_145] {strides = array<i32>} : memref<40960xf32, #tpu.memory_space<vmem>>, vector<16xf32>,
      tpu.vector_store %arg4[%swap3A_145], %broadcast_in_dim3A_3 {strides = array<i32>} : memref<40960xf32, #tpu.memory_space<vmem>>, vector<16xf32>,
      %mul3A_147 = arith.constant 8 : i32
      %mul3A_148 = arith.muli %scan3A_98, %mul3A_147 : i32
      %add3A_149 = arith.constant 6 : i32
      %add3A_150 = arith.addi %mul3A_148, %add3A_149 : i32
      %mul3A_151 = arith.constant 16 : i32
      %mul3A_152 = arith.muli %add3A_150, %mul3A_151 : i32
      %swap3A_153 = arith.index_cast %mul3A_152 : i32 to index
      %swap3A_154 = tpu.vector_load %arg4[%swap3A_153] {strides = array<i32>} : memref<40960xf32, #tpu.memory_space<vmem>>, vector<16xf32>,
      tpu.vector_store %arg4[%swap3A_153], %broadcast_in_dim3A_3 {strides = array<i32>} : memref<40960xf32, #tpu.memory_space<vmem>>, vector<16xf32>,
      %mul3A_155 = arith.constant 8 : i32
      %mul3A_156 = arith.muli %scan3A_98, %mul3A_155 : i32
      %add3A_157 = arith.constant 7 : i32
      %add3A_158 = arith.addi %mul3A_156, %add3A_157 : i32
      %mul3A_159 = arith.constant 16 : i32
      %mul3A_160 = arith.muli %add3A_158, %mul3A_159 : i32
      %swap3A_161 = arith.index_cast %mul3A_160 : i32 to index
      %swap3A_162 = tpu.vector_load %arg4[%swap3A_161] {strides = array<i32>} : memref<40960xf32, #tpu.memory_space<vmem>>, vector<16xf32>,
      tpu.vector_store %arg4[%swap3A_161], %broadcast_in_dim3A_3 {strides = array<i32>} : memref<40960xf32, #tpu.memory_space<vmem>>, vector<16xf32>,
      %scan3A_163 = arith.constant 0 : i32
      scf.yield %scan3A_163 : i32
    }
    %scan3A_9 = arith.constant 320 : i32
    %mul3A_10 = arith.constant 19 : i32
    %mul3A_11 = arith.muli %add3A, %mul3A_10 : i32
    %add3A_12 = arith.constant 0 : i32
    %add3A_13 = arith.addi %mul3A_11, %add3A_12 : i32
    %jit3A = arith.constant 608 : i32
    %div3A = arith.divsi %add3A_13, %jit3A : i32
    %sign3A = arith.constant 0 : i32
    %sign3A_14 = arith.cmpi sgt, %add3A_13, %sign3A : i32
    %sign3A_15 = arith.extui %sign3A_14 : i1 to i32
    %sign3A_16 = arith.constant 0 : i32
    %sign3A_17 = arith.cmpi slt, %add3A_13, %sign3A_16 : i32
    %sign3A_18 = arith.extui %sign3A_17 : i1 to i32
    %sign3A_19 = arith.subi %sign3A_15, %sign3A_18 : i32
    %sign3A_20 = arith.constant 0 : i32
    %sign3A_21 = arith.cmpi sgt, %jit3A, %sign3A_20 : i32
    %sign3A_22 = arith.extui %sign3A_21 : i1 to i32
    %sign3A_23 = arith.constant 0 : i32
    %sign3A_24 = arith.cmpi slt, %jit3A, %sign3A_23 : i32
    %sign3A_25 = arith.extui %sign3A_24 : i1 to i32
    %sign3A_26 = arith.subi %sign3A_22, %sign3A_25 : i32
    %ne3A = arith.cmpi ne, %sign3A_19, %sign3A_26 : i32
    %rem3A = arith.remsi %add3A_13, %jit3A : i32
    %ne3A_27 = arith.constant 0 : i32
    %ne3A_28 = arith.cmpi ne, %rem3A, %ne3A_27 : i32
    %and3A = arith.andi %ne3A, %ne3A_28 : i1
    %sub3A = arith.constant 1 : i32
    %sub3A_29 = arith.subi %div3A, %sub3A : i32
    %select_n3A = arith.select %and3A, %sub3A_29, %div3A : i32
    %jit3A_30 = arith.constant 608 : i32
    %eq3A = arith.constant 0 : i32
    %eq3A_31 = arith.cmpi eq, %jit3A_30, %eq3A : i32
    %jit3A_32 = arith.constant 1 : i32
    %select_n3A_33 = arith.select %eq3A_31, %jit3A_32, %jit3A_30 : i32
    %rem3A_34 = arith.remsi %add3A_13, %select_n3A_33 : i32
    %ne3A_35 = arith.constant 0 : i32
    %ne3A_36 = arith.cmpi ne, %rem3A_34, %ne3A_35 : i32
    %lt3A = arith.constant 0 : i32
    %lt3A_37 = arith.cmpi slt, %rem3A_34, %lt3A : i32
    %lt3A_38 = arith.constant 0 : i32
    %lt3A_39 = arith.cmpi slt, %select_n3A_33, %lt3A_38 : i32
    %ne3A_40 = arith.xori %lt3A_37, %lt3A_39 : i1
    %and3A_41 = arith.andi %ne3A_40, %ne3A_36 : i1
    %add3A_42 = arith.addi %rem3A_34, %select_n3A_33 : i32
    %select_n3A_43 = arith.select %and3A_41, %add3A_42, %rem3A_34 : i32
    %jit3A_44 = arith.constant 32 : i32
    %div3A_45 = arith.divsi %select_n3A_43, %jit3A_44 : i32
    %sign3A_46 = arith.constant 0 : i32
    %sign3A_47 = arith.cmpi sgt, %select_n3A_43, %sign3A_46 : i32
    %sign3A_48 = arith.extui %sign3A_47 : i1 to i32
    %sign3A_49 = arith.constant 0 : i32
    %sign3A_50 = arith.cmpi slt, %select_n3A_43, %sign3A_49 : i32
    %sign3A_51 = arith.extui %sign3A_50 : i1 to i32
    %sign3A_52 = arith.subi %sign3A_48, %sign3A_51 : i32
    %sign3A_53 = arith.constant 0 : i32
    %sign3A_54 = arith.cmpi sgt, %jit3A_44, %sign3A_53 : i32
    %sign3A_55 = arith.extui %sign3A_54 : i1 to i32
    %sign3A_56 = arith.constant 0 : i32
    %sign3A_57 = arith.cmpi slt, %jit3A_44, %sign3A_56 : i32
    %sign3A_58 = arith.extui %sign3A_57 : i1 to i32
    %sign3A_59 = arith.subi %sign3A_55, %sign3A_58 : i32
    %ne3A_60 = arith.cmpi ne, %sign3A_52, %sign3A_59 : i32
    %rem3A_61 = arith.remsi %select_n3A_43, %jit3A_44 : i32
    %ne3A_62 = arith.constant 0 : i32
    %ne3A_63 = arith.cmpi ne, %rem3A_61, %ne3A_62 : i32
    %and3A_64 = arith.andi %ne3A_60, %ne3A_63 : i1
    %sub3A_65 = arith.constant 1 : i32
    %sub3A_66 = arith.subi %div3A_45, %sub3A_65 : i32
    %select_n3A_67 = arith.select %and3A_64, %sub3A_66, %div3A_45 : i32
    %jit3A_68 = arith.constant 32 : i32
    %eq3A_69 = arith.constant 0 : i32
    %eq3A_70 = arith.cmpi eq, %jit3A_68, %eq3A_69 : i32
    %jit3A_71 = arith.constant 1 : i32
    %select_n3A_72 = arith.select %eq3A_70, %jit3A_71, %jit3A_68 : i32
    %rem3A_73 = arith.remsi %select_n3A_43, %select_n3A_72 : i32
    %ne3A_74 = arith.constant 0 : i32
    %ne3A_75 = arith.cmpi ne, %rem3A_73, %ne3A_74 : i32
    %lt3A_76 = arith.constant 0 : i32
    %lt3A_77 = arith.cmpi slt, %rem3A_73, %lt3A_76 : i32
    %lt3A_78 = arith.constant 0 : i32
    %lt3A_79 = arith.cmpi slt, %select_n3A_72, %lt3A_78 : i32
    %ne3A_80 = arith.xori %lt3A_77, %lt3A_79 : i1
    %and3A_81 = arith.andi %ne3A_80, %ne3A_75 : i1
    %add3A_82 = arith.addi %rem3A_73, %select_n3A_72 : i32
    %select_n3A_83 = arith.select %and3A_81, %add3A_82, %rem3A_73 : i32
    %mul3A_84 = arith.constant 16 : i32
    %mul3A_85 = arith.muli %select_n3A_83, %mul3A_84 : i32
    %dma_start3A = arith.constant 0 : i32
    %dma_start3A_86 = tpu.memref_slice %arg2[%select_n3A, %select_n3A_67, %mul3A_85, %dma_start3A] : memref<1x19x512x512xi32, #tpu.memory_space<hbm>> -> memref<1x1x16x512xi32, #tpu.memory_space<hbm>>
    %dma_start3A_87 = tpu.memref_squeeze %dma_start3A_86 : memref<1x1x16x512xi32, #tpu.memory_space<hbm>> -> memref<16x512xi32, #tpu.memory_space<hbm>>
    %dma_start3A_88 = arith.constant 0 : i32
    %dma_start3A_89 = tpu.memref_slice %arg2[%select_n3A, %select_n3A_67, %mul3A_85, %dma_start3A_88] : memref<1x19x512x512xi32, #tpu.memory_space<hbm>> -> memref<1x1x16x512xi32, #tpu.memory_space<hbm>>
    %dma_start3A_90 = tpu.memref_squeeze %dma_start3A_89 : memref<1x1x16x512xi32, #tpu.memory_space<hbm>> -> memref<16x512xi32, #tpu.memory_space<hbm>>
    tpu.enqueue_dma source(%dma_start3A_90 : memref<16x512xi32, #tpu.memory_space<hbm>>) target(%arg5 : memref<16x512xi32, #tpu.memory_space<vmem>>) target_semaphore(%arg7 : memref<!tpu.dma_semaphore, #tpu.memory_space<semaphore_mem>>)
    %scan3A_91 = arith.constant 0 : i32
    %scan3A_92 = arith.constant 0 : i32
    %scan3A_93 = arith.constant 10 : i32
    %scan3A_94 = arith.addi %scan3A_92, %scan3A_93 : i32
    %scan3A_95 = arith.constant 1 : i32
    %scan3A_96 = scf.for %scan3A_98 = %scan3A_92 to %scan3A_94 step %scan3A_95 iter_args(%scan3A_99 = %scan3A_91) -> (i32)  : i32 {
      %mul3A_100 = arith.constant 2 : i32
      %mul3A_101 = arith.muli %scan3A_98, %mul3A_100 : i32
      %add3A_102 = arith.constant 0 : i32
      %add3A_103 = arith.addi %mul3A_101, %add3A_102 : i32
      %add3A_104 = arith.constant 1 : i32
      %add3A_105 = arith.addi %add3A_103, %add3A_104 : i32
      %lt3A_106 = arith.constant 19 : i32
      %lt3A_107 = arith.cmpi slt, %add3A_103, %lt3A_106 : i32
      %convert_element_type3A = arith.extui %lt3A_107 : i1 to i32
      %cond3A = arith.constant 0 : i32
      %cond3A_108 = arith.cmpi ne, %convert_element_type3A, %cond3A : i32
      scf.if %cond3A_108 {
        %lt3A_121 = arith.constant 19 : i32
        %lt3A_122 = arith.cmpi slt, %add3A_105, %lt3A_121 : i32
        %convert_element_type3A_123 = arith.extui %lt3A_122 : i1 to i32
        %cond3A_124 = arith.constant 0 : i32
        %cond3A_125 = arith.cmpi ne, %convert_element_type3A_123, %cond3A_124 : i32
        scf.if %cond3A_125 {
          %mul3A_223 = arith.constant 19 : i32
          %mul3A_224 = arith.muli %add3A, %mul3A_223 : i32
          %add3A_225 = arith.addi %mul3A_224, %add3A_105 : i32
          %jit3A_226 = arith.constant 608 : i32
          %div3A_227 = arith.divsi %add3A_225, %jit3A_226 : i32
          %sign3A_228 = arith.constant 0 : i32
          %sign3A_229 = arith.cmpi sgt, %add3A_225, %sign3A_228 : i32
          %sign3A_230 = arith.extui %sign3A_229 : i1 to i32
          %sign3A_231 = arith.constant 0 : i32
          %sign3A_232 = arith.cmpi slt, %add3A_225, %sign3A_231 : i32
          %sign3A_233 = arith.extui %sign3A_232 : i1 to i32
          %sign3A_234 = arith.subi %sign3A_230, %sign3A_233 : i32
          %sign3A_235 = arith.constant 0 : i32
          %sign3A_236 = arith.cmpi sgt, %jit3A_226, %sign3A_235 : i32
          %sign3A_237 = arith.extui %sign3A_236 : i1 to i32
          %sign3A_238 = arith.constant 0 : i32
          %sign3A_239 = arith.cmpi slt, %jit3A_226, %sign3A_238 : i32
          %sign3A_240 = arith.extui %sign3A_239 : i1 to i32
          %sign3A_241 = arith.subi %sign3A_237, %sign3A_240 : i32
          %ne3A_242 = arith.cmpi ne, %sign3A_234, %sign3A_241 : i32
          %rem3A_243 = arith.remsi %add3A_225, %jit3A_226 : i32
          %ne3A_244 = arith.constant 0 : i32
          %ne3A_245 = arith.cmpi ne, %rem3A_243, %ne3A_244 : i32
          %and3A_246 = arith.andi %ne3A_242, %ne3A_245 : i1
          %sub3A_247 = arith.constant 1 : i32
          %sub3A_248 = arith.subi %div3A_227, %sub3A_247 : i32
          %select_n3A_249 = arith.select %and3A_246, %sub3A_248, %div3A_227 : i32
          %jit3A_250 = arith.constant 608 : i32
          %eq3A_251 = arith.constant 0 : i32
          %eq3A_252 = arith.cmpi eq, %jit3A_250, %eq3A_251 : i32
          %jit3A_253 = arith.constant 1 : i32
          %select_n3A_254 = arith.select %eq3A_252, %jit3A_253, %jit3A_250 : i32
          %rem3A_255 = arith.remsi %add3A_225, %select_n3A_254 : i32
          %ne3A_256 = arith.constant 0 : i32
          %ne3A_257 = arith.cmpi ne, %rem3A_255, %ne3A_256 : i32
          %lt3A_258 = arith.constant 0 : i32
          %lt3A_259 = arith.cmpi slt, %rem3A_255, %lt3A_258 : i32
          %lt3A_260 = arith.constant 0 : i32
          %lt3A_261 = arith.cmpi slt, %select_n3A_254, %lt3A_260 : i32
          %ne3A_262 = arith.xori %lt3A_259, %lt3A_261 : i1
          %and3A_263 = arith.andi %ne3A_262, %ne3A_257 : i1
          %add3A_264 = arith.addi %rem3A_255, %select_n3A_254 : i32
          %select_n3A_265 = arith.select %and3A_263, %add3A_264, %rem3A_255 : i32
          %jit3A_266 = arith.constant 32 : i32
          %div3A_267 = arith.divsi %select_n3A_265, %jit3A_266 : i32
          %sign3A_268 = arith.constant 0 : i32
          %sign3A_269 = arith.cmpi sgt, %select_n3A_265, %sign3A_268 : i32
          %sign3A_270 = arith.extui %sign3A_269 : i1 to i32
          %sign3A_271 = arith.constant 0 : i32
          %sign3A_272 = arith.cmpi slt, %select_n3A_265, %sign3A_271 : i32
          %sign3A_273 = arith.extui %sign3A_272 : i1 to i32
          %sign3A_274 = arith.subi %sign3A_270, %sign3A_273 : i32
          %sign3A_275 = arith.constant 0 : i32
          %sign3A_276 = arith.cmpi sgt, %jit3A_266, %sign3A_275 : i32
          %sign3A_277 = arith.extui %sign3A_276 : i1 to i32
          %sign3A_278 = arith.constant 0 : i32
          %sign3A_279 = arith.cmpi slt, %jit3A_266, %sign3A_278 : i32
          %sign3A_280 = arith.extui %sign3A_279 : i1 to i32
          %sign3A_281 = arith.subi %sign3A_277, %sign3A_280 : i32
          %ne3A_282 = arith.cmpi ne, %sign3A_274, %sign3A_281 : i32
          %rem3A_283 = arith.remsi %select_n3A_265, %jit3A_266 : i32
          %ne3A_284 = arith.constant 0 : i32
          %ne3A_285 = arith.cmpi ne, %rem3A_283, %ne3A_284 : i32
          %and3A_286 = arith.andi %ne3A_282, %ne3A_285 : i1
          %sub3A_287 = arith.constant 1 : i32
          %sub3A_288 = arith.subi %div3A_267, %sub3A_287 : i32
          %select_n3A_289 = arith.select %and3A_286, %sub3A_288, %div3A_267 : i32
          %jit3A_290 = arith.constant 32 : i32
          %eq3A_291 = arith.constant 0 : i32
          %eq3A_292 = arith.cmpi eq, %jit3A_290, %eq3A_291 : i32
          %jit3A_293 = arith.constant 1 : i32
          %select_n3A_294 = arith.select %eq3A_292, %jit3A_293, %jit3A_290 : i32
          %rem3A_295 = arith.remsi %select_n3A_265, %select_n3A_294 : i32
          %ne3A_296 = arith.constant 0 : i32
          %ne3A_297 = arith.cmpi ne, %rem3A_295, %ne3A_296 : i32
          %lt3A_298 = arith.constant 0 : i32
          %lt3A_299 = arith.cmpi slt, %rem3A_295, %lt3A_298 : i32
          %lt3A_300 = arith.constant 0 : i32
          %lt3A_301 = arith.cmpi slt, %select_n3A_294, %lt3A_300 : i32
          %ne3A_302 = arith.xori %lt3A_299, %lt3A_301 : i1
          %and3A_303 = arith.andi %ne3A_302, %ne3A_297 : i1
          %add3A_304 = arith.addi %rem3A_295, %select_n3A_294 : i32
          %select_n3A_305 = arith.select %and3A_303, %add3A_304, %rem3A_295 : i32
          %mul3A_306 = arith.constant 16 : i32
          %mul3A_307 = arith.muli %select_n3A_305, %mul3A_306 : i32
          %dma_start3A_308 = arith.constant 0 : i32
          %dma_start3A_309 = tpu.memref_slice %arg2[%select_n3A_249, %select_n3A_289, %mul3A_307, %dma_start3A_308] : memref<1x19x512x512xi32, #tpu.memory_space<hbm>> -> memref<1x1x16x512xi32, #tpu.memory_space<hbm>>
          %dma_start3A_310 = tpu.memref_squeeze %dma_start3A_309 : memref<1x1x16x512xi32, #tpu.memory_space<hbm>> -> memref<16x512xi32, #tpu.memory_space<hbm>>
          %dma_start3A_311 = arith.constant 0 : i32
          %dma_start3A_312 = tpu.memref_slice %arg2[%select_n3A_249, %select_n3A_289, %mul3A_307, %dma_start3A_311] : memref<1x19x512x512xi32, #tpu.memory_space<hbm>> -> memref<1x1x16x512xi32, #tpu.memory_space<hbm>>
          %dma_start3A_313 = tpu.memref_squeeze %dma_start3A_312 : memref<1x1x16x512xi32, #tpu.memory_space<hbm>> -> memref<16x512xi32, #tpu.memory_space<hbm>>
          tpu.enqueue_dma source(%dma_start3A_313 : memref<16x512xi32, #tpu.memory_space<hbm>>) target(%arg6 : memref<16x512xi32, #tpu.memory_space<vmem>>) target_semaphore(%arg8 : memref<!tpu.dma_semaphore, #tpu.memory_space<semaphore_mem>>)
        } else {
        }
        %mul3A_126 = arith.constant 19 : i32
        %mul3A_127 = arith.muli %add3A, %mul3A_126 : i32
        %add3A_128 = arith.addi %mul3A_127, %add3A_103 : i32
        %jit3A_129 = arith.constant 608 : i32
        %div3A_130 = arith.divsi %add3A_128, %jit3A_129 : i32
        %sign3A_131 = arith.constant 0 : i32
        %sign3A_132 = arith.cmpi sgt, %add3A_128, %sign3A_131 : i32
        %sign3A_133 = arith.extui %sign3A_132 : i1 to i32
        %sign3A_134 = arith.constant 0 : i32
        %sign3A_135 = arith.cmpi slt, %add3A_128, %sign3A_134 : i32
        %sign3A_136 = arith.extui %sign3A_135 : i1 to i32
        %sign3A_137 = arith.subi %sign3A_133, %sign3A_136 : i32
        %sign3A_138 = arith.constant 0 : i32
        %sign3A_139 = arith.cmpi sgt, %jit3A_129, %sign3A_138 : i32
        %sign3A_140 = arith.extui %sign3A_139 : i1 to i32
        %sign3A_141 = arith.constant 0 : i32
        %sign3A_142 = arith.cmpi slt, %jit3A_129, %sign3A_141 : i32
        %sign3A_143 = arith.extui %sign3A_142 : i1 to i32
        %sign3A_144 = arith.subi %sign3A_140, %sign3A_143 : i32
        %ne3A_145 = arith.cmpi ne, %sign3A_137, %sign3A_144 : i32
        %rem3A_146 = arith.remsi %add3A_128, %jit3A_129 : i32
        %ne3A_147 = arith.constant 0 : i32
        %ne3A_148 = arith.cmpi ne, %rem3A_146, %ne3A_147 : i32
        %and3A_149 = arith.andi %ne3A_145, %ne3A_148 : i1
        %sub3A_150 = arith.constant 1 : i32
        %sub3A_151 = arith.subi %div3A_130, %sub3A_150 : i32
        %select_n3A_152 = arith.select %and3A_149, %sub3A_151, %div3A_130 : i32
        %jit3A_153 = arith.constant 608 : i32
        %eq3A_154 = arith.constant 0 : i32
        %eq3A_155 = arith.cmpi eq, %jit3A_153, %eq3A_154 : i32
        %jit3A_156 = arith.constant 1 : i32
        %select_n3A_157 = arith.select %eq3A_155, %jit3A_156, %jit3A_153 : i32
        %rem3A_158 = arith.remsi %add3A_128, %select_n3A_157 : i32
        %ne3A_159 = arith.constant 0 : i32
        %ne3A_160 = arith.cmpi ne, %rem3A_158, %ne3A_159 : i32
        %lt3A_161 = arith.constant 0 : i32
        %lt3A_162 = arith.cmpi slt, %rem3A_158, %lt3A_161 : i32
        %lt3A_163 = arith.constant 0 : i32
        %lt3A_164 = arith.cmpi slt, %select_n3A_157, %lt3A_163 : i32
        %ne3A_165 = arith.xori %lt3A_162, %lt3A_164 : i1
        %and3A_166 = arith.andi %ne3A_165, %ne3A_160 : i1
        %add3A_167 = arith.addi %rem3A_158, %select_n3A_157 : i32
        %select_n3A_168 = arith.select %and3A_166, %add3A_167, %rem3A_158 : i32
        %jit3A_169 = arith.constant 32 : i32
        %div3A_170 = arith.divsi %select_n3A_168, %jit3A_169 : i32
        %sign3A_171 = arith.constant 0 : i32
        %sign3A_172 = arith.cmpi sgt, %select_n3A_168, %sign3A_171 : i32
        %sign3A_173 = arith.extui %sign3A_172 : i1 to i32
        %sign3A_174 = arith.constant 0 : i32
        %sign3A_175 = arith.cmpi slt, %select_n3A_168, %sign3A_174 : i32
        %sign3A_176 = arith.extui %sign3A_175 : i1 to i32
        %sign3A_177 = arith.subi %sign3A_173, %sign3A_176 : i32
        %sign3A_178 = arith.constant 0 : i32
        %sign3A_179 = arith.cmpi sgt, %jit3A_169, %sign3A_178 : i32
        %sign3A_180 = arith.extui %sign3A_179 : i1 to i32
        %sign3A_181 = arith.constant 0 : i32
        %sign3A_182 = arith.cmpi slt, %jit3A_169, %sign3A_181 : i32
        %sign3A_183 = arith.extui %sign3A_182 : i1 to i32
        %sign3A_184 = arith.subi %sign3A_180, %sign3A_183 : i32
        %ne3A_185 = arith.cmpi ne, %sign3A_177, %sign3A_184 : i32
        %rem3A_186 = arith.remsi %select_n3A_168, %jit3A_169 : i32
        %ne3A_187 = arith.constant 0 : i32
        %ne3A_188 = arith.cmpi ne, %rem3A_186, %ne3A_187 : i32
        %and3A_189 = arith.andi %ne3A_185, %ne3A_188 : i1
        %sub3A_190 = arith.constant 1 : i32
        %sub3A_191 = arith.subi %div3A_170, %sub3A_190 : i32
        %select_n3A_192 = arith.select %and3A_189, %sub3A_191, %div3A_170 : i32
        %jit3A_193 = arith.constant 32 : i32
        %eq3A_194 = arith.constant 0 : i32
        %eq3A_195 = arith.cmpi eq, %jit3A_193, %eq3A_194 : i32
        %jit3A_196 = arith.constant 1 : i32
        %select_n3A_197 = arith.select %eq3A_195, %jit3A_196, %jit3A_193 : i32
        %rem3A_198 = arith.remsi %select_n3A_168, %select_n3A_197 : i32
        %ne3A_199 = arith.constant 0 : i32
        %ne3A_200 = arith.cmpi ne, %rem3A_198, %ne3A_199 : i32
        %lt3A_201 = arith.constant 0 : i32
        %lt3A_202 = arith.cmpi slt, %rem3A_198, %lt3A_201 : i32
        %lt3A_203 = arith.constant 0 : i32
        %lt3A_204 = arith.cmpi slt, %select_n3A_197, %lt3A_203 : i32
        %ne3A_205 = arith.xori %lt3A_202, %lt3A_204 : i1
        %and3A_206 = arith.andi %ne3A_205, %ne3A_200 : i1
        %add3A_207 = arith.addi %rem3A_198, %select_n3A_197 : i32
        %select_n3A_208 = arith.select %and3A_206, %add3A_207, %rem3A_198 : i32
        %mul3A_209 = arith.constant 16 : i32
        %mul3A_210 = arith.muli %select_n3A_208, %mul3A_209 : i32
        %dma_wait3A = arith.constant 0 : i32
        %dma_wait3A_211 = tpu.memref_slice %arg2[%select_n3A_152, %select_n3A_192, %mul3A_210, %dma_wait3A] : memref<1x19x512x512xi32, #tpu.memory_space<hbm>> -> memref<1x1x16x512xi32, #tpu.memory_space<hbm>>
        %dma_wait3A_212 = tpu.memref_squeeze %dma_wait3A_211 : memref<1x1x16x512xi32, #tpu.memory_space<hbm>> -> memref<16x512xi32, #tpu.memory_space<hbm>>
        %dma_wait3A_213 = arith.constant 0 : i32
        %dma_wait3A_214 = tpu.memref_slice %arg2[%select_n3A_152, %select_n3A_192, %mul3A_210, %dma_wait3A_213] : memref<1x19x512x512xi32, #tpu.memory_space<hbm>> -> memref<1x1x16x512xi32, #tpu.memory_space<hbm>>
        %dma_wait3A_215 = tpu.memref_squeeze %dma_wait3A_214 : memref<1x1x16x512xi32, #tpu.memory_space<hbm>> -> memref<16x512xi32, #tpu.memory_space<hbm>>
        tpu.wait_dma2 semaphore(%arg7 : memref<!tpu.dma_semaphore, #tpu.memory_space<semaphore_mem>>) src(%dma_wait3A_215 : memref<16x512xi32, #tpu.memory_space<hbm>>) dst(%arg5 : memref<16x512xi32, #tpu.memory_space<vmem>>)
        %scan3A_216 = arith.constant 0 : i32
        %scan3A_217 = arith.constant 0 : i32
        %scan3A_218 = arith.constant 16 : i32
        %scan3A_219 = arith.addi %scan3A_217, %scan3A_218 : i32
        %scan3A_220 = arith.constant 1 : i32
        %scan3A_221 = scf.for %scan3A_223 = %scan3A_217 to %scan3A_219 step %scan3A_220 iter_args(%scan3A_224 = %scan3A_216) -> (i32)  : i32 {
          %get3A = arith.index_cast %scan3A_223 : i32 to index
          %get3A_225 = arith.constant 0 : index
          %get3A_226 = tpu.vector_load %arg5[%get3A, %get3A_225] {strides = array<i32>} : memref<16x512xi32, #tpu.memory_space<vmem>>, vector<16xi32>,
          tpu.vector_store_idx %arg4[%get3A_226], %broadcast_in_dim3A_1 {add = true} : memref<40960xf32, #tpu.memory_space<vmem>>[vector<16xi32>], vector<16xf32>,
          %get3A_227 = arith.index_cast %scan3A_223 : i32 to index
          %get3A_228 = arith.constant 16 : index
          %get3A_229 = tpu.vector_load %arg5[%get3A_227, %get3A_228] {strides = array<i32>} : memref<16x512xi32, #tpu.memory_space<vmem>>, vector<16xi32>,
          tpu.vector_store_idx %arg4[%get3A_229], %broadcast_in_dim3A_1 {add = true} : memref<40960xf32, #tpu.memory_space<vmem>>[vector<16xi32>], vector<16xf32>,
          %get3A_230 = arith.index_cast %scan3A_223 : i32 to index
          %get3A_231 = arith.constant 32 : index
          %get3A_232 = tpu.vector_load %arg5[%get3A_230, %get3A_231] {strides = array<i32>} : memref<16x512xi32, #tpu.memory_space<vmem>>, vector<16xi32>,
          tpu.vector_store_idx %arg4[%get3A_232], %broadcast_in_dim3A_1 {add = true} : memref<40960xf32, #tpu.memory_space<vmem>>[vector<16xi32>], vector<16xf32>,
          %get3A_233 = arith.index_cast %scan3A_223 : i32 to index
          %get3A_234 = arith.constant 48 : index
          %get3A_235 = tpu.vector_load %arg5[%get3A_233, %get3A_234] {strides = array<i32>} : memref<16x512xi32, #tpu.memory_space<vmem>>, vector<16xi32>,
          tpu.vector_store_idx %arg4[%get3A_235], %broadcast_in_dim3A_1 {add = true} : memref<40960xf32, #tpu.memory_space<vmem>>[vector<16xi32>], vector<16xf32>,
          %get3A_236 = arith.index_cast %scan3A_223 : i32 to index
          %get3A_237 = arith.constant 64 : index
          %get3A_238 = tpu.vector_load %arg5[%get3A_236, %get3A_237] {strides = array<i32>} : memref<16x512xi32, #tpu.memory_space<vmem>>, vector<16xi32>,
          tpu.vector_store_idx %arg4[%get3A_238], %broadcast_in_dim3A_1 {add = true} : memref<40960xf32, #tpu.memory_space<vmem>>[vector<16xi32>], vector<16xf32>,
          %get3A_239 = arith.index_cast %scan3A_223 : i32 to index
          %get3A_240 = arith.constant 80 : index
          %get3A_241 = tpu.vector_load %arg5[%get3A_239, %get3A_240] {strides = array<i32>} : memref<16x512xi32, #tpu.memory_space<vmem>>, vector<16xi32>,
          tpu.vector_store_idx %arg4[%get3A_241], %broadcast_in_dim3A_1 {add = true} : memref<40960xf32, #tpu.memory_space<vmem>>[vector<16xi32>], vector<16xf32>,
          %get3A_242 = arith.index_cast %scan3A_223 : i32 to index
          %get3A_243 = arith.constant 96 : index
          %get3A_244 = tpu.vector_load %arg5[%get3A_242, %get3A_243] {strides = array<i32>} : memref<16x512xi32, #tpu.memory_space<vmem>>, vector<16xi32>,
          tpu.vector_store_idx %arg4[%get3A_244], %broadcast_in_dim3A_1 {add = true} : memref<40960xf32, #tpu.memory_space<vmem>>[vector<16xi32>], vector<16xf32>,
          %get3A_245 = arith.index_cast %scan3A_223 : i32 to index
          %get3A_246 = arith.constant 112 : index
          %get3A_247 = tpu.vector_load %arg5[%get3A_245, %get3A_246] {strides = array<i32>} : memref<16x512xi32, #tpu.memory_space<vmem>>, vector<16xi32>,
          tpu.vector_store_idx %arg4[%get3A_247], %broadcast_in_dim3A_1 {add = true} : memref<40960xf32, #tpu.memory_space<vmem>>[vector<16xi32>], vector<16xf32>,
          %get3A_248 = arith.index_cast %scan3A_223 : i32 to index
          %get3A_249 = arith.constant 128 : index
          %get3A_250 = tpu.vector_load %arg5[%get3A_248, %get3A_249] {strides = array<i32>} : memref<16x512xi32, #tpu.memory_space<vmem>>, vector<16xi32>,
          tpu.vector_store_idx %arg4[%get3A_250], %broadcast_in_dim3A_1 {add = true} : memref<40960xf32, #tpu.memory_space<vmem>>[vector<16xi32>], vector<16xf32>,
          %get3A_251 = arith.index_cast %scan3A_223 : i32 to index
          %get3A_252 = arith.constant 144 : index
          %get3A_253 = tpu.vector_load %arg5[%get3A_251, %get3A_252] {strides = array<i32>} : memref<16x512xi32, #tpu.memory_space<vmem>>, vector<16xi32>,
          tpu.vector_store_idx %arg4[%get3A_253], %broadcast_in_dim3A_1 {add = true} : memref<40960xf32, #tpu.memory_space<vmem>>[vector<16xi32>], vector<16xf32>,
          %get3A_254 = arith.index_cast %scan3A_223 : i32 to index
          %get3A_255 = arith.constant 160 : index
          %get3A_256 = tpu.vector_load %arg5[%get3A_254, %get3A_255] {strides = array<i32>} : memref<16x512xi32, #tpu.memory_space<vmem>>, vector<16xi32>,
          tpu.vector_store_idx %arg4[%get3A_256], %broadcast_in_dim3A_1 {add = true} : memref<40960xf32, #tpu.memory_space<vmem>>[vector<16xi32>], vector<16xf32>,
          %get3A_257 = arith.index_cast %scan3A_223 : i32 to index
          %get3A_258 = arith.constant 176 : index
          %get3A_259 = tpu.vector_load %arg5[%get3A_257, %get3A_258] {strides = array<i32>} : memref<16x512xi32, #tpu.memory_space<vmem>>, vector<16xi32>,
          tpu.vector_store_idx %arg4[%get3A_259], %broadcast_in_dim3A_1 {add = true} : memref<40960xf32, #tpu.memory_space<vmem>>[vector<16xi32>], vector<16xf32>,
          %get3A_260 = arith.index_cast %scan3A_223 : i32 to index
          %get3A_261 = arith.constant 192 : index
          %get3A_262 = tpu.vector_load %arg5[%get3A_260, %get3A_261] {strides = array<i32>} : memref<16x512xi32, #tpu.memory_space<vmem>>, vector<16xi32>,
          tpu.vector_store_idx %arg4[%get3A_262], %broadcast_in_dim3A_1 {add = true} : memref<40960xf32, #tpu.memory_space<vmem>>[vector<16xi32>], vector<16xf32>,
          %get3A_263 = arith.index_cast %scan3A_223 : i32 to index
          %get3A_264 = arith.constant 208 : index
          %get3A_265 = tpu.vector_load %arg5[%get3A_263, %get3A_264] {strides = array<i32>} : memref<16x512xi32, #tpu.memory_space<vmem>>, vector<16xi32>,
          tpu.vector_store_idx %arg4[%get3A_265], %broadcast_in_dim3A_1 {add = true} : memref<40960xf32, #tpu.memory_space<vmem>>[vector<16xi32>], vector<16xf32>,
          %get3A_266 = arith.index_cast %scan3A_223 : i32 to index
          %get3A_267 = arith.constant 224 : index
          %get3A_268 = tpu.vector_load %arg5[%get3A_266, %get3A_267] {strides = array<i32>} : memref<16x512xi32, #tpu.memory_space<vmem>>, vector<16xi32>,
          tpu.vector_store_idx %arg4[%get3A_268], %broadcast_in_dim3A_1 {add = true} : memref<40960xf32, #tpu.memory_space<vmem>>[vector<16xi32>], vector<16xf32>,
          %get3A_269 = arith.index_cast %scan3A_223 : i32 to index
          %get3A_270 = arith.constant 240 : index
          %get3A_271 = tpu.vector_load %arg5[%get3A_269, %get3A_270] {strides = array<i32>} : memref<16x512xi32, #tpu.memory_space<vmem>>, vector<16xi32>,
          tpu.vector_store_idx %arg4[%get3A_271], %broadcast_in_dim3A_1 {add = true} : memref<40960xf32, #tpu.memory_space<vmem>>[vector<16xi32>], vector<16xf32>,
          %get3A_272 = arith.index_cast %scan3A_223 : i32 to index
          %get3A_273 = arith.constant 256 : index
          %get3A_274 = tpu.vector_load %arg5[%get3A_272, %get3A_273] {strides = array<i32>} : memref<16x512xi32, #tpu.memory_space<vmem>>, vector<16xi32>,
          tpu.vector_store_idx %arg4[%get3A_274], %broadcast_in_dim3A_1 {add = true} : memref<40960xf32, #tpu.memory_space<vmem>>[vector<16xi32>], vector<16xf32>,
          %get3A_275 = arith.index_cast %scan3A_223 : i32 to index
          %get3A_276 = arith.constant 272 : index
          %get3A_277 = tpu.vector_load %arg5[%get3A_275, %get3A_276] {strides = array<i32>} : memref<16x512xi32, #tpu.memory_space<vmem>>, vector<16xi32>,
          tpu.vector_store_idx %arg4[%get3A_277], %broadcast_in_dim3A_1 {add = true} : memref<40960xf32, #tpu.memory_space<vmem>>[vector<16xi32>], vector<16xf32>,
          %get3A_278 = arith.index_cast %scan3A_223 : i32 to index
          %get3A_279 = arith.constant 288 : index
          %get3A_280 = tpu.vector_load %arg5[%get3A_278, %get3A_279] {strides = array<i32>} : memref<16x512xi32, #tpu.memory_space<vmem>>, vector<16xi32>,
          tpu.vector_store_idx %arg4[%get3A_280], %broadcast_in_dim3A_1 {add = true} : memref<40960xf32, #tpu.memory_space<vmem>>[vector<16xi32>], vector<16xf32>,
          %get3A_281 = arith.index_cast %scan3A_223 : i32 to index
          %get3A_282 = arith.constant 304 : index
          %get3A_283 = tpu.vector_load %arg5[%get3A_281, %get3A_282] {strides = array<i32>} : memref<16x512xi32, #tpu.memory_space<vmem>>, vector<16xi32>,
          tpu.vector_store_idx %arg4[%get3A_283], %broadcast_in_dim3A_1 {add = true} : memref<40960xf32, #tpu.memory_space<vmem>>[vector<16xi32>], vector<16xf32>,
          %get3A_284 = arith.index_cast %scan3A_223 : i32 to index
          %get3A_285 = arith.constant 320 : index
          %get3A_286 = tpu.vector_load %arg5[%get3A_284, %get3A_285] {strides = array<i32>} : memref<16x512xi32, #tpu.memory_space<vmem>>, vector<16xi32>,
          tpu.vector_store_idx %arg4[%get3A_286], %broadcast_in_dim3A_1 {add = true} : memref<40960xf32, #tpu.memory_space<vmem>>[vector<16xi32>], vector<16xf32>,
          %get3A_287 = arith.index_cast %scan3A_223 : i32 to index
          %get3A_288 = arith.constant 336 : index
          %get3A_289 = tpu.vector_load %arg5[%get3A_287, %get3A_288] {strides = array<i32>} : memref<16x512xi32, #tpu.memory_space<vmem>>, vector<16xi32>,
          tpu.vector_store_idx %arg4[%get3A_289], %broadcast_in_dim3A_1 {add = true} : memref<40960xf32, #tpu.memory_space<vmem>>[vector<16xi32>], vector<16xf32>,
          %get3A_290 = arith.index_cast %scan3A_223 : i32 to index
          %get3A_291 = arith.constant 352 : index
          %get3A_292 = tpu.vector_load %arg5[%get3A_290, %get3A_291] {strides = array<i32>} : memref<16x512xi32, #tpu.memory_space<vmem>>, vector<16xi32>,
          tpu.vector_store_idx %arg4[%get3A_292], %broadcast_in_dim3A_1 {add = true} : memref<40960xf32, #tpu.memory_space<vmem>>[vector<16xi32>], vector<16xf32>,
          %get3A_293 = arith.index_cast %scan3A_223 : i32 to index
          %get3A_294 = arith.constant 368 : index
          %get3A_295 = tpu.vector_load %arg5[%get3A_293, %get3A_294] {strides = array<i32>} : memref<16x512xi32, #tpu.memory_space<vmem>>, vector<16xi32>,
          tpu.vector_store_idx %arg4[%get3A_295], %broadcast_in_dim3A_1 {add = true} : memref<40960xf32, #tpu.memory_space<vmem>>[vector<16xi32>], vector<16xf32>,
          %get3A_296 = arith.index_cast %scan3A_223 : i32 to index
          %get3A_297 = arith.constant 384 : index
          %get3A_298 = tpu.vector_load %arg5[%get3A_296, %get3A_297] {strides = array<i32>} : memref<16x512xi32, #tpu.memory_space<vmem>>, vector<16xi32>,
          tpu.vector_store_idx %arg4[%get3A_298], %broadcast_in_dim3A_1 {add = true} : memref<40960xf32, #tpu.memory_space<vmem>>[vector<16xi32>], vector<16xf32>,
          %get3A_299 = arith.index_cast %scan3A_223 : i32 to index
          %get3A_300 = arith.constant 400 : index
          %get3A_301 = tpu.vector_load %arg5[%get3A_299, %get3A_300] {strides = array<i32>} : memref<16x512xi32, #tpu.memory_space<vmem>>, vector<16xi32>,
          tpu.vector_store_idx %arg4[%get3A_301], %broadcast_in_dim3A_1 {add = true} : memref<40960xf32, #tpu.memory_space<vmem>>[vector<16xi32>], vector<16xf32>,
          %get3A_302 = arith.index_cast %scan3A_223 : i32 to index
          %get3A_303 = arith.constant 416 : index
          %get3A_304 = tpu.vector_load %arg5[%get3A_302, %get3A_303] {strides = array<i32>} : memref<16x512xi32, #tpu.memory_space<vmem>>, vector<16xi32>,
          tpu.vector_store_idx %arg4[%get3A_304], %broadcast_in_dim3A_1 {add = true} : memref<40960xf32, #tpu.memory_space<vmem>>[vector<16xi32>], vector<16xf32>,
          %get3A_305 = arith.index_cast %scan3A_223 : i32 to index
          %get3A_306 = arith.constant 432 : index
          %get3A_307 = tpu.vector_load %arg5[%get3A_305, %get3A_306] {strides = array<i32>} : memref<16x512xi32, #tpu.memory_space<vmem>>, vector<16xi32>,
          tpu.vector_store_idx %arg4[%get3A_307], %broadcast_in_dim3A_1 {add = true} : memref<40960xf32, #tpu.memory_space<vmem>>[vector<16xi32>], vector<16xf32>,
          %get3A_308 = arith.index_cast %scan3A_223 : i32 to index
          %get3A_309 = arith.constant 448 : index
          %get3A_310 = tpu.vector_load %arg5[%get3A_308, %get3A_309] {strides = array<i32>} : memref<16x512xi32, #tpu.memory_space<vmem>>, vector<16xi32>,
          tpu.vector_store_idx %arg4[%get3A_310], %broadcast_in_dim3A_1 {add = true} : memref<40960xf32, #tpu.memory_space<vmem>>[vector<16xi32>], vector<16xf32>,
          %get3A_311 = arith.index_cast %scan3A_223 : i32 to index
          %get3A_312 = arith.constant 464 : index
          %get3A_313 = tpu.vector_load %arg5[%get3A_311, %get3A_312] {strides = array<i32>} : memref<16x512xi32, #tpu.memory_space<vmem>>, vector<16xi32>,
          tpu.vector_store_idx %arg4[%get3A_313], %broadcast_in_dim3A_1 {add = true} : memref<40960xf32, #tpu.memory_space<vmem>>[vector<16xi32>], vector<16xf32>,
          %get3A_314 = arith.index_cast %scan3A_223 : i32 to index
          %get3A_315 = arith.constant 480 : index
          %get3A_316 = tpu.vector_load %arg5[%get3A_314, %get3A_315] {strides = array<i32>} : memref<16x512xi32, #tpu.memory_space<vmem>>, vector<16xi32>,
          tpu.vector_store_idx %arg4[%get3A_316], %broadcast_in_dim3A_1 {add = true} : memref<40960xf32, #tpu.memory_space<vmem>>[vector<16xi32>], vector<16xf32>,
          %get3A_317 = arith.index_cast %scan3A_223 : i32 to index
          %get3A_318 = arith.constant 496 : index
          %get3A_319 = tpu.vector_load %arg5[%get3A_317, %get3A_318] {strides = array<i32>} : memref<16x512xi32, #tpu.memory_space<vmem>>, vector<16xi32>,
          tpu.vector_store_idx %arg4[%get3A_319], %broadcast_in_dim3A_1 {add = true} : memref<40960xf32, #tpu.memory_space<vmem>>[vector<16xi32>], vector<16xf32>,
          %scan3A_320 = arith.constant 0 : i32
          scf.yield %scan3A_320 : i32
        }
        %scan3A_222 = arith.constant 16 : i32
      } else {
      }
      %mul3A_109 = arith.constant 2 : i32
      %mul3A_110 = arith.muli %scan3A_98, %mul3A_109 : i32
      %add3A_111 = arith.constant 1 : i32
      %add3A_112 = arith.addi %mul3A_110, %add3A_111 : i32
      %add3A_113 = arith.constant 1 : i32
      %add3A_114 = arith.addi %add3A_112, %add3A_113 : i32
      %lt3A_115 = arith.constant 19 : i32
      %lt3A_116 = arith.cmpi slt, %add3A_112, %lt3A_115 : i32
      %convert_element_type3A_117 = arith.extui %lt3A_116 : i1 to i32
      %cond3A_118 = arith.constant 0 : i32
      %cond3A_119 = arith.cmpi ne, %convert_element_type3A_117, %cond3A_118 : i32
      scf.if %cond3A_119 {
        %lt3A_121 = arith.constant 19 : i32
        %lt3A_122 = arith.cmpi slt, %add3A_114, %lt3A_121 : i32
        %convert_element_type3A_123 = arith.extui %lt3A_122 : i1 to i32
        %cond3A_124 = arith.constant 0 : i32
        %cond3A_125 = arith.cmpi ne, %convert_element_type3A_123, %cond3A_124 : i32
        scf.if %cond3A_125 {
          %mul3A_223 = arith.constant 19 : i32
          %mul3A_224 = arith.muli %add3A, %mul3A_223 : i32
          %add3A_225 = arith.addi %mul3A_224, %add3A_114 : i32
          %jit3A_226 = arith.constant 608 : i32
          %div3A_227 = arith.divsi %add3A_225, %jit3A_226 : i32
          %sign3A_228 = arith.constant 0 : i32
          %sign3A_229 = arith.cmpi sgt, %add3A_225, %sign3A_228 : i32
          %sign3A_230 = arith.extui %sign3A_229 : i1 to i32
          %sign3A_231 = arith.constant 0 : i32
          %sign3A_232 = arith.cmpi slt, %add3A_225, %sign3A_231 : i32
          %sign3A_233 = arith.extui %sign3A_232 : i1 to i32
          %sign3A_234 = arith.subi %sign3A_230, %sign3A_233 : i32
          %sign3A_235 = arith.constant 0 : i32
          %sign3A_236 = arith.cmpi sgt, %jit3A_226, %sign3A_235 : i32
          %sign3A_237 = arith.extui %sign3A_236 : i1 to i32
          %sign3A_238 = arith.constant 0 : i32
          %sign3A_239 = arith.cmpi slt, %jit3A_226, %sign3A_238 : i32
          %sign3A_240 = arith.extui %sign3A_239 : i1 to i32
          %sign3A_241 = arith.subi %sign3A_237, %sign3A_240 : i32
          %ne3A_242 = arith.cmpi ne, %sign3A_234, %sign3A_241 : i32
          %rem3A_243 = arith.remsi %add3A_225, %jit3A_226 : i32
          %ne3A_244 = arith.constant 0 : i32
          %ne3A_245 = arith.cmpi ne, %rem3A_243, %ne3A_244 : i32
          %and3A_246 = arith.andi %ne3A_242, %ne3A_245 : i1
          %sub3A_247 = arith.constant 1 : i32
          %sub3A_248 = arith.subi %div3A_227, %sub3A_247 : i32
          %select_n3A_249 = arith.select %and3A_246, %sub3A_248, %div3A_227 : i32
          %jit3A_250 = arith.constant 608 : i32
          %eq3A_251 = arith.constant 0 : i32
          %eq3A_252 = arith.cmpi eq, %jit3A_250, %eq3A_251 : i32
          %jit3A_253 = arith.constant 1 : i32
          %select_n3A_254 = arith.select %eq3A_252, %jit3A_253, %jit3A_250 : i32
          %rem3A_255 = arith.remsi %add3A_225, %select_n3A_254 : i32
          %ne3A_256 = arith.constant 0 : i32
          %ne3A_257 = arith.cmpi ne, %rem3A_255, %ne3A_256 : i32
          %lt3A_258 = arith.constant 0 : i32
          %lt3A_259 = arith.cmpi slt, %rem3A_255, %lt3A_258 : i32
          %lt3A_260 = arith.constant 0 : i32
          %lt3A_261 = arith.cmpi slt, %select_n3A_254, %lt3A_260 : i32
          %ne3A_262 = arith.xori %lt3A_259, %lt3A_261 : i1
          %and3A_263 = arith.andi %ne3A_262, %ne3A_257 : i1
          %add3A_264 = arith.addi %rem3A_255, %select_n3A_254 : i32
          %select_n3A_265 = arith.select %and3A_263, %add3A_264, %rem3A_255 : i32
          %jit3A_266 = arith.constant 32 : i32
          %div3A_267 = arith.divsi %select_n3A_265, %jit3A_266 : i32
          %sign3A_268 = arith.constant 0 : i32
          %sign3A_269 = arith.cmpi sgt, %select_n3A_265, %sign3A_268 : i32
          %sign3A_270 = arith.extui %sign3A_269 : i1 to i32
          %sign3A_271 = arith.constant 0 : i32
          %sign3A_272 = arith.cmpi slt, %select_n3A_265, %sign3A_271 : i32
          %sign3A_273 = arith.extui %sign3A_272 : i1 to i32
          %sign3A_274 = arith.subi %sign3A_270, %sign3A_273 : i32
          %sign3A_275 = arith.constant 0 : i32
          %sign3A_276 = arith.cmpi sgt, %jit3A_266, %sign3A_275 : i32
          %sign3A_277 = arith.extui %sign3A_276 : i1 to i32
          %sign3A_278 = arith.constant 0 : i32
          %sign3A_279 = arith.cmpi slt, %jit3A_266, %sign3A_278 : i32
          %sign3A_280 = arith.extui %sign3A_279 : i1 to i32
          %sign3A_281 = arith.subi %sign3A_277, %sign3A_280 : i32
          %ne3A_282 = arith.cmpi ne, %sign3A_274, %sign3A_281 : i32
          %rem3A_283 = arith.remsi %select_n3A_265, %jit3A_266 : i32
          %ne3A_284 = arith.constant 0 : i32
          %ne3A_285 = arith.cmpi ne, %rem3A_283, %ne3A_284 : i32
          %and3A_286 = arith.andi %ne3A_282, %ne3A_285 : i1
          %sub3A_287 = arith.constant 1 : i32
          %sub3A_288 = arith.subi %div3A_267, %sub3A_287 : i32
          %select_n3A_289 = arith.select %and3A_286, %sub3A_288, %div3A_267 : i32
          %jit3A_290 = arith.constant 32 : i32
          %eq3A_291 = arith.constant 0 : i32
          %eq3A_292 = arith.cmpi eq, %jit3A_290, %eq3A_291 : i32
          %jit3A_293 = arith.constant 1 : i32
          %select_n3A_294 = arith.select %eq3A_292, %jit3A_293, %jit3A_290 : i32
          %rem3A_295 = arith.remsi %select_n3A_265, %select_n3A_294 : i32
          %ne3A_296 = arith.constant 0 : i32
          %ne3A_297 = arith.cmpi ne, %rem3A_295, %ne3A_296 : i32
          %lt3A_298 = arith.constant 0 : i32
          %lt3A_299 = arith.cmpi slt, %rem3A_295, %lt3A_298 : i32
          %lt3A_300 = arith.constant 0 : i32
          %lt3A_301 = arith.cmpi slt, %select_n3A_294, %lt3A_300 : i32
          %ne3A_302 = arith.xori %lt3A_299, %lt3A_301 : i1
          %and3A_303 = arith.andi %ne3A_302, %ne3A_297 : i1
          %add3A_304 = arith.addi %rem3A_295, %select_n3A_294 : i32
          %select_n3A_305 = arith.select %and3A_303, %add3A_304, %rem3A_295 : i32
          %mul3A_306 = arith.constant 16 : i32
          %mul3A_307 = arith.muli %select_n3A_305, %mul3A_306 : i32
          %dma_start3A_308 = arith.constant 0 : i32
          %dma_start3A_309 = tpu.memref_slice %arg2[%select_n3A_249, %select_n3A_289, %mul3A_307, %dma_start3A_308] : memref<1x19x512x512xi32, #tpu.memory_space<hbm>> -> memref<1x1x16x512xi32, #tpu.memory_space<hbm>>
          %dma_start3A_310 = tpu.memref_squeeze %dma_start3A_309 : memref<1x1x16x512xi32, #tpu.memory_space<hbm>> -> memref<16x512xi32, #tpu.memory_space<hbm>>
          %dma_start3A_311 = arith.constant 0 : i32
          %dma_start3A_312 = tpu.memref_slice %arg2[%select_n3A_249, %select_n3A_289, %mul3A_307, %dma_start3A_311] : memref<1x19x512x512xi32, #tpu.memory_space<hbm>> -> memref<1x1x16x512xi32, #tpu.memory_space<hbm>>
          %dma_start3A_313 = tpu.memref_squeeze %dma_start3A_312 : memref<1x1x16x512xi32, #tpu.memory_space<hbm>> -> memref<16x512xi32, #tpu.memory_space<hbm>>
          tpu.enqueue_dma source(%dma_start3A_313 : memref<16x512xi32, #tpu.memory_space<hbm>>) target(%arg5 : memref<16x512xi32, #tpu.memory_space<vmem>>) target_semaphore(%arg7 : memref<!tpu.dma_semaphore, #tpu.memory_space<semaphore_mem>>)
        } else {
        }
        %mul3A_126 = arith.constant 19 : i32
        %mul3A_127 = arith.muli %add3A, %mul3A_126 : i32
        %add3A_128 = arith.addi %mul3A_127, %add3A_112 : i32
        %jit3A_129 = arith.constant 608 : i32
        %div3A_130 = arith.divsi %add3A_128, %jit3A_129 : i32
        %sign3A_131 = arith.constant 0 : i32
        %sign3A_132 = arith.cmpi sgt, %add3A_128, %sign3A_131 : i32
        %sign3A_133 = arith.extui %sign3A_132 : i1 to i32
        %sign3A_134 = arith.constant 0 : i32
        %sign3A_135 = arith.cmpi slt, %add3A_128, %sign3A_134 : i32
        %sign3A_136 = arith.extui %sign3A_135 : i1 to i32
        %sign3A_137 = arith.subi %sign3A_133, %sign3A_136 : i32
        %sign3A_138 = arith.constant 0 : i32
        %sign3A_139 = arith.cmpi sgt, %jit3A_129, %sign3A_138 : i32
        %sign3A_140 = arith.extui %sign3A_139 : i1 to i32
        %sign3A_141 = arith.constant 0 : i32
        %sign3A_142 = arith.cmpi slt, %jit3A_129, %sign3A_141 : i32
        %sign3A_143 = arith.extui %sign3A_142 : i1 to i32
        %sign3A_144 = arith.subi %sign3A_140, %sign3A_143 : i32
        %ne3A_145 = arith.cmpi ne, %sign3A_137, %sign3A_144 : i32
        %rem3A_146 = arith.remsi %add3A_128, %jit3A_129 : i32
        %ne3A_147 = arith.constant 0 : i32
        %ne3A_148 = arith.cmpi ne, %rem3A_146, %ne3A_147 : i32
        %and3A_149 = arith.andi %ne3A_145, %ne3A_148 : i1
        %sub3A_150 = arith.constant 1 : i32
        %sub3A_151 = arith.subi %div3A_130, %sub3A_150 : i32
        %select_n3A_152 = arith.select %and3A_149, %sub3A_151, %div3A_130 : i32
        %jit3A_153 = arith.constant 608 : i32
        %eq3A_154 = arith.constant 0 : i32
        %eq3A_155 = arith.cmpi eq, %jit3A_153, %eq3A_154 : i32
        %jit3A_156 = arith.constant 1 : i32
        %select_n3A_157 = arith.select %eq3A_155, %jit3A_156, %jit3A_153 : i32
        %rem3A_158 = arith.remsi %add3A_128, %select_n3A_157 : i32
        %ne3A_159 = arith.constant 0 : i32
        %ne3A_160 = arith.cmpi ne, %rem3A_158, %ne3A_159 : i32
        %lt3A_161 = arith.constant 0 : i32
        %lt3A_162 = arith.cmpi slt, %rem3A_158, %lt3A_161 : i32
        %lt3A_163 = arith.constant 0 : i32
        %lt3A_164 = arith.cmpi slt, %select_n3A_157, %lt3A_163 : i32
        %ne3A_165 = arith.xori %lt3A_162, %lt3A_164 : i1
        %and3A_166 = arith.andi %ne3A_165, %ne3A_160 : i1
        %add3A_167 = arith.addi %rem3A_158, %select_n3A_157 : i32
        %select_n3A_168 = arith.select %and3A_166, %add3A_167, %rem3A_158 : i32
        %jit3A_169 = arith.constant 32 : i32
        %div3A_170 = arith.divsi %select_n3A_168, %jit3A_169 : i32
        %sign3A_171 = arith.constant 0 : i32
        %sign3A_172 = arith.cmpi sgt, %select_n3A_168, %sign3A_171 : i32
        %sign3A_173 = arith.extui %sign3A_172 : i1 to i32
        %sign3A_174 = arith.constant 0 : i32
        %sign3A_175 = arith.cmpi slt, %select_n3A_168, %sign3A_174 : i32
        %sign3A_176 = arith.extui %sign3A_175 : i1 to i32
        %sign3A_177 = arith.subi %sign3A_173, %sign3A_176 : i32
        %sign3A_178 = arith.constant 0 : i32
        %sign3A_179 = arith.cmpi sgt, %jit3A_169, %sign3A_178 : i32
        %sign3A_180 = arith.extui %sign3A_179 : i1 to i32
        %sign3A_181 = arith.constant 0 : i32
        %sign3A_182 = arith.cmpi slt, %jit3A_169, %sign3A_181 : i32
        %sign3A_183 = arith.extui %sign3A_182 : i1 to i32
        %sign3A_184 = arith.subi %sign3A_180, %sign3A_183 : i32
        %ne3A_185 = arith.cmpi ne, %sign3A_177, %sign3A_184 : i32
        %rem3A_186 = arith.remsi %select_n3A_168, %jit3A_169 : i32
        %ne3A_187 = arith.constant 0 : i32
        %ne3A_188 = arith.cmpi ne, %rem3A_186, %ne3A_187 : i32
        %and3A_189 = arith.andi %ne3A_185, %ne3A_188 : i1
        %sub3A_190 = arith.constant 1 : i32
        %sub3A_191 = arith.subi %div3A_170, %sub3A_190 : i32
        %select_n3A_192 = arith.select %and3A_189, %sub3A_191, %div3A_170 : i32
        %jit3A_193 = arith.constant 32 : i32
        %eq3A_194 = arith.constant 0 : i32
        %eq3A_195 = arith.cmpi eq, %jit3A_193, %eq3A_194 : i32
        %jit3A_196 = arith.constant 1 : i32
        %select_n3A_197 = arith.select %eq3A_195, %jit3A_196, %jit3A_193 : i32
        %rem3A_198 = arith.remsi %select_n3A_168, %select_n3A_197 : i32
        %ne3A_199 = arith.constant 0 : i32
        %ne3A_200 = arith.cmpi ne, %rem3A_198, %ne3A_199 : i32
        %lt3A_201 = arith.constant 0 : i32
        %lt3A_202 = arith.cmpi slt, %rem3A_198, %lt3A_201 : i32
        %lt3A_203 = arith.constant 0 : i32
        %lt3A_204 = arith.cmpi slt, %select_n3A_197, %lt3A_203 : i32
        %ne3A_205 = arith.xori %lt3A_202, %lt3A_204 : i1
        %and3A_206 = arith.andi %ne3A_205, %ne3A_200 : i1
        %add3A_207 = arith.addi %rem3A_198, %select_n3A_197 : i32
        %select_n3A_208 = arith.select %and3A_206, %add3A_207, %rem3A_198 : i32
        %mul3A_209 = arith.constant 16 : i32
        %mul3A_210 = arith.muli %select_n3A_208, %mul3A_209 : i32
        %dma_wait3A = arith.constant 0 : i32
        %dma_wait3A_211 = tpu.memref_slice %arg2[%select_n3A_152, %select_n3A_192, %mul3A_210, %dma_wait3A] : memref<1x19x512x512xi32, #tpu.memory_space<hbm>> -> memref<1x1x16x512xi32, #tpu.memory_space<hbm>>
        %dma_wait3A_212 = tpu.memref_squeeze %dma_wait3A_211 : memref<1x1x16x512xi32, #tpu.memory_space<hbm>> -> memref<16x512xi32, #tpu.memory_space<hbm>>
        %dma_wait3A_213 = arith.constant 0 : i32
        %dma_wait3A_214 = tpu.memref_slice %arg2[%select_n3A_152, %select_n3A_192, %mul3A_210, %dma_wait3A_213] : memref<1x19x512x512xi32, #tpu.memory_space<hbm>> -> memref<1x1x16x512xi32, #tpu.memory_space<hbm>>
        %dma_wait3A_215 = tpu.memref_squeeze %dma_wait3A_214 : memref<1x1x16x512xi32, #tpu.memory_space<hbm>> -> memref<16x512xi32, #tpu.memory_space<hbm>>
        tpu.wait_dma2 semaphore(%arg8 : memref<!tpu.dma_semaphore, #tpu.memory_space<semaphore_mem>>) src(%dma_wait3A_215 : memref<16x512xi32, #tpu.memory_space<hbm>>) dst(%arg6 : memref<16x512xi32, #tpu.memory_space<vmem>>)
        %scan3A_216 = arith.constant 0 : i32
        %scan3A_217 = arith.constant 0 : i32
        %scan3A_218 = arith.constant 16 : i32
        %scan3A_219 = arith.addi %scan3A_217, %scan3A_218 : i32
        %scan3A_220 = arith.constant 1 : i32
        %scan3A_221 = scf.for %scan3A_223 = %scan3A_217 to %scan3A_219 step %scan3A_220 iter_args(%scan3A_224 = %scan3A_216) -> (i32)  : i32 {
          %get3A = arith.index_cast %scan3A_223 : i32 to index
          %get3A_225 = arith.constant 0 : index
          %get3A_226 = tpu.vector_load %arg6[%get3A, %get3A_225] {strides = array<i32>} : memref<16x512xi32, #tpu.memory_space<vmem>>, vector<16xi32>,
          tpu.vector_store_idx %arg4[%get3A_226], %broadcast_in_dim3A_1 {add = true} : memref<40960xf32, #tpu.memory_space<vmem>>[vector<16xi32>], vector<16xf32>,
          %get3A_227 = arith.index_cast %scan3A_223 : i32 to index
          %get3A_228 = arith.constant 16 : index
          %get3A_229 = tpu.vector_load %arg6[%get3A_227, %get3A_228] {strides = array<i32>} : memref<16x512xi32, #tpu.memory_space<vmem>>, vector<16xi32>,
          tpu.vector_store_idx %arg4[%get3A_229], %broadcast_in_dim3A_1 {add = true} : memref<40960xf32, #tpu.memory_space<vmem>>[vector<16xi32>], vector<16xf32>,
          %get3A_230 = arith.index_cast %scan3A_223 : i32 to index
          %get3A_231 = arith.constant 32 : index
          %get3A_232 = tpu.vector_load %arg6[%get3A_230, %get3A_231] {strides = array<i32>} : memref<16x512xi32, #tpu.memory_space<vmem>>, vector<16xi32>,
          tpu.vector_store_idx %arg4[%get3A_232], %broadcast_in_dim3A_1 {add = true} : memref<40960xf32, #tpu.memory_space<vmem>>[vector<16xi32>], vector<16xf32>,
          %get3A_233 = arith.index_cast %scan3A_223 : i32 to index
          %get3A_234 = arith.constant 48 : index
          %get3A_235 = tpu.vector_load %arg6[%get3A_233, %get3A_234] {strides = array<i32>} : memref<16x512xi32, #tpu.memory_space<vmem>>, vector<16xi32>,
          tpu.vector_store_idx %arg4[%get3A_235], %broadcast_in_dim3A_1 {add = true} : memref<40960xf32, #tpu.memory_space<vmem>>[vector<16xi32>], vector<16xf32>,
          %get3A_236 = arith.index_cast %scan3A_223 : i32 to index
          %get3A_237 = arith.constant 64 : index
          %get3A_238 = tpu.vector_load %arg6[%get3A_236, %get3A_237] {strides = array<i32>} : memref<16x512xi32, #tpu.memory_space<vmem>>, vector<16xi32>,
          tpu.vector_store_idx %arg4[%get3A_238], %broadcast_in_dim3A_1 {add = true} : memref<40960xf32, #tpu.memory_space<vmem>>[vector<16xi32>], vector<16xf32>,
          %get3A_239 = arith.index_cast %scan3A_223 : i32 to index
          %get3A_240 = arith.constant 80 : index
          %get3A_241 = tpu.vector_load %arg6[%get3A_239, %get3A_240] {strides = array<i32>} : memref<16x512xi32, #tpu.memory_space<vmem>>, vector<16xi32>,
          tpu.vector_store_idx %arg4[%get3A_241], %broadcast_in_dim3A_1 {add = true} : memref<40960xf32, #tpu.memory_space<vmem>>[vector<16xi32>], vector<16xf32>,
          %get3A_242 = arith.index_cast %scan3A_223 : i32 to index
          %get3A_243 = arith.constant 96 : index
          %get3A_244 = tpu.vector_load %arg6[%get3A_242, %get3A_243] {strides = array<i32>} : memref<16x512xi32, #tpu.memory_space<vmem>>, vector<16xi32>,
          tpu.vector_store_idx %arg4[%get3A_244], %broadcast_in_dim3A_1 {add = true} : memref<40960xf32, #tpu.memory_space<vmem>>[vector<16xi32>], vector<16xf32>,
          %get3A_245 = arith.index_cast %scan3A_223 : i32 to index
          %get3A_246 = arith.constant 112 : index
          %get3A_247 = tpu.vector_load %arg6[%get3A_245, %get3A_246] {strides = array<i32>} : memref<16x512xi32, #tpu.memory_space<vmem>>, vector<16xi32>,
          tpu.vector_store_idx %arg4[%get3A_247], %broadcast_in_dim3A_1 {add = true} : memref<40960xf32, #tpu.memory_space<vmem>>[vector<16xi32>], vector<16xf32>,
          %get3A_248 = arith.index_cast %scan3A_223 : i32 to index
          %get3A_249 = arith.constant 128 : index
          %get3A_250 = tpu.vector_load %arg6[%get3A_248, %get3A_249] {strides = array<i32>} : memref<16x512xi32, #tpu.memory_space<vmem>>, vector<16xi32>,
          tpu.vector_store_idx %arg4[%get3A_250], %broadcast_in_dim3A_1 {add = true} : memref<40960xf32, #tpu.memory_space<vmem>>[vector<16xi32>], vector<16xf32>,
          %get3A_251 = arith.index_cast %scan3A_223 : i32 to index
          %get3A_252 = arith.constant 144 : index
          %get3A_253 = tpu.vector_load %arg6[%get3A_251, %get3A_252] {strides = array<i32>} : memref<16x512xi32, #tpu.memory_space<vmem>>, vector<16xi32>,
          tpu.vector_store_idx %arg4[%get3A_253], %broadcast_in_dim3A_1 {add = true} : memref<40960xf32, #tpu.memory_space<vmem>>[vector<16xi32>], vector<16xf32>,
          %get3A_254 = arith.index_cast %scan3A_223 : i32 to index
          %get3A_255 = arith.constant 160 : index
          %get3A_256 = tpu.vector_load %arg6[%get3A_254, %get3A_255] {strides = array<i32>} : memref<16x512xi32, #tpu.memory_space<vmem>>, vector<16xi32>,
          tpu.vector_store_idx %arg4[%get3A_256], %broadcast_in_dim3A_1 {add = true} : memref<40960xf32, #tpu.memory_space<vmem>>[vector<16xi32>], vector<16xf32>,
          %get3A_257 = arith.index_cast %scan3A_223 : i32 to index
          %get3A_258 = arith.constant 176 : index
          %get3A_259 = tpu.vector_load %arg6[%get3A_257, %get3A_258] {strides = array<i32>} : memref<16x512xi32, #tpu.memory_space<vmem>>, vector<16xi32>,
          tpu.vector_store_idx %arg4[%get3A_259], %broadcast_in_dim3A_1 {add = true} : memref<40960xf32, #tpu.memory_space<vmem>>[vector<16xi32>], vector<16xf32>,
          %get3A_260 = arith.index_cast %scan3A_223 : i32 to index
          %get3A_261 = arith.constant 192 : index
          %get3A_262 = tpu.vector_load %arg6[%get3A_260, %get3A_261] {strides = array<i32>} : memref<16x512xi32, #tpu.memory_space<vmem>>, vector<16xi32>,
          tpu.vector_store_idx %arg4[%get3A_262], %broadcast_in_dim3A_1 {add = true} : memref<40960xf32, #tpu.memory_space<vmem>>[vector<16xi32>], vector<16xf32>,
          %get3A_263 = arith.index_cast %scan3A_223 : i32 to index
          %get3A_264 = arith.constant 208 : index
          %get3A_265 = tpu.vector_load %arg6[%get3A_263, %get3A_264] {strides = array<i32>} : memref<16x512xi32, #tpu.memory_space<vmem>>, vector<16xi32>,
          tpu.vector_store_idx %arg4[%get3A_265], %broadcast_in_dim3A_1 {add = true} : memref<40960xf32, #tpu.memory_space<vmem>>[vector<16xi32>], vector<16xf32>,
          %get3A_266 = arith.index_cast %scan3A_223 : i32 to index
          %get3A_267 = arith.constant 224 : index
          %get3A_268 = tpu.vector_load %arg6[%get3A_266, %get3A_267] {strides = array<i32>} : memref<16x512xi32, #tpu.memory_space<vmem>>, vector<16xi32>,
          tpu.vector_store_idx %arg4[%get3A_268], %broadcast_in_dim3A_1 {add = true} : memref<40960xf32, #tpu.memory_space<vmem>>[vector<16xi32>], vector<16xf32>,
          %get3A_269 = arith.index_cast %scan3A_223 : i32 to index
          %get3A_270 = arith.constant 240 : index
          %get3A_271 = tpu.vector_load %arg6[%get3A_269, %get3A_270] {strides = array<i32>} : memref<16x512xi32, #tpu.memory_space<vmem>>, vector<16xi32>,
          tpu.vector_store_idx %arg4[%get3A_271], %broadcast_in_dim3A_1 {add = true} : memref<40960xf32, #tpu.memory_space<vmem>>[vector<16xi32>], vector<16xf32>,
          %get3A_272 = arith.index_cast %scan3A_223 : i32 to index
          %get3A_273 = arith.constant 256 : index
          %get3A_274 = tpu.vector_load %arg6[%get3A_272, %get3A_273] {strides = array<i32>} : memref<16x512xi32, #tpu.memory_space<vmem>>, vector<16xi32>,
          tpu.vector_store_idx %arg4[%get3A_274], %broadcast_in_dim3A_1 {add = true} : memref<40960xf32, #tpu.memory_space<vmem>>[vector<16xi32>], vector<16xf32>,
          %get3A_275 = arith.index_cast %scan3A_223 : i32 to index
          %get3A_276 = arith.constant 272 : index
          %get3A_277 = tpu.vector_load %arg6[%get3A_275, %get3A_276] {strides = array<i32>} : memref<16x512xi32, #tpu.memory_space<vmem>>, vector<16xi32>,
          tpu.vector_store_idx %arg4[%get3A_277], %broadcast_in_dim3A_1 {add = true} : memref<40960xf32, #tpu.memory_space<vmem>>[vector<16xi32>], vector<16xf32>,
          %get3A_278 = arith.index_cast %scan3A_223 : i32 to index
          %get3A_279 = arith.constant 288 : index
          %get3A_280 = tpu.vector_load %arg6[%get3A_278, %get3A_279] {strides = array<i32>} : memref<16x512xi32, #tpu.memory_space<vmem>>, vector<16xi32>,
          tpu.vector_store_idx %arg4[%get3A_280], %broadcast_in_dim3A_1 {add = true} : memref<40960xf32, #tpu.memory_space<vmem>>[vector<16xi32>], vector<16xf32>,
          %get3A_281 = arith.index_cast %scan3A_223 : i32 to index
          %get3A_282 = arith.constant 304 : index
          %get3A_283 = tpu.vector_load %arg6[%get3A_281, %get3A_282] {strides = array<i32>} : memref<16x512xi32, #tpu.memory_space<vmem>>, vector<16xi32>,
          tpu.vector_store_idx %arg4[%get3A_283], %broadcast_in_dim3A_1 {add = true} : memref<40960xf32, #tpu.memory_space<vmem>>[vector<16xi32>], vector<16xf32>,
          %get3A_284 = arith.index_cast %scan3A_223 : i32 to index
          %get3A_285 = arith.constant 320 : index
          %get3A_286 = tpu.vector_load %arg6[%get3A_284, %get3A_285] {strides = array<i32>} : memref<16x512xi32, #tpu.memory_space<vmem>>, vector<16xi32>,
          tpu.vector_store_idx %arg4[%get3A_286], %broadcast_in_dim3A_1 {add = true} : memref<40960xf32, #tpu.memory_space<vmem>>[vector<16xi32>], vector<16xf32>,
          %get3A_287 = arith.index_cast %scan3A_223 : i32 to index
          %get3A_288 = arith.constant 336 : index
          %get3A_289 = tpu.vector_load %arg6[%get3A_287, %get3A_288] {strides = array<i32>} : memref<16x512xi32, #tpu.memory_space<vmem>>, vector<16xi32>,
          tpu.vector_store_idx %arg4[%get3A_289], %broadcast_in_dim3A_1 {add = true} : memref<40960xf32, #tpu.memory_space<vmem>>[vector<16xi32>], vector<16xf32>,
          %get3A_290 = arith.index_cast %scan3A_223 : i32 to index
          %get3A_291 = arith.constant 352 : index
          %get3A_292 = tpu.vector_load %arg6[%get3A_290, %get3A_291] {strides = array<i32>} : memref<16x512xi32, #tpu.memory_space<vmem>>, vector<16xi32>,
          tpu.vector_store_idx %arg4[%get3A_292], %broadcast_in_dim3A_1 {add = true} : memref<40960xf32, #tpu.memory_space<vmem>>[vector<16xi32>], vector<16xf32>,
          %get3A_293 = arith.index_cast %scan3A_223 : i32 to index
          %get3A_294 = arith.constant 368 : index
          %get3A_295 = tpu.vector_load %arg6[%get3A_293, %get3A_294] {strides = array<i32>} : memref<16x512xi32, #tpu.memory_space<vmem>>, vector<16xi32>,
          tpu.vector_store_idx %arg4[%get3A_295], %broadcast_in_dim3A_1 {add = true} : memref<40960xf32, #tpu.memory_space<vmem>>[vector<16xi32>], vector<16xf32>,
          %get3A_296 = arith.index_cast %scan3A_223 : i32 to index
          %get3A_297 = arith.constant 384 : index
          %get3A_298 = tpu.vector_load %arg6[%get3A_296, %get3A_297] {strides = array<i32>} : memref<16x512xi32, #tpu.memory_space<vmem>>, vector<16xi32>,
          tpu.vector_store_idx %arg4[%get3A_298], %broadcast_in_dim3A_1 {add = true} : memref<40960xf32, #tpu.memory_space<vmem>>[vector<16xi32>], vector<16xf32>,
          %get3A_299 = arith.index_cast %scan3A_223 : i32 to index
          %get3A_300 = arith.constant 400 : index
          %get3A_301 = tpu.vector_load %arg6[%get3A_299, %get3A_300] {strides = array<i32>} : memref<16x512xi32, #tpu.memory_space<vmem>>, vector<16xi32>,
          tpu.vector_store_idx %arg4[%get3A_301], %broadcast_in_dim3A_1 {add = true} : memref<40960xf32, #tpu.memory_space<vmem>>[vector<16xi32>], vector<16xf32>,
          %get3A_302 = arith.index_cast %scan3A_223 : i32 to index
          %get3A_303 = arith.constant 416 : index
          %get3A_304 = tpu.vector_load %arg6[%get3A_302, %get3A_303] {strides = array<i32>} : memref<16x512xi32, #tpu.memory_space<vmem>>, vector<16xi32>,
          tpu.vector_store_idx %arg4[%get3A_304], %broadcast_in_dim3A_1 {add = true} : memref<40960xf32, #tpu.memory_space<vmem>>[vector<16xi32>], vector<16xf32>,
          %get3A_305 = arith.index_cast %scan3A_223 : i32 to index
          %get3A_306 = arith.constant 432 : index
          %get3A_307 = tpu.vector_load %arg6[%get3A_305, %get3A_306] {strides = array<i32>} : memref<16x512xi32, #tpu.memory_space<vmem>>, vector<16xi32>,
          tpu.vector_store_idx %arg4[%get3A_307], %broadcast_in_dim3A_1 {add = true} : memref<40960xf32, #tpu.memory_space<vmem>>[vector<16xi32>], vector<16xf32>,
          %get3A_308 = arith.index_cast %scan3A_223 : i32 to index
          %get3A_309 = arith.constant 448 : index
          %get3A_310 = tpu.vector_load %arg6[%get3A_308, %get3A_309] {strides = array<i32>} : memref<16x512xi32, #tpu.memory_space<vmem>>, vector<16xi32>,
          tpu.vector_store_idx %arg4[%get3A_310], %broadcast_in_dim3A_1 {add = true} : memref<40960xf32, #tpu.memory_space<vmem>>[vector<16xi32>], vector<16xf32>,
          %get3A_311 = arith.index_cast %scan3A_223 : i32 to index
          %get3A_312 = arith.constant 464 : index
          %get3A_313 = tpu.vector_load %arg6[%get3A_311, %get3A_312] {strides = array<i32>} : memref<16x512xi32, #tpu.memory_space<vmem>>, vector<16xi32>,
          tpu.vector_store_idx %arg4[%get3A_313], %broadcast_in_dim3A_1 {add = true} : memref<40960xf32, #tpu.memory_space<vmem>>[vector<16xi32>], vector<16xf32>,
          %get3A_314 = arith.index_cast %scan3A_223 : i32 to index
          %get3A_315 = arith.constant 480 : index
          %get3A_316 = tpu.vector_load %arg6[%get3A_314, %get3A_315] {strides = array<i32>} : memref<16x512xi32, #tpu.memory_space<vmem>>, vector<16xi32>,
          tpu.vector_store_idx %arg4[%get3A_316], %broadcast_in_dim3A_1 {add = true} : memref<40960xf32, #tpu.memory_space<vmem>>[vector<16xi32>], vector<16xf32>,
          %get3A_317 = arith.index_cast %scan3A_223 : i32 to index
          %get3A_318 = arith.constant 496 : index
          %get3A_319 = tpu.vector_load %arg6[%get3A_317, %get3A_318] {strides = array<i32>} : memref<16x512xi32, #tpu.memory_space<vmem>>, vector<16xi32>,
          tpu.vector_store_idx %arg4[%get3A_319], %broadcast_in_dim3A_1 {add = true} : memref<40960xf32, #tpu.memory_space<vmem>>[vector<16xi32>], vector<16xf32>,
          %scan3A_320 = arith.constant 0 : i32
          scf.yield %scan3A_320 : i32
        }
        %scan3A_222 = arith.constant 16 : i32
      } else {
      }
      %scan3A_120 = arith.constant 0 : i32
      scf.yield %scan3A_120 : i32
    }
    %scan3A_97 = arith.constant 10 : i32
    "tpu.region"() ({
      %run_scoped3A = tpu.sem_alloc : memref<!tpu.dma_semaphore, #tpu.memory_space<semaphore_mem>>
      %dma_start3A_98 = arith.constant 0 : i32
      %dma_start3A_99 = tpu.memref_slice %arg3[%add3A, %dma_start3A_98] : memref<32x40960xf32, #tpu.memory_space<hbm>> -> memref<1x40960xf32, #tpu.memory_space<hbm>>
      %dma_start3A_100 = tpu.memref_squeeze %dma_start3A_99 : memref<1x40960xf32, #tpu.memory_space<hbm>> -> memref<40960xf32, #tpu.memory_space<hbm>>
      %dma_start3A_101 = arith.constant 0 : i32
      %dma_start3A_102 = tpu.memref_slice %arg3[%add3A, %dma_start3A_101] : memref<32x40960xf32, #tpu.memory_space<hbm>> -> memref<1x40960xf32, #tpu.memory_space<hbm>>
      %dma_start3A_103 = tpu.memref_squeeze %dma_start3A_102 : memref<1x40960xf32, #tpu.memory_space<hbm>> -> memref<40960xf32, #tpu.memory_space<hbm>>
      tpu.enqueue_dma source(%arg4 : memref<40960xf32, #tpu.memory_space<vmem>>) target(%dma_start3A_103 : memref<40960xf32, #tpu.memory_space<hbm>>) target_semaphore(%run_scoped3A : memref<!tpu.dma_semaphore, #tpu.memory_space<semaphore_mem>>)
      %dma_wait3A = arith.constant 0 : i32
      %dma_wait3A_104 = tpu.memref_slice %arg3[%add3A, %dma_wait3A] : memref<32x40960xf32, #tpu.memory_space<hbm>> -> memref<1x40960xf32, #tpu.memory_space<hbm>>
      %dma_wait3A_105 = tpu.memref_squeeze %dma_wait3A_104 : memref<1x40960xf32, #tpu.memory_space<hbm>> -> memref<40960xf32, #tpu.memory_space<hbm>>
      %dma_wait3A_106 = arith.constant 0 : i32
      %dma_wait3A_107 = tpu.memref_slice %arg3[%add3A, %dma_wait3A_106] : memref<32x40960xf32, #tpu.memory_space<hbm>> -> memref<1x40960xf32, #tpu.memory_space<hbm>>
      %dma_wait3A_108 = tpu.memref_squeeze %dma_wait3A_107 : memref<1x40960xf32, #tpu.memory_space<hbm>> -> memref<40960xf32, #tpu.memory_space<hbm>>
      tpu.wait_dma2 semaphore(%run_scoped3A : memref<!tpu.dma_semaphore, #tpu.memory_space<semaphore_mem>>) src(%arg4 : memref<40960xf32, #tpu.memory_space<vmem>>) dst(%dma_wait3A_108 : memref<40960xf32, #tpu.memory_space<hbm>>)
      tpu.yield
    }) : () -> ()
    return
  }
}

#map = affine_map<(d0, d1) -> (0, 0, 0, 0)>
#map1 = affine_map<(d0, d1) -> (0, 0)>
module attributes {stable_mosaic.version = 14 : i64} {
  func.func @_sc_hist(%arg0: i32, %arg1: i32, %arg2: memref<1x19x512x512xi32, #tpu.memory_space<hbm>>, %arg3: memref<32x40960xf32, #tpu.memory_space<hbm>>, %arg4: memref<40960xf32, #tpu.memory_space<vmem>>, %arg5: memref<16x512xi32, #tpu.memory_space<vmem>>, %arg6: memref<16x512xi32, #tpu.memory_space<vmem>>, %arg7: memref<!tpu.dma_semaphore, #tpu.memory_space<semaphore_mem>>, %arg8: memref<!tpu.dma_semaphore, #tpu.memory_space<semaphore_mem>>) attributes {dimension_semantics = [#tpu.dimension_semantics<core_parallel>, #tpu.dimension_semantics<subcore_parallel>], iteration_bounds = array<i64: 2, 16>, scalar_prefetch = 0 : i64, scratch_operands = 5 : i64, tpu.core_type = #tpu.core_type<sc_vector_subcore>, window_params = [{transform_indices = #map}, {transform_indices = #map1}]} {
    %mul3A = arith.constant 2 : i32
    %mul3A_0 = arith.muli %arg1, %mul3A : i32
    %add3A = arith.addi %mul3A_0, %arg0 : i32
    %broadcast_in_dim3A = arith.constant 1.000000e+00 : f32
    %broadcast_in_dim3A_1 = vector.broadcast %broadcast_in_dim3A : f32 to vector<16xf32>
    %broadcast_in_dim3A_2 = arith.constant 0.000000e+00 : f32
    %broadcast_in_dim3A_3 = vector.broadcast %broadcast_in_dim3A_2 : f32 to vector<16xf32>
    %scan3A = arith.constant 0 : i32
    %scan3A_4 = arith.constant 0 : i32
    %scan3A_5 = arith.constant 320 : i32
    %scan3A_6 = arith.addi %scan3A_4, %scan3A_5 : i32
    %scan3A_7 = arith.constant 1 : i32
    %scan3A_8 = scf.for %scan3A_98 = %scan3A_4 to %scan3A_6 step %scan3A_7 iter_args(%scan3A_99 = %scan3A) -> (i32)  : i32 {
      %mul3A_100 = arith.constant 8 : i32
      %mul3A_101 = arith.muli %scan3A_98, %mul3A_100 : i32
      %add3A_102 = arith.constant 0 : i32
      %add3A_103 = arith.addi %mul3A_101, %add3A_102 : i32
      %mul3A_104 = arith.constant 16 : i32
      %mul3A_105 = arith.muli %add3A_103, %mul3A_104 : i32
      %swap3A = arith.index_cast %mul3A_105 : i32 to index
      %swap3A_106 = tpu.vector_load %arg4[%swap3A] {strides = array<i32>} : memref<40960xf32, #tpu.memory_space<vmem>>, vector<16xf32>,
      tpu.vector_store %arg4[%swap3A], %broadcast_in_dim3A_3 {strides = array<i32>} : memref<40960xf32, #tpu.memory_space<vmem>>, vector<16xf32>,
      %mul3A_107 = arith.constant 8 : i32
      %mul3A_108 = arith.muli %scan3A_98, %mul3A_107 : i32
      %add3A_109 = arith.constant 1 : i32
      %add3A_110 = arith.addi %mul3A_108, %add3A_109 : i32
      %mul3A_111 = arith.constant 16 : i32
      %mul3A_112 = arith.muli %add3A_110, %mul3A_111 : i32
      %swap3A_113 = arith.index_cast %mul3A_112 : i32 to index
      %swap3A_114 = tpu.vector_load %arg4[%swap3A_113] {strides = array<i32>} : memref<40960xf32, #tpu.memory_space<vmem>>, vector<16xf32>,
      tpu.vector_store %arg4[%swap3A_113], %broadcast_in_dim3A_3 {strides = array<i32>} : memref<40960xf32, #tpu.memory_space<vmem>>, vector<16xf32>,
      %mul3A_115 = arith.constant 8 : i32
      %mul3A_116 = arith.muli %scan3A_98, %mul3A_115 : i32
      %add3A_117 = arith.constant 2 : i32
      %add3A_118 = arith.addi %mul3A_116, %add3A_117 : i32
      %mul3A_119 = arith.constant 16 : i32
      %mul3A_120 = arith.muli %add3A_118, %mul3A_119 : i32
      %swap3A_121 = arith.index_cast %mul3A_120 : i32 to index
      %swap3A_122 = tpu.vector_load %arg4[%swap3A_121] {strides = array<i32>} : memref<40960xf32, #tpu.memory_space<vmem>>, vector<16xf32>,
      tpu.vector_store %arg4[%swap3A_121], %broadcast_in_dim3A_3 {strides = array<i32>} : memref<40960xf32, #tpu.memory_space<vmem>>, vector<16xf32>,
      %mul3A_123 = arith.constant 8 : i32
      %mul3A_124 = arith.muli %scan3A_98, %mul3A_123 : i32
      %add3A_125 = arith.constant 3 : i32
      %add3A_126 = arith.addi %mul3A_124, %add3A_125 : i32
      %mul3A_127 = arith.constant 16 : i32
      %mul3A_128 = arith.muli %add3A_126, %mul3A_127 : i32
      %swap3A_129 = arith.index_cast %mul3A_128 : i32 to index
      %swap3A_130 = tpu.vector_load %arg4[%swap3A_129] {strides = array<i32>} : memref<40960xf32, #tpu.memory_space<vmem>>, vector<16xf32>,
      tpu.vector_store %arg4[%swap3A_129], %broadcast_in_dim3A_3 {strides = array<i32>} : memref<40960xf32, #tpu.memory_space<vmem>>, vector<16xf32>,
      %mul3A_131 = arith.constant 8 : i32
      %mul3A_132 = arith.muli %scan3A_98, %mul3A_131 : i32
      %add3A_133 = arith.constant 4 : i32
      %add3A_134 = arith.addi %mul3A_132, %add3A_133 : i32
      %mul3A_135 = arith.constant 16 : i32
      %mul3A_136 = arith.muli %add3A_134, %mul3A_135 : i32
      %swap3A_137 = arith.index_cast %mul3A_136 : i32 to index
      %swap3A_138 = tpu.vector_load %arg4[%swap3A_137] {strides = array<i32>} : memref<40960xf32, #tpu.memory_space<vmem>>, vector<16xf32>,
      tpu.vector_store %arg4[%swap3A_137], %broadcast_in_dim3A_3 {strides = array<i32>} : memref<40960xf32, #tpu.memory_space<vmem>>, vector<16xf32>,
      %mul3A_139 = arith.constant 8 : i32
      %mul3A_140 = arith.muli %scan3A_98, %mul3A_139 : i32
      %add3A_141 = arith.constant 5 : i32
      %add3A_142 = arith.addi %mul3A_140, %add3A_141 : i32
      %mul3A_143 = arith.constant 16 : i32
      %mul3A_144 = arith.muli %add3A_142, %mul3A_143 : i32
      %swap3A_145 = arith.index_cast %mul3A_144 : i32 to index
      %swap3A_146 = tpu.vector_load %arg4[%swap3A_145] {strides = array<i32>} : memref<40960xf32, #tpu.memory_space<vmem>>, vector<16xf32>,
      tpu.vector_store %arg4[%swap3A_145], %broadcast_in_dim3A_3 {strides = array<i32>} : memref<40960xf32, #tpu.memory_space<vmem>>, vector<16xf32>,
      %mul3A_147 = arith.constant 8 : i32
      %mul3A_148 = arith.muli %scan3A_98, %mul3A_147 : i32
      %add3A_149 = arith.constant 6 : i32
      %add3A_150 = arith.addi %mul3A_148, %add3A_149 : i32
      %mul3A_151 = arith.constant 16 : i32
      %mul3A_152 = arith.muli %add3A_150, %mul3A_151 : i32
      %swap3A_153 = arith.index_cast %mul3A_152 : i32 to index
      %swap3A_154 = tpu.vector_load %arg4[%swap3A_153] {strides = array<i32>} : memref<40960xf32, #tpu.memory_space<vmem>>, vector<16xf32>,
      tpu.vector_store %arg4[%swap3A_153], %broadcast_in_dim3A_3 {strides = array<i32>} : memref<40960xf32, #tpu.memory_space<vmem>>, vector<16xf32>,
      %mul3A_155 = arith.constant 8 : i32
      %mul3A_156 = arith.muli %scan3A_98, %mul3A_155 : i32
      %add3A_157 = arith.constant 7 : i32
      %add3A_158 = arith.addi %mul3A_156, %add3A_157 : i32
      %mul3A_159 = arith.constant 16 : i32
      %mul3A_160 = arith.muli %add3A_158, %mul3A_159 : i32
      %swap3A_161 = arith.index_cast %mul3A_160 : i32 to index
      %swap3A_162 = tpu.vector_load %arg4[%swap3A_161] {strides = array<i32>} : memref<40960xf32, #tpu.memory_space<vmem>>, vector<16xf32>,
      tpu.vector_store %arg4[%swap3A_161], %broadcast_in_dim3A_3 {strides = array<i32>} : memref<40960xf32, #tpu.memory_space<vmem>>, vector<16xf32>,
      %scan3A_163 = arith.constant 0 : i32
      scf.yield %scan3A_163 : i32
    }
    %scan3A_9 = arith.constant 320 : i32
    %mul3A_10 = arith.constant 19 : i32
    %mul3A_11 = arith.muli %add3A, %mul3A_10 : i32
    %add3A_12 = arith.constant 0 : i32
    %add3A_13 = arith.addi %mul3A_11, %add3A_12 : i32
    %jit3A = arith.constant 608 : i32
    %div3A = arith.divsi %add3A_13, %jit3A : i32
    %sign3A = arith.constant 0 : i32
    %sign3A_14 = arith.cmpi sgt, %add3A_13, %sign3A : i32
    %sign3A_15 = arith.extui %sign3A_14 : i1 to i32
    %sign3A_16 = arith.constant 0 : i32
    %sign3A_17 = arith.cmpi slt, %add3A_13, %sign3A_16 : i32
    %sign3A_18 = arith.extui %sign3A_17 : i1 to i32
    %sign3A_19 = arith.subi %sign3A_15, %sign3A_18 : i32
    %sign3A_20 = arith.constant 0 : i32
    %sign3A_21 = arith.cmpi sgt, %jit3A, %sign3A_20 : i32
    %sign3A_22 = arith.extui %sign3A_21 : i1 to i32
    %sign3A_23 = arith.constant 0 : i32
    %sign3A_24 = arith.cmpi slt, %jit3A, %sign3A_23 : i32
    %sign3A_25 = arith.extui %sign3A_24 : i1 to i32
    %sign3A_26 = arith.subi %sign3A_22, %sign3A_25 : i32
    %ne3A = arith.cmpi ne, %sign3A_19, %sign3A_26 : i32
    %rem3A = arith.remsi %add3A_13, %jit3A : i32
    %ne3A_27 = arith.constant 0 : i32
    %ne3A_28 = arith.cmpi ne, %rem3A, %ne3A_27 : i32
    %and3A = arith.andi %ne3A, %ne3A_28 : i1
    %sub3A = arith.constant 1 : i32
    %sub3A_29 = arith.subi %div3A, %sub3A : i32
    %select_n3A = arith.select %and3A, %sub3A_29, %div3A : i32
    %jit3A_30 = arith.constant 608 : i32
    %eq3A = arith.constant 0 : i32
    %eq3A_31 = arith.cmpi eq, %jit3A_30, %eq3A : i32
    %jit3A_32 = arith.constant 1 : i32
    %select_n3A_33 = arith.select %eq3A_31, %jit3A_32, %jit3A_30 : i32
    %rem3A_34 = arith.remsi %add3A_13, %select_n3A_33 : i32
    %ne3A_35 = arith.constant 0 : i32
    %ne3A_36 = arith.cmpi ne, %rem3A_34, %ne3A_35 : i32
    %lt3A = arith.constant 0 : i32
    %lt3A_37 = arith.cmpi slt, %rem3A_34, %lt3A : i32
    %lt3A_38 = arith.constant 0 : i32
    %lt3A_39 = arith.cmpi slt, %select_n3A_33, %lt3A_38 : i32
    %ne3A_40 = arith.xori %lt3A_37, %lt3A_39 : i1
    %and3A_41 = arith.andi %ne3A_40, %ne3A_36 : i1
    %add3A_42 = arith.addi %rem3A_34, %select_n3A_33 : i32
    %select_n3A_43 = arith.select %and3A_41, %add3A_42, %rem3A_34 : i32
    %jit3A_44 = arith.constant 32 : i32
    %div3A_45 = arith.divsi %select_n3A_43, %jit3A_44 : i32
    %sign3A_46 = arith.constant 0 : i32
    %sign3A_47 = arith.cmpi sgt, %select_n3A_43, %sign3A_46 : i32
    %sign3A_48 = arith.extui %sign3A_47 : i1 to i32
    %sign3A_49 = arith.constant 0 : i32
    %sign3A_50 = arith.cmpi slt, %select_n3A_43, %sign3A_49 : i32
    %sign3A_51 = arith.extui %sign3A_50 : i1 to i32
    %sign3A_52 = arith.subi %sign3A_48, %sign3A_51 : i32
    %sign3A_53 = arith.constant 0 : i32
    %sign3A_54 = arith.cmpi sgt, %jit3A_44, %sign3A_53 : i32
    %sign3A_55 = arith.extui %sign3A_54 : i1 to i32
    %sign3A_56 = arith.constant 0 : i32
    %sign3A_57 = arith.cmpi slt, %jit3A_44, %sign3A_56 : i32
    %sign3A_58 = arith.extui %sign3A_57 : i1 to i32
    %sign3A_59 = arith.subi %sign3A_55, %sign3A_58 : i32
    %ne3A_60 = arith.cmpi ne, %sign3A_52, %sign3A_59 : i32
    %rem3A_61 = arith.remsi %select_n3A_43, %jit3A_44 : i32
    %ne3A_62 = arith.constant 0 : i32
    %ne3A_63 = arith.cmpi ne, %rem3A_61, %ne3A_62 : i32
    %and3A_64 = arith.andi %ne3A_60, %ne3A_63 : i1
    %sub3A_65 = arith.constant 1 : i32
    %sub3A_66 = arith.subi %div3A_45, %sub3A_65 : i32
    %select_n3A_67 = arith.select %and3A_64, %sub3A_66, %div3A_45 : i32
    %jit3A_68 = arith.constant 32 : i32
    %eq3A_69 = arith.constant 0 : i32
    %eq3A_70 = arith.cmpi eq, %jit3A_68, %eq3A_69 : i32
    %jit3A_71 = arith.constant 1 : i32
    %select_n3A_72 = arith.select %eq3A_70, %jit3A_71, %jit3A_68 : i32
    %rem3A_73 = arith.remsi %select_n3A_43, %select_n3A_72 : i32
    %ne3A_74 = arith.constant 0 : i32
    %ne3A_75 = arith.cmpi ne, %rem3A_73, %ne3A_74 : i32
    %lt3A_76 = arith.constant 0 : i32
    %lt3A_77 = arith.cmpi slt, %rem3A_73, %lt3A_76 : i32
    %lt3A_78 = arith.constant 0 : i32
    %lt3A_79 = arith.cmpi slt, %select_n3A_72, %lt3A_78 : i32
    %ne3A_80 = arith.xori %lt3A_77, %lt3A_79 : i1
    %and3A_81 = arith.andi %ne3A_80, %ne3A_75 : i1
    %add3A_82 = arith.addi %rem3A_73, %select_n3A_72 : i32
    %select_n3A_83 = arith.select %and3A_81, %add3A_82, %rem3A_73 : i32
    %mul3A_84 = arith.constant 16 : i32
    %mul3A_85 = arith.muli %select_n3A_83, %mul3A_84 : i32
    %dma_start3A = arith.constant 0 : i32
    %dma_start3A_86 = tpu.memref_slice %arg2[%select_n3A, %select_n3A_67, %mul3A_85, %dma_start3A] : memref<1x19x512x512xi32, #tpu.memory_space<hbm>> -> memref<1x1x16x512xi32, #tpu.memory_space<hbm>>
    %dma_start3A_87 = tpu.memref_squeeze %dma_start3A_86 : memref<1x1x16x512xi32, #tpu.memory_space<hbm>> -> memref<16x512xi32, #tpu.memory_space<hbm>>
    %dma_start3A_88 = arith.constant 0 : i32
    %dma_start3A_89 = tpu.memref_slice %arg2[%select_n3A, %select_n3A_67, %mul3A_85, %dma_start3A_88] : memref<1x19x512x512xi32, #tpu.memory_space<hbm>> -> memref<1x1x16x512xi32, #tpu.memory_space<hbm>>
    %dma_start3A_90 = tpu.memref_squeeze %dma_start3A_89 : memref<1x1x16x512xi32, #tpu.memory_space<hbm>> -> memref<16x512xi32, #tpu.memory_space<hbm>>
    tpu.enqueue_dma source(%dma_start3A_90 : memref<16x512xi32, #tpu.memory_space<hbm>>) target(%arg5 : memref<16x512xi32, #tpu.memory_space<vmem>>) target_semaphore(%arg7 : memref<!tpu.dma_semaphore, #tpu.memory_space<semaphore_mem>>)
    %scan3A_91 = arith.constant 0 : i32
    %scan3A_92 = arith.constant 0 : i32
    %scan3A_93 = arith.constant 10 : i32
    %scan3A_94 = arith.addi %scan3A_92, %scan3A_93 : i32
    %scan3A_95 = arith.constant 1 : i32
    %scan3A_96 = scf.for %scan3A_98 = %scan3A_92 to %scan3A_94 step %scan3A_95 iter_args(%scan3A_99 = %scan3A_91) -> (i32)  : i32 {
      %mul3A_100 = arith.constant 2 : i32
      %mul3A_101 = arith.muli %scan3A_98, %mul3A_100 : i32
      %add3A_102 = arith.constant 0 : i32
      %add3A_103 = arith.addi %mul3A_101, %add3A_102 : i32
      %add3A_104 = arith.constant 1 : i32
      %add3A_105 = arith.addi %add3A_103, %add3A_104 : i32
      %lt3A_106 = arith.constant 19 : i32
      %lt3A_107 = arith.cmpi slt, %add3A_103, %lt3A_106 : i32
      %convert_element_type3A = arith.extui %lt3A_107 : i1 to i32
      %cond3A = arith.constant 0 : i32
      %cond3A_108 = arith.cmpi ne, %convert_element_type3A, %cond3A : i32
      scf.if %cond3A_108 {
        %lt3A_121 = arith.constant 19 : i32
        %lt3A_122 = arith.cmpi slt, %add3A_105, %lt3A_121 : i32
        %convert_element_type3A_123 = arith.extui %lt3A_122 : i1 to i32
        %cond3A_124 = arith.constant 0 : i32
        %cond3A_125 = arith.cmpi ne, %convert_element_type3A_123, %cond3A_124 : i32
        scf.if %cond3A_125 {
          %mul3A_223 = arith.constant 19 : i32
          %mul3A_224 = arith.muli %add3A, %mul3A_223 : i32
          %add3A_225 = arith.addi %mul3A_224, %add3A_105 : i32
          %jit3A_226 = arith.constant 608 : i32
          %div3A_227 = arith.divsi %add3A_225, %jit3A_226 : i32
          %sign3A_228 = arith.constant 0 : i32
          %sign3A_229 = arith.cmpi sgt, %add3A_225, %sign3A_228 : i32
          %sign3A_230 = arith.extui %sign3A_229 : i1 to i32
          %sign3A_231 = arith.constant 0 : i32
          %sign3A_232 = arith.cmpi slt, %add3A_225, %sign3A_231 : i32
          %sign3A_233 = arith.extui %sign3A_232 : i1 to i32
          %sign3A_234 = arith.subi %sign3A_230, %sign3A_233 : i32
          %sign3A_235 = arith.constant 0 : i32
          %sign3A_236 = arith.cmpi sgt, %jit3A_226, %sign3A_235 : i32
          %sign3A_237 = arith.extui %sign3A_236 : i1 to i32
          %sign3A_238 = arith.constant 0 : i32
          %sign3A_239 = arith.cmpi slt, %jit3A_226, %sign3A_238 : i32
          %sign3A_240 = arith.extui %sign3A_239 : i1 to i32
          %sign3A_241 = arith.subi %sign3A_237, %sign3A_240 : i32
          %ne3A_242 = arith.cmpi ne, %sign3A_234, %sign3A_241 : i32
          %rem3A_243 = arith.remsi %add3A_225, %jit3A_226 : i32
          %ne3A_244 = arith.constant 0 : i32
          %ne3A_245 = arith.cmpi ne, %rem3A_243, %ne3A_244 : i32
          %and3A_246 = arith.andi %ne3A_242, %ne3A_245 : i1
          %sub3A_247 = arith.constant 1 : i32
          %sub3A_248 = arith.subi %div3A_227, %sub3A_247 : i32
          %select_n3A_249 = arith.select %and3A_246, %sub3A_248, %div3A_227 : i32
          %jit3A_250 = arith.constant 608 : i32
          %eq3A_251 = arith.constant 0 : i32
          %eq3A_252 = arith.cmpi eq, %jit3A_250, %eq3A_251 : i32
          %jit3A_253 = arith.constant 1 : i32
          %select_n3A_254 = arith.select %eq3A_252, %jit3A_253, %jit3A_250 : i32
          %rem3A_255 = arith.remsi %add3A_225, %select_n3A_254 : i32
          %ne3A_256 = arith.constant 0 : i32
          %ne3A_257 = arith.cmpi ne, %rem3A_255, %ne3A_256 : i32
          %lt3A_258 = arith.constant 0 : i32
          %lt3A_259 = arith.cmpi slt, %rem3A_255, %lt3A_258 : i32
          %lt3A_260 = arith.constant 0 : i32
          %lt3A_261 = arith.cmpi slt, %select_n3A_254, %lt3A_260 : i32
          %ne3A_262 = arith.xori %lt3A_259, %lt3A_261 : i1
          %and3A_263 = arith.andi %ne3A_262, %ne3A_257 : i1
          %add3A_264 = arith.addi %rem3A_255, %select_n3A_254 : i32
          %select_n3A_265 = arith.select %and3A_263, %add3A_264, %rem3A_255 : i32
          %jit3A_266 = arith.constant 32 : i32
          %div3A_267 = arith.divsi %select_n3A_265, %jit3A_266 : i32
          %sign3A_268 = arith.constant 0 : i32
          %sign3A_269 = arith.cmpi sgt, %select_n3A_265, %sign3A_268 : i32
          %sign3A_270 = arith.extui %sign3A_269 : i1 to i32
          %sign3A_271 = arith.constant 0 : i32
          %sign3A_272 = arith.cmpi slt, %select_n3A_265, %sign3A_271 : i32
          %sign3A_273 = arith.extui %sign3A_272 : i1 to i32
          %sign3A_274 = arith.subi %sign3A_270, %sign3A_273 : i32
          %sign3A_275 = arith.constant 0 : i32
          %sign3A_276 = arith.cmpi sgt, %jit3A_266, %sign3A_275 : i32
          %sign3A_277 = arith.extui %sign3A_276 : i1 to i32
          %sign3A_278 = arith.constant 0 : i32
          %sign3A_279 = arith.cmpi slt, %jit3A_266, %sign3A_278 : i32
          %sign3A_280 = arith.extui %sign3A_279 : i1 to i32
          %sign3A_281 = arith.subi %sign3A_277, %sign3A_280 : i32
          %ne3A_282 = arith.cmpi ne, %sign3A_274, %sign3A_281 : i32
          %rem3A_283 = arith.remsi %select_n3A_265, %jit3A_266 : i32
          %ne3A_284 = arith.constant 0 : i32
          %ne3A_285 = arith.cmpi ne, %rem3A_283, %ne3A_284 : i32
          %and3A_286 = arith.andi %ne3A_282, %ne3A_285 : i1
          %sub3A_287 = arith.constant 1 : i32
          %sub3A_288 = arith.subi %div3A_267, %sub3A_287 : i32
          %select_n3A_289 = arith.select %and3A_286, %sub3A_288, %div3A_267 : i32
          %jit3A_290 = arith.constant 32 : i32
          %eq3A_291 = arith.constant 0 : i32
          %eq3A_292 = arith.cmpi eq, %jit3A_290, %eq3A_291 : i32
          %jit3A_293 = arith.constant 1 : i32
          %select_n3A_294 = arith.select %eq3A_292, %jit3A_293, %jit3A_290 : i32
          %rem3A_295 = arith.remsi %select_n3A_265, %select_n3A_294 : i32
          %ne3A_296 = arith.constant 0 : i32
          %ne3A_297 = arith.cmpi ne, %rem3A_295, %ne3A_296 : i32
          %lt3A_298 = arith.constant 0 : i32
          %lt3A_299 = arith.cmpi slt, %rem3A_295, %lt3A_298 : i32
          %lt3A_300 = arith.constant 0 : i32
          %lt3A_301 = arith.cmpi slt, %select_n3A_294, %lt3A_300 : i32
          %ne3A_302 = arith.xori %lt3A_299, %lt3A_301 : i1
          %and3A_303 = arith.andi %ne3A_302, %ne3A_297 : i1
          %add3A_304 = arith.addi %rem3A_295, %select_n3A_294 : i32
          %select_n3A_305 = arith.select %and3A_303, %add3A_304, %rem3A_295 : i32
          %mul3A_306 = arith.constant 16 : i32
          %mul3A_307 = arith.muli %select_n3A_305, %mul3A_306 : i32
          %dma_start3A_308 = arith.constant 0 : i32
          %dma_start3A_309 = tpu.memref_slice %arg2[%select_n3A_249, %select_n3A_289, %mul3A_307, %dma_start3A_308] : memref<1x19x512x512xi32, #tpu.memory_space<hbm>> -> memref<1x1x16x512xi32, #tpu.memory_space<hbm>>
          %dma_start3A_310 = tpu.memref_squeeze %dma_start3A_309 : memref<1x1x16x512xi32, #tpu.memory_space<hbm>> -> memref<16x512xi32, #tpu.memory_space<hbm>>
          %dma_start3A_311 = arith.constant 0 : i32
          %dma_start3A_312 = tpu.memref_slice %arg2[%select_n3A_249, %select_n3A_289, %mul3A_307, %dma_start3A_311] : memref<1x19x512x512xi32, #tpu.memory_space<hbm>> -> memref<1x1x16x512xi32, #tpu.memory_space<hbm>>
          %dma_start3A_313 = tpu.memref_squeeze %dma_start3A_312 : memref<1x1x16x512xi32, #tpu.memory_space<hbm>> -> memref<16x512xi32, #tpu.memory_space<hbm>>
          tpu.enqueue_dma source(%dma_start3A_313 : memref<16x512xi32, #tpu.memory_space<hbm>>) target(%arg6 : memref<16x512xi32, #tpu.memory_space<vmem>>) target_semaphore(%arg8 : memref<!tpu.dma_semaphore, #tpu.memory_space<semaphore_mem>>)
        } else {
        }
        %mul3A_126 = arith.constant 19 : i32
        %mul3A_127 = arith.muli %add3A, %mul3A_126 : i32
        %add3A_128 = arith.addi %mul3A_127, %add3A_103 : i32
        %jit3A_129 = arith.constant 608 : i32
        %div3A_130 = arith.divsi %add3A_128, %jit3A_129 : i32
        %sign3A_131 = arith.constant 0 : i32
        %sign3A_132 = arith.cmpi sgt, %add3A_128, %sign3A_131 : i32
        %sign3A_133 = arith.extui %sign3A_132 : i1 to i32
        %sign3A_134 = arith.constant 0 : i32
        %sign3A_135 = arith.cmpi slt, %add3A_128, %sign3A_134 : i32
        %sign3A_136 = arith.extui %sign3A_135 : i1 to i32
        %sign3A_137 = arith.subi %sign3A_133, %sign3A_136 : i32
        %sign3A_138 = arith.constant 0 : i32
        %sign3A_139 = arith.cmpi sgt, %jit3A_129, %sign3A_138 : i32
        %sign3A_140 = arith.extui %sign3A_139 : i1 to i32
        %sign3A_141 = arith.constant 0 : i32
        %sign3A_142 = arith.cmpi slt, %jit3A_129, %sign3A_141 : i32
        %sign3A_143 = arith.extui %sign3A_142 : i1 to i32
        %sign3A_144 = arith.subi %sign3A_140, %sign3A_143 : i32
        %ne3A_145 = arith.cmpi ne, %sign3A_137, %sign3A_144 : i32
        %rem3A_146 = arith.remsi %add3A_128, %jit3A_129 : i32
        %ne3A_147 = arith.constant 0 : i32
        %ne3A_148 = arith.cmpi ne, %rem3A_146, %ne3A_147 : i32
        %and3A_149 = arith.andi %ne3A_145, %ne3A_148 : i1
        %sub3A_150 = arith.constant 1 : i32
        %sub3A_151 = arith.subi %div3A_130, %sub3A_150 : i32
        %select_n3A_152 = arith.select %and3A_149, %sub3A_151, %div3A_130 : i32
        %jit3A_153 = arith.constant 608 : i32
        %eq3A_154 = arith.constant 0 : i32
        %eq3A_155 = arith.cmpi eq, %jit3A_153, %eq3A_154 : i32
        %jit3A_156 = arith.constant 1 : i32
        %select_n3A_157 = arith.select %eq3A_155, %jit3A_156, %jit3A_153 : i32
        %rem3A_158 = arith.remsi %add3A_128, %select_n3A_157 : i32
        %ne3A_159 = arith.constant 0 : i32
        %ne3A_160 = arith.cmpi ne, %rem3A_158, %ne3A_159 : i32
        %lt3A_161 = arith.constant 0 : i32
        %lt3A_162 = arith.cmpi slt, %rem3A_158, %lt3A_161 : i32
        %lt3A_163 = arith.constant 0 : i32
        %lt3A_164 = arith.cmpi slt, %select_n3A_157, %lt3A_163 : i32
        %ne3A_165 = arith.xori %lt3A_162, %lt3A_164 : i1
        %and3A_166 = arith.andi %ne3A_165, %ne3A_160 : i1
        %add3A_167 = arith.addi %rem3A_158, %select_n3A_157 : i32
        %select_n3A_168 = arith.select %and3A_166, %add3A_167, %rem3A_158 : i32
        %jit3A_169 = arith.constant 32 : i32
        %div3A_170 = arith.divsi %select_n3A_168, %jit3A_169 : i32
        %sign3A_171 = arith.constant 0 : i32
        %sign3A_172 = arith.cmpi sgt, %select_n3A_168, %sign3A_171 : i32
        %sign3A_173 = arith.extui %sign3A_172 : i1 to i32
        %sign3A_174 = arith.constant 0 : i32
        %sign3A_175 = arith.cmpi slt, %select_n3A_168, %sign3A_174 : i32
        %sign3A_176 = arith.extui %sign3A_175 : i1 to i32
        %sign3A_177 = arith.subi %sign3A_173, %sign3A_176 : i32
        %sign3A_178 = arith.constant 0 : i32
        %sign3A_179 = arith.cmpi sgt, %jit3A_169, %sign3A_178 : i32
        %sign3A_180 = arith.extui %sign3A_179 : i1 to i32
        %sign3A_181 = arith.constant 0 : i32
        %sign3A_182 = arith.cmpi slt, %jit3A_169, %sign3A_181 : i32
        %sign3A_183 = arith.extui %sign3A_182 : i1 to i32
        %sign3A_184 = arith.subi %sign3A_180, %sign3A_183 : i32
        %ne3A_185 = arith.cmpi ne, %sign3A_177, %sign3A_184 : i32
        %rem3A_186 = arith.remsi %select_n3A_168, %jit3A_169 : i32
        %ne3A_187 = arith.constant 0 : i32
        %ne3A_188 = arith.cmpi ne, %rem3A_186, %ne3A_187 : i32
        %and3A_189 = arith.andi %ne3A_185, %ne3A_188 : i1
        %sub3A_190 = arith.constant 1 : i32
        %sub3A_191 = arith.subi %div3A_170, %sub3A_190 : i32
        %select_n3A_192 = arith.select %and3A_189, %sub3A_191, %div3A_170 : i32
        %jit3A_193 = arith.constant 32 : i32
        %eq3A_194 = arith.constant 0 : i32
        %eq3A_195 = arith.cmpi eq, %jit3A_193, %eq3A_194 : i32
        %jit3A_196 = arith.constant 1 : i32
        %select_n3A_197 = arith.select %eq3A_195, %jit3A_196, %jit3A_193 : i32
        %rem3A_198 = arith.remsi %select_n3A_168, %select_n3A_197 : i32
        %ne3A_199 = arith.constant 0 : i32
        %ne3A_200 = arith.cmpi ne, %rem3A_198, %ne3A_199 : i32
        %lt3A_201 = arith.constant 0 : i32
        %lt3A_202 = arith.cmpi slt, %rem3A_198, %lt3A_201 : i32
        %lt3A_203 = arith.constant 0 : i32
        %lt3A_204 = arith.cmpi slt, %select_n3A_197, %lt3A_203 : i32
        %ne3A_205 = arith.xori %lt3A_202, %lt3A_204 : i1
        %and3A_206 = arith.andi %ne3A_205, %ne3A_200 : i1
        %add3A_207 = arith.addi %rem3A_198, %select_n3A_197 : i32
        %select_n3A_208 = arith.select %and3A_206, %add3A_207, %rem3A_198 : i32
        %mul3A_209 = arith.constant 16 : i32
        %mul3A_210 = arith.muli %select_n3A_208, %mul3A_209 : i32
        %dma_wait3A = arith.constant 0 : i32
        %dma_wait3A_211 = tpu.memref_slice %arg2[%select_n3A_152, %select_n3A_192, %mul3A_210, %dma_wait3A] : memref<1x19x512x512xi32, #tpu.memory_space<hbm>> -> memref<1x1x16x512xi32, #tpu.memory_space<hbm>>
        %dma_wait3A_212 = tpu.memref_squeeze %dma_wait3A_211 : memref<1x1x16x512xi32, #tpu.memory_space<hbm>> -> memref<16x512xi32, #tpu.memory_space<hbm>>
        %dma_wait3A_213 = arith.constant 0 : i32
        %dma_wait3A_214 = tpu.memref_slice %arg2[%select_n3A_152, %select_n3A_192, %mul3A_210, %dma_wait3A_213] : memref<1x19x512x512xi32, #tpu.memory_space<hbm>> -> memref<1x1x16x512xi32, #tpu.memory_space<hbm>>
        %dma_wait3A_215 = tpu.memref_squeeze %dma_wait3A_214 : memref<1x1x16x512xi32, #tpu.memory_space<hbm>> -> memref<16x512xi32, #tpu.memory_space<hbm>>
        tpu.wait_dma2 semaphore(%arg7 : memref<!tpu.dma_semaphore, #tpu.memory_space<semaphore_mem>>) src(%dma_wait3A_215 : memref<16x512xi32, #tpu.memory_space<hbm>>) dst(%arg5 : memref<16x512xi32, #tpu.memory_space<vmem>>)
        %scan3A_216 = arith.constant 0 : i32
        %scan3A_217 = arith.constant 0 : i32
        %scan3A_218 = arith.constant 16 : i32
        %scan3A_219 = arith.addi %scan3A_217, %scan3A_218 : i32
        %scan3A_220 = arith.constant 1 : i32
        %scan3A_221 = scf.for %scan3A_223 = %scan3A_217 to %scan3A_219 step %scan3A_220 iter_args(%scan3A_224 = %scan3A_216) -> (i32)  : i32 {
          %get3A = arith.index_cast %scan3A_223 : i32 to index
          %get3A_225 = arith.constant 0 : index
          %get3A_226 = tpu.vector_load %arg5[%get3A, %get3A_225] {strides = array<i32>} : memref<16x512xi32, #tpu.memory_space<vmem>>, vector<16xi32>,
          tpu.vector_store_idx %arg4[%get3A_226], %broadcast_in_dim3A_1 {add = true} : memref<40960xf32, #tpu.memory_space<vmem>>[vector<16xi32>], vector<16xf32>,
          %get3A_227 = arith.index_cast %scan3A_223 : i32 to index
          %get3A_228 = arith.constant 16 : index
          %get3A_229 = tpu.vector_load %arg5[%get3A_227, %get3A_228] {strides = array<i32>} : memref<16x512xi32, #tpu.memory_space<vmem>>, vector<16xi32>,
          tpu.vector_store_idx %arg4[%get3A_229], %broadcast_in_dim3A_1 {add = true} : memref<40960xf32, #tpu.memory_space<vmem>>[vector<16xi32>], vector<16xf32>,
          %get3A_230 = arith.index_cast %scan3A_223 : i32 to index
          %get3A_231 = arith.constant 32 : index
          %get3A_232 = tpu.vector_load %arg5[%get3A_230, %get3A_231] {strides = array<i32>} : memref<16x512xi32, #tpu.memory_space<vmem>>, vector<16xi32>,
          tpu.vector_store_idx %arg4[%get3A_232], %broadcast_in_dim3A_1 {add = true} : memref<40960xf32, #tpu.memory_space<vmem>>[vector<16xi32>], vector<16xf32>,
          %get3A_233 = arith.index_cast %scan3A_223 : i32 to index
          %get3A_234 = arith.constant 48 : index
          %get3A_235 = tpu.vector_load %arg5[%get3A_233, %get3A_234] {strides = array<i32>} : memref<16x512xi32, #tpu.memory_space<vmem>>, vector<16xi32>,
          tpu.vector_store_idx %arg4[%get3A_235], %broadcast_in_dim3A_1 {add = true} : memref<40960xf32, #tpu.memory_space<vmem>>[vector<16xi32>], vector<16xf32>,
          %get3A_236 = arith.index_cast %scan3A_223 : i32 to index
          %get3A_237 = arith.constant 64 : index
          %get3A_238 = tpu.vector_load %arg5[%get3A_236, %get3A_237] {strides = array<i32>} : memref<16x512xi32, #tpu.memory_space<vmem>>, vector<16xi32>,
          tpu.vector_store_idx %arg4[%get3A_238], %broadcast_in_dim3A_1 {add = true} : memref<40960xf32, #tpu.memory_space<vmem>>[vector<16xi32>], vector<16xf32>,
          %get3A_239 = arith.index_cast %scan3A_223 : i32 to index
          %get3A_240 = arith.constant 80 : index
          %get3A_241 = tpu.vector_load %arg5[%get3A_239, %get3A_240] {strides = array<i32>} : memref<16x512xi32, #tpu.memory_space<vmem>>, vector<16xi32>,
          tpu.vector_store_idx %arg4[%get3A_241], %broadcast_in_dim3A_1 {add = true} : memref<40960xf32, #tpu.memory_space<vmem>>[vector<16xi32>], vector<16xf32>,
          %get3A_242 = arith.index_cast %scan3A_223 : i32 to index
          %get3A_243 = arith.constant 96 : index
          %get3A_244 = tpu.vector_load %arg5[%get3A_242, %get3A_243] {strides = array<i32>} : memref<16x512xi32, #tpu.memory_space<vmem>>, vector<16xi32>,
          tpu.vector_store_idx %arg4[%get3A_244], %broadcast_in_dim3A_1 {add = true} : memref<40960xf32, #tpu.memory_space<vmem>>[vector<16xi32>], vector<16xf32>,
          %get3A_245 = arith.index_cast %scan3A_223 : i32 to index
          %get3A_246 = arith.constant 112 : index
          %get3A_247 = tpu.vector_load %arg5[%get3A_245, %get3A_246] {strides = array<i32>} : memref<16x512xi32, #tpu.memory_space<vmem>>, vector<16xi32>,
          tpu.vector_store_idx %arg4[%get3A_247], %broadcast_in_dim3A_1 {add = true} : memref<40960xf32, #tpu.memory_space<vmem>>[vector<16xi32>], vector<16xf32>,
          %get3A_248 = arith.index_cast %scan3A_223 : i32 to index
          %get3A_249 = arith.constant 128 : index
          %get3A_250 = tpu.vector_load %arg5[%get3A_248, %get3A_249] {strides = array<i32>} : memref<16x512xi32, #tpu.memory_space<vmem>>, vector<16xi32>,
          tpu.vector_store_idx %arg4[%get3A_250], %broadcast_in_dim3A_1 {add = true} : memref<40960xf32, #tpu.memory_space<vmem>>[vector<16xi32>], vector<16xf32>,
          %get3A_251 = arith.index_cast %scan3A_223 : i32 to index
          %get3A_252 = arith.constant 144 : index
          %get3A_253 = tpu.vector_load %arg5[%get3A_251, %get3A_252] {strides = array<i32>} : memref<16x512xi32, #tpu.memory_space<vmem>>, vector<16xi32>,
          tpu.vector_store_idx %arg4[%get3A_253], %broadcast_in_dim3A_1 {add = true} : memref<40960xf32, #tpu.memory_space<vmem>>[vector<16xi32>], vector<16xf32>,
          %get3A_254 = arith.index_cast %scan3A_223 : i32 to index
          %get3A_255 = arith.constant 160 : index
          %get3A_256 = tpu.vector_load %arg5[%get3A_254, %get3A_255] {strides = array<i32>} : memref<16x512xi32, #tpu.memory_space<vmem>>, vector<16xi32>,
          tpu.vector_store_idx %arg4[%get3A_256], %broadcast_in_dim3A_1 {add = true} : memref<40960xf32, #tpu.memory_space<vmem>>[vector<16xi32>], vector<16xf32>,
          %get3A_257 = arith.index_cast %scan3A_223 : i32 to index
          %get3A_258 = arith.constant 176 : index
          %get3A_259 = tpu.vector_load %arg5[%get3A_257, %get3A_258] {strides = array<i32>} : memref<16x512xi32, #tpu.memory_space<vmem>>, vector<16xi32>,
          tpu.vector_store_idx %arg4[%get3A_259], %broadcast_in_dim3A_1 {add = true} : memref<40960xf32, #tpu.memory_space<vmem>>[vector<16xi32>], vector<16xf32>,
          %get3A_260 = arith.index_cast %scan3A_223 : i32 to index
          %get3A_261 = arith.constant 192 : index
          %get3A_262 = tpu.vector_load %arg5[%get3A_260, %get3A_261] {strides = array<i32>} : memref<16x512xi32, #tpu.memory_space<vmem>>, vector<16xi32>,
          tpu.vector_store_idx %arg4[%get3A_262], %broadcast_in_dim3A_1 {add = true} : memref<40960xf32, #tpu.memory_space<vmem>>[vector<16xi32>], vector<16xf32>,
          %get3A_263 = arith.index_cast %scan3A_223 : i32 to index
          %get3A_264 = arith.constant 208 : index
          %get3A_265 = tpu.vector_load %arg5[%get3A_263, %get3A_264] {strides = array<i32>} : memref<16x512xi32, #tpu.memory_space<vmem>>, vector<16xi32>,
          tpu.vector_store_idx %arg4[%get3A_265], %broadcast_in_dim3A_1 {add = true} : memref<40960xf32, #tpu.memory_space<vmem>>[vector<16xi32>], vector<16xf32>,
          %get3A_266 = arith.index_cast %scan3A_223 : i32 to index
          %get3A_267 = arith.constant 224 : index
          %get3A_268 = tpu.vector_load %arg5[%get3A_266, %get3A_267] {strides = array<i32>} : memref<16x512xi32, #tpu.memory_space<vmem>>, vector<16xi32>,
          tpu.vector_store_idx %arg4[%get3A_268], %broadcast_in_dim3A_1 {add = true} : memref<40960xf32, #tpu.memory_space<vmem>>[vector<16xi32>], vector<16xf32>,
          %get3A_269 = arith.index_cast %scan3A_223 : i32 to index
          %get3A_270 = arith.constant 240 : index
          %get3A_271 = tpu.vector_load %arg5[%get3A_269, %get3A_270] {strides = array<i32>} : memref<16x512xi32, #tpu.memory_space<vmem>>, vector<16xi32>,
          tpu.vector_store_idx %arg4[%get3A_271], %broadcast_in_dim3A_1 {add = true} : memref<40960xf32, #tpu.memory_space<vmem>>[vector<16xi32>], vector<16xf32>,
          %get3A_272 = arith.index_cast %scan3A_223 : i32 to index
          %get3A_273 = arith.constant 256 : index
          %get3A_274 = tpu.vector_load %arg5[%get3A_272, %get3A_273] {strides = array<i32>} : memref<16x512xi32, #tpu.memory_space<vmem>>, vector<16xi32>,
          tpu.vector_store_idx %arg4[%get3A_274], %broadcast_in_dim3A_1 {add = true} : memref<40960xf32, #tpu.memory_space<vmem>>[vector<16xi32>], vector<16xf32>,
          %get3A_275 = arith.index_cast %scan3A_223 : i32 to index
          %get3A_276 = arith.constant 272 : index
          %get3A_277 = tpu.vector_load %arg5[%get3A_275, %get3A_276] {strides = array<i32>} : memref<16x512xi32, #tpu.memory_space<vmem>>, vector<16xi32>,
          tpu.vector_store_idx %arg4[%get3A_277], %broadcast_in_dim3A_1 {add = true} : memref<40960xf32, #tpu.memory_space<vmem>>[vector<16xi32>], vector<16xf32>,
          %get3A_278 = arith.index_cast %scan3A_223 : i32 to index
          %get3A_279 = arith.constant 288 : index
          %get3A_280 = tpu.vector_load %arg5[%get3A_278, %get3A_279] {strides = array<i32>} : memref<16x512xi32, #tpu.memory_space<vmem>>, vector<16xi32>,
          tpu.vector_store_idx %arg4[%get3A_280], %broadcast_in_dim3A_1 {add = true} : memref<40960xf32, #tpu.memory_space<vmem>>[vector<16xi32>], vector<16xf32>,
          %get3A_281 = arith.index_cast %scan3A_223 : i32 to index
          %get3A_282 = arith.constant 304 : index
          %get3A_283 = tpu.vector_load %arg5[%get3A_281, %get3A_282] {strides = array<i32>} : memref<16x512xi32, #tpu.memory_space<vmem>>, vector<16xi32>,
          tpu.vector_store_idx %arg4[%get3A_283], %broadcast_in_dim3A_1 {add = true} : memref<40960xf32, #tpu.memory_space<vmem>>[vector<16xi32>], vector<16xf32>,
          %get3A_284 = arith.index_cast %scan3A_223 : i32 to index
          %get3A_285 = arith.constant 320 : index
          %get3A_286 = tpu.vector_load %arg5[%get3A_284, %get3A_285] {strides = array<i32>} : memref<16x512xi32, #tpu.memory_space<vmem>>, vector<16xi32>,
          tpu.vector_store_idx %arg4[%get3A_286], %broadcast_in_dim3A_1 {add = true} : memref<40960xf32, #tpu.memory_space<vmem>>[vector<16xi32>], vector<16xf32>,
          %get3A_287 = arith.index_cast %scan3A_223 : i32 to index
          %get3A_288 = arith.constant 336 : index
          %get3A_289 = tpu.vector_load %arg5[%get3A_287, %get3A_288] {strides = array<i32>} : memref<16x512xi32, #tpu.memory_space<vmem>>, vector<16xi32>,
          tpu.vector_store_idx %arg4[%get3A_289], %broadcast_in_dim3A_1 {add = true} : memref<40960xf32, #tpu.memory_space<vmem>>[vector<16xi32>], vector<16xf32>,
          %get3A_290 = arith.index_cast %scan3A_223 : i32 to index
          %get3A_291 = arith.constant 352 : index
          %get3A_292 = tpu.vector_load %arg5[%get3A_290, %get3A_291] {strides = array<i32>} : memref<16x512xi32, #tpu.memory_space<vmem>>, vector<16xi32>,
          tpu.vector_store_idx %arg4[%get3A_292], %broadcast_in_dim3A_1 {add = true} : memref<40960xf32, #tpu.memory_space<vmem>>[vector<16xi32>], vector<16xf32>,
          %get3A_293 = arith.index_cast %scan3A_223 : i32 to index
          %get3A_294 = arith.constant 368 : index
          %get3A_295 = tpu.vector_load %arg5[%get3A_293, %get3A_294] {strides = array<i32>} : memref<16x512xi32, #tpu.memory_space<vmem>>, vector<16xi32>,
          tpu.vector_store_idx %arg4[%get3A_295], %broadcast_in_dim3A_1 {add = true} : memref<40960xf32, #tpu.memory_space<vmem>>[vector<16xi32>], vector<16xf32>,
          %get3A_296 = arith.index_cast %scan3A_223 : i32 to index
          %get3A_297 = arith.constant 384 : index
          %get3A_298 = tpu.vector_load %arg5[%get3A_296, %get3A_297] {strides = array<i32>} : memref<16x512xi32, #tpu.memory_space<vmem>>, vector<16xi32>,
          tpu.vector_store_idx %arg4[%get3A_298], %broadcast_in_dim3A_1 {add = true} : memref<40960xf32, #tpu.memory_space<vmem>>[vector<16xi32>], vector<16xf32>,
          %get3A_299 = arith.index_cast %scan3A_223 : i32 to index
          %get3A_300 = arith.constant 400 : index
          %get3A_301 = tpu.vector_load %arg5[%get3A_299, %get3A_300] {strides = array<i32>} : memref<16x512xi32, #tpu.memory_space<vmem>>, vector<16xi32>,
          tpu.vector_store_idx %arg4[%get3A_301], %broadcast_in_dim3A_1 {add = true} : memref<40960xf32, #tpu.memory_space<vmem>>[vector<16xi32>], vector<16xf32>,
          %get3A_302 = arith.index_cast %scan3A_223 : i32 to index
          %get3A_303 = arith.constant 416 : index
          %get3A_304 = tpu.vector_load %arg5[%get3A_302, %get3A_303] {strides = array<i32>} : memref<16x512xi32, #tpu.memory_space<vmem>>, vector<16xi32>,
          tpu.vector_store_idx %arg4[%get3A_304], %broadcast_in_dim3A_1 {add = true} : memref<40960xf32, #tpu.memory_space<vmem>>[vector<16xi32>], vector<16xf32>,
          %get3A_305 = arith.index_cast %scan3A_223 : i32 to index
          %get3A_306 = arith.constant 432 : index
          %get3A_307 = tpu.vector_load %arg5[%get3A_305, %get3A_306] {strides = array<i32>} : memref<16x512xi32, #tpu.memory_space<vmem>>, vector<16xi32>,
          tpu.vector_store_idx %arg4[%get3A_307], %broadcast_in_dim3A_1 {add = true} : memref<40960xf32, #tpu.memory_space<vmem>>[vector<16xi32>], vector<16xf32>,
          %get3A_308 = arith.index_cast %scan3A_223 : i32 to index
          %get3A_309 = arith.constant 448 : index
          %get3A_310 = tpu.vector_load %arg5[%get3A_308, %get3A_309] {strides = array<i32>} : memref<16x512xi32, #tpu.memory_space<vmem>>, vector<16xi32>,
          tpu.vector_store_idx %arg4[%get3A_310], %broadcast_in_dim3A_1 {add = true} : memref<40960xf32, #tpu.memory_space<vmem>>[vector<16xi32>], vector<16xf32>,
          %get3A_311 = arith.index_cast %scan3A_223 : i32 to index
          %get3A_312 = arith.constant 464 : index
          %get3A_313 = tpu.vector_load %arg5[%get3A_311, %get3A_312] {strides = array<i32>} : memref<16x512xi32, #tpu.memory_space<vmem>>, vector<16xi32>,
          tpu.vector_store_idx %arg4[%get3A_313], %broadcast_in_dim3A_1 {add = true} : memref<40960xf32, #tpu.memory_space<vmem>>[vector<16xi32>], vector<16xf32>,
          %get3A_314 = arith.index_cast %scan3A_223 : i32 to index
          %get3A_315 = arith.constant 480 : index
          %get3A_316 = tpu.vector_load %arg5[%get3A_314, %get3A_315] {strides = array<i32>} : memref<16x512xi32, #tpu.memory_space<vmem>>, vector<16xi32>,
          tpu.vector_store_idx %arg4[%get3A_316], %broadcast_in_dim3A_1 {add = true} : memref<40960xf32, #tpu.memory_space<vmem>>[vector<16xi32>], vector<16xf32>,
          %get3A_317 = arith.index_cast %scan3A_223 : i32 to index
          %get3A_318 = arith.constant 496 : index
          %get3A_319 = tpu.vector_load %arg5[%get3A_317, %get3A_318] {strides = array<i32>} : memref<16x512xi32, #tpu.memory_space<vmem>>, vector<16xi32>,
          tpu.vector_store_idx %arg4[%get3A_319], %broadcast_in_dim3A_1 {add = true} : memref<40960xf32, #tpu.memory_space<vmem>>[vector<16xi32>], vector<16xf32>,
          %scan3A_320 = arith.constant 0 : i32
          scf.yield %scan3A_320 : i32
        }
        %scan3A_222 = arith.constant 16 : i32
      } else {
      }
      %mul3A_109 = arith.constant 2 : i32
      %mul3A_110 = arith.muli %scan3A_98, %mul3A_109 : i32
      %add3A_111 = arith.constant 1 : i32
      %add3A_112 = arith.addi %mul3A_110, %add3A_111 : i32
      %add3A_113 = arith.constant 1 : i32
      %add3A_114 = arith.addi %add3A_112, %add3A_113 : i32
      %lt3A_115 = arith.constant 19 : i32
      %lt3A_116 = arith.cmpi slt, %add3A_112, %lt3A_115 : i32
      %convert_element_type3A_117 = arith.extui %lt3A_116 : i1 to i32
      %cond3A_118 = arith.constant 0 : i32
      %cond3A_119 = arith.cmpi ne, %convert_element_type3A_117, %cond3A_118 : i32
      scf.if %cond3A_119 {
        %lt3A_121 = arith.constant 19 : i32
        %lt3A_122 = arith.cmpi slt, %add3A_114, %lt3A_121 : i32
        %convert_element_type3A_123 = arith.extui %lt3A_122 : i1 to i32
        %cond3A_124 = arith.constant 0 : i32
        %cond3A_125 = arith.cmpi ne, %convert_element_type3A_123, %cond3A_124 : i32
        scf.if %cond3A_125 {
          %mul3A_223 = arith.constant 19 : i32
          %mul3A_224 = arith.muli %add3A, %mul3A_223 : i32
          %add3A_225 = arith.addi %mul3A_224, %add3A_114 : i32
          %jit3A_226 = arith.constant 608 : i32
          %div3A_227 = arith.divsi %add3A_225, %jit3A_226 : i32
          %sign3A_228 = arith.constant 0 : i32
          %sign3A_229 = arith.cmpi sgt, %add3A_225, %sign3A_228 : i32
          %sign3A_230 = arith.extui %sign3A_229 : i1 to i32
          %sign3A_231 = arith.constant 0 : i32
          %sign3A_232 = arith.cmpi slt, %add3A_225, %sign3A_231 : i32
          %sign3A_233 = arith.extui %sign3A_232 : i1 to i32
          %sign3A_234 = arith.subi %sign3A_230, %sign3A_233 : i32
          %sign3A_235 = arith.constant 0 : i32
          %sign3A_236 = arith.cmpi sgt, %jit3A_226, %sign3A_235 : i32
          %sign3A_237 = arith.extui %sign3A_236 : i1 to i32
          %sign3A_238 = arith.constant 0 : i32
          %sign3A_239 = arith.cmpi slt, %jit3A_226, %sign3A_238 : i32
          %sign3A_240 = arith.extui %sign3A_239 : i1 to i32
          %sign3A_241 = arith.subi %sign3A_237, %sign3A_240 : i32
          %ne3A_242 = arith.cmpi ne, %sign3A_234, %sign3A_241 : i32
          %rem3A_243 = arith.remsi %add3A_225, %jit3A_226 : i32
          %ne3A_244 = arith.constant 0 : i32
          %ne3A_245 = arith.cmpi ne, %rem3A_243, %ne3A_244 : i32
          %and3A_246 = arith.andi %ne3A_242, %ne3A_245 : i1
          %sub3A_247 = arith.constant 1 : i32
          %sub3A_248 = arith.subi %div3A_227, %sub3A_247 : i32
          %select_n3A_249 = arith.select %and3A_246, %sub3A_248, %div3A_227 : i32
          %jit3A_250 = arith.constant 608 : i32
          %eq3A_251 = arith.constant 0 : i32
          %eq3A_252 = arith.cmpi eq, %jit3A_250, %eq3A_251 : i32
          %jit3A_253 = arith.constant 1 : i32
          %select_n3A_254 = arith.select %eq3A_252, %jit3A_253, %jit3A_250 : i32
          %rem3A_255 = arith.remsi %add3A_225, %select_n3A_254 : i32
          %ne3A_256 = arith.constant 0 : i32
          %ne3A_257 = arith.cmpi ne, %rem3A_255, %ne3A_256 : i32
          %lt3A_258 = arith.constant 0 : i32
          %lt3A_259 = arith.cmpi slt, %rem3A_255, %lt3A_258 : i32
          %lt3A_260 = arith.constant 0 : i32
          %lt3A_261 = arith.cmpi slt, %select_n3A_254, %lt3A_260 : i32
          %ne3A_262 = arith.xori %lt3A_259, %lt3A_261 : i1
          %and3A_263 = arith.andi %ne3A_262, %ne3A_257 : i1
          %add3A_264 = arith.addi %rem3A_255, %select_n3A_254 : i32
          %select_n3A_265 = arith.select %and3A_263, %add3A_264, %rem3A_255 : i32
          %jit3A_266 = arith.constant 32 : i32
          %div3A_267 = arith.divsi %select_n3A_265, %jit3A_266 : i32
          %sign3A_268 = arith.constant 0 : i32
          %sign3A_269 = arith.cmpi sgt, %select_n3A_265, %sign3A_268 : i32
          %sign3A_270 = arith.extui %sign3A_269 : i1 to i32
          %sign3A_271 = arith.constant 0 : i32
          %sign3A_272 = arith.cmpi slt, %select_n3A_265, %sign3A_271 : i32
          %sign3A_273 = arith.extui %sign3A_272 : i1 to i32
          %sign3A_274 = arith.subi %sign3A_270, %sign3A_273 : i32
          %sign3A_275 = arith.constant 0 : i32
          %sign3A_276 = arith.cmpi sgt, %jit3A_266, %sign3A_275 : i32
          %sign3A_277 = arith.extui %sign3A_276 : i1 to i32
          %sign3A_278 = arith.constant 0 : i32
          %sign3A_279 = arith.cmpi slt, %jit3A_266, %sign3A_278 : i32
          %sign3A_280 = arith.extui %sign3A_279 : i1 to i32
          %sign3A_281 = arith.subi %sign3A_277, %sign3A_280 : i32
          %ne3A_282 = arith.cmpi ne, %sign3A_274, %sign3A_281 : i32
          %rem3A_283 = arith.remsi %select_n3A_265, %jit3A_266 : i32
          %ne3A_284 = arith.constant 0 : i32
          %ne3A_285 = arith.cmpi ne, %rem3A_283, %ne3A_284 : i32
          %and3A_286 = arith.andi %ne3A_282, %ne3A_285 : i1
          %sub3A_287 = arith.constant 1 : i32
          %sub3A_288 = arith.subi %div3A_267, %sub3A_287 : i32
          %select_n3A_289 = arith.select %and3A_286, %sub3A_288, %div3A_267 : i32
          %jit3A_290 = arith.constant 32 : i32
          %eq3A_291 = arith.constant 0 : i32
          %eq3A_292 = arith.cmpi eq, %jit3A_290, %eq3A_291 : i32
          %jit3A_293 = arith.constant 1 : i32
          %select_n3A_294 = arith.select %eq3A_292, %jit3A_293, %jit3A_290 : i32
          %rem3A_295 = arith.remsi %select_n3A_265, %select_n3A_294 : i32
          %ne3A_296 = arith.constant 0 : i32
          %ne3A_297 = arith.cmpi ne, %rem3A_295, %ne3A_296 : i32
          %lt3A_298 = arith.constant 0 : i32
          %lt3A_299 = arith.cmpi slt, %rem3A_295, %lt3A_298 : i32
          %lt3A_300 = arith.constant 0 : i32
          %lt3A_301 = arith.cmpi slt, %select_n3A_294, %lt3A_300 : i32
          %ne3A_302 = arith.xori %lt3A_299, %lt3A_301 : i1
          %and3A_303 = arith.andi %ne3A_302, %ne3A_297 : i1
          %add3A_304 = arith.addi %rem3A_295, %select_n3A_294 : i32
          %select_n3A_305 = arith.select %and3A_303, %add3A_304, %rem3A_295 : i32
          %mul3A_306 = arith.constant 16 : i32
          %mul3A_307 = arith.muli %select_n3A_305, %mul3A_306 : i32
          %dma_start3A_308 = arith.constant 0 : i32
          %dma_start3A_309 = tpu.memref_slice %arg2[%select_n3A_249, %select_n3A_289, %mul3A_307, %dma_start3A_308] : memref<1x19x512x512xi32, #tpu.memory_space<hbm>> -> memref<1x1x16x512xi32, #tpu.memory_space<hbm>>
          %dma_start3A_310 = tpu.memref_squeeze %dma_start3A_309 : memref<1x1x16x512xi32, #tpu.memory_space<hbm>> -> memref<16x512xi32, #tpu.memory_space<hbm>>
          %dma_start3A_311 = arith.constant 0 : i32
          %dma_start3A_312 = tpu.memref_slice %arg2[%select_n3A_249, %select_n3A_289, %mul3A_307, %dma_start3A_311] : memref<1x19x512x512xi32, #tpu.memory_space<hbm>> -> memref<1x1x16x512xi32, #tpu.memory_space<hbm>>
          %dma_start3A_313 = tpu.memref_squeeze %dma_start3A_312 : memref<1x1x16x512xi32, #tpu.memory_space<hbm>> -> memref<16x512xi32, #tpu.memory_space<hbm>>
          tpu.enqueue_dma source(%dma_start3A_313 : memref<16x512xi32, #tpu.memory_space<hbm>>) target(%arg5 : memref<16x512xi32, #tpu.memory_space<vmem>>) target_semaphore(%arg7 : memref<!tpu.dma_semaphore, #tpu.memory_space<semaphore_mem>>)
        } else {
        }
        %mul3A_126 = arith.constant 19 : i32
        %mul3A_127 = arith.muli %add3A, %mul3A_126 : i32
        %add3A_128 = arith.addi %mul3A_127, %add3A_112 : i32
        %jit3A_129 = arith.constant 608 : i32
        %div3A_130 = arith.divsi %add3A_128, %jit3A_129 : i32
        %sign3A_131 = arith.constant 0 : i32
        %sign3A_132 = arith.cmpi sgt, %add3A_128, %sign3A_131 : i32
        %sign3A_133 = arith.extui %sign3A_132 : i1 to i32
        %sign3A_134 = arith.constant 0 : i32
        %sign3A_135 = arith.cmpi slt, %add3A_128, %sign3A_134 : i32
        %sign3A_136 = arith.extui %sign3A_135 : i1 to i32
        %sign3A_137 = arith.subi %sign3A_133, %sign3A_136 : i32
        %sign3A_138 = arith.constant 0 : i32
        %sign3A_139 = arith.cmpi sgt, %jit3A_129, %sign3A_138 : i32
        %sign3A_140 = arith.extui %sign3A_139 : i1 to i32
        %sign3A_141 = arith.constant 0 : i32
        %sign3A_142 = arith.cmpi slt, %jit3A_129, %sign3A_141 : i32
        %sign3A_143 = arith.extui %sign3A_142 : i1 to i32
        %sign3A_144 = arith.subi %sign3A_140, %sign3A_143 : i32
        %ne3A_145 = arith.cmpi ne, %sign3A_137, %sign3A_144 : i32
        %rem3A_146 = arith.remsi %add3A_128, %jit3A_129 : i32
        %ne3A_147 = arith.constant 0 : i32
        %ne3A_148 = arith.cmpi ne, %rem3A_146, %ne3A_147 : i32
        %and3A_149 = arith.andi %ne3A_145, %ne3A_148 : i1
        %sub3A_150 = arith.constant 1 : i32
        %sub3A_151 = arith.subi %div3A_130, %sub3A_150 : i32
        %select_n3A_152 = arith.select %and3A_149, %sub3A_151, %div3A_130 : i32
        %jit3A_153 = arith.constant 608 : i32
        %eq3A_154 = arith.constant 0 : i32
        %eq3A_155 = arith.cmpi eq, %jit3A_153, %eq3A_154 : i32
        %jit3A_156 = arith.constant 1 : i32
        %select_n3A_157 = arith.select %eq3A_155, %jit3A_156, %jit3A_153 : i32
        %rem3A_158 = arith.remsi %add3A_128, %select_n3A_157 : i32
        %ne3A_159 = arith.constant 0 : i32
        %ne3A_160 = arith.cmpi ne, %rem3A_158, %ne3A_159 : i32
        %lt3A_161 = arith.constant 0 : i32
        %lt3A_162 = arith.cmpi slt, %rem3A_158, %lt3A_161 : i32
        %lt3A_163 = arith.constant 0 : i32
        %lt3A_164 = arith.cmpi slt, %select_n3A_157, %lt3A_163 : i32
        %ne3A_165 = arith.xori %lt3A_162, %lt3A_164 : i1
        %and3A_166 = arith.andi %ne3A_165, %ne3A_160 : i1
        %add3A_167 = arith.addi %rem3A_158, %select_n3A_157 : i32
        %select_n3A_168 = arith.select %and3A_166, %add3A_167, %rem3A_158 : i32
        %jit3A_169 = arith.constant 32 : i32
        %div3A_170 = arith.divsi %select_n3A_168, %jit3A_169 : i32
        %sign3A_171 = arith.constant 0 : i32
        %sign3A_172 = arith.cmpi sgt, %select_n3A_168, %sign3A_171 : i32
        %sign3A_173 = arith.extui %sign3A_172 : i1 to i32
        %sign3A_174 = arith.constant 0 : i32
        %sign3A_175 = arith.cmpi slt, %select_n3A_168, %sign3A_174 : i32
        %sign3A_176 = arith.extui %sign3A_175 : i1 to i32
        %sign3A_177 = arith.subi %sign3A_173, %sign3A_176 : i32
        %sign3A_178 = arith.constant 0 : i32
        %sign3A_179 = arith.cmpi sgt, %jit3A_169, %sign3A_178 : i32
        %sign3A_180 = arith.extui %sign3A_179 : i1 to i32
        %sign3A_181 = arith.constant 0 : i32
        %sign3A_182 = arith.cmpi slt, %jit3A_169, %sign3A_181 : i32
        %sign3A_183 = arith.extui %sign3A_182 : i1 to i32
        %sign3A_184 = arith.subi %sign3A_180, %sign3A_183 : i32
        %ne3A_185 = arith.cmpi ne, %sign3A_177, %sign3A_184 : i32
        %rem3A_186 = arith.remsi %select_n3A_168, %jit3A_169 : i32
        %ne3A_187 = arith.constant 0 : i32
        %ne3A_188 = arith.cmpi ne, %rem3A_186, %ne3A_187 : i32
        %and3A_189 = arith.andi %ne3A_185, %ne3A_188 : i1
        %sub3A_190 = arith.constant 1 : i32
        %sub3A_191 = arith.subi %div3A_170, %sub3A_190 : i32
        %select_n3A_192 = arith.select %and3A_189, %sub3A_191, %div3A_170 : i32
        %jit3A_193 = arith.constant 32 : i32
        %eq3A_194 = arith.constant 0 : i32
        %eq3A_195 = arith.cmpi eq, %jit3A_193, %eq3A_194 : i32
        %jit3A_196 = arith.constant 1 : i32
        %select_n3A_197 = arith.select %eq3A_195, %jit3A_196, %jit3A_193 : i32
        %rem3A_198 = arith.remsi %select_n3A_168, %select_n3A_197 : i32
        %ne3A_199 = arith.constant 0 : i32
        %ne3A_200 = arith.cmpi ne, %rem3A_198, %ne3A_199 : i32
        %lt3A_201 = arith.constant 0 : i32
        %lt3A_202 = arith.cmpi slt, %rem3A_198, %lt3A_201 : i32
        %lt3A_203 = arith.constant 0 : i32
        %lt3A_204 = arith.cmpi slt, %select_n3A_197, %lt3A_203 : i32
        %ne3A_205 = arith.xori %lt3A_202, %lt3A_204 : i1
        %and3A_206 = arith.andi %ne3A_205, %ne3A_200 : i1
        %add3A_207 = arith.addi %rem3A_198, %select_n3A_197 : i32
        %select_n3A_208 = arith.select %and3A_206, %add3A_207, %rem3A_198 : i32
        %mul3A_209 = arith.constant 16 : i32
        %mul3A_210 = arith.muli %select_n3A_208, %mul3A_209 : i32
        %dma_wait3A = arith.constant 0 : i32
        %dma_wait3A_211 = tpu.memref_slice %arg2[%select_n3A_152, %select_n3A_192, %mul3A_210, %dma_wait3A] : memref<1x19x512x512xi32, #tpu.memory_space<hbm>> -> memref<1x1x16x512xi32, #tpu.memory_space<hbm>>
        %dma_wait3A_212 = tpu.memref_squeeze %dma_wait3A_211 : memref<1x1x16x512xi32, #tpu.memory_space<hbm>> -> memref<16x512xi32, #tpu.memory_space<hbm>>
        %dma_wait3A_213 = arith.constant 0 : i32
        %dma_wait3A_214 = tpu.memref_slice %arg2[%select_n3A_152, %select_n3A_192, %mul3A_210, %dma_wait3A_213] : memref<1x19x512x512xi32, #tpu.memory_space<hbm>> -> memref<1x1x16x512xi32, #tpu.memory_space<hbm>>
        %dma_wait3A_215 = tpu.memref_squeeze %dma_wait3A_214 : memref<1x1x16x512xi32, #tpu.memory_space<hbm>> -> memref<16x512xi32, #tpu.memory_space<hbm>>
        tpu.wait_dma2 semaphore(%arg8 : memref<!tpu.dma_semaphore, #tpu.memory_space<semaphore_mem>>) src(%dma_wait3A_215 : memref<16x512xi32, #tpu.memory_space<hbm>>) dst(%arg6 : memref<16x512xi32, #tpu.memory_space<vmem>>)
        %scan3A_216 = arith.constant 0 : i32
        %scan3A_217 = arith.constant 0 : i32
        %scan3A_218 = arith.constant 16 : i32
        %scan3A_219 = arith.addi %scan3A_217, %scan3A_218 : i32
        %scan3A_220 = arith.constant 1 : i32
        %scan3A_221 = scf.for %scan3A_223 = %scan3A_217 to %scan3A_219 step %scan3A_220 iter_args(%scan3A_224 = %scan3A_216) -> (i32)  : i32 {
          %get3A = arith.index_cast %scan3A_223 : i32 to index
          %get3A_225 = arith.constant 0 : index
          %get3A_226 = tpu.vector_load %arg6[%get3A, %get3A_225] {strides = array<i32>} : memref<16x512xi32, #tpu.memory_space<vmem>>, vector<16xi32>,
          tpu.vector_store_idx %arg4[%get3A_226], %broadcast_in_dim3A_1 {add = true} : memref<40960xf32, #tpu.memory_space<vmem>>[vector<16xi32>], vector<16xf32>,
          %get3A_227 = arith.index_cast %scan3A_223 : i32 to index
          %get3A_228 = arith.constant 16 : index
          %get3A_229 = tpu.vector_load %arg6[%get3A_227, %get3A_228] {strides = array<i32>} : memref<16x512xi32, #tpu.memory_space<vmem>>, vector<16xi32>,
          tpu.vector_store_idx %arg4[%get3A_229], %broadcast_in_dim3A_1 {add = true} : memref<40960xf32, #tpu.memory_space<vmem>>[vector<16xi32>], vector<16xf32>,
          %get3A_230 = arith.index_cast %scan3A_223 : i32 to index
          %get3A_231 = arith.constant 32 : index
          %get3A_232 = tpu.vector_load %arg6[%get3A_230, %get3A_231] {strides = array<i32>} : memref<16x512xi32, #tpu.memory_space<vmem>>, vector<16xi32>,
          tpu.vector_store_idx %arg4[%get3A_232], %broadcast_in_dim3A_1 {add = true} : memref<40960xf32, #tpu.memory_space<vmem>>[vector<16xi32>], vector<16xf32>,
          %get3A_233 = arith.index_cast %scan3A_223 : i32 to index
          %get3A_234 = arith.constant 48 : index
          %get3A_235 = tpu.vector_load %arg6[%get3A_233, %get3A_234] {strides = array<i32>} : memref<16x512xi32, #tpu.memory_space<vmem>>, vector<16xi32>,
          tpu.vector_store_idx %arg4[%get3A_235], %broadcast_in_dim3A_1 {add = true} : memref<40960xf32, #tpu.memory_space<vmem>>[vector<16xi32>], vector<16xf32>,
          %get3A_236 = arith.index_cast %scan3A_223 : i32 to index
          %get3A_237 = arith.constant 64 : index
          %get3A_238 = tpu.vector_load %arg6[%get3A_236, %get3A_237] {strides = array<i32>} : memref<16x512xi32, #tpu.memory_space<vmem>>, vector<16xi32>,
          tpu.vector_store_idx %arg4[%get3A_238], %broadcast_in_dim3A_1 {add = true} : memref<40960xf32, #tpu.memory_space<vmem>>[vector<16xi32>], vector<16xf32>,
          %get3A_239 = arith.index_cast %scan3A_223 : i32 to index
          %get3A_240 = arith.constant 80 : index
          %get3A_241 = tpu.vector_load %arg6[%get3A_239, %get3A_240] {strides = array<i32>} : memref<16x512xi32, #tpu.memory_space<vmem>>, vector<16xi32>,
          tpu.vector_store_idx %arg4[%get3A_241], %broadcast_in_dim3A_1 {add = true} : memref<40960xf32, #tpu.memory_space<vmem>>[vector<16xi32>], vector<16xf32>,
          %get3A_242 = arith.index_cast %scan3A_223 : i32 to index
          %get3A_243 = arith.constant 96 : index
          %get3A_244 = tpu.vector_load %arg6[%get3A_242, %get3A_243] {strides = array<i32>} : memref<16x512xi32, #tpu.memory_space<vmem>>, vector<16xi32>,
          tpu.vector_store_idx %arg4[%get3A_244], %broadcast_in_dim3A_1 {add = true} : memref<40960xf32, #tpu.memory_space<vmem>>[vector<16xi32>], vector<16xf32>,
          %get3A_245 = arith.index_cast %scan3A_223 : i32 to index
          %get3A_246 = arith.constant 112 : index
          %get3A_247 = tpu.vector_load %arg6[%get3A_245, %get3A_246] {strides = array<i32>} : memref<16x512xi32, #tpu.memory_space<vmem>>, vector<16xi32>,
          tpu.vector_store_idx %arg4[%get3A_247], %broadcast_in_dim3A_1 {add = true} : memref<40960xf32, #tpu.memory_space<vmem>>[vector<16xi32>], vector<16xf32>,
          %get3A_248 = arith.index_cast %scan3A_223 : i32 to index
          %get3A_249 = arith.constant 128 : index
          %get3A_250 = tpu.vector_load %arg6[%get3A_248, %get3A_249] {strides = array<i32>} : memref<16x512xi32, #tpu.memory_space<vmem>>, vector<16xi32>,
          tpu.vector_store_idx %arg4[%get3A_250], %broadcast_in_dim3A_1 {add = true} : memref<40960xf32, #tpu.memory_space<vmem>>[vector<16xi32>], vector<16xf32>,
          %get3A_251 = arith.index_cast %scan3A_223 : i32 to index
          %get3A_252 = arith.constant 144 : index
          %get3A_253 = tpu.vector_load %arg6[%get3A_251, %get3A_252] {strides = array<i32>} : memref<16x512xi32, #tpu.memory_space<vmem>>, vector<16xi32>,
          tpu.vector_store_idx %arg4[%get3A_253], %broadcast_in_dim3A_1 {add = true} : memref<40960xf32, #tpu.memory_space<vmem>>[vector<16xi32>], vector<16xf32>,
          %get3A_254 = arith.index_cast %scan3A_223 : i32 to index
          %get3A_255 = arith.constant 160 : index
          %get3A_256 = tpu.vector_load %arg6[%get3A_254, %get3A_255] {strides = array<i32>} : memref<16x512xi32, #tpu.memory_space<vmem>>, vector<16xi32>,
          tpu.vector_store_idx %arg4[%get3A_256], %broadcast_in_dim3A_1 {add = true} : memref<40960xf32, #tpu.memory_space<vmem>>[vector<16xi32>], vector<16xf32>,
          %get3A_257 = arith.index_cast %scan3A_223 : i32 to index
          %get3A_258 = arith.constant 176 : index
          %get3A_259 = tpu.vector_load %arg6[%get3A_257, %get3A_258] {strides = array<i32>} : memref<16x512xi32, #tpu.memory_space<vmem>>, vector<16xi32>,
          tpu.vector_store_idx %arg4[%get3A_259], %broadcast_in_dim3A_1 {add = true} : memref<40960xf32, #tpu.memory_space<vmem>>[vector<16xi32>], vector<16xf32>,
          %get3A_260 = arith.index_cast %scan3A_223 : i32 to index
          %get3A_261 = arith.constant 192 : index
          %get3A_262 = tpu.vector_load %arg6[%get3A_260, %get3A_261] {strides = array<i32>} : memref<16x512xi32, #tpu.memory_space<vmem>>, vector<16xi32>,
          tpu.vector_store_idx %arg4[%get3A_262], %broadcast_in_dim3A_1 {add = true} : memref<40960xf32, #tpu.memory_space<vmem>>[vector<16xi32>], vector<16xf32>,
          %get3A_263 = arith.index_cast %scan3A_223 : i32 to index
          %get3A_264 = arith.constant 208 : index
          %get3A_265 = tpu.vector_load %arg6[%get3A_263, %get3A_264] {strides = array<i32>} : memref<16x512xi32, #tpu.memory_space<vmem>>, vector<16xi32>,
          tpu.vector_store_idx %arg4[%get3A_265], %broadcast_in_dim3A_1 {add = true} : memref<40960xf32, #tpu.memory_space<vmem>>[vector<16xi32>], vector<16xf32>,
          %get3A_266 = arith.index_cast %scan3A_223 : i32 to index
          %get3A_267 = arith.constant 224 : index
          %get3A_268 = tpu.vector_load %arg6[%get3A_266, %get3A_267] {strides = array<i32>} : memref<16x512xi32, #tpu.memory_space<vmem>>, vector<16xi32>,
          tpu.vector_store_idx %arg4[%get3A_268], %broadcast_in_dim3A_1 {add = true} : memref<40960xf32, #tpu.memory_space<vmem>>[vector<16xi32>], vector<16xf32>,
          %get3A_269 = arith.index_cast %scan3A_223 : i32 to index
          %get3A_270 = arith.constant 240 : index
          %get3A_271 = tpu.vector_load %arg6[%get3A_269, %get3A_270] {strides = array<i32>} : memref<16x512xi32, #tpu.memory_space<vmem>>, vector<16xi32>,
          tpu.vector_store_idx %arg4[%get3A_271], %broadcast_in_dim3A_1 {add = true} : memref<40960xf32, #tpu.memory_space<vmem>>[vector<16xi32>], vector<16xf32>,
          %get3A_272 = arith.index_cast %scan3A_223 : i32 to index
          %get3A_273 = arith.constant 256 : index
          %get3A_274 = tpu.vector_load %arg6[%get3A_272, %get3A_273] {strides = array<i32>} : memref<16x512xi32, #tpu.memory_space<vmem>>, vector<16xi32>,
          tpu.vector_store_idx %arg4[%get3A_274], %broadcast_in_dim3A_1 {add = true} : memref<40960xf32, #tpu.memory_space<vmem>>[vector<16xi32>], vector<16xf32>,
          %get3A_275 = arith.index_cast %scan3A_223 : i32 to index
          %get3A_276 = arith.constant 272 : index
          %get3A_277 = tpu.vector_load %arg6[%get3A_275, %get3A_276] {strides = array<i32>} : memref<16x512xi32, #tpu.memory_space<vmem>>, vector<16xi32>,
          tpu.vector_store_idx %arg4[%get3A_277], %broadcast_in_dim3A_1 {add = true} : memref<40960xf32, #tpu.memory_space<vmem>>[vector<16xi32>], vector<16xf32>,
          %get3A_278 = arith.index_cast %scan3A_223 : i32 to index
          %get3A_279 = arith.constant 288 : index
          %get3A_280 = tpu.vector_load %arg6[%get3A_278, %get3A_279] {strides = array<i32>} : memref<16x512xi32, #tpu.memory_space<vmem>>, vector<16xi32>,
          tpu.vector_store_idx %arg4[%get3A_280], %broadcast_in_dim3A_1 {add = true} : memref<40960xf32, #tpu.memory_space<vmem>>[vector<16xi32>], vector<16xf32>,
          %get3A_281 = arith.index_cast %scan3A_223 : i32 to index
          %get3A_282 = arith.constant 304 : index
          %get3A_283 = tpu.vector_load %arg6[%get3A_281, %get3A_282] {strides = array<i32>} : memref<16x512xi32, #tpu.memory_space<vmem>>, vector<16xi32>,
          tpu.vector_store_idx %arg4[%get3A_283], %broadcast_in_dim3A_1 {add = true} : memref<40960xf32, #tpu.memory_space<vmem>>[vector<16xi32>], vector<16xf32>,
          %get3A_284 = arith.index_cast %scan3A_223 : i32 to index
          %get3A_285 = arith.constant 320 : index
          %get3A_286 = tpu.vector_load %arg6[%get3A_284, %get3A_285] {strides = array<i32>} : memref<16x512xi32, #tpu.memory_space<vmem>>, vector<16xi32>,
          tpu.vector_store_idx %arg4[%get3A_286], %broadcast_in_dim3A_1 {add = true} : memref<40960xf32, #tpu.memory_space<vmem>>[vector<16xi32>], vector<16xf32>,
          %get3A_287 = arith.index_cast %scan3A_223 : i32 to index
          %get3A_288 = arith.constant 336 : index
          %get3A_289 = tpu.vector_load %arg6[%get3A_287, %get3A_288] {strides = array<i32>} : memref<16x512xi32, #tpu.memory_space<vmem>>, vector<16xi32>,
          tpu.vector_store_idx %arg4[%get3A_289], %broadcast_in_dim3A_1 {add = true} : memref<40960xf32, #tpu.memory_space<vmem>>[vector<16xi32>], vector<16xf32>,
          %get3A_290 = arith.index_cast %scan3A_223 : i32 to index
          %get3A_291 = arith.constant 352 : index
          %get3A_292 = tpu.vector_load %arg6[%get3A_290, %get3A_291] {strides = array<i32>} : memref<16x512xi32, #tpu.memory_space<vmem>>, vector<16xi32>,
          tpu.vector_store_idx %arg4[%get3A_292], %broadcast_in_dim3A_1 {add = true} : memref<40960xf32, #tpu.memory_space<vmem>>[vector<16xi32>], vector<16xf32>,
          %get3A_293 = arith.index_cast %scan3A_223 : i32 to index
          %get3A_294 = arith.constant 368 : index
          %get3A_295 = tpu.vector_load %arg6[%get3A_293, %get3A_294] {strides = array<i32>} : memref<16x512xi32, #tpu.memory_space<vmem>>, vector<16xi32>,
          tpu.vector_store_idx %arg4[%get3A_295], %broadcast_in_dim3A_1 {add = true} : memref<40960xf32, #tpu.memory_space<vmem>>[vector<16xi32>], vector<16xf32>,
          %get3A_296 = arith.index_cast %scan3A_223 : i32 to index
          %get3A_297 = arith.constant 384 : index
          %get3A_298 = tpu.vector_load %arg6[%get3A_296, %get3A_297] {strides = array<i32>} : memref<16x512xi32, #tpu.memory_space<vmem>>, vector<16xi32>,
          tpu.vector_store_idx %arg4[%get3A_298], %broadcast_in_dim3A_1 {add = true} : memref<40960xf32, #tpu.memory_space<vmem>>[vector<16xi32>], vector<16xf32>,
          %get3A_299 = arith.index_cast %scan3A_223 : i32 to index
          %get3A_300 = arith.constant 400 : index
          %get3A_301 = tpu.vector_load %arg6[%get3A_299, %get3A_300] {strides = array<i32>} : memref<16x512xi32, #tpu.memory_space<vmem>>, vector<16xi32>,
          tpu.vector_store_idx %arg4[%get3A_301], %broadcast_in_dim3A_1 {add = true} : memref<40960xf32, #tpu.memory_space<vmem>>[vector<16xi32>], vector<16xf32>,
          %get3A_302 = arith.index_cast %scan3A_223 : i32 to index
          %get3A_303 = arith.constant 416 : index
          %get3A_304 = tpu.vector_load %arg6[%get3A_302, %get3A_303] {strides = array<i32>} : memref<16x512xi32, #tpu.memory_space<vmem>>, vector<16xi32>,
          tpu.vector_store_idx %arg4[%get3A_304], %broadcast_in_dim3A_1 {add = true} : memref<40960xf32, #tpu.memory_space<vmem>>[vector<16xi32>], vector<16xf32>,
          %get3A_305 = arith.index_cast %scan3A_223 : i32 to index
          %get3A_306 = arith.constant 432 : index
          %get3A_307 = tpu.vector_load %arg6[%get3A_305, %get3A_306] {strides = array<i32>} : memref<16x512xi32, #tpu.memory_space<vmem>>, vector<16xi32>,
          tpu.vector_store_idx %arg4[%get3A_307], %broadcast_in_dim3A_1 {add = true} : memref<40960xf32, #tpu.memory_space<vmem>>[vector<16xi32>], vector<16xf32>,
          %get3A_308 = arith.index_cast %scan3A_223 : i32 to index
          %get3A_309 = arith.constant 448 : index
          %get3A_310 = tpu.vector_load %arg6[%get3A_308, %get3A_309] {strides = array<i32>} : memref<16x512xi32, #tpu.memory_space<vmem>>, vector<16xi32>,
          tpu.vector_store_idx %arg4[%get3A_310], %broadcast_in_dim3A_1 {add = true} : memref<40960xf32, #tpu.memory_space<vmem>>[vector<16xi32>], vector<16xf32>,
          %get3A_311 = arith.index_cast %scan3A_223 : i32 to index
          %get3A_312 = arith.constant 464 : index
          %get3A_313 = tpu.vector_load %arg6[%get3A_311, %get3A_312] {strides = array<i32>} : memref<16x512xi32, #tpu.memory_space<vmem>>, vector<16xi32>,
          tpu.vector_store_idx %arg4[%get3A_313], %broadcast_in_dim3A_1 {add = true} : memref<40960xf32, #tpu.memory_space<vmem>>[vector<16xi32>], vector<16xf32>,
          %get3A_314 = arith.index_cast %scan3A_223 : i32 to index
          %get3A_315 = arith.constant 480 : index
          %get3A_316 = tpu.vector_load %arg6[%get3A_314, %get3A_315] {strides = array<i32>} : memref<16x512xi32, #tpu.memory_space<vmem>>, vector<16xi32>,
          tpu.vector_store_idx %arg4[%get3A_316], %broadcast_in_dim3A_1 {add = true} : memref<40960xf32, #tpu.memory_space<vmem>>[vector<16xi32>], vector<16xf32>,
          %get3A_317 = arith.index_cast %scan3A_223 : i32 to index
          %get3A_318 = arith.constant 496 : index
          %get3A_319 = tpu.vector_load %arg6[%get3A_317, %get3A_318] {strides = array<i32>} : memref<16x512xi32, #tpu.memory_space<vmem>>, vector<16xi32>,
          tpu.vector_store_idx %arg4[%get3A_319], %broadcast_in_dim3A_1 {add = true} : memref<40960xf32, #tpu.memory_space<vmem>>[vector<16xi32>], vector<16xf32>,
          %scan3A_320 = arith.constant 0 : i32
          scf.yield %scan3A_320 : i32
        }
        %scan3A_222 = arith.constant 16 : i32
      } else {
      }
      %scan3A_120 = arith.constant 0 : i32
      scf.yield %scan3A_120 : i32
    }
    %scan3A_97 = arith.constant 10 : i32
    "tpu.region"() ({
      %run_scoped3A = tpu.sem_alloc : memref<!tpu.dma_semaphore, #tpu.memory_space<semaphore_mem>>
      %dma_start3A_98 = arith.constant 0 : i32
      %dma_start3A_99 = tpu.memref_slice %arg3[%add3A, %dma_start3A_98] : memref<32x40960xf32, #tpu.memory_space<hbm>> -> memref<1x40960xf32, #tpu.memory_space<hbm>>
      %dma_start3A_100 = tpu.memref_squeeze %dma_start3A_99 : memref<1x40960xf32, #tpu.memory_space<hbm>> -> memref<40960xf32, #tpu.memory_space<hbm>>
      %dma_start3A_101 = arith.constant 0 : i32
      %dma_start3A_102 = tpu.memref_slice %arg3[%add3A, %dma_start3A_101] : memref<32x40960xf32, #tpu.memory_space<hbm>> -> memref<1x40960xf32, #tpu.memory_space<hbm>>
      %dma_start3A_103 = tpu.memref_squeeze %dma_start3A_102 : memref<1x40960xf32, #tpu.memory_space<hbm>> -> memref<40960xf32, #tpu.memory_space<hbm>>
      tpu.enqueue_dma source(%arg4 : memref<40960xf32, #tpu.memory_space<vmem>>) target(%dma_start3A_103 : memref<40960xf32, #tpu.memory_space<hbm>>) target_semaphore(%run_scoped3A : memref<!tpu.dma_semaphore, #tpu.memory_space<semaphore_mem>>)
      %dma_wait3A = arith.constant 0 : i32
      %dma_wait3A_104 = tpu.memref_slice %arg3[%add3A, %dma_wait3A] : memref<32x40960xf32, #tpu.memory_space<hbm>> -> memref<1x40960xf32, #tpu.memory_space<hbm>>
      %dma_wait3A_105 = tpu.memref_squeeze %dma_wait3A_104 : memref<1x40960xf32, #tpu.memory_space<hbm>> -> memref<40960xf32, #tpu.memory_space<hbm>>
      %dma_wait3A_106 = arith.constant 0 : i32
      %dma_wait3A_107 = tpu.memref_slice %arg3[%add3A, %dma_wait3A_106] : memref<32x40960xf32, #tpu.memory_space<hbm>> -> memref<1x40960xf32, #tpu.memory_space<hbm>>
      %dma_wait3A_108 = tpu.memref_squeeze %dma_wait3A_107 : memref<1x40960xf32, #tpu.memory_space<hbm>> -> memref<40960xf32, #tpu.memory_space<hbm>>
      tpu.wait_dma2 semaphore(%run_scoped3A : memref<!tpu.dma_semaphore, #tpu.memory_space<semaphore_mem>>) src(%arg4 : memref<40960xf32, #tpu.memory_space<vmem>>) dst(%dma_wait3A_108 : memref<40960xf32, #tpu.memory_space<hbm>>)
      tpu.yield
    }) : () -> ()
    return
  }
}

#map = affine_map<(d0, d1) -> (0, 0, 0, 0)>
#map1 = affine_map<(d0, d1) -> (0, 0)>
module attributes {stable_mosaic.version = 14 : i64} {
  func.func @_sc_hist(%arg0: i32, %arg1: i32, %arg2: memref<1x19x512x512xi32, #tpu.memory_space<hbm>>, %arg3: memref<32x40960xf32, #tpu.memory_space<hbm>>, %arg4: memref<40960xf32, #tpu.memory_space<vmem>>, %arg5: memref<16x512xi32, #tpu.memory_space<vmem>>, %arg6: memref<16x512xi32, #tpu.memory_space<vmem>>, %arg7: memref<!tpu.dma_semaphore, #tpu.memory_space<semaphore_mem>>, %arg8: memref<!tpu.dma_semaphore, #tpu.memory_space<semaphore_mem>>) attributes {dimension_semantics = [#tpu.dimension_semantics<core_parallel>, #tpu.dimension_semantics<subcore_parallel>], iteration_bounds = array<i64: 2, 16>, scalar_prefetch = 0 : i64, scratch_operands = 5 : i64, tpu.core_type = #tpu.core_type<sc_vector_subcore>, window_params = [{transform_indices = #map}, {transform_indices = #map1}]} {
    %mul3A = arith.constant 2 : i32
    %mul3A_0 = arith.muli %arg1, %mul3A : i32
    %add3A = arith.addi %mul3A_0, %arg0 : i32
    %broadcast_in_dim3A = arith.constant 1.000000e+00 : f32
    %broadcast_in_dim3A_1 = vector.broadcast %broadcast_in_dim3A : f32 to vector<16xf32>
    %broadcast_in_dim3A_2 = arith.constant 0.000000e+00 : f32
    %broadcast_in_dim3A_3 = vector.broadcast %broadcast_in_dim3A_2 : f32 to vector<16xf32>
    %scan3A = arith.constant 0 : i32
    %scan3A_4 = arith.constant 0 : i32
    %scan3A_5 = arith.constant 320 : i32
    %scan3A_6 = arith.addi %scan3A_4, %scan3A_5 : i32
    %scan3A_7 = arith.constant 1 : i32
    %scan3A_8 = scf.for %scan3A_98 = %scan3A_4 to %scan3A_6 step %scan3A_7 iter_args(%scan3A_99 = %scan3A) -> (i32)  : i32 {
      %mul3A_100 = arith.constant 8 : i32
      %mul3A_101 = arith.muli %scan3A_98, %mul3A_100 : i32
      %add3A_102 = arith.constant 0 : i32
      %add3A_103 = arith.addi %mul3A_101, %add3A_102 : i32
      %mul3A_104 = arith.constant 16 : i32
      %mul3A_105 = arith.muli %add3A_103, %mul3A_104 : i32
      %swap3A = arith.index_cast %mul3A_105 : i32 to index
      %swap3A_106 = tpu.vector_load %arg4[%swap3A] {strides = array<i32>} : memref<40960xf32, #tpu.memory_space<vmem>>, vector<16xf32>,
      tpu.vector_store %arg4[%swap3A], %broadcast_in_dim3A_3 {strides = array<i32>} : memref<40960xf32, #tpu.memory_space<vmem>>, vector<16xf32>,
      %mul3A_107 = arith.constant 8 : i32
      %mul3A_108 = arith.muli %scan3A_98, %mul3A_107 : i32
      %add3A_109 = arith.constant 1 : i32
      %add3A_110 = arith.addi %mul3A_108, %add3A_109 : i32
      %mul3A_111 = arith.constant 16 : i32
      %mul3A_112 = arith.muli %add3A_110, %mul3A_111 : i32
      %swap3A_113 = arith.index_cast %mul3A_112 : i32 to index
      %swap3A_114 = tpu.vector_load %arg4[%swap3A_113] {strides = array<i32>} : memref<40960xf32, #tpu.memory_space<vmem>>, vector<16xf32>,
      tpu.vector_store %arg4[%swap3A_113], %broadcast_in_dim3A_3 {strides = array<i32>} : memref<40960xf32, #tpu.memory_space<vmem>>, vector<16xf32>,
      %mul3A_115 = arith.constant 8 : i32
      %mul3A_116 = arith.muli %scan3A_98, %mul3A_115 : i32
      %add3A_117 = arith.constant 2 : i32
      %add3A_118 = arith.addi %mul3A_116, %add3A_117 : i32
      %mul3A_119 = arith.constant 16 : i32
      %mul3A_120 = arith.muli %add3A_118, %mul3A_119 : i32
      %swap3A_121 = arith.index_cast %mul3A_120 : i32 to index
      %swap3A_122 = tpu.vector_load %arg4[%swap3A_121] {strides = array<i32>} : memref<40960xf32, #tpu.memory_space<vmem>>, vector<16xf32>,
      tpu.vector_store %arg4[%swap3A_121], %broadcast_in_dim3A_3 {strides = array<i32>} : memref<40960xf32, #tpu.memory_space<vmem>>, vector<16xf32>,
      %mul3A_123 = arith.constant 8 : i32
      %mul3A_124 = arith.muli %scan3A_98, %mul3A_123 : i32
      %add3A_125 = arith.constant 3 : i32
      %add3A_126 = arith.addi %mul3A_124, %add3A_125 : i32
      %mul3A_127 = arith.constant 16 : i32
      %mul3A_128 = arith.muli %add3A_126, %mul3A_127 : i32
      %swap3A_129 = arith.index_cast %mul3A_128 : i32 to index
      %swap3A_130 = tpu.vector_load %arg4[%swap3A_129] {strides = array<i32>} : memref<40960xf32, #tpu.memory_space<vmem>>, vector<16xf32>,
      tpu.vector_store %arg4[%swap3A_129], %broadcast_in_dim3A_3 {strides = array<i32>} : memref<40960xf32, #tpu.memory_space<vmem>>, vector<16xf32>,
      %mul3A_131 = arith.constant 8 : i32
      %mul3A_132 = arith.muli %scan3A_98, %mul3A_131 : i32
      %add3A_133 = arith.constant 4 : i32
      %add3A_134 = arith.addi %mul3A_132, %add3A_133 : i32
      %mul3A_135 = arith.constant 16 : i32
      %mul3A_136 = arith.muli %add3A_134, %mul3A_135 : i32
      %swap3A_137 = arith.index_cast %mul3A_136 : i32 to index
      %swap3A_138 = tpu.vector_load %arg4[%swap3A_137] {strides = array<i32>} : memref<40960xf32, #tpu.memory_space<vmem>>, vector<16xf32>,
      tpu.vector_store %arg4[%swap3A_137], %broadcast_in_dim3A_3 {strides = array<i32>} : memref<40960xf32, #tpu.memory_space<vmem>>, vector<16xf32>,
      %mul3A_139 = arith.constant 8 : i32
      %mul3A_140 = arith.muli %scan3A_98, %mul3A_139 : i32
      %add3A_141 = arith.constant 5 : i32
      %add3A_142 = arith.addi %mul3A_140, %add3A_141 : i32
      %mul3A_143 = arith.constant 16 : i32
      %mul3A_144 = arith.muli %add3A_142, %mul3A_143 : i32
      %swap3A_145 = arith.index_cast %mul3A_144 : i32 to index
      %swap3A_146 = tpu.vector_load %arg4[%swap3A_145] {strides = array<i32>} : memref<40960xf32, #tpu.memory_space<vmem>>, vector<16xf32>,
      tpu.vector_store %arg4[%swap3A_145], %broadcast_in_dim3A_3 {strides = array<i32>} : memref<40960xf32, #tpu.memory_space<vmem>>, vector<16xf32>,
      %mul3A_147 = arith.constant 8 : i32
      %mul3A_148 = arith.muli %scan3A_98, %mul3A_147 : i32
      %add3A_149 = arith.constant 6 : i32
      %add3A_150 = arith.addi %mul3A_148, %add3A_149 : i32
      %mul3A_151 = arith.constant 16 : i32
      %mul3A_152 = arith.muli %add3A_150, %mul3A_151 : i32
      %swap3A_153 = arith.index_cast %mul3A_152 : i32 to index
      %swap3A_154 = tpu.vector_load %arg4[%swap3A_153] {strides = array<i32>} : memref<40960xf32, #tpu.memory_space<vmem>>, vector<16xf32>,
      tpu.vector_store %arg4[%swap3A_153], %broadcast_in_dim3A_3 {strides = array<i32>} : memref<40960xf32, #tpu.memory_space<vmem>>, vector<16xf32>,
      %mul3A_155 = arith.constant 8 : i32
      %mul3A_156 = arith.muli %scan3A_98, %mul3A_155 : i32
      %add3A_157 = arith.constant 7 : i32
      %add3A_158 = arith.addi %mul3A_156, %add3A_157 : i32
      %mul3A_159 = arith.constant 16 : i32
      %mul3A_160 = arith.muli %add3A_158, %mul3A_159 : i32
      %swap3A_161 = arith.index_cast %mul3A_160 : i32 to index
      %swap3A_162 = tpu.vector_load %arg4[%swap3A_161] {strides = array<i32>} : memref<40960xf32, #tpu.memory_space<vmem>>, vector<16xf32>,
      tpu.vector_store %arg4[%swap3A_161], %broadcast_in_dim3A_3 {strides = array<i32>} : memref<40960xf32, #tpu.memory_space<vmem>>, vector<16xf32>,
      %scan3A_163 = arith.constant 0 : i32
      scf.yield %scan3A_163 : i32
    }
    %scan3A_9 = arith.constant 320 : i32
    %mul3A_10 = arith.constant 19 : i32
    %mul3A_11 = arith.muli %add3A, %mul3A_10 : i32
    %add3A_12 = arith.constant 0 : i32
    %add3A_13 = arith.addi %mul3A_11, %add3A_12 : i32
    %jit3A = arith.constant 608 : i32
    %div3A = arith.divsi %add3A_13, %jit3A : i32
    %sign3A = arith.constant 0 : i32
    %sign3A_14 = arith.cmpi sgt, %add3A_13, %sign3A : i32
    %sign3A_15 = arith.extui %sign3A_14 : i1 to i32
    %sign3A_16 = arith.constant 0 : i32
    %sign3A_17 = arith.cmpi slt, %add3A_13, %sign3A_16 : i32
    %sign3A_18 = arith.extui %sign3A_17 : i1 to i32
    %sign3A_19 = arith.subi %sign3A_15, %sign3A_18 : i32
    %sign3A_20 = arith.constant 0 : i32
    %sign3A_21 = arith.cmpi sgt, %jit3A, %sign3A_20 : i32
    %sign3A_22 = arith.extui %sign3A_21 : i1 to i32
    %sign3A_23 = arith.constant 0 : i32
    %sign3A_24 = arith.cmpi slt, %jit3A, %sign3A_23 : i32
    %sign3A_25 = arith.extui %sign3A_24 : i1 to i32
    %sign3A_26 = arith.subi %sign3A_22, %sign3A_25 : i32
    %ne3A = arith.cmpi ne, %sign3A_19, %sign3A_26 : i32
    %rem3A = arith.remsi %add3A_13, %jit3A : i32
    %ne3A_27 = arith.constant 0 : i32
    %ne3A_28 = arith.cmpi ne, %rem3A, %ne3A_27 : i32
    %and3A = arith.andi %ne3A, %ne3A_28 : i1
    %sub3A = arith.constant 1 : i32
    %sub3A_29 = arith.subi %div3A, %sub3A : i32
    %select_n3A = arith.select %and3A, %sub3A_29, %div3A : i32
    %jit3A_30 = arith.constant 608 : i32
    %eq3A = arith.constant 0 : i32
    %eq3A_31 = arith.cmpi eq, %jit3A_30, %eq3A : i32
    %jit3A_32 = arith.constant 1 : i32
    %select_n3A_33 = arith.select %eq3A_31, %jit3A_32, %jit3A_30 : i32
    %rem3A_34 = arith.remsi %add3A_13, %select_n3A_33 : i32
    %ne3A_35 = arith.constant 0 : i32
    %ne3A_36 = arith.cmpi ne, %rem3A_34, %ne3A_35 : i32
    %lt3A = arith.constant 0 : i32
    %lt3A_37 = arith.cmpi slt, %rem3A_34, %lt3A : i32
    %lt3A_38 = arith.constant 0 : i32
    %lt3A_39 = arith.cmpi slt, %select_n3A_33, %lt3A_38 : i32
    %ne3A_40 = arith.xori %lt3A_37, %lt3A_39 : i1
    %and3A_41 = arith.andi %ne3A_40, %ne3A_36 : i1
    %add3A_42 = arith.addi %rem3A_34, %select_n3A_33 : i32
    %select_n3A_43 = arith.select %and3A_41, %add3A_42, %rem3A_34 : i32
    %jit3A_44 = arith.constant 32 : i32
    %div3A_45 = arith.divsi %select_n3A_43, %jit3A_44 : i32
    %sign3A_46 = arith.constant 0 : i32
    %sign3A_47 = arith.cmpi sgt, %select_n3A_43, %sign3A_46 : i32
    %sign3A_48 = arith.extui %sign3A_47 : i1 to i32
    %sign3A_49 = arith.constant 0 : i32
    %sign3A_50 = arith.cmpi slt, %select_n3A_43, %sign3A_49 : i32
    %sign3A_51 = arith.extui %sign3A_50 : i1 to i32
    %sign3A_52 = arith.subi %sign3A_48, %sign3A_51 : i32
    %sign3A_53 = arith.constant 0 : i32
    %sign3A_54 = arith.cmpi sgt, %jit3A_44, %sign3A_53 : i32
    %sign3A_55 = arith.extui %sign3A_54 : i1 to i32
    %sign3A_56 = arith.constant 0 : i32
    %sign3A_57 = arith.cmpi slt, %jit3A_44, %sign3A_56 : i32
    %sign3A_58 = arith.extui %sign3A_57 : i1 to i32
    %sign3A_59 = arith.subi %sign3A_55, %sign3A_58 : i32
    %ne3A_60 = arith.cmpi ne, %sign3A_52, %sign3A_59 : i32
    %rem3A_61 = arith.remsi %select_n3A_43, %jit3A_44 : i32
    %ne3A_62 = arith.constant 0 : i32
    %ne3A_63 = arith.cmpi ne, %rem3A_61, %ne3A_62 : i32
    %and3A_64 = arith.andi %ne3A_60, %ne3A_63 : i1
    %sub3A_65 = arith.constant 1 : i32
    %sub3A_66 = arith.subi %div3A_45, %sub3A_65 : i32
    %select_n3A_67 = arith.select %and3A_64, %sub3A_66, %div3A_45 : i32
    %jit3A_68 = arith.constant 32 : i32
    %eq3A_69 = arith.constant 0 : i32
    %eq3A_70 = arith.cmpi eq, %jit3A_68, %eq3A_69 : i32
    %jit3A_71 = arith.constant 1 : i32
    %select_n3A_72 = arith.select %eq3A_70, %jit3A_71, %jit3A_68 : i32
    %rem3A_73 = arith.remsi %select_n3A_43, %select_n3A_72 : i32
    %ne3A_74 = arith.constant 0 : i32
    %ne3A_75 = arith.cmpi ne, %rem3A_73, %ne3A_74 : i32
    %lt3A_76 = arith.constant 0 : i32
    %lt3A_77 = arith.cmpi slt, %rem3A_73, %lt3A_76 : i32
    %lt3A_78 = arith.constant 0 : i32
    %lt3A_79 = arith.cmpi slt, %select_n3A_72, %lt3A_78 : i32
    %ne3A_80 = arith.xori %lt3A_77, %lt3A_79 : i1
    %and3A_81 = arith.andi %ne3A_80, %ne3A_75 : i1
    %add3A_82 = arith.addi %rem3A_73, %select_n3A_72 : i32
    %select_n3A_83 = arith.select %and3A_81, %add3A_82, %rem3A_73 : i32
    %mul3A_84 = arith.constant 16 : i32
    %mul3A_85 = arith.muli %select_n3A_83, %mul3A_84 : i32
    %dma_start3A = arith.constant 0 : i32
    %dma_start3A_86 = tpu.memref_slice %arg2[%select_n3A, %select_n3A_67, %mul3A_85, %dma_start3A] : memref<1x19x512x512xi32, #tpu.memory_space<hbm>> -> memref<1x1x16x512xi32, #tpu.memory_space<hbm>>
    %dma_start3A_87 = tpu.memref_squeeze %dma_start3A_86 : memref<1x1x16x512xi32, #tpu.memory_space<hbm>> -> memref<16x512xi32, #tpu.memory_space<hbm>>
    %dma_start3A_88 = arith.constant 0 : i32
    %dma_start3A_89 = tpu.memref_slice %arg2[%select_n3A, %select_n3A_67, %mul3A_85, %dma_start3A_88] : memref<1x19x512x512xi32, #tpu.memory_space<hbm>> -> memref<1x1x16x512xi32, #tpu.memory_space<hbm>>
    %dma_start3A_90 = tpu.memref_squeeze %dma_start3A_89 : memref<1x1x16x512xi32, #tpu.memory_space<hbm>> -> memref<16x512xi32, #tpu.memory_space<hbm>>
    tpu.enqueue_dma source(%dma_start3A_90 : memref<16x512xi32, #tpu.memory_space<hbm>>) target(%arg5 : memref<16x512xi32, #tpu.memory_space<vmem>>) target_semaphore(%arg7 : memref<!tpu.dma_semaphore, #tpu.memory_space<semaphore_mem>>)
    %scan3A_91 = arith.constant 0 : i32
    %scan3A_92 = arith.constant 0 : i32
    %scan3A_93 = arith.constant 10 : i32
    %scan3A_94 = arith.addi %scan3A_92, %scan3A_93 : i32
    %scan3A_95 = arith.constant 1 : i32
    %scan3A_96 = scf.for %scan3A_98 = %scan3A_92 to %scan3A_94 step %scan3A_95 iter_args(%scan3A_99 = %scan3A_91) -> (i32)  : i32 {
      %mul3A_100 = arith.constant 2 : i32
      %mul3A_101 = arith.muli %scan3A_98, %mul3A_100 : i32
      %add3A_102 = arith.constant 0 : i32
      %add3A_103 = arith.addi %mul3A_101, %add3A_102 : i32
      %add3A_104 = arith.constant 1 : i32
      %add3A_105 = arith.addi %add3A_103, %add3A_104 : i32
      %lt3A_106 = arith.constant 19 : i32
      %lt3A_107 = arith.cmpi slt, %add3A_103, %lt3A_106 : i32
      %convert_element_type3A = arith.extui %lt3A_107 : i1 to i32
      %cond3A = arith.constant 0 : i32
      %cond3A_108 = arith.cmpi ne, %convert_element_type3A, %cond3A : i32
      scf.if %cond3A_108 {
        %lt3A_121 = arith.constant 19 : i32
        %lt3A_122 = arith.cmpi slt, %add3A_105, %lt3A_121 : i32
        %convert_element_type3A_123 = arith.extui %lt3A_122 : i1 to i32
        %cond3A_124 = arith.constant 0 : i32
        %cond3A_125 = arith.cmpi ne, %convert_element_type3A_123, %cond3A_124 : i32
        scf.if %cond3A_125 {
          %mul3A_223 = arith.constant 19 : i32
          %mul3A_224 = arith.muli %add3A, %mul3A_223 : i32
          %add3A_225 = arith.addi %mul3A_224, %add3A_105 : i32
          %jit3A_226 = arith.constant 608 : i32
          %div3A_227 = arith.divsi %add3A_225, %jit3A_226 : i32
          %sign3A_228 = arith.constant 0 : i32
          %sign3A_229 = arith.cmpi sgt, %add3A_225, %sign3A_228 : i32
          %sign3A_230 = arith.extui %sign3A_229 : i1 to i32
          %sign3A_231 = arith.constant 0 : i32
          %sign3A_232 = arith.cmpi slt, %add3A_225, %sign3A_231 : i32
          %sign3A_233 = arith.extui %sign3A_232 : i1 to i32
          %sign3A_234 = arith.subi %sign3A_230, %sign3A_233 : i32
          %sign3A_235 = arith.constant 0 : i32
          %sign3A_236 = arith.cmpi sgt, %jit3A_226, %sign3A_235 : i32
          %sign3A_237 = arith.extui %sign3A_236 : i1 to i32
          %sign3A_238 = arith.constant 0 : i32
          %sign3A_239 = arith.cmpi slt, %jit3A_226, %sign3A_238 : i32
          %sign3A_240 = arith.extui %sign3A_239 : i1 to i32
          %sign3A_241 = arith.subi %sign3A_237, %sign3A_240 : i32
          %ne3A_242 = arith.cmpi ne, %sign3A_234, %sign3A_241 : i32
          %rem3A_243 = arith.remsi %add3A_225, %jit3A_226 : i32
          %ne3A_244 = arith.constant 0 : i32
          %ne3A_245 = arith.cmpi ne, %rem3A_243, %ne3A_244 : i32
          %and3A_246 = arith.andi %ne3A_242, %ne3A_245 : i1
          %sub3A_247 = arith.constant 1 : i32
          %sub3A_248 = arith.subi %div3A_227, %sub3A_247 : i32
          %select_n3A_249 = arith.select %and3A_246, %sub3A_248, %div3A_227 : i32
          %jit3A_250 = arith.constant 608 : i32
          %eq3A_251 = arith.constant 0 : i32
          %eq3A_252 = arith.cmpi eq, %jit3A_250, %eq3A_251 : i32
          %jit3A_253 = arith.constant 1 : i32
          %select_n3A_254 = arith.select %eq3A_252, %jit3A_253, %jit3A_250 : i32
          %rem3A_255 = arith.remsi %add3A_225, %select_n3A_254 : i32
          %ne3A_256 = arith.constant 0 : i32
          %ne3A_257 = arith.cmpi ne, %rem3A_255, %ne3A_256 : i32
          %lt3A_258 = arith.constant 0 : i32
          %lt3A_259 = arith.cmpi slt, %rem3A_255, %lt3A_258 : i32
          %lt3A_260 = arith.constant 0 : i32
          %lt3A_261 = arith.cmpi slt, %select_n3A_254, %lt3A_260 : i32
          %ne3A_262 = arith.xori %lt3A_259, %lt3A_261 : i1
          %and3A_263 = arith.andi %ne3A_262, %ne3A_257 : i1
          %add3A_264 = arith.addi %rem3A_255, %select_n3A_254 : i32
          %select_n3A_265 = arith.select %and3A_263, %add3A_264, %rem3A_255 : i32
          %jit3A_266 = arith.constant 32 : i32
          %div3A_267 = arith.divsi %select_n3A_265, %jit3A_266 : i32
          %sign3A_268 = arith.constant 0 : i32
          %sign3A_269 = arith.cmpi sgt, %select_n3A_265, %sign3A_268 : i32
          %sign3A_270 = arith.extui %sign3A_269 : i1 to i32
          %sign3A_271 = arith.constant 0 : i32
          %sign3A_272 = arith.cmpi slt, %select_n3A_265, %sign3A_271 : i32
          %sign3A_273 = arith.extui %sign3A_272 : i1 to i32
          %sign3A_274 = arith.subi %sign3A_270, %sign3A_273 : i32
          %sign3A_275 = arith.constant 0 : i32
          %sign3A_276 = arith.cmpi sgt, %jit3A_266, %sign3A_275 : i32
          %sign3A_277 = arith.extui %sign3A_276 : i1 to i32
          %sign3A_278 = arith.constant 0 : i32
          %sign3A_279 = arith.cmpi slt, %jit3A_266, %sign3A_278 : i32
          %sign3A_280 = arith.extui %sign3A_279 : i1 to i32
          %sign3A_281 = arith.subi %sign3A_277, %sign3A_280 : i32
          %ne3A_282 = arith.cmpi ne, %sign3A_274, %sign3A_281 : i32
          %rem3A_283 = arith.remsi %select_n3A_265, %jit3A_266 : i32
          %ne3A_284 = arith.constant 0 : i32
          %ne3A_285 = arith.cmpi ne, %rem3A_283, %ne3A_284 : i32
          %and3A_286 = arith.andi %ne3A_282, %ne3A_285 : i1
          %sub3A_287 = arith.constant 1 : i32
          %sub3A_288 = arith.subi %div3A_267, %sub3A_287 : i32
          %select_n3A_289 = arith.select %and3A_286, %sub3A_288, %div3A_267 : i32
          %jit3A_290 = arith.constant 32 : i32
          %eq3A_291 = arith.constant 0 : i32
          %eq3A_292 = arith.cmpi eq, %jit3A_290, %eq3A_291 : i32
          %jit3A_293 = arith.constant 1 : i32
          %select_n3A_294 = arith.select %eq3A_292, %jit3A_293, %jit3A_290 : i32
          %rem3A_295 = arith.remsi %select_n3A_265, %select_n3A_294 : i32
          %ne3A_296 = arith.constant 0 : i32
          %ne3A_297 = arith.cmpi ne, %rem3A_295, %ne3A_296 : i32
          %lt3A_298 = arith.constant 0 : i32
          %lt3A_299 = arith.cmpi slt, %rem3A_295, %lt3A_298 : i32
          %lt3A_300 = arith.constant 0 : i32
          %lt3A_301 = arith.cmpi slt, %select_n3A_294, %lt3A_300 : i32
          %ne3A_302 = arith.xori %lt3A_299, %lt3A_301 : i1
          %and3A_303 = arith.andi %ne3A_302, %ne3A_297 : i1
          %add3A_304 = arith.addi %rem3A_295, %select_n3A_294 : i32
          %select_n3A_305 = arith.select %and3A_303, %add3A_304, %rem3A_295 : i32
          %mul3A_306 = arith.constant 16 : i32
          %mul3A_307 = arith.muli %select_n3A_305, %mul3A_306 : i32
          %dma_start3A_308 = arith.constant 0 : i32
          %dma_start3A_309 = tpu.memref_slice %arg2[%select_n3A_249, %select_n3A_289, %mul3A_307, %dma_start3A_308] : memref<1x19x512x512xi32, #tpu.memory_space<hbm>> -> memref<1x1x16x512xi32, #tpu.memory_space<hbm>>
          %dma_start3A_310 = tpu.memref_squeeze %dma_start3A_309 : memref<1x1x16x512xi32, #tpu.memory_space<hbm>> -> memref<16x512xi32, #tpu.memory_space<hbm>>
          %dma_start3A_311 = arith.constant 0 : i32
          %dma_start3A_312 = tpu.memref_slice %arg2[%select_n3A_249, %select_n3A_289, %mul3A_307, %dma_start3A_311] : memref<1x19x512x512xi32, #tpu.memory_space<hbm>> -> memref<1x1x16x512xi32, #tpu.memory_space<hbm>>
          %dma_start3A_313 = tpu.memref_squeeze %dma_start3A_312 : memref<1x1x16x512xi32, #tpu.memory_space<hbm>> -> memref<16x512xi32, #tpu.memory_space<hbm>>
          tpu.enqueue_dma source(%dma_start3A_313 : memref<16x512xi32, #tpu.memory_space<hbm>>) target(%arg6 : memref<16x512xi32, #tpu.memory_space<vmem>>) target_semaphore(%arg8 : memref<!tpu.dma_semaphore, #tpu.memory_space<semaphore_mem>>)
        } else {
        }
        %mul3A_126 = arith.constant 19 : i32
        %mul3A_127 = arith.muli %add3A, %mul3A_126 : i32
        %add3A_128 = arith.addi %mul3A_127, %add3A_103 : i32
        %jit3A_129 = arith.constant 608 : i32
        %div3A_130 = arith.divsi %add3A_128, %jit3A_129 : i32
        %sign3A_131 = arith.constant 0 : i32
        %sign3A_132 = arith.cmpi sgt, %add3A_128, %sign3A_131 : i32
        %sign3A_133 = arith.extui %sign3A_132 : i1 to i32
        %sign3A_134 = arith.constant 0 : i32
        %sign3A_135 = arith.cmpi slt, %add3A_128, %sign3A_134 : i32
        %sign3A_136 = arith.extui %sign3A_135 : i1 to i32
        %sign3A_137 = arith.subi %sign3A_133, %sign3A_136 : i32
        %sign3A_138 = arith.constant 0 : i32
        %sign3A_139 = arith.cmpi sgt, %jit3A_129, %sign3A_138 : i32
        %sign3A_140 = arith.extui %sign3A_139 : i1 to i32
        %sign3A_141 = arith.constant 0 : i32
        %sign3A_142 = arith.cmpi slt, %jit3A_129, %sign3A_141 : i32
        %sign3A_143 = arith.extui %sign3A_142 : i1 to i32
        %sign3A_144 = arith.subi %sign3A_140, %sign3A_143 : i32
        %ne3A_145 = arith.cmpi ne, %sign3A_137, %sign3A_144 : i32
        %rem3A_146 = arith.remsi %add3A_128, %jit3A_129 : i32
        %ne3A_147 = arith.constant 0 : i32
        %ne3A_148 = arith.cmpi ne, %rem3A_146, %ne3A_147 : i32
        %and3A_149 = arith.andi %ne3A_145, %ne3A_148 : i1
        %sub3A_150 = arith.constant 1 : i32
        %sub3A_151 = arith.subi %div3A_130, %sub3A_150 : i32
        %select_n3A_152 = arith.select %and3A_149, %sub3A_151, %div3A_130 : i32
        %jit3A_153 = arith.constant 608 : i32
        %eq3A_154 = arith.constant 0 : i32
        %eq3A_155 = arith.cmpi eq, %jit3A_153, %eq3A_154 : i32
        %jit3A_156 = arith.constant 1 : i32
        %select_n3A_157 = arith.select %eq3A_155, %jit3A_156, %jit3A_153 : i32
        %rem3A_158 = arith.remsi %add3A_128, %select_n3A_157 : i32
        %ne3A_159 = arith.constant 0 : i32
        %ne3A_160 = arith.cmpi ne, %rem3A_158, %ne3A_159 : i32
        %lt3A_161 = arith.constant 0 : i32
        %lt3A_162 = arith.cmpi slt, %rem3A_158, %lt3A_161 : i32
        %lt3A_163 = arith.constant 0 : i32
        %lt3A_164 = arith.cmpi slt, %select_n3A_157, %lt3A_163 : i32
        %ne3A_165 = arith.xori %lt3A_162, %lt3A_164 : i1
        %and3A_166 = arith.andi %ne3A_165, %ne3A_160 : i1
        %add3A_167 = arith.addi %rem3A_158, %select_n3A_157 : i32
        %select_n3A_168 = arith.select %and3A_166, %add3A_167, %rem3A_158 : i32
        %jit3A_169 = arith.constant 32 : i32
        %div3A_170 = arith.divsi %select_n3A_168, %jit3A_169 : i32
        %sign3A_171 = arith.constant 0 : i32
        %sign3A_172 = arith.cmpi sgt, %select_n3A_168, %sign3A_171 : i32
        %sign3A_173 = arith.extui %sign3A_172 : i1 to i32
        %sign3A_174 = arith.constant 0 : i32
        %sign3A_175 = arith.cmpi slt, %select_n3A_168, %sign3A_174 : i32
        %sign3A_176 = arith.extui %sign3A_175 : i1 to i32
        %sign3A_177 = arith.subi %sign3A_173, %sign3A_176 : i32
        %sign3A_178 = arith.constant 0 : i32
        %sign3A_179 = arith.cmpi sgt, %jit3A_169, %sign3A_178 : i32
        %sign3A_180 = arith.extui %sign3A_179 : i1 to i32
        %sign3A_181 = arith.constant 0 : i32
        %sign3A_182 = arith.cmpi slt, %jit3A_169, %sign3A_181 : i32
        %sign3A_183 = arith.extui %sign3A_182 : i1 to i32
        %sign3A_184 = arith.subi %sign3A_180, %sign3A_183 : i32
        %ne3A_185 = arith.cmpi ne, %sign3A_177, %sign3A_184 : i32
        %rem3A_186 = arith.remsi %select_n3A_168, %jit3A_169 : i32
        %ne3A_187 = arith.constant 0 : i32
        %ne3A_188 = arith.cmpi ne, %rem3A_186, %ne3A_187 : i32
        %and3A_189 = arith.andi %ne3A_185, %ne3A_188 : i1
        %sub3A_190 = arith.constant 1 : i32
        %sub3A_191 = arith.subi %div3A_170, %sub3A_190 : i32
        %select_n3A_192 = arith.select %and3A_189, %sub3A_191, %div3A_170 : i32
        %jit3A_193 = arith.constant 32 : i32
        %eq3A_194 = arith.constant 0 : i32
        %eq3A_195 = arith.cmpi eq, %jit3A_193, %eq3A_194 : i32
        %jit3A_196 = arith.constant 1 : i32
        %select_n3A_197 = arith.select %eq3A_195, %jit3A_196, %jit3A_193 : i32
        %rem3A_198 = arith.remsi %select_n3A_168, %select_n3A_197 : i32
        %ne3A_199 = arith.constant 0 : i32
        %ne3A_200 = arith.cmpi ne, %rem3A_198, %ne3A_199 : i32
        %lt3A_201 = arith.constant 0 : i32
        %lt3A_202 = arith.cmpi slt, %rem3A_198, %lt3A_201 : i32
        %lt3A_203 = arith.constant 0 : i32
        %lt3A_204 = arith.cmpi slt, %select_n3A_197, %lt3A_203 : i32
        %ne3A_205 = arith.xori %lt3A_202, %lt3A_204 : i1
        %and3A_206 = arith.andi %ne3A_205, %ne3A_200 : i1
        %add3A_207 = arith.addi %rem3A_198, %select_n3A_197 : i32
        %select_n3A_208 = arith.select %and3A_206, %add3A_207, %rem3A_198 : i32
        %mul3A_209 = arith.constant 16 : i32
        %mul3A_210 = arith.muli %select_n3A_208, %mul3A_209 : i32
        %dma_wait3A = arith.constant 0 : i32
        %dma_wait3A_211 = tpu.memref_slice %arg2[%select_n3A_152, %select_n3A_192, %mul3A_210, %dma_wait3A] : memref<1x19x512x512xi32, #tpu.memory_space<hbm>> -> memref<1x1x16x512xi32, #tpu.memory_space<hbm>>
        %dma_wait3A_212 = tpu.memref_squeeze %dma_wait3A_211 : memref<1x1x16x512xi32, #tpu.memory_space<hbm>> -> memref<16x512xi32, #tpu.memory_space<hbm>>
        %dma_wait3A_213 = arith.constant 0 : i32
        %dma_wait3A_214 = tpu.memref_slice %arg2[%select_n3A_152, %select_n3A_192, %mul3A_210, %dma_wait3A_213] : memref<1x19x512x512xi32, #tpu.memory_space<hbm>> -> memref<1x1x16x512xi32, #tpu.memory_space<hbm>>
        %dma_wait3A_215 = tpu.memref_squeeze %dma_wait3A_214 : memref<1x1x16x512xi32, #tpu.memory_space<hbm>> -> memref<16x512xi32, #tpu.memory_space<hbm>>
        tpu.wait_dma2 semaphore(%arg7 : memref<!tpu.dma_semaphore, #tpu.memory_space<semaphore_mem>>) src(%dma_wait3A_215 : memref<16x512xi32, #tpu.memory_space<hbm>>) dst(%arg5 : memref<16x512xi32, #tpu.memory_space<vmem>>)
        %scan3A_216 = arith.constant 0 : i32
        %scan3A_217 = arith.constant 0 : i32
        %scan3A_218 = arith.constant 16 : i32
        %scan3A_219 = arith.addi %scan3A_217, %scan3A_218 : i32
        %scan3A_220 = arith.constant 1 : i32
        %scan3A_221 = scf.for %scan3A_223 = %scan3A_217 to %scan3A_219 step %scan3A_220 iter_args(%scan3A_224 = %scan3A_216) -> (i32)  : i32 {
          %get3A = arith.index_cast %scan3A_223 : i32 to index
          %get3A_225 = arith.constant 0 : index
          %get3A_226 = tpu.vector_load %arg5[%get3A, %get3A_225] {strides = array<i32>} : memref<16x512xi32, #tpu.memory_space<vmem>>, vector<16xi32>,
          tpu.vector_store_idx %arg4[%get3A_226], %broadcast_in_dim3A_1 {add = true} : memref<40960xf32, #tpu.memory_space<vmem>>[vector<16xi32>], vector<16xf32>,
          %get3A_227 = arith.index_cast %scan3A_223 : i32 to index
          %get3A_228 = arith.constant 16 : index
          %get3A_229 = tpu.vector_load %arg5[%get3A_227, %get3A_228] {strides = array<i32>} : memref<16x512xi32, #tpu.memory_space<vmem>>, vector<16xi32>,
          tpu.vector_store_idx %arg4[%get3A_229], %broadcast_in_dim3A_1 {add = true} : memref<40960xf32, #tpu.memory_space<vmem>>[vector<16xi32>], vector<16xf32>,
          %get3A_230 = arith.index_cast %scan3A_223 : i32 to index
          %get3A_231 = arith.constant 32 : index
          %get3A_232 = tpu.vector_load %arg5[%get3A_230, %get3A_231] {strides = array<i32>} : memref<16x512xi32, #tpu.memory_space<vmem>>, vector<16xi32>,
          tpu.vector_store_idx %arg4[%get3A_232], %broadcast_in_dim3A_1 {add = true} : memref<40960xf32, #tpu.memory_space<vmem>>[vector<16xi32>], vector<16xf32>,
          %get3A_233 = arith.index_cast %scan3A_223 : i32 to index
          %get3A_234 = arith.constant 48 : index
          %get3A_235 = tpu.vector_load %arg5[%get3A_233, %get3A_234] {strides = array<i32>} : memref<16x512xi32, #tpu.memory_space<vmem>>, vector<16xi32>,
          tpu.vector_store_idx %arg4[%get3A_235], %broadcast_in_dim3A_1 {add = true} : memref<40960xf32, #tpu.memory_space<vmem>>[vector<16xi32>], vector<16xf32>,
          %get3A_236 = arith.index_cast %scan3A_223 : i32 to index
          %get3A_237 = arith.constant 64 : index
          %get3A_238 = tpu.vector_load %arg5[%get3A_236, %get3A_237] {strides = array<i32>} : memref<16x512xi32, #tpu.memory_space<vmem>>, vector<16xi32>,
          tpu.vector_store_idx %arg4[%get3A_238], %broadcast_in_dim3A_1 {add = true} : memref<40960xf32, #tpu.memory_space<vmem>>[vector<16xi32>], vector<16xf32>,
          %get3A_239 = arith.index_cast %scan3A_223 : i32 to index
          %get3A_240 = arith.constant 80 : index
          %get3A_241 = tpu.vector_load %arg5[%get3A_239, %get3A_240] {strides = array<i32>} : memref<16x512xi32, #tpu.memory_space<vmem>>, vector<16xi32>,
          tpu.vector_store_idx %arg4[%get3A_241], %broadcast_in_dim3A_1 {add = true} : memref<40960xf32, #tpu.memory_space<vmem>>[vector<16xi32>], vector<16xf32>,
          %get3A_242 = arith.index_cast %scan3A_223 : i32 to index
          %get3A_243 = arith.constant 96 : index
          %get3A_244 = tpu.vector_load %arg5[%get3A_242, %get3A_243] {strides = array<i32>} : memref<16x512xi32, #tpu.memory_space<vmem>>, vector<16xi32>,
          tpu.vector_store_idx %arg4[%get3A_244], %broadcast_in_dim3A_1 {add = true} : memref<40960xf32, #tpu.memory_space<vmem>>[vector<16xi32>], vector<16xf32>,
          %get3A_245 = arith.index_cast %scan3A_223 : i32 to index
          %get3A_246 = arith.constant 112 : index
          %get3A_247 = tpu.vector_load %arg5[%get3A_245, %get3A_246] {strides = array<i32>} : memref<16x512xi32, #tpu.memory_space<vmem>>, vector<16xi32>,
          tpu.vector_store_idx %arg4[%get3A_247], %broadcast_in_dim3A_1 {add = true} : memref<40960xf32, #tpu.memory_space<vmem>>[vector<16xi32>], vector<16xf32>,
          %get3A_248 = arith.index_cast %scan3A_223 : i32 to index
          %get3A_249 = arith.constant 128 : index
          %get3A_250 = tpu.vector_load %arg5[%get3A_248, %get3A_249] {strides = array<i32>} : memref<16x512xi32, #tpu.memory_space<vmem>>, vector<16xi32>,
          tpu.vector_store_idx %arg4[%get3A_250], %broadcast_in_dim3A_1 {add = true} : memref<40960xf32, #tpu.memory_space<vmem>>[vector<16xi32>], vector<16xf32>,
          %get3A_251 = arith.index_cast %scan3A_223 : i32 to index
          %get3A_252 = arith.constant 144 : index
          %get3A_253 = tpu.vector_load %arg5[%get3A_251, %get3A_252] {strides = array<i32>} : memref<16x512xi32, #tpu.memory_space<vmem>>, vector<16xi32>,
          tpu.vector_store_idx %arg4[%get3A_253], %broadcast_in_dim3A_1 {add = true} : memref<40960xf32, #tpu.memory_space<vmem>>[vector<16xi32>], vector<16xf32>,
          %get3A_254 = arith.index_cast %scan3A_223 : i32 to index
          %get3A_255 = arith.constant 160 : index
          %get3A_256 = tpu.vector_load %arg5[%get3A_254, %get3A_255] {strides = array<i32>} : memref<16x512xi32, #tpu.memory_space<vmem>>, vector<16xi32>,
          tpu.vector_store_idx %arg4[%get3A_256], %broadcast_in_dim3A_1 {add = true} : memref<40960xf32, #tpu.memory_space<vmem>>[vector<16xi32>], vector<16xf32>,
          %get3A_257 = arith.index_cast %scan3A_223 : i32 to index
          %get3A_258 = arith.constant 176 : index
          %get3A_259 = tpu.vector_load %arg5[%get3A_257, %get3A_258] {strides = array<i32>} : memref<16x512xi32, #tpu.memory_space<vmem>>, vector<16xi32>,
          tpu.vector_store_idx %arg4[%get3A_259], %broadcast_in_dim3A_1 {add = true} : memref<40960xf32, #tpu.memory_space<vmem>>[vector<16xi32>], vector<16xf32>,
          %get3A_260 = arith.index_cast %scan3A_223 : i32 to index
          %get3A_261 = arith.constant 192 : index
          %get3A_262 = tpu.vector_load %arg5[%get3A_260, %get3A_261] {strides = array<i32>} : memref<16x512xi32, #tpu.memory_space<vmem>>, vector<16xi32>,
          tpu.vector_store_idx %arg4[%get3A_262], %broadcast_in_dim3A_1 {add = true} : memref<40960xf32, #tpu.memory_space<vmem>>[vector<16xi32>], vector<16xf32>,
          %get3A_263 = arith.index_cast %scan3A_223 : i32 to index
          %get3A_264 = arith.constant 208 : index
          %get3A_265 = tpu.vector_load %arg5[%get3A_263, %get3A_264] {strides = array<i32>} : memref<16x512xi32, #tpu.memory_space<vmem>>, vector<16xi32>,
          tpu.vector_store_idx %arg4[%get3A_265], %broadcast_in_dim3A_1 {add = true} : memref<40960xf32, #tpu.memory_space<vmem>>[vector<16xi32>], vector<16xf32>,
          %get3A_266 = arith.index_cast %scan3A_223 : i32 to index
          %get3A_267 = arith.constant 224 : index
          %get3A_268 = tpu.vector_load %arg5[%get3A_266, %get3A_267] {strides = array<i32>} : memref<16x512xi32, #tpu.memory_space<vmem>>, vector<16xi32>,
          tpu.vector_store_idx %arg4[%get3A_268], %broadcast_in_dim3A_1 {add = true} : memref<40960xf32, #tpu.memory_space<vmem>>[vector<16xi32>], vector<16xf32>,
          %get3A_269 = arith.index_cast %scan3A_223 : i32 to index
          %get3A_270 = arith.constant 240 : index
          %get3A_271 = tpu.vector_load %arg5[%get3A_269, %get3A_270] {strides = array<i32>} : memref<16x512xi32, #tpu.memory_space<vmem>>, vector<16xi32>,
          tpu.vector_store_idx %arg4[%get3A_271], %broadcast_in_dim3A_1 {add = true} : memref<40960xf32, #tpu.memory_space<vmem>>[vector<16xi32>], vector<16xf32>,
          %get3A_272 = arith.index_cast %scan3A_223 : i32 to index
          %get3A_273 = arith.constant 256 : index
          %get3A_274 = tpu.vector_load %arg5[%get3A_272, %get3A_273] {strides = array<i32>} : memref<16x512xi32, #tpu.memory_space<vmem>>, vector<16xi32>,
          tpu.vector_store_idx %arg4[%get3A_274], %broadcast_in_dim3A_1 {add = true} : memref<40960xf32, #tpu.memory_space<vmem>>[vector<16xi32>], vector<16xf32>,
          %get3A_275 = arith.index_cast %scan3A_223 : i32 to index
          %get3A_276 = arith.constant 272 : index
          %get3A_277 = tpu.vector_load %arg5[%get3A_275, %get3A_276] {strides = array<i32>} : memref<16x512xi32, #tpu.memory_space<vmem>>, vector<16xi32>,
          tpu.vector_store_idx %arg4[%get3A_277], %broadcast_in_dim3A_1 {add = true} : memref<40960xf32, #tpu.memory_space<vmem>>[vector<16xi32>], vector<16xf32>,
          %get3A_278 = arith.index_cast %scan3A_223 : i32 to index
          %get3A_279 = arith.constant 288 : index
          %get3A_280 = tpu.vector_load %arg5[%get3A_278, %get3A_279] {strides = array<i32>} : memref<16x512xi32, #tpu.memory_space<vmem>>, vector<16xi32>,
          tpu.vector_store_idx %arg4[%get3A_280], %broadcast_in_dim3A_1 {add = true} : memref<40960xf32, #tpu.memory_space<vmem>>[vector<16xi32>], vector<16xf32>,
          %get3A_281 = arith.index_cast %scan3A_223 : i32 to index
          %get3A_282 = arith.constant 304 : index
          %get3A_283 = tpu.vector_load %arg5[%get3A_281, %get3A_282] {strides = array<i32>} : memref<16x512xi32, #tpu.memory_space<vmem>>, vector<16xi32>,
          tpu.vector_store_idx %arg4[%get3A_283], %broadcast_in_dim3A_1 {add = true} : memref<40960xf32, #tpu.memory_space<vmem>>[vector<16xi32>], vector<16xf32>,
          %get3A_284 = arith.index_cast %scan3A_223 : i32 to index
          %get3A_285 = arith.constant 320 : index
          %get3A_286 = tpu.vector_load %arg5[%get3A_284, %get3A_285] {strides = array<i32>} : memref<16x512xi32, #tpu.memory_space<vmem>>, vector<16xi32>,
          tpu.vector_store_idx %arg4[%get3A_286], %broadcast_in_dim3A_1 {add = true} : memref<40960xf32, #tpu.memory_space<vmem>>[vector<16xi32>], vector<16xf32>,
          %get3A_287 = arith.index_cast %scan3A_223 : i32 to index
          %get3A_288 = arith.constant 336 : index
          %get3A_289 = tpu.vector_load %arg5[%get3A_287, %get3A_288] {strides = array<i32>} : memref<16x512xi32, #tpu.memory_space<vmem>>, vector<16xi32>,
          tpu.vector_store_idx %arg4[%get3A_289], %broadcast_in_dim3A_1 {add = true} : memref<40960xf32, #tpu.memory_space<vmem>>[vector<16xi32>], vector<16xf32>,
          %get3A_290 = arith.index_cast %scan3A_223 : i32 to index
          %get3A_291 = arith.constant 352 : index
          %get3A_292 = tpu.vector_load %arg5[%get3A_290, %get3A_291] {strides = array<i32>} : memref<16x512xi32, #tpu.memory_space<vmem>>, vector<16xi32>,
          tpu.vector_store_idx %arg4[%get3A_292], %broadcast_in_dim3A_1 {add = true} : memref<40960xf32, #tpu.memory_space<vmem>>[vector<16xi32>], vector<16xf32>,
          %get3A_293 = arith.index_cast %scan3A_223 : i32 to index
          %get3A_294 = arith.constant 368 : index
          %get3A_295 = tpu.vector_load %arg5[%get3A_293, %get3A_294] {strides = array<i32>} : memref<16x512xi32, #tpu.memory_space<vmem>>, vector<16xi32>,
          tpu.vector_store_idx %arg4[%get3A_295], %broadcast_in_dim3A_1 {add = true} : memref<40960xf32, #tpu.memory_space<vmem>>[vector<16xi32>], vector<16xf32>,
          %get3A_296 = arith.index_cast %scan3A_223 : i32 to index
          %get3A_297 = arith.constant 384 : index
          %get3A_298 = tpu.vector_load %arg5[%get3A_296, %get3A_297] {strides = array<i32>} : memref<16x512xi32, #tpu.memory_space<vmem>>, vector<16xi32>,
          tpu.vector_store_idx %arg4[%get3A_298], %broadcast_in_dim3A_1 {add = true} : memref<40960xf32, #tpu.memory_space<vmem>>[vector<16xi32>], vector<16xf32>,
          %get3A_299 = arith.index_cast %scan3A_223 : i32 to index
          %get3A_300 = arith.constant 400 : index
          %get3A_301 = tpu.vector_load %arg5[%get3A_299, %get3A_300] {strides = array<i32>} : memref<16x512xi32, #tpu.memory_space<vmem>>, vector<16xi32>,
          tpu.vector_store_idx %arg4[%get3A_301], %broadcast_in_dim3A_1 {add = true} : memref<40960xf32, #tpu.memory_space<vmem>>[vector<16xi32>], vector<16xf32>,
          %get3A_302 = arith.index_cast %scan3A_223 : i32 to index
          %get3A_303 = arith.constant 416 : index
          %get3A_304 = tpu.vector_load %arg5[%get3A_302, %get3A_303] {strides = array<i32>} : memref<16x512xi32, #tpu.memory_space<vmem>>, vector<16xi32>,
          tpu.vector_store_idx %arg4[%get3A_304], %broadcast_in_dim3A_1 {add = true} : memref<40960xf32, #tpu.memory_space<vmem>>[vector<16xi32>], vector<16xf32>,
          %get3A_305 = arith.index_cast %scan3A_223 : i32 to index
          %get3A_306 = arith.constant 432 : index
          %get3A_307 = tpu.vector_load %arg5[%get3A_305, %get3A_306] {strides = array<i32>} : memref<16x512xi32, #tpu.memory_space<vmem>>, vector<16xi32>,
          tpu.vector_store_idx %arg4[%get3A_307], %broadcast_in_dim3A_1 {add = true} : memref<40960xf32, #tpu.memory_space<vmem>>[vector<16xi32>], vector<16xf32>,
          %get3A_308 = arith.index_cast %scan3A_223 : i32 to index
          %get3A_309 = arith.constant 448 : index
          %get3A_310 = tpu.vector_load %arg5[%get3A_308, %get3A_309] {strides = array<i32>} : memref<16x512xi32, #tpu.memory_space<vmem>>, vector<16xi32>,
          tpu.vector_store_idx %arg4[%get3A_310], %broadcast_in_dim3A_1 {add = true} : memref<40960xf32, #tpu.memory_space<vmem>>[vector<16xi32>], vector<16xf32>,
          %get3A_311 = arith.index_cast %scan3A_223 : i32 to index
          %get3A_312 = arith.constant 464 : index
          %get3A_313 = tpu.vector_load %arg5[%get3A_311, %get3A_312] {strides = array<i32>} : memref<16x512xi32, #tpu.memory_space<vmem>>, vector<16xi32>,
          tpu.vector_store_idx %arg4[%get3A_313], %broadcast_in_dim3A_1 {add = true} : memref<40960xf32, #tpu.memory_space<vmem>>[vector<16xi32>], vector<16xf32>,
          %get3A_314 = arith.index_cast %scan3A_223 : i32 to index
          %get3A_315 = arith.constant 480 : index
          %get3A_316 = tpu.vector_load %arg5[%get3A_314, %get3A_315] {strides = array<i32>} : memref<16x512xi32, #tpu.memory_space<vmem>>, vector<16xi32>,
          tpu.vector_store_idx %arg4[%get3A_316], %broadcast_in_dim3A_1 {add = true} : memref<40960xf32, #tpu.memory_space<vmem>>[vector<16xi32>], vector<16xf32>,
          %get3A_317 = arith.index_cast %scan3A_223 : i32 to index
          %get3A_318 = arith.constant 496 : index
          %get3A_319 = tpu.vector_load %arg5[%get3A_317, %get3A_318] {strides = array<i32>} : memref<16x512xi32, #tpu.memory_space<vmem>>, vector<16xi32>,
          tpu.vector_store_idx %arg4[%get3A_319], %broadcast_in_dim3A_1 {add = true} : memref<40960xf32, #tpu.memory_space<vmem>>[vector<16xi32>], vector<16xf32>,
          %scan3A_320 = arith.constant 0 : i32
          scf.yield %scan3A_320 : i32
        }
        %scan3A_222 = arith.constant 16 : i32
      } else {
      }
      %mul3A_109 = arith.constant 2 : i32
      %mul3A_110 = arith.muli %scan3A_98, %mul3A_109 : i32
      %add3A_111 = arith.constant 1 : i32
      %add3A_112 = arith.addi %mul3A_110, %add3A_111 : i32
      %add3A_113 = arith.constant 1 : i32
      %add3A_114 = arith.addi %add3A_112, %add3A_113 : i32
      %lt3A_115 = arith.constant 19 : i32
      %lt3A_116 = arith.cmpi slt, %add3A_112, %lt3A_115 : i32
      %convert_element_type3A_117 = arith.extui %lt3A_116 : i1 to i32
      %cond3A_118 = arith.constant 0 : i32
      %cond3A_119 = arith.cmpi ne, %convert_element_type3A_117, %cond3A_118 : i32
      scf.if %cond3A_119 {
        %lt3A_121 = arith.constant 19 : i32
        %lt3A_122 = arith.cmpi slt, %add3A_114, %lt3A_121 : i32
        %convert_element_type3A_123 = arith.extui %lt3A_122 : i1 to i32
        %cond3A_124 = arith.constant 0 : i32
        %cond3A_125 = arith.cmpi ne, %convert_element_type3A_123, %cond3A_124 : i32
        scf.if %cond3A_125 {
          %mul3A_223 = arith.constant 19 : i32
          %mul3A_224 = arith.muli %add3A, %mul3A_223 : i32
          %add3A_225 = arith.addi %mul3A_224, %add3A_114 : i32
          %jit3A_226 = arith.constant 608 : i32
          %div3A_227 = arith.divsi %add3A_225, %jit3A_226 : i32
          %sign3A_228 = arith.constant 0 : i32
          %sign3A_229 = arith.cmpi sgt, %add3A_225, %sign3A_228 : i32
          %sign3A_230 = arith.extui %sign3A_229 : i1 to i32
          %sign3A_231 = arith.constant 0 : i32
          %sign3A_232 = arith.cmpi slt, %add3A_225, %sign3A_231 : i32
          %sign3A_233 = arith.extui %sign3A_232 : i1 to i32
          %sign3A_234 = arith.subi %sign3A_230, %sign3A_233 : i32
          %sign3A_235 = arith.constant 0 : i32
          %sign3A_236 = arith.cmpi sgt, %jit3A_226, %sign3A_235 : i32
          %sign3A_237 = arith.extui %sign3A_236 : i1 to i32
          %sign3A_238 = arith.constant 0 : i32
          %sign3A_239 = arith.cmpi slt, %jit3A_226, %sign3A_238 : i32
          %sign3A_240 = arith.extui %sign3A_239 : i1 to i32
          %sign3A_241 = arith.subi %sign3A_237, %sign3A_240 : i32
          %ne3A_242 = arith.cmpi ne, %sign3A_234, %sign3A_241 : i32
          %rem3A_243 = arith.remsi %add3A_225, %jit3A_226 : i32
          %ne3A_244 = arith.constant 0 : i32
          %ne3A_245 = arith.cmpi ne, %rem3A_243, %ne3A_244 : i32
          %and3A_246 = arith.andi %ne3A_242, %ne3A_245 : i1
          %sub3A_247 = arith.constant 1 : i32
          %sub3A_248 = arith.subi %div3A_227, %sub3A_247 : i32
          %select_n3A_249 = arith.select %and3A_246, %sub3A_248, %div3A_227 : i32
          %jit3A_250 = arith.constant 608 : i32
          %eq3A_251 = arith.constant 0 : i32
          %eq3A_252 = arith.cmpi eq, %jit3A_250, %eq3A_251 : i32
          %jit3A_253 = arith.constant 1 : i32
          %select_n3A_254 = arith.select %eq3A_252, %jit3A_253, %jit3A_250 : i32
          %rem3A_255 = arith.remsi %add3A_225, %select_n3A_254 : i32
          %ne3A_256 = arith.constant 0 : i32
          %ne3A_257 = arith.cmpi ne, %rem3A_255, %ne3A_256 : i32
          %lt3A_258 = arith.constant 0 : i32
          %lt3A_259 = arith.cmpi slt, %rem3A_255, %lt3A_258 : i32
          %lt3A_260 = arith.constant 0 : i32
          %lt3A_261 = arith.cmpi slt, %select_n3A_254, %lt3A_260 : i32
          %ne3A_262 = arith.xori %lt3A_259, %lt3A_261 : i1
          %and3A_263 = arith.andi %ne3A_262, %ne3A_257 : i1
          %add3A_264 = arith.addi %rem3A_255, %select_n3A_254 : i32
          %select_n3A_265 = arith.select %and3A_263, %add3A_264, %rem3A_255 : i32
          %jit3A_266 = arith.constant 32 : i32
          %div3A_267 = arith.divsi %select_n3A_265, %jit3A_266 : i32
          %sign3A_268 = arith.constant 0 : i32
          %sign3A_269 = arith.cmpi sgt, %select_n3A_265, %sign3A_268 : i32
          %sign3A_270 = arith.extui %sign3A_269 : i1 to i32
          %sign3A_271 = arith.constant 0 : i32
          %sign3A_272 = arith.cmpi slt, %select_n3A_265, %sign3A_271 : i32
          %sign3A_273 = arith.extui %sign3A_272 : i1 to i32
          %sign3A_274 = arith.subi %sign3A_270, %sign3A_273 : i32
          %sign3A_275 = arith.constant 0 : i32
          %sign3A_276 = arith.cmpi sgt, %jit3A_266, %sign3A_275 : i32
          %sign3A_277 = arith.extui %sign3A_276 : i1 to i32
          %sign3A_278 = arith.constant 0 : i32
          %sign3A_279 = arith.cmpi slt, %jit3A_266, %sign3A_278 : i32
          %sign3A_280 = arith.extui %sign3A_279 : i1 to i32
          %sign3A_281 = arith.subi %sign3A_277, %sign3A_280 : i32
          %ne3A_282 = arith.cmpi ne, %sign3A_274, %sign3A_281 : i32
          %rem3A_283 = arith.remsi %select_n3A_265, %jit3A_266 : i32
          %ne3A_284 = arith.constant 0 : i32
          %ne3A_285 = arith.cmpi ne, %rem3A_283, %ne3A_284 : i32
          %and3A_286 = arith.andi %ne3A_282, %ne3A_285 : i1
          %sub3A_287 = arith.constant 1 : i32
          %sub3A_288 = arith.subi %div3A_267, %sub3A_287 : i32
          %select_n3A_289 = arith.select %and3A_286, %sub3A_288, %div3A_267 : i32
          %jit3A_290 = arith.constant 32 : i32
          %eq3A_291 = arith.constant 0 : i32
          %eq3A_292 = arith.cmpi eq, %jit3A_290, %eq3A_291 : i32
          %jit3A_293 = arith.constant 1 : i32
          %select_n3A_294 = arith.select %eq3A_292, %jit3A_293, %jit3A_290 : i32
          %rem3A_295 = arith.remsi %select_n3A_265, %select_n3A_294 : i32
          %ne3A_296 = arith.constant 0 : i32
          %ne3A_297 = arith.cmpi ne, %rem3A_295, %ne3A_296 : i32
          %lt3A_298 = arith.constant 0 : i32
          %lt3A_299 = arith.cmpi slt, %rem3A_295, %lt3A_298 : i32
          %lt3A_300 = arith.constant 0 : i32
          %lt3A_301 = arith.cmpi slt, %select_n3A_294, %lt3A_300 : i32
          %ne3A_302 = arith.xori %lt3A_299, %lt3A_301 : i1
          %and3A_303 = arith.andi %ne3A_302, %ne3A_297 : i1
          %add3A_304 = arith.addi %rem3A_295, %select_n3A_294 : i32
          %select_n3A_305 = arith.select %and3A_303, %add3A_304, %rem3A_295 : i32
          %mul3A_306 = arith.constant 16 : i32
          %mul3A_307 = arith.muli %select_n3A_305, %mul3A_306 : i32
          %dma_start3A_308 = arith.constant 0 : i32
          %dma_start3A_309 = tpu.memref_slice %arg2[%select_n3A_249, %select_n3A_289, %mul3A_307, %dma_start3A_308] : memref<1x19x512x512xi32, #tpu.memory_space<hbm>> -> memref<1x1x16x512xi32, #tpu.memory_space<hbm>>
          %dma_start3A_310 = tpu.memref_squeeze %dma_start3A_309 : memref<1x1x16x512xi32, #tpu.memory_space<hbm>> -> memref<16x512xi32, #tpu.memory_space<hbm>>
          %dma_start3A_311 = arith.constant 0 : i32
          %dma_start3A_312 = tpu.memref_slice %arg2[%select_n3A_249, %select_n3A_289, %mul3A_307, %dma_start3A_311] : memref<1x19x512x512xi32, #tpu.memory_space<hbm>> -> memref<1x1x16x512xi32, #tpu.memory_space<hbm>>
          %dma_start3A_313 = tpu.memref_squeeze %dma_start3A_312 : memref<1x1x16x512xi32, #tpu.memory_space<hbm>> -> memref<16x512xi32, #tpu.memory_space<hbm>>
          tpu.enqueue_dma source(%dma_start3A_313 : memref<16x512xi32, #tpu.memory_space<hbm>>) target(%arg5 : memref<16x512xi32, #tpu.memory_space<vmem>>) target_semaphore(%arg7 : memref<!tpu.dma_semaphore, #tpu.memory_space<semaphore_mem>>)
        } else {
        }
        %mul3A_126 = arith.constant 19 : i32
        %mul3A_127 = arith.muli %add3A, %mul3A_126 : i32
        %add3A_128 = arith.addi %mul3A_127, %add3A_112 : i32
        %jit3A_129 = arith.constant 608 : i32
        %div3A_130 = arith.divsi %add3A_128, %jit3A_129 : i32
        %sign3A_131 = arith.constant 0 : i32
        %sign3A_132 = arith.cmpi sgt, %add3A_128, %sign3A_131 : i32
        %sign3A_133 = arith.extui %sign3A_132 : i1 to i32
        %sign3A_134 = arith.constant 0 : i32
        %sign3A_135 = arith.cmpi slt, %add3A_128, %sign3A_134 : i32
        %sign3A_136 = arith.extui %sign3A_135 : i1 to i32
        %sign3A_137 = arith.subi %sign3A_133, %sign3A_136 : i32
        %sign3A_138 = arith.constant 0 : i32
        %sign3A_139 = arith.cmpi sgt, %jit3A_129, %sign3A_138 : i32
        %sign3A_140 = arith.extui %sign3A_139 : i1 to i32
        %sign3A_141 = arith.constant 0 : i32
        %sign3A_142 = arith.cmpi slt, %jit3A_129, %sign3A_141 : i32
        %sign3A_143 = arith.extui %sign3A_142 : i1 to i32
        %sign3A_144 = arith.subi %sign3A_140, %sign3A_143 : i32
        %ne3A_145 = arith.cmpi ne, %sign3A_137, %sign3A_144 : i32
        %rem3A_146 = arith.remsi %add3A_128, %jit3A_129 : i32
        %ne3A_147 = arith.constant 0 : i32
        %ne3A_148 = arith.cmpi ne, %rem3A_146, %ne3A_147 : i32
        %and3A_149 = arith.andi %ne3A_145, %ne3A_148 : i1
        %sub3A_150 = arith.constant 1 : i32
        %sub3A_151 = arith.subi %div3A_130, %sub3A_150 : i32
        %select_n3A_152 = arith.select %and3A_149, %sub3A_151, %div3A_130 : i32
        %jit3A_153 = arith.constant 608 : i32
        %eq3A_154 = arith.constant 0 : i32
        %eq3A_155 = arith.cmpi eq, %jit3A_153, %eq3A_154 : i32
        %jit3A_156 = arith.constant 1 : i32
        %select_n3A_157 = arith.select %eq3A_155, %jit3A_156, %jit3A_153 : i32
        %rem3A_158 = arith.remsi %add3A_128, %select_n3A_157 : i32
        %ne3A_159 = arith.constant 0 : i32
        %ne3A_160 = arith.cmpi ne, %rem3A_158, %ne3A_159 : i32
        %lt3A_161 = arith.constant 0 : i32
        %lt3A_162 = arith.cmpi slt, %rem3A_158, %lt3A_161 : i32
        %lt3A_163 = arith.constant 0 : i32
        %lt3A_164 = arith.cmpi slt, %select_n3A_157, %lt3A_163 : i32
        %ne3A_165 = arith.xori %lt3A_162, %lt3A_164 : i1
        %and3A_166 = arith.andi %ne3A_165, %ne3A_160 : i1
        %add3A_167 = arith.addi %rem3A_158, %select_n3A_157 : i32
        %select_n3A_168 = arith.select %and3A_166, %add3A_167, %rem3A_158 : i32
        %jit3A_169 = arith.constant 32 : i32
        %div3A_170 = arith.divsi %select_n3A_168, %jit3A_169 : i32
        %sign3A_171 = arith.constant 0 : i32
        %sign3A_172 = arith.cmpi sgt, %select_n3A_168, %sign3A_171 : i32
        %sign3A_173 = arith.extui %sign3A_172 : i1 to i32
        %sign3A_174 = arith.constant 0 : i32
        %sign3A_175 = arith.cmpi slt, %select_n3A_168, %sign3A_174 : i32
        %sign3A_176 = arith.extui %sign3A_175 : i1 to i32
        %sign3A_177 = arith.subi %sign3A_173, %sign3A_176 : i32
        %sign3A_178 = arith.constant 0 : i32
        %sign3A_179 = arith.cmpi sgt, %jit3A_169, %sign3A_178 : i32
        %sign3A_180 = arith.extui %sign3A_179 : i1 to i32
        %sign3A_181 = arith.constant 0 : i32
        %sign3A_182 = arith.cmpi slt, %jit3A_169, %sign3A_181 : i32
        %sign3A_183 = arith.extui %sign3A_182 : i1 to i32
        %sign3A_184 = arith.subi %sign3A_180, %sign3A_183 : i32
        %ne3A_185 = arith.cmpi ne, %sign3A_177, %sign3A_184 : i32
        %rem3A_186 = arith.remsi %select_n3A_168, %jit3A_169 : i32
        %ne3A_187 = arith.constant 0 : i32
        %ne3A_188 = arith.cmpi ne, %rem3A_186, %ne3A_187 : i32
        %and3A_189 = arith.andi %ne3A_185, %ne3A_188 : i1
        %sub3A_190 = arith.constant 1 : i32
        %sub3A_191 = arith.subi %div3A_170, %sub3A_190 : i32
        %select_n3A_192 = arith.select %and3A_189, %sub3A_191, %div3A_170 : i32
        %jit3A_193 = arith.constant 32 : i32
        %eq3A_194 = arith.constant 0 : i32
        %eq3A_195 = arith.cmpi eq, %jit3A_193, %eq3A_194 : i32
        %jit3A_196 = arith.constant 1 : i32
        %select_n3A_197 = arith.select %eq3A_195, %jit3A_196, %jit3A_193 : i32
        %rem3A_198 = arith.remsi %select_n3A_168, %select_n3A_197 : i32
        %ne3A_199 = arith.constant 0 : i32
        %ne3A_200 = arith.cmpi ne, %rem3A_198, %ne3A_199 : i32
        %lt3A_201 = arith.constant 0 : i32
        %lt3A_202 = arith.cmpi slt, %rem3A_198, %lt3A_201 : i32
        %lt3A_203 = arith.constant 0 : i32
        %lt3A_204 = arith.cmpi slt, %select_n3A_197, %lt3A_203 : i32
        %ne3A_205 = arith.xori %lt3A_202, %lt3A_204 : i1
        %and3A_206 = arith.andi %ne3A_205, %ne3A_200 : i1
        %add3A_207 = arith.addi %rem3A_198, %select_n3A_197 : i32
        %select_n3A_208 = arith.select %and3A_206, %add3A_207, %rem3A_198 : i32
        %mul3A_209 = arith.constant 16 : i32
        %mul3A_210 = arith.muli %select_n3A_208, %mul3A_209 : i32
        %dma_wait3A = arith.constant 0 : i32
        %dma_wait3A_211 = tpu.memref_slice %arg2[%select_n3A_152, %select_n3A_192, %mul3A_210, %dma_wait3A] : memref<1x19x512x512xi32, #tpu.memory_space<hbm>> -> memref<1x1x16x512xi32, #tpu.memory_space<hbm>>
        %dma_wait3A_212 = tpu.memref_squeeze %dma_wait3A_211 : memref<1x1x16x512xi32, #tpu.memory_space<hbm>> -> memref<16x512xi32, #tpu.memory_space<hbm>>
        %dma_wait3A_213 = arith.constant 0 : i32
        %dma_wait3A_214 = tpu.memref_slice %arg2[%select_n3A_152, %select_n3A_192, %mul3A_210, %dma_wait3A_213] : memref<1x19x512x512xi32, #tpu.memory_space<hbm>> -> memref<1x1x16x512xi32, #tpu.memory_space<hbm>>
        %dma_wait3A_215 = tpu.memref_squeeze %dma_wait3A_214 : memref<1x1x16x512xi32, #tpu.memory_space<hbm>> -> memref<16x512xi32, #tpu.memory_space<hbm>>
        tpu.wait_dma2 semaphore(%arg8 : memref<!tpu.dma_semaphore, #tpu.memory_space<semaphore_mem>>) src(%dma_wait3A_215 : memref<16x512xi32, #tpu.memory_space<hbm>>) dst(%arg6 : memref<16x512xi32, #tpu.memory_space<vmem>>)
        %scan3A_216 = arith.constant 0 : i32
        %scan3A_217 = arith.constant 0 : i32
        %scan3A_218 = arith.constant 16 : i32
        %scan3A_219 = arith.addi %scan3A_217, %scan3A_218 : i32
        %scan3A_220 = arith.constant 1 : i32
        %scan3A_221 = scf.for %scan3A_223 = %scan3A_217 to %scan3A_219 step %scan3A_220 iter_args(%scan3A_224 = %scan3A_216) -> (i32)  : i32 {
          %get3A = arith.index_cast %scan3A_223 : i32 to index
          %get3A_225 = arith.constant 0 : index
          %get3A_226 = tpu.vector_load %arg6[%get3A, %get3A_225] {strides = array<i32>} : memref<16x512xi32, #tpu.memory_space<vmem>>, vector<16xi32>,
          tpu.vector_store_idx %arg4[%get3A_226], %broadcast_in_dim3A_1 {add = true} : memref<40960xf32, #tpu.memory_space<vmem>>[vector<16xi32>], vector<16xf32>,
          %get3A_227 = arith.index_cast %scan3A_223 : i32 to index
          %get3A_228 = arith.constant 16 : index
          %get3A_229 = tpu.vector_load %arg6[%get3A_227, %get3A_228] {strides = array<i32>} : memref<16x512xi32, #tpu.memory_space<vmem>>, vector<16xi32>,
          tpu.vector_store_idx %arg4[%get3A_229], %broadcast_in_dim3A_1 {add = true} : memref<40960xf32, #tpu.memory_space<vmem>>[vector<16xi32>], vector<16xf32>,
          %get3A_230 = arith.index_cast %scan3A_223 : i32 to index
          %get3A_231 = arith.constant 32 : index
          %get3A_232 = tpu.vector_load %arg6[%get3A_230, %get3A_231] {strides = array<i32>} : memref<16x512xi32, #tpu.memory_space<vmem>>, vector<16xi32>,
          tpu.vector_store_idx %arg4[%get3A_232], %broadcast_in_dim3A_1 {add = true} : memref<40960xf32, #tpu.memory_space<vmem>>[vector<16xi32>], vector<16xf32>,
          %get3A_233 = arith.index_cast %scan3A_223 : i32 to index
          %get3A_234 = arith.constant 48 : index
          %get3A_235 = tpu.vector_load %arg6[%get3A_233, %get3A_234] {strides = array<i32>} : memref<16x512xi32, #tpu.memory_space<vmem>>, vector<16xi32>,
          tpu.vector_store_idx %arg4[%get3A_235], %broadcast_in_dim3A_1 {add = true} : memref<40960xf32, #tpu.memory_space<vmem>>[vector<16xi32>], vector<16xf32>,
          %get3A_236 = arith.index_cast %scan3A_223 : i32 to index
          %get3A_237 = arith.constant 64 : index
          %get3A_238 = tpu.vector_load %arg6[%get3A_236, %get3A_237] {strides = array<i32>} : memref<16x512xi32, #tpu.memory_space<vmem>>, vector<16xi32>,
          tpu.vector_store_idx %arg4[%get3A_238], %broadcast_in_dim3A_1 {add = true} : memref<40960xf32, #tpu.memory_space<vmem>>[vector<16xi32>], vector<16xf32>,
          %get3A_239 = arith.index_cast %scan3A_223 : i32 to index
          %get3A_240 = arith.constant 80 : index
          %get3A_241 = tpu.vector_load %arg6[%get3A_239, %get3A_240] {strides = array<i32>} : memref<16x512xi32, #tpu.memory_space<vmem>>, vector<16xi32>,
          tpu.vector_store_idx %arg4[%get3A_241], %broadcast_in_dim3A_1 {add = true} : memref<40960xf32, #tpu.memory_space<vmem>>[vector<16xi32>], vector<16xf32>,
          %get3A_242 = arith.index_cast %scan3A_223 : i32 to index
          %get3A_243 = arith.constant 96 : index
          %get3A_244 = tpu.vector_load %arg6[%get3A_242, %get3A_243] {strides = array<i32>} : memref<16x512xi32, #tpu.memory_space<vmem>>, vector<16xi32>,
          tpu.vector_store_idx %arg4[%get3A_244], %broadcast_in_dim3A_1 {add = true} : memref<40960xf32, #tpu.memory_space<vmem>>[vector<16xi32>], vector<16xf32>,
          %get3A_245 = arith.index_cast %scan3A_223 : i32 to index
          %get3A_246 = arith.constant 112 : index
          %get3A_247 = tpu.vector_load %arg6[%get3A_245, %get3A_246] {strides = array<i32>} : memref<16x512xi32, #tpu.memory_space<vmem>>, vector<16xi32>,
          tpu.vector_store_idx %arg4[%get3A_247], %broadcast_in_dim3A_1 {add = true} : memref<40960xf32, #tpu.memory_space<vmem>>[vector<16xi32>], vector<16xf32>,
          %get3A_248 = arith.index_cast %scan3A_223 : i32 to index
          %get3A_249 = arith.constant 128 : index
          %get3A_250 = tpu.vector_load %arg6[%get3A_248, %get3A_249] {strides = array<i32>} : memref<16x512xi32, #tpu.memory_space<vmem>>, vector<16xi32>,
          tpu.vector_store_idx %arg4[%get3A_250], %broadcast_in_dim3A_1 {add = true} : memref<40960xf32, #tpu.memory_space<vmem>>[vector<16xi32>], vector<16xf32>,
          %get3A_251 = arith.index_cast %scan3A_223 : i32 to index
          %get3A_252 = arith.constant 144 : index
          %get3A_253 = tpu.vector_load %arg6[%get3A_251, %get3A_252] {strides = array<i32>} : memref<16x512xi32, #tpu.memory_space<vmem>>, vector<16xi32>,
          tpu.vector_store_idx %arg4[%get3A_253], %broadcast_in_dim3A_1 {add = true} : memref<40960xf32, #tpu.memory_space<vmem>>[vector<16xi32>], vector<16xf32>,
          %get3A_254 = arith.index_cast %scan3A_223 : i32 to index
          %get3A_255 = arith.constant 160 : index
          %get3A_256 = tpu.vector_load %arg6[%get3A_254, %get3A_255] {strides = array<i32>} : memref<16x512xi32, #tpu.memory_space<vmem>>, vector<16xi32>,
          tpu.vector_store_idx %arg4[%get3A_256], %broadcast_in_dim3A_1 {add = true} : memref<40960xf32, #tpu.memory_space<vmem>>[vector<16xi32>], vector<16xf32>,
          %get3A_257 = arith.index_cast %scan3A_223 : i32 to index
          %get3A_258 = arith.constant 176 : index
          %get3A_259 = tpu.vector_load %arg6[%get3A_257, %get3A_258] {strides = array<i32>} : memref<16x512xi32, #tpu.memory_space<vmem>>, vector<16xi32>,
          tpu.vector_store_idx %arg4[%get3A_259], %broadcast_in_dim3A_1 {add = true} : memref<40960xf32, #tpu.memory_space<vmem>>[vector<16xi32>], vector<16xf32>,
          %get3A_260 = arith.index_cast %scan3A_223 : i32 to index
          %get3A_261 = arith.constant 192 : index
          %get3A_262 = tpu.vector_load %arg6[%get3A_260, %get3A_261] {strides = array<i32>} : memref<16x512xi32, #tpu.memory_space<vmem>>, vector<16xi32>,
          tpu.vector_store_idx %arg4[%get3A_262], %broadcast_in_dim3A_1 {add = true} : memref<40960xf32, #tpu.memory_space<vmem>>[vector<16xi32>], vector<16xf32>,
          %get3A_263 = arith.index_cast %scan3A_223 : i32 to index
          %get3A_264 = arith.constant 208 : index
          %get3A_265 = tpu.vector_load %arg6[%get3A_263, %get3A_264] {strides = array<i32>} : memref<16x512xi32, #tpu.memory_space<vmem>>, vector<16xi32>,
          tpu.vector_store_idx %arg4[%get3A_265], %broadcast_in_dim3A_1 {add = true} : memref<40960xf32, #tpu.memory_space<vmem>>[vector<16xi32>], vector<16xf32>,
          %get3A_266 = arith.index_cast %scan3A_223 : i32 to index
          %get3A_267 = arith.constant 224 : index
          %get3A_268 = tpu.vector_load %arg6[%get3A_266, %get3A_267] {strides = array<i32>} : memref<16x512xi32, #tpu.memory_space<vmem>>, vector<16xi32>,
          tpu.vector_store_idx %arg4[%get3A_268], %broadcast_in_dim3A_1 {add = true} : memref<40960xf32, #tpu.memory_space<vmem>>[vector<16xi32>], vector<16xf32>,
          %get3A_269 = arith.index_cast %scan3A_223 : i32 to index
          %get3A_270 = arith.constant 240 : index
          %get3A_271 = tpu.vector_load %arg6[%get3A_269, %get3A_270] {strides = array<i32>} : memref<16x512xi32, #tpu.memory_space<vmem>>, vector<16xi32>,
          tpu.vector_store_idx %arg4[%get3A_271], %broadcast_in_dim3A_1 {add = true} : memref<40960xf32, #tpu.memory_space<vmem>>[vector<16xi32>], vector<16xf32>,
          %get3A_272 = arith.index_cast %scan3A_223 : i32 to index
          %get3A_273 = arith.constant 256 : index
          %get3A_274 = tpu.vector_load %arg6[%get3A_272, %get3A_273] {strides = array<i32>} : memref<16x512xi32, #tpu.memory_space<vmem>>, vector<16xi32>,
          tpu.vector_store_idx %arg4[%get3A_274], %broadcast_in_dim3A_1 {add = true} : memref<40960xf32, #tpu.memory_space<vmem>>[vector<16xi32>], vector<16xf32>,
          %get3A_275 = arith.index_cast %scan3A_223 : i32 to index
          %get3A_276 = arith.constant 272 : index
          %get3A_277 = tpu.vector_load %arg6[%get3A_275, %get3A_276] {strides = array<i32>} : memref<16x512xi32, #tpu.memory_space<vmem>>, vector<16xi32>,
          tpu.vector_store_idx %arg4[%get3A_277], %broadcast_in_dim3A_1 {add = true} : memref<40960xf32, #tpu.memory_space<vmem>>[vector<16xi32>], vector<16xf32>,
          %get3A_278 = arith.index_cast %scan3A_223 : i32 to index
          %get3A_279 = arith.constant 288 : index
          %get3A_280 = tpu.vector_load %arg6[%get3A_278, %get3A_279] {strides = array<i32>} : memref<16x512xi32, #tpu.memory_space<vmem>>, vector<16xi32>,
          tpu.vector_store_idx %arg4[%get3A_280], %broadcast_in_dim3A_1 {add = true} : memref<40960xf32, #tpu.memory_space<vmem>>[vector<16xi32>], vector<16xf32>,
          %get3A_281 = arith.index_cast %scan3A_223 : i32 to index
          %get3A_282 = arith.constant 304 : index
          %get3A_283 = tpu.vector_load %arg6[%get3A_281, %get3A_282] {strides = array<i32>} : memref<16x512xi32, #tpu.memory_space<vmem>>, vector<16xi32>,
          tpu.vector_store_idx %arg4[%get3A_283], %broadcast_in_dim3A_1 {add = true} : memref<40960xf32, #tpu.memory_space<vmem>>[vector<16xi32>], vector<16xf32>,
          %get3A_284 = arith.index_cast %scan3A_223 : i32 to index
          %get3A_285 = arith.constant 320 : index
          %get3A_286 = tpu.vector_load %arg6[%get3A_284, %get3A_285] {strides = array<i32>} : memref<16x512xi32, #tpu.memory_space<vmem>>, vector<16xi32>,
          tpu.vector_store_idx %arg4[%get3A_286], %broadcast_in_dim3A_1 {add = true} : memref<40960xf32, #tpu.memory_space<vmem>>[vector<16xi32>], vector<16xf32>,
          %get3A_287 = arith.index_cast %scan3A_223 : i32 to index
          %get3A_288 = arith.constant 336 : index
          %get3A_289 = tpu.vector_load %arg6[%get3A_287, %get3A_288] {strides = array<i32>} : memref<16x512xi32, #tpu.memory_space<vmem>>, vector<16xi32>,
          tpu.vector_store_idx %arg4[%get3A_289], %broadcast_in_dim3A_1 {add = true} : memref<40960xf32, #tpu.memory_space<vmem>>[vector<16xi32>], vector<16xf32>,
          %get3A_290 = arith.index_cast %scan3A_223 : i32 to index
          %get3A_291 = arith.constant 352 : index
          %get3A_292 = tpu.vector_load %arg6[%get3A_290, %get3A_291] {strides = array<i32>} : memref<16x512xi32, #tpu.memory_space<vmem>>, vector<16xi32>,
          tpu.vector_store_idx %arg4[%get3A_292], %broadcast_in_dim3A_1 {add = true} : memref<40960xf32, #tpu.memory_space<vmem>>[vector<16xi32>], vector<16xf32>,
          %get3A_293 = arith.index_cast %scan3A_223 : i32 to index
          %get3A_294 = arith.constant 368 : index
          %get3A_295 = tpu.vector_load %arg6[%get3A_293, %get3A_294] {strides = array<i32>} : memref<16x512xi32, #tpu.memory_space<vmem>>, vector<16xi32>,
          tpu.vector_store_idx %arg4[%get3A_295], %broadcast_in_dim3A_1 {add = true} : memref<40960xf32, #tpu.memory_space<vmem>>[vector<16xi32>], vector<16xf32>,
          %get3A_296 = arith.index_cast %scan3A_223 : i32 to index
          %get3A_297 = arith.constant 384 : index
          %get3A_298 = tpu.vector_load %arg6[%get3A_296, %get3A_297] {strides = array<i32>} : memref<16x512xi32, #tpu.memory_space<vmem>>, vector<16xi32>,
          tpu.vector_store_idx %arg4[%get3A_298], %broadcast_in_dim3A_1 {add = true} : memref<40960xf32, #tpu.memory_space<vmem>>[vector<16xi32>], vector<16xf32>,
          %get3A_299 = arith.index_cast %scan3A_223 : i32 to index
          %get3A_300 = arith.constant 400 : index
          %get3A_301 = tpu.vector_load %arg6[%get3A_299, %get3A_300] {strides = array<i32>} : memref<16x512xi32, #tpu.memory_space<vmem>>, vector<16xi32>,
          tpu.vector_store_idx %arg4[%get3A_301], %broadcast_in_dim3A_1 {add = true} : memref<40960xf32, #tpu.memory_space<vmem>>[vector<16xi32>], vector<16xf32>,
          %get3A_302 = arith.index_cast %scan3A_223 : i32 to index
          %get3A_303 = arith.constant 416 : index
          %get3A_304 = tpu.vector_load %arg6[%get3A_302, %get3A_303] {strides = array<i32>} : memref<16x512xi32, #tpu.memory_space<vmem>>, vector<16xi32>,
          tpu.vector_store_idx %arg4[%get3A_304], %broadcast_in_dim3A_1 {add = true} : memref<40960xf32, #tpu.memory_space<vmem>>[vector<16xi32>], vector<16xf32>,
          %get3A_305 = arith.index_cast %scan3A_223 : i32 to index
          %get3A_306 = arith.constant 432 : index
          %get3A_307 = tpu.vector_load %arg6[%get3A_305, %get3A_306] {strides = array<i32>} : memref<16x512xi32, #tpu.memory_space<vmem>>, vector<16xi32>,
          tpu.vector_store_idx %arg4[%get3A_307], %broadcast_in_dim3A_1 {add = true} : memref<40960xf32, #tpu.memory_space<vmem>>[vector<16xi32>], vector<16xf32>,
          %get3A_308 = arith.index_cast %scan3A_223 : i32 to index
          %get3A_309 = arith.constant 448 : index
          %get3A_310 = tpu.vector_load %arg6[%get3A_308, %get3A_309] {strides = array<i32>} : memref<16x512xi32, #tpu.memory_space<vmem>>, vector<16xi32>,
          tpu.vector_store_idx %arg4[%get3A_310], %broadcast_in_dim3A_1 {add = true} : memref<40960xf32, #tpu.memory_space<vmem>>[vector<16xi32>], vector<16xf32>,
          %get3A_311 = arith.index_cast %scan3A_223 : i32 to index
          %get3A_312 = arith.constant 464 : index
          %get3A_313 = tpu.vector_load %arg6[%get3A_311, %get3A_312] {strides = array<i32>} : memref<16x512xi32, #tpu.memory_space<vmem>>, vector<16xi32>,
          tpu.vector_store_idx %arg4[%get3A_313], %broadcast_in_dim3A_1 {add = true} : memref<40960xf32, #tpu.memory_space<vmem>>[vector<16xi32>], vector<16xf32>,
          %get3A_314 = arith.index_cast %scan3A_223 : i32 to index
          %get3A_315 = arith.constant 480 : index
          %get3A_316 = tpu.vector_load %arg6[%get3A_314, %get3A_315] {strides = array<i32>} : memref<16x512xi32, #tpu.memory_space<vmem>>, vector<16xi32>,
          tpu.vector_store_idx %arg4[%get3A_316], %broadcast_in_dim3A_1 {add = true} : memref<40960xf32, #tpu.memory_space<vmem>>[vector<16xi32>], vector<16xf32>,
          %get3A_317 = arith.index_cast %scan3A_223 : i32 to index
          %get3A_318 = arith.constant 496 : index
          %get3A_319 = tpu.vector_load %arg6[%get3A_317, %get3A_318] {strides = array<i32>} : memref<16x512xi32, #tpu.memory_space<vmem>>, vector<16xi32>,
          tpu.vector_store_idx %arg4[%get3A_319], %broadcast_in_dim3A_1 {add = true} : memref<40960xf32, #tpu.memory_space<vmem>>[vector<16xi32>], vector<16xf32>,
          %scan3A_320 = arith.constant 0 : i32
          scf.yield %scan3A_320 : i32
        }
        %scan3A_222 = arith.constant 16 : i32
      } else {
      }
      %scan3A_120 = arith.constant 0 : i32
      scf.yield %scan3A_120 : i32
    }
    %scan3A_97 = arith.constant 10 : i32
    "tpu.region"() ({
      %run_scoped3A = tpu.sem_alloc : memref<!tpu.dma_semaphore, #tpu.memory_space<semaphore_mem>>
      %dma_start3A_98 = arith.constant 0 : i32
      %dma_start3A_99 = tpu.memref_slice %arg3[%add3A, %dma_start3A_98] : memref<32x40960xf32, #tpu.memory_space<hbm>> -> memref<1x40960xf32, #tpu.memory_space<hbm>>
      %dma_start3A_100 = tpu.memref_squeeze %dma_start3A_99 : memref<1x40960xf32, #tpu.memory_space<hbm>> -> memref<40960xf32, #tpu.memory_space<hbm>>
      %dma_start3A_101 = arith.constant 0 : i32
      %dma_start3A_102 = tpu.memref_slice %arg3[%add3A, %dma_start3A_101] : memref<32x40960xf32, #tpu.memory_space<hbm>> -> memref<1x40960xf32, #tpu.memory_space<hbm>>
      %dma_start3A_103 = tpu.memref_squeeze %dma_start3A_102 : memref<1x40960xf32, #tpu.memory_space<hbm>> -> memref<40960xf32, #tpu.memory_space<hbm>>
      tpu.enqueue_dma source(%arg4 : memref<40960xf32, #tpu.memory_space<vmem>>) target(%dma_start3A_103 : memref<40960xf32, #tpu.memory_space<hbm>>) target_semaphore(%run_scoped3A : memref<!tpu.dma_semaphore, #tpu.memory_space<semaphore_mem>>)
      %dma_wait3A = arith.constant 0 : i32
      %dma_wait3A_104 = tpu.memref_slice %arg3[%add3A, %dma_wait3A] : memref<32x40960xf32, #tpu.memory_space<hbm>> -> memref<1x40960xf32, #tpu.memory_space<hbm>>
      %dma_wait3A_105 = tpu.memref_squeeze %dma_wait3A_104 : memref<1x40960xf32, #tpu.memory_space<hbm>> -> memref<40960xf32, #tpu.memory_space<hbm>>
      %dma_wait3A_106 = arith.constant 0 : i32
      %dma_wait3A_107 = tpu.memref_slice %arg3[%add3A, %dma_wait3A_106] : memref<32x40960xf32, #tpu.memory_space<hbm>> -> memref<1x40960xf32, #tpu.memory_space<hbm>>
      %dma_wait3A_108 = tpu.memref_squeeze %dma_wait3A_107 : memref<1x40960xf32, #tpu.memory_space<hbm>> -> memref<40960xf32, #tpu.memory_space<hbm>>
      tpu.wait_dma2 semaphore(%run_scoped3A : memref<!tpu.dma_semaphore, #tpu.memory_space<semaphore_mem>>) src(%arg4 : memref<40960xf32, #tpu.memory_space<vmem>>) dst(%dma_wait3A_108 : memref<40960xf32, #tpu.memory_space<hbm>>)
      tpu.yield
    }) : () -> ()
    return
  }
}

#map = affine_map<(d0, d1) -> (0, 0, 0, 0)>
#map1 = affine_map<(d0, d1) -> (0, 0)>
module attributes {stable_mosaic.version = 14 : i64} {
  func.func @_sc_hist(%arg0: i32, %arg1: i32, %arg2: memref<1x19x512x512xi32, #tpu.memory_space<hbm>>, %arg3: memref<32x40960xf32, #tpu.memory_space<hbm>>, %arg4: memref<40960xf32, #tpu.memory_space<vmem>>, %arg5: memref<16x512xi32, #tpu.memory_space<vmem>>, %arg6: memref<16x512xi32, #tpu.memory_space<vmem>>, %arg7: memref<!tpu.dma_semaphore, #tpu.memory_space<semaphore_mem>>, %arg8: memref<!tpu.dma_semaphore, #tpu.memory_space<semaphore_mem>>) attributes {dimension_semantics = [#tpu.dimension_semantics<core_parallel>, #tpu.dimension_semantics<subcore_parallel>], iteration_bounds = array<i64: 2, 16>, scalar_prefetch = 0 : i64, scratch_operands = 5 : i64, tpu.core_type = #tpu.core_type<sc_vector_subcore>, window_params = [{transform_indices = #map}, {transform_indices = #map1}]} {
    %mul3A = arith.constant 2 : i32
    %mul3A_0 = arith.muli %arg1, %mul3A : i32
    %add3A = arith.addi %mul3A_0, %arg0 : i32
    %broadcast_in_dim3A = arith.constant 1.000000e+00 : f32
    %broadcast_in_dim3A_1 = vector.broadcast %broadcast_in_dim3A : f32 to vector<16xf32>
    %broadcast_in_dim3A_2 = arith.constant 0.000000e+00 : f32
    %broadcast_in_dim3A_3 = vector.broadcast %broadcast_in_dim3A_2 : f32 to vector<16xf32>
    %scan3A = arith.constant 0 : i32
    %scan3A_4 = arith.constant 0 : i32
    %scan3A_5 = arith.constant 320 : i32
    %scan3A_6 = arith.addi %scan3A_4, %scan3A_5 : i32
    %scan3A_7 = arith.constant 1 : i32
    %scan3A_8 = scf.for %scan3A_98 = %scan3A_4 to %scan3A_6 step %scan3A_7 iter_args(%scan3A_99 = %scan3A) -> (i32)  : i32 {
      %mul3A_100 = arith.constant 8 : i32
      %mul3A_101 = arith.muli %scan3A_98, %mul3A_100 : i32
      %add3A_102 = arith.constant 0 : i32
      %add3A_103 = arith.addi %mul3A_101, %add3A_102 : i32
      %mul3A_104 = arith.constant 16 : i32
      %mul3A_105 = arith.muli %add3A_103, %mul3A_104 : i32
      %swap3A = arith.index_cast %mul3A_105 : i32 to index
      %swap3A_106 = tpu.vector_load %arg4[%swap3A] {strides = array<i32>} : memref<40960xf32, #tpu.memory_space<vmem>>, vector<16xf32>,
      tpu.vector_store %arg4[%swap3A], %broadcast_in_dim3A_3 {strides = array<i32>} : memref<40960xf32, #tpu.memory_space<vmem>>, vector<16xf32>,
      %mul3A_107 = arith.constant 8 : i32
      %mul3A_108 = arith.muli %scan3A_98, %mul3A_107 : i32
      %add3A_109 = arith.constant 1 : i32
      %add3A_110 = arith.addi %mul3A_108, %add3A_109 : i32
      %mul3A_111 = arith.constant 16 : i32
      %mul3A_112 = arith.muli %add3A_110, %mul3A_111 : i32
      %swap3A_113 = arith.index_cast %mul3A_112 : i32 to index
      %swap3A_114 = tpu.vector_load %arg4[%swap3A_113] {strides = array<i32>} : memref<40960xf32, #tpu.memory_space<vmem>>, vector<16xf32>,
      tpu.vector_store %arg4[%swap3A_113], %broadcast_in_dim3A_3 {strides = array<i32>} : memref<40960xf32, #tpu.memory_space<vmem>>, vector<16xf32>,
      %mul3A_115 = arith.constant 8 : i32
      %mul3A_116 = arith.muli %scan3A_98, %mul3A_115 : i32
      %add3A_117 = arith.constant 2 : i32
      %add3A_118 = arith.addi %mul3A_116, %add3A_117 : i32
      %mul3A_119 = arith.constant 16 : i32
      %mul3A_120 = arith.muli %add3A_118, %mul3A_119 : i32
      %swap3A_121 = arith.index_cast %mul3A_120 : i32 to index
      %swap3A_122 = tpu.vector_load %arg4[%swap3A_121] {strides = array<i32>} : memref<40960xf32, #tpu.memory_space<vmem>>, vector<16xf32>,
      tpu.vector_store %arg4[%swap3A_121], %broadcast_in_dim3A_3 {strides = array<i32>} : memref<40960xf32, #tpu.memory_space<vmem>>, vector<16xf32>,
      %mul3A_123 = arith.constant 8 : i32
      %mul3A_124 = arith.muli %scan3A_98, %mul3A_123 : i32
      %add3A_125 = arith.constant 3 : i32
      %add3A_126 = arith.addi %mul3A_124, %add3A_125 : i32
      %mul3A_127 = arith.constant 16 : i32
      %mul3A_128 = arith.muli %add3A_126, %mul3A_127 : i32
      %swap3A_129 = arith.index_cast %mul3A_128 : i32 to index
      %swap3A_130 = tpu.vector_load %arg4[%swap3A_129] {strides = array<i32>} : memref<40960xf32, #tpu.memory_space<vmem>>, vector<16xf32>,
      tpu.vector_store %arg4[%swap3A_129], %broadcast_in_dim3A_3 {strides = array<i32>} : memref<40960xf32, #tpu.memory_space<vmem>>, vector<16xf32>,
      %mul3A_131 = arith.constant 8 : i32
      %mul3A_132 = arith.muli %scan3A_98, %mul3A_131 : i32
      %add3A_133 = arith.constant 4 : i32
      %add3A_134 = arith.addi %mul3A_132, %add3A_133 : i32
      %mul3A_135 = arith.constant 16 : i32
      %mul3A_136 = arith.muli %add3A_134, %mul3A_135 : i32
      %swap3A_137 = arith.index_cast %mul3A_136 : i32 to index
      %swap3A_138 = tpu.vector_load %arg4[%swap3A_137] {strides = array<i32>} : memref<40960xf32, #tpu.memory_space<vmem>>, vector<16xf32>,
      tpu.vector_store %arg4[%swap3A_137], %broadcast_in_dim3A_3 {strides = array<i32>} : memref<40960xf32, #tpu.memory_space<vmem>>, vector<16xf32>,
      %mul3A_139 = arith.constant 8 : i32
      %mul3A_140 = arith.muli %scan3A_98, %mul3A_139 : i32
      %add3A_141 = arith.constant 5 : i32
      %add3A_142 = arith.addi %mul3A_140, %add3A_141 : i32
      %mul3A_143 = arith.constant 16 : i32
      %mul3A_144 = arith.muli %add3A_142, %mul3A_143 : i32
      %swap3A_145 = arith.index_cast %mul3A_144 : i32 to index
      %swap3A_146 = tpu.vector_load %arg4[%swap3A_145] {strides = array<i32>} : memref<40960xf32, #tpu.memory_space<vmem>>, vector<16xf32>,
      tpu.vector_store %arg4[%swap3A_145], %broadcast_in_dim3A_3 {strides = array<i32>} : memref<40960xf32, #tpu.memory_space<vmem>>, vector<16xf32>,
      %mul3A_147 = arith.constant 8 : i32
      %mul3A_148 = arith.muli %scan3A_98, %mul3A_147 : i32
      %add3A_149 = arith.constant 6 : i32
      %add3A_150 = arith.addi %mul3A_148, %add3A_149 : i32
      %mul3A_151 = arith.constant 16 : i32
      %mul3A_152 = arith.muli %add3A_150, %mul3A_151 : i32
      %swap3A_153 = arith.index_cast %mul3A_152 : i32 to index
      %swap3A_154 = tpu.vector_load %arg4[%swap3A_153] {strides = array<i32>} : memref<40960xf32, #tpu.memory_space<vmem>>, vector<16xf32>,
      tpu.vector_store %arg4[%swap3A_153], %broadcast_in_dim3A_3 {strides = array<i32>} : memref<40960xf32, #tpu.memory_space<vmem>>, vector<16xf32>,
      %mul3A_155 = arith.constant 8 : i32
      %mul3A_156 = arith.muli %scan3A_98, %mul3A_155 : i32
      %add3A_157 = arith.constant 7 : i32
      %add3A_158 = arith.addi %mul3A_156, %add3A_157 : i32
      %mul3A_159 = arith.constant 16 : i32
      %mul3A_160 = arith.muli %add3A_158, %mul3A_159 : i32
      %swap3A_161 = arith.index_cast %mul3A_160 : i32 to index
      %swap3A_162 = tpu.vector_load %arg4[%swap3A_161] {strides = array<i32>} : memref<40960xf32, #tpu.memory_space<vmem>>, vector<16xf32>,
      tpu.vector_store %arg4[%swap3A_161], %broadcast_in_dim3A_3 {strides = array<i32>} : memref<40960xf32, #tpu.memory_space<vmem>>, vector<16xf32>,
      %scan3A_163 = arith.constant 0 : i32
      scf.yield %scan3A_163 : i32
    }
    %scan3A_9 = arith.constant 320 : i32
    %mul3A_10 = arith.constant 19 : i32
    %mul3A_11 = arith.muli %add3A, %mul3A_10 : i32
    %add3A_12 = arith.constant 0 : i32
    %add3A_13 = arith.addi %mul3A_11, %add3A_12 : i32
    %jit3A = arith.constant 608 : i32
    %div3A = arith.divsi %add3A_13, %jit3A : i32
    %sign3A = arith.constant 0 : i32
    %sign3A_14 = arith.cmpi sgt, %add3A_13, %sign3A : i32
    %sign3A_15 = arith.extui %sign3A_14 : i1 to i32
    %sign3A_16 = arith.constant 0 : i32
    %sign3A_17 = arith.cmpi slt, %add3A_13, %sign3A_16 : i32
    %sign3A_18 = arith.extui %sign3A_17 : i1 to i32
    %sign3A_19 = arith.subi %sign3A_15, %sign3A_18 : i32
    %sign3A_20 = arith.constant 0 : i32
    %sign3A_21 = arith.cmpi sgt, %jit3A, %sign3A_20 : i32
    %sign3A_22 = arith.extui %sign3A_21 : i1 to i32
    %sign3A_23 = arith.constant 0 : i32
    %sign3A_24 = arith.cmpi slt, %jit3A, %sign3A_23 : i32
    %sign3A_25 = arith.extui %sign3A_24 : i1 to i32
    %sign3A_26 = arith.subi %sign3A_22, %sign3A_25 : i32
    %ne3A = arith.cmpi ne, %sign3A_19, %sign3A_26 : i32
    %rem3A = arith.remsi %add3A_13, %jit3A : i32
    %ne3A_27 = arith.constant 0 : i32
    %ne3A_28 = arith.cmpi ne, %rem3A, %ne3A_27 : i32
    %and3A = arith.andi %ne3A, %ne3A_28 : i1
    %sub3A = arith.constant 1 : i32
    %sub3A_29 = arith.subi %div3A, %sub3A : i32
    %select_n3A = arith.select %and3A, %sub3A_29, %div3A : i32
    %jit3A_30 = arith.constant 608 : i32
    %eq3A = arith.constant 0 : i32
    %eq3A_31 = arith.cmpi eq, %jit3A_30, %eq3A : i32
    %jit3A_32 = arith.constant 1 : i32
    %select_n3A_33 = arith.select %eq3A_31, %jit3A_32, %jit3A_30 : i32
    %rem3A_34 = arith.remsi %add3A_13, %select_n3A_33 : i32
    %ne3A_35 = arith.constant 0 : i32
    %ne3A_36 = arith.cmpi ne, %rem3A_34, %ne3A_35 : i32
    %lt3A = arith.constant 0 : i32
    %lt3A_37 = arith.cmpi slt, %rem3A_34, %lt3A : i32
    %lt3A_38 = arith.constant 0 : i32
    %lt3A_39 = arith.cmpi slt, %select_n3A_33, %lt3A_38 : i32
    %ne3A_40 = arith.xori %lt3A_37, %lt3A_39 : i1
    %and3A_41 = arith.andi %ne3A_40, %ne3A_36 : i1
    %add3A_42 = arith.addi %rem3A_34, %select_n3A_33 : i32
    %select_n3A_43 = arith.select %and3A_41, %add3A_42, %rem3A_34 : i32
    %jit3A_44 = arith.constant 32 : i32
    %div3A_45 = arith.divsi %select_n3A_43, %jit3A_44 : i32
    %sign3A_46 = arith.constant 0 : i32
    %sign3A_47 = arith.cmpi sgt, %select_n3A_43, %sign3A_46 : i32
    %sign3A_48 = arith.extui %sign3A_47 : i1 to i32
    %sign3A_49 = arith.constant 0 : i32
    %sign3A_50 = arith.cmpi slt, %select_n3A_43, %sign3A_49 : i32
    %sign3A_51 = arith.extui %sign3A_50 : i1 to i32
    %sign3A_52 = arith.subi %sign3A_48, %sign3A_51 : i32
    %sign3A_53 = arith.constant 0 : i32
    %sign3A_54 = arith.cmpi sgt, %jit3A_44, %sign3A_53 : i32
    %sign3A_55 = arith.extui %sign3A_54 : i1 to i32
    %sign3A_56 = arith.constant 0 : i32
    %sign3A_57 = arith.cmpi slt, %jit3A_44, %sign3A_56 : i32
    %sign3A_58 = arith.extui %sign3A_57 : i1 to i32
    %sign3A_59 = arith.subi %sign3A_55, %sign3A_58 : i32
    %ne3A_60 = arith.cmpi ne, %sign3A_52, %sign3A_59 : i32
    %rem3A_61 = arith.remsi %select_n3A_43, %jit3A_44 : i32
    %ne3A_62 = arith.constant 0 : i32
    %ne3A_63 = arith.cmpi ne, %rem3A_61, %ne3A_62 : i32
    %and3A_64 = arith.andi %ne3A_60, %ne3A_63 : i1
    %sub3A_65 = arith.constant 1 : i32
    %sub3A_66 = arith.subi %div3A_45, %sub3A_65 : i32
    %select_n3A_67 = arith.select %and3A_64, %sub3A_66, %div3A_45 : i32
    %jit3A_68 = arith.constant 32 : i32
    %eq3A_69 = arith.constant 0 : i32
    %eq3A_70 = arith.cmpi eq, %jit3A_68, %eq3A_69 : i32
    %jit3A_71 = arith.constant 1 : i32
    %select_n3A_72 = arith.select %eq3A_70, %jit3A_71, %jit3A_68 : i32
    %rem3A_73 = arith.remsi %select_n3A_43, %select_n3A_72 : i32
    %ne3A_74 = arith.constant 0 : i32
    %ne3A_75 = arith.cmpi ne, %rem3A_73, %ne3A_74 : i32
    %lt3A_76 = arith.constant 0 : i32
    %lt3A_77 = arith.cmpi slt, %rem3A_73, %lt3A_76 : i32
    %lt3A_78 = arith.constant 0 : i32
    %lt3A_79 = arith.cmpi slt, %select_n3A_72, %lt3A_78 : i32
    %ne3A_80 = arith.xori %lt3A_77, %lt3A_79 : i1
    %and3A_81 = arith.andi %ne3A_80, %ne3A_75 : i1
    %add3A_82 = arith.addi %rem3A_73, %select_n3A_72 : i32
    %select_n3A_83 = arith.select %and3A_81, %add3A_82, %rem3A_73 : i32
    %mul3A_84 = arith.constant 16 : i32
    %mul3A_85 = arith.muli %select_n3A_83, %mul3A_84 : i32
    %dma_start3A = arith.constant 0 : i32
    %dma_start3A_86 = tpu.memref_slice %arg2[%select_n3A, %select_n3A_67, %mul3A_85, %dma_start3A] : memref<1x19x512x512xi32, #tpu.memory_space<hbm>> -> memref<1x1x16x512xi32, #tpu.memory_space<hbm>>
    %dma_start3A_87 = tpu.memref_squeeze %dma_start3A_86 : memref<1x1x16x512xi32, #tpu.memory_space<hbm>> -> memref<16x512xi32, #tpu.memory_space<hbm>>
    %dma_start3A_88 = arith.constant 0 : i32
    %dma_start3A_89 = tpu.memref_slice %arg2[%select_n3A, %select_n3A_67, %mul3A_85, %dma_start3A_88] : memref<1x19x512x512xi32, #tpu.memory_space<hbm>> -> memref<1x1x16x512xi32, #tpu.memory_space<hbm>>
    %dma_start3A_90 = tpu.memref_squeeze %dma_start3A_89 : memref<1x1x16x512xi32, #tpu.memory_space<hbm>> -> memref<16x512xi32, #tpu.memory_space<hbm>>
    tpu.enqueue_dma source(%dma_start3A_90 : memref<16x512xi32, #tpu.memory_space<hbm>>) target(%arg5 : memref<16x512xi32, #tpu.memory_space<vmem>>) target_semaphore(%arg7 : memref<!tpu.dma_semaphore, #tpu.memory_space<semaphore_mem>>)
    %scan3A_91 = arith.constant 0 : i32
    %scan3A_92 = arith.constant 0 : i32
    %scan3A_93 = arith.constant 10 : i32
    %scan3A_94 = arith.addi %scan3A_92, %scan3A_93 : i32
    %scan3A_95 = arith.constant 1 : i32
    %scan3A_96 = scf.for %scan3A_98 = %scan3A_92 to %scan3A_94 step %scan3A_95 iter_args(%scan3A_99 = %scan3A_91) -> (i32)  : i32 {
      %mul3A_100 = arith.constant 2 : i32
      %mul3A_101 = arith.muli %scan3A_98, %mul3A_100 : i32
      %add3A_102 = arith.constant 0 : i32
      %add3A_103 = arith.addi %mul3A_101, %add3A_102 : i32
      %add3A_104 = arith.constant 1 : i32
      %add3A_105 = arith.addi %add3A_103, %add3A_104 : i32
      %lt3A_106 = arith.constant 19 : i32
      %lt3A_107 = arith.cmpi slt, %add3A_103, %lt3A_106 : i32
      %convert_element_type3A = arith.extui %lt3A_107 : i1 to i32
      %cond3A = arith.constant 0 : i32
      %cond3A_108 = arith.cmpi ne, %convert_element_type3A, %cond3A : i32
      scf.if %cond3A_108 {
        %lt3A_121 = arith.constant 19 : i32
        %lt3A_122 = arith.cmpi slt, %add3A_105, %lt3A_121 : i32
        %convert_element_type3A_123 = arith.extui %lt3A_122 : i1 to i32
        %cond3A_124 = arith.constant 0 : i32
        %cond3A_125 = arith.cmpi ne, %convert_element_type3A_123, %cond3A_124 : i32
        scf.if %cond3A_125 {
          %mul3A_223 = arith.constant 19 : i32
          %mul3A_224 = arith.muli %add3A, %mul3A_223 : i32
          %add3A_225 = arith.addi %mul3A_224, %add3A_105 : i32
          %jit3A_226 = arith.constant 608 : i32
          %div3A_227 = arith.divsi %add3A_225, %jit3A_226 : i32
          %sign3A_228 = arith.constant 0 : i32
          %sign3A_229 = arith.cmpi sgt, %add3A_225, %sign3A_228 : i32
          %sign3A_230 = arith.extui %sign3A_229 : i1 to i32
          %sign3A_231 = arith.constant 0 : i32
          %sign3A_232 = arith.cmpi slt, %add3A_225, %sign3A_231 : i32
          %sign3A_233 = arith.extui %sign3A_232 : i1 to i32
          %sign3A_234 = arith.subi %sign3A_230, %sign3A_233 : i32
          %sign3A_235 = arith.constant 0 : i32
          %sign3A_236 = arith.cmpi sgt, %jit3A_226, %sign3A_235 : i32
          %sign3A_237 = arith.extui %sign3A_236 : i1 to i32
          %sign3A_238 = arith.constant 0 : i32
          %sign3A_239 = arith.cmpi slt, %jit3A_226, %sign3A_238 : i32
          %sign3A_240 = arith.extui %sign3A_239 : i1 to i32
          %sign3A_241 = arith.subi %sign3A_237, %sign3A_240 : i32
          %ne3A_242 = arith.cmpi ne, %sign3A_234, %sign3A_241 : i32
          %rem3A_243 = arith.remsi %add3A_225, %jit3A_226 : i32
          %ne3A_244 = arith.constant 0 : i32
          %ne3A_245 = arith.cmpi ne, %rem3A_243, %ne3A_244 : i32
          %and3A_246 = arith.andi %ne3A_242, %ne3A_245 : i1
          %sub3A_247 = arith.constant 1 : i32
          %sub3A_248 = arith.subi %div3A_227, %sub3A_247 : i32
          %select_n3A_249 = arith.select %and3A_246, %sub3A_248, %div3A_227 : i32
          %jit3A_250 = arith.constant 608 : i32
          %eq3A_251 = arith.constant 0 : i32
          %eq3A_252 = arith.cmpi eq, %jit3A_250, %eq3A_251 : i32
          %jit3A_253 = arith.constant 1 : i32
          %select_n3A_254 = arith.select %eq3A_252, %jit3A_253, %jit3A_250 : i32
          %rem3A_255 = arith.remsi %add3A_225, %select_n3A_254 : i32
          %ne3A_256 = arith.constant 0 : i32
          %ne3A_257 = arith.cmpi ne, %rem3A_255, %ne3A_256 : i32
          %lt3A_258 = arith.constant 0 : i32
          %lt3A_259 = arith.cmpi slt, %rem3A_255, %lt3A_258 : i32
          %lt3A_260 = arith.constant 0 : i32
          %lt3A_261 = arith.cmpi slt, %select_n3A_254, %lt3A_260 : i32
          %ne3A_262 = arith.xori %lt3A_259, %lt3A_261 : i1
          %and3A_263 = arith.andi %ne3A_262, %ne3A_257 : i1
          %add3A_264 = arith.addi %rem3A_255, %select_n3A_254 : i32
          %select_n3A_265 = arith.select %and3A_263, %add3A_264, %rem3A_255 : i32
          %jit3A_266 = arith.constant 32 : i32
          %div3A_267 = arith.divsi %select_n3A_265, %jit3A_266 : i32
          %sign3A_268 = arith.constant 0 : i32
          %sign3A_269 = arith.cmpi sgt, %select_n3A_265, %sign3A_268 : i32
          %sign3A_270 = arith.extui %sign3A_269 : i1 to i32
          %sign3A_271 = arith.constant 0 : i32
          %sign3A_272 = arith.cmpi slt, %select_n3A_265, %sign3A_271 : i32
          %sign3A_273 = arith.extui %sign3A_272 : i1 to i32
          %sign3A_274 = arith.subi %sign3A_270, %sign3A_273 : i32
          %sign3A_275 = arith.constant 0 : i32
          %sign3A_276 = arith.cmpi sgt, %jit3A_266, %sign3A_275 : i32
          %sign3A_277 = arith.extui %sign3A_276 : i1 to i32
          %sign3A_278 = arith.constant 0 : i32
          %sign3A_279 = arith.cmpi slt, %jit3A_266, %sign3A_278 : i32
          %sign3A_280 = arith.extui %sign3A_279 : i1 to i32
          %sign3A_281 = arith.subi %sign3A_277, %sign3A_280 : i32
          %ne3A_282 = arith.cmpi ne, %sign3A_274, %sign3A_281 : i32
          %rem3A_283 = arith.remsi %select_n3A_265, %jit3A_266 : i32
          %ne3A_284 = arith.constant 0 : i32
          %ne3A_285 = arith.cmpi ne, %rem3A_283, %ne3A_284 : i32
          %and3A_286 = arith.andi %ne3A_282, %ne3A_285 : i1
          %sub3A_287 = arith.constant 1 : i32
          %sub3A_288 = arith.subi %div3A_267, %sub3A_287 : i32
          %select_n3A_289 = arith.select %and3A_286, %sub3A_288, %div3A_267 : i32
          %jit3A_290 = arith.constant 32 : i32
          %eq3A_291 = arith.constant 0 : i32
          %eq3A_292 = arith.cmpi eq, %jit3A_290, %eq3A_291 : i32
          %jit3A_293 = arith.constant 1 : i32
          %select_n3A_294 = arith.select %eq3A_292, %jit3A_293, %jit3A_290 : i32
          %rem3A_295 = arith.remsi %select_n3A_265, %select_n3A_294 : i32
          %ne3A_296 = arith.constant 0 : i32
          %ne3A_297 = arith.cmpi ne, %rem3A_295, %ne3A_296 : i32
          %lt3A_298 = arith.constant 0 : i32
          %lt3A_299 = arith.cmpi slt, %rem3A_295, %lt3A_298 : i32
          %lt3A_300 = arith.constant 0 : i32
          %lt3A_301 = arith.cmpi slt, %select_n3A_294, %lt3A_300 : i32
          %ne3A_302 = arith.xori %lt3A_299, %lt3A_301 : i1
          %and3A_303 = arith.andi %ne3A_302, %ne3A_297 : i1
          %add3A_304 = arith.addi %rem3A_295, %select_n3A_294 : i32
          %select_n3A_305 = arith.select %and3A_303, %add3A_304, %rem3A_295 : i32
          %mul3A_306 = arith.constant 16 : i32
          %mul3A_307 = arith.muli %select_n3A_305, %mul3A_306 : i32
          %dma_start3A_308 = arith.constant 0 : i32
          %dma_start3A_309 = tpu.memref_slice %arg2[%select_n3A_249, %select_n3A_289, %mul3A_307, %dma_start3A_308] : memref<1x19x512x512xi32, #tpu.memory_space<hbm>> -> memref<1x1x16x512xi32, #tpu.memory_space<hbm>>
          %dma_start3A_310 = tpu.memref_squeeze %dma_start3A_309 : memref<1x1x16x512xi32, #tpu.memory_space<hbm>> -> memref<16x512xi32, #tpu.memory_space<hbm>>
          %dma_start3A_311 = arith.constant 0 : i32
          %dma_start3A_312 = tpu.memref_slice %arg2[%select_n3A_249, %select_n3A_289, %mul3A_307, %dma_start3A_311] : memref<1x19x512x512xi32, #tpu.memory_space<hbm>> -> memref<1x1x16x512xi32, #tpu.memory_space<hbm>>
          %dma_start3A_313 = tpu.memref_squeeze %dma_start3A_312 : memref<1x1x16x512xi32, #tpu.memory_space<hbm>> -> memref<16x512xi32, #tpu.memory_space<hbm>>
          tpu.enqueue_dma source(%dma_start3A_313 : memref<16x512xi32, #tpu.memory_space<hbm>>) target(%arg6 : memref<16x512xi32, #tpu.memory_space<vmem>>) target_semaphore(%arg8 : memref<!tpu.dma_semaphore, #tpu.memory_space<semaphore_mem>>)
        } else {
        }
        %mul3A_126 = arith.constant 19 : i32
        %mul3A_127 = arith.muli %add3A, %mul3A_126 : i32
        %add3A_128 = arith.addi %mul3A_127, %add3A_103 : i32
        %jit3A_129 = arith.constant 608 : i32
        %div3A_130 = arith.divsi %add3A_128, %jit3A_129 : i32
        %sign3A_131 = arith.constant 0 : i32
        %sign3A_132 = arith.cmpi sgt, %add3A_128, %sign3A_131 : i32
        %sign3A_133 = arith.extui %sign3A_132 : i1 to i32
        %sign3A_134 = arith.constant 0 : i32
        %sign3A_135 = arith.cmpi slt, %add3A_128, %sign3A_134 : i32
        %sign3A_136 = arith.extui %sign3A_135 : i1 to i32
        %sign3A_137 = arith.subi %sign3A_133, %sign3A_136 : i32
        %sign3A_138 = arith.constant 0 : i32
        %sign3A_139 = arith.cmpi sgt, %jit3A_129, %sign3A_138 : i32
        %sign3A_140 = arith.extui %sign3A_139 : i1 to i32
        %sign3A_141 = arith.constant 0 : i32
        %sign3A_142 = arith.cmpi slt, %jit3A_129, %sign3A_141 : i32
        %sign3A_143 = arith.extui %sign3A_142 : i1 to i32
        %sign3A_144 = arith.subi %sign3A_140, %sign3A_143 : i32
        %ne3A_145 = arith.cmpi ne, %sign3A_137, %sign3A_144 : i32
        %rem3A_146 = arith.remsi %add3A_128, %jit3A_129 : i32
        %ne3A_147 = arith.constant 0 : i32
        %ne3A_148 = arith.cmpi ne, %rem3A_146, %ne3A_147 : i32
        %and3A_149 = arith.andi %ne3A_145, %ne3A_148 : i1
        %sub3A_150 = arith.constant 1 : i32
        %sub3A_151 = arith.subi %div3A_130, %sub3A_150 : i32
        %select_n3A_152 = arith.select %and3A_149, %sub3A_151, %div3A_130 : i32
        %jit3A_153 = arith.constant 608 : i32
        %eq3A_154 = arith.constant 0 : i32
        %eq3A_155 = arith.cmpi eq, %jit3A_153, %eq3A_154 : i32
        %jit3A_156 = arith.constant 1 : i32
        %select_n3A_157 = arith.select %eq3A_155, %jit3A_156, %jit3A_153 : i32
        %rem3A_158 = arith.remsi %add3A_128, %select_n3A_157 : i32
        %ne3A_159 = arith.constant 0 : i32
        %ne3A_160 = arith.cmpi ne, %rem3A_158, %ne3A_159 : i32
        %lt3A_161 = arith.constant 0 : i32
        %lt3A_162 = arith.cmpi slt, %rem3A_158, %lt3A_161 : i32
        %lt3A_163 = arith.constant 0 : i32
        %lt3A_164 = arith.cmpi slt, %select_n3A_157, %lt3A_163 : i32
        %ne3A_165 = arith.xori %lt3A_162, %lt3A_164 : i1
        %and3A_166 = arith.andi %ne3A_165, %ne3A_160 : i1
        %add3A_167 = arith.addi %rem3A_158, %select_n3A_157 : i32
        %select_n3A_168 = arith.select %and3A_166, %add3A_167, %rem3A_158 : i32
        %jit3A_169 = arith.constant 32 : i32
        %div3A_170 = arith.divsi %select_n3A_168, %jit3A_169 : i32
        %sign3A_171 = arith.constant 0 : i32
        %sign3A_172 = arith.cmpi sgt, %select_n3A_168, %sign3A_171 : i32
        %sign3A_173 = arith.extui %sign3A_172 : i1 to i32
        %sign3A_174 = arith.constant 0 : i32
        %sign3A_175 = arith.cmpi slt, %select_n3A_168, %sign3A_174 : i32
        %sign3A_176 = arith.extui %sign3A_175 : i1 to i32
        %sign3A_177 = arith.subi %sign3A_173, %sign3A_176 : i32
        %sign3A_178 = arith.constant 0 : i32
        %sign3A_179 = arith.cmpi sgt, %jit3A_169, %sign3A_178 : i32
        %sign3A_180 = arith.extui %sign3A_179 : i1 to i32
        %sign3A_181 = arith.constant 0 : i32
        %sign3A_182 = arith.cmpi slt, %jit3A_169, %sign3A_181 : i32
        %sign3A_183 = arith.extui %sign3A_182 : i1 to i32
        %sign3A_184 = arith.subi %sign3A_180, %sign3A_183 : i32
        %ne3A_185 = arith.cmpi ne, %sign3A_177, %sign3A_184 : i32
        %rem3A_186 = arith.remsi %select_n3A_168, %jit3A_169 : i32
        %ne3A_187 = arith.constant 0 : i32
        %ne3A_188 = arith.cmpi ne, %rem3A_186, %ne3A_187 : i32
        %and3A_189 = arith.andi %ne3A_185, %ne3A_188 : i1
        %sub3A_190 = arith.constant 1 : i32
        %sub3A_191 = arith.subi %div3A_170, %sub3A_190 : i32
        %select_n3A_192 = arith.select %and3A_189, %sub3A_191, %div3A_170 : i32
        %jit3A_193 = arith.constant 32 : i32
        %eq3A_194 = arith.constant 0 : i32
        %eq3A_195 = arith.cmpi eq, %jit3A_193, %eq3A_194 : i32
        %jit3A_196 = arith.constant 1 : i32
        %select_n3A_197 = arith.select %eq3A_195, %jit3A_196, %jit3A_193 : i32
        %rem3A_198 = arith.remsi %select_n3A_168, %select_n3A_197 : i32
        %ne3A_199 = arith.constant 0 : i32
        %ne3A_200 = arith.cmpi ne, %rem3A_198, %ne3A_199 : i32
        %lt3A_201 = arith.constant 0 : i32
        %lt3A_202 = arith.cmpi slt, %rem3A_198, %lt3A_201 : i32
        %lt3A_203 = arith.constant 0 : i32
        %lt3A_204 = arith.cmpi slt, %select_n3A_197, %lt3A_203 : i32
        %ne3A_205 = arith.xori %lt3A_202, %lt3A_204 : i1
        %and3A_206 = arith.andi %ne3A_205, %ne3A_200 : i1
        %add3A_207 = arith.addi %rem3A_198, %select_n3A_197 : i32
        %select_n3A_208 = arith.select %and3A_206, %add3A_207, %rem3A_198 : i32
        %mul3A_209 = arith.constant 16 : i32
        %mul3A_210 = arith.muli %select_n3A_208, %mul3A_209 : i32
        %dma_wait3A = arith.constant 0 : i32
        %dma_wait3A_211 = tpu.memref_slice %arg2[%select_n3A_152, %select_n3A_192, %mul3A_210, %dma_wait3A] : memref<1x19x512x512xi32, #tpu.memory_space<hbm>> -> memref<1x1x16x512xi32, #tpu.memory_space<hbm>>
        %dma_wait3A_212 = tpu.memref_squeeze %dma_wait3A_211 : memref<1x1x16x512xi32, #tpu.memory_space<hbm>> -> memref<16x512xi32, #tpu.memory_space<hbm>>
        %dma_wait3A_213 = arith.constant 0 : i32
        %dma_wait3A_214 = tpu.memref_slice %arg2[%select_n3A_152, %select_n3A_192, %mul3A_210, %dma_wait3A_213] : memref<1x19x512x512xi32, #tpu.memory_space<hbm>> -> memref<1x1x16x512xi32, #tpu.memory_space<hbm>>
        %dma_wait3A_215 = tpu.memref_squeeze %dma_wait3A_214 : memref<1x1x16x512xi32, #tpu.memory_space<hbm>> -> memref<16x512xi32, #tpu.memory_space<hbm>>
        tpu.wait_dma2 semaphore(%arg7 : memref<!tpu.dma_semaphore, #tpu.memory_space<semaphore_mem>>) src(%dma_wait3A_215 : memref<16x512xi32, #tpu.memory_space<hbm>>) dst(%arg5 : memref<16x512xi32, #tpu.memory_space<vmem>>)
        %scan3A_216 = arith.constant 0 : i32
        %scan3A_217 = arith.constant 0 : i32
        %scan3A_218 = arith.constant 16 : i32
        %scan3A_219 = arith.addi %scan3A_217, %scan3A_218 : i32
        %scan3A_220 = arith.constant 1 : i32
        %scan3A_221 = scf.for %scan3A_223 = %scan3A_217 to %scan3A_219 step %scan3A_220 iter_args(%scan3A_224 = %scan3A_216) -> (i32)  : i32 {
          %get3A = arith.index_cast %scan3A_223 : i32 to index
          %get3A_225 = arith.constant 0 : index
          %get3A_226 = tpu.vector_load %arg5[%get3A, %get3A_225] {strides = array<i32>} : memref<16x512xi32, #tpu.memory_space<vmem>>, vector<16xi32>,
          tpu.vector_store_idx %arg4[%get3A_226], %broadcast_in_dim3A_1 {add = true} : memref<40960xf32, #tpu.memory_space<vmem>>[vector<16xi32>], vector<16xf32>,
          %get3A_227 = arith.index_cast %scan3A_223 : i32 to index
          %get3A_228 = arith.constant 16 : index
          %get3A_229 = tpu.vector_load %arg5[%get3A_227, %get3A_228] {strides = array<i32>} : memref<16x512xi32, #tpu.memory_space<vmem>>, vector<16xi32>,
          tpu.vector_store_idx %arg4[%get3A_229], %broadcast_in_dim3A_1 {add = true} : memref<40960xf32, #tpu.memory_space<vmem>>[vector<16xi32>], vector<16xf32>,
          %get3A_230 = arith.index_cast %scan3A_223 : i32 to index
          %get3A_231 = arith.constant 32 : index
          %get3A_232 = tpu.vector_load %arg5[%get3A_230, %get3A_231] {strides = array<i32>} : memref<16x512xi32, #tpu.memory_space<vmem>>, vector<16xi32>,
          tpu.vector_store_idx %arg4[%get3A_232], %broadcast_in_dim3A_1 {add = true} : memref<40960xf32, #tpu.memory_space<vmem>>[vector<16xi32>], vector<16xf32>,
          %get3A_233 = arith.index_cast %scan3A_223 : i32 to index
          %get3A_234 = arith.constant 48 : index
          %get3A_235 = tpu.vector_load %arg5[%get3A_233, %get3A_234] {strides = array<i32>} : memref<16x512xi32, #tpu.memory_space<vmem>>, vector<16xi32>,
          tpu.vector_store_idx %arg4[%get3A_235], %broadcast_in_dim3A_1 {add = true} : memref<40960xf32, #tpu.memory_space<vmem>>[vector<16xi32>], vector<16xf32>,
          %get3A_236 = arith.index_cast %scan3A_223 : i32 to index
          %get3A_237 = arith.constant 64 : index
          %get3A_238 = tpu.vector_load %arg5[%get3A_236, %get3A_237] {strides = array<i32>} : memref<16x512xi32, #tpu.memory_space<vmem>>, vector<16xi32>,
          tpu.vector_store_idx %arg4[%get3A_238], %broadcast_in_dim3A_1 {add = true} : memref<40960xf32, #tpu.memory_space<vmem>>[vector<16xi32>], vector<16xf32>,
          %get3A_239 = arith.index_cast %scan3A_223 : i32 to index
          %get3A_240 = arith.constant 80 : index
          %get3A_241 = tpu.vector_load %arg5[%get3A_239, %get3A_240] {strides = array<i32>} : memref<16x512xi32, #tpu.memory_space<vmem>>, vector<16xi32>,
          tpu.vector_store_idx %arg4[%get3A_241], %broadcast_in_dim3A_1 {add = true} : memref<40960xf32, #tpu.memory_space<vmem>>[vector<16xi32>], vector<16xf32>,
          %get3A_242 = arith.index_cast %scan3A_223 : i32 to index
          %get3A_243 = arith.constant 96 : index
          %get3A_244 = tpu.vector_load %arg5[%get3A_242, %get3A_243] {strides = array<i32>} : memref<16x512xi32, #tpu.memory_space<vmem>>, vector<16xi32>,
          tpu.vector_store_idx %arg4[%get3A_244], %broadcast_in_dim3A_1 {add = true} : memref<40960xf32, #tpu.memory_space<vmem>>[vector<16xi32>], vector<16xf32>,
          %get3A_245 = arith.index_cast %scan3A_223 : i32 to index
          %get3A_246 = arith.constant 112 : index
          %get3A_247 = tpu.vector_load %arg5[%get3A_245, %get3A_246] {strides = array<i32>} : memref<16x512xi32, #tpu.memory_space<vmem>>, vector<16xi32>,
          tpu.vector_store_idx %arg4[%get3A_247], %broadcast_in_dim3A_1 {add = true} : memref<40960xf32, #tpu.memory_space<vmem>>[vector<16xi32>], vector<16xf32>,
          %get3A_248 = arith.index_cast %scan3A_223 : i32 to index
          %get3A_249 = arith.constant 128 : index
          %get3A_250 = tpu.vector_load %arg5[%get3A_248, %get3A_249] {strides = array<i32>} : memref<16x512xi32, #tpu.memory_space<vmem>>, vector<16xi32>,
          tpu.vector_store_idx %arg4[%get3A_250], %broadcast_in_dim3A_1 {add = true} : memref<40960xf32, #tpu.memory_space<vmem>>[vector<16xi32>], vector<16xf32>,
          %get3A_251 = arith.index_cast %scan3A_223 : i32 to index
          %get3A_252 = arith.constant 144 : index
          %get3A_253 = tpu.vector_load %arg5[%get3A_251, %get3A_252] {strides = array<i32>} : memref<16x512xi32, #tpu.memory_space<vmem>>, vector<16xi32>,
          tpu.vector_store_idx %arg4[%get3A_253], %broadcast_in_dim3A_1 {add = true} : memref<40960xf32, #tpu.memory_space<vmem>>[vector<16xi32>], vector<16xf32>,
          %get3A_254 = arith.index_cast %scan3A_223 : i32 to index
          %get3A_255 = arith.constant 160 : index
          %get3A_256 = tpu.vector_load %arg5[%get3A_254, %get3A_255] {strides = array<i32>} : memref<16x512xi32, #tpu.memory_space<vmem>>, vector<16xi32>,
          tpu.vector_store_idx %arg4[%get3A_256], %broadcast_in_dim3A_1 {add = true} : memref<40960xf32, #tpu.memory_space<vmem>>[vector<16xi32>], vector<16xf32>,
          %get3A_257 = arith.index_cast %scan3A_223 : i32 to index
          %get3A_258 = arith.constant 176 : index
          %get3A_259 = tpu.vector_load %arg5[%get3A_257, %get3A_258] {strides = array<i32>} : memref<16x512xi32, #tpu.memory_space<vmem>>, vector<16xi32>,
          tpu.vector_store_idx %arg4[%get3A_259], %broadcast_in_dim3A_1 {add = true} : memref<40960xf32, #tpu.memory_space<vmem>>[vector<16xi32>], vector<16xf32>,
          %get3A_260 = arith.index_cast %scan3A_223 : i32 to index
          %get3A_261 = arith.constant 192 : index
          %get3A_262 = tpu.vector_load %arg5[%get3A_260, %get3A_261] {strides = array<i32>} : memref<16x512xi32, #tpu.memory_space<vmem>>, vector<16xi32>,
          tpu.vector_store_idx %arg4[%get3A_262], %broadcast_in_dim3A_1 {add = true} : memref<40960xf32, #tpu.memory_space<vmem>>[vector<16xi32>], vector<16xf32>,
          %get3A_263 = arith.index_cast %scan3A_223 : i32 to index
          %get3A_264 = arith.constant 208 : index
          %get3A_265 = tpu.vector_load %arg5[%get3A_263, %get3A_264] {strides = array<i32>} : memref<16x512xi32, #tpu.memory_space<vmem>>, vector<16xi32>,
          tpu.vector_store_idx %arg4[%get3A_265], %broadcast_in_dim3A_1 {add = true} : memref<40960xf32, #tpu.memory_space<vmem>>[vector<16xi32>], vector<16xf32>,
          %get3A_266 = arith.index_cast %scan3A_223 : i32 to index
          %get3A_267 = arith.constant 224 : index
          %get3A_268 = tpu.vector_load %arg5[%get3A_266, %get3A_267] {strides = array<i32>} : memref<16x512xi32, #tpu.memory_space<vmem>>, vector<16xi32>,
          tpu.vector_store_idx %arg4[%get3A_268], %broadcast_in_dim3A_1 {add = true} : memref<40960xf32, #tpu.memory_space<vmem>>[vector<16xi32>], vector<16xf32>,
          %get3A_269 = arith.index_cast %scan3A_223 : i32 to index
          %get3A_270 = arith.constant 240 : index
          %get3A_271 = tpu.vector_load %arg5[%get3A_269, %get3A_270] {strides = array<i32>} : memref<16x512xi32, #tpu.memory_space<vmem>>, vector<16xi32>,
          tpu.vector_store_idx %arg4[%get3A_271], %broadcast_in_dim3A_1 {add = true} : memref<40960xf32, #tpu.memory_space<vmem>>[vector<16xi32>], vector<16xf32>,
          %get3A_272 = arith.index_cast %scan3A_223 : i32 to index
          %get3A_273 = arith.constant 256 : index
          %get3A_274 = tpu.vector_load %arg5[%get3A_272, %get3A_273] {strides = array<i32>} : memref<16x512xi32, #tpu.memory_space<vmem>>, vector<16xi32>,
          tpu.vector_store_idx %arg4[%get3A_274], %broadcast_in_dim3A_1 {add = true} : memref<40960xf32, #tpu.memory_space<vmem>>[vector<16xi32>], vector<16xf32>,
          %get3A_275 = arith.index_cast %scan3A_223 : i32 to index
          %get3A_276 = arith.constant 272 : index
          %get3A_277 = tpu.vector_load %arg5[%get3A_275, %get3A_276] {strides = array<i32>} : memref<16x512xi32, #tpu.memory_space<vmem>>, vector<16xi32>,
          tpu.vector_store_idx %arg4[%get3A_277], %broadcast_in_dim3A_1 {add = true} : memref<40960xf32, #tpu.memory_space<vmem>>[vector<16xi32>], vector<16xf32>,
          %get3A_278 = arith.index_cast %scan3A_223 : i32 to index
          %get3A_279 = arith.constant 288 : index
          %get3A_280 = tpu.vector_load %arg5[%get3A_278, %get3A_279] {strides = array<i32>} : memref<16x512xi32, #tpu.memory_space<vmem>>, vector<16xi32>,
          tpu.vector_store_idx %arg4[%get3A_280], %broadcast_in_dim3A_1 {add = true} : memref<40960xf32, #tpu.memory_space<vmem>>[vector<16xi32>], vector<16xf32>,
          %get3A_281 = arith.index_cast %scan3A_223 : i32 to index
          %get3A_282 = arith.constant 304 : index
          %get3A_283 = tpu.vector_load %arg5[%get3A_281, %get3A_282] {strides = array<i32>} : memref<16x512xi32, #tpu.memory_space<vmem>>, vector<16xi32>,
          tpu.vector_store_idx %arg4[%get3A_283], %broadcast_in_dim3A_1 {add = true} : memref<40960xf32, #tpu.memory_space<vmem>>[vector<16xi32>], vector<16xf32>,
          %get3A_284 = arith.index_cast %scan3A_223 : i32 to index
          %get3A_285 = arith.constant 320 : index
          %get3A_286 = tpu.vector_load %arg5[%get3A_284, %get3A_285] {strides = array<i32>} : memref<16x512xi32, #tpu.memory_space<vmem>>, vector<16xi32>,
          tpu.vector_store_idx %arg4[%get3A_286], %broadcast_in_dim3A_1 {add = true} : memref<40960xf32, #tpu.memory_space<vmem>>[vector<16xi32>], vector<16xf32>,
          %get3A_287 = arith.index_cast %scan3A_223 : i32 to index
          %get3A_288 = arith.constant 336 : index
          %get3A_289 = tpu.vector_load %arg5[%get3A_287, %get3A_288] {strides = array<i32>} : memref<16x512xi32, #tpu.memory_space<vmem>>, vector<16xi32>,
          tpu.vector_store_idx %arg4[%get3A_289], %broadcast_in_dim3A_1 {add = true} : memref<40960xf32, #tpu.memory_space<vmem>>[vector<16xi32>], vector<16xf32>,
          %get3A_290 = arith.index_cast %scan3A_223 : i32 to index
          %get3A_291 = arith.constant 352 : index
          %get3A_292 = tpu.vector_load %arg5[%get3A_290, %get3A_291] {strides = array<i32>} : memref<16x512xi32, #tpu.memory_space<vmem>>, vector<16xi32>,
          tpu.vector_store_idx %arg4[%get3A_292], %broadcast_in_dim3A_1 {add = true} : memref<40960xf32, #tpu.memory_space<vmem>>[vector<16xi32>], vector<16xf32>,
          %get3A_293 = arith.index_cast %scan3A_223 : i32 to index
          %get3A_294 = arith.constant 368 : index
          %get3A_295 = tpu.vector_load %arg5[%get3A_293, %get3A_294] {strides = array<i32>} : memref<16x512xi32, #tpu.memory_space<vmem>>, vector<16xi32>,
          tpu.vector_store_idx %arg4[%get3A_295], %broadcast_in_dim3A_1 {add = true} : memref<40960xf32, #tpu.memory_space<vmem>>[vector<16xi32>], vector<16xf32>,
          %get3A_296 = arith.index_cast %scan3A_223 : i32 to index
          %get3A_297 = arith.constant 384 : index
          %get3A_298 = tpu.vector_load %arg5[%get3A_296, %get3A_297] {strides = array<i32>} : memref<16x512xi32, #tpu.memory_space<vmem>>, vector<16xi32>,
          tpu.vector_store_idx %arg4[%get3A_298], %broadcast_in_dim3A_1 {add = true} : memref<40960xf32, #tpu.memory_space<vmem>>[vector<16xi32>], vector<16xf32>,
          %get3A_299 = arith.index_cast %scan3A_223 : i32 to index
          %get3A_300 = arith.constant 400 : index
          %get3A_301 = tpu.vector_load %arg5[%get3A_299, %get3A_300] {strides = array<i32>} : memref<16x512xi32, #tpu.memory_space<vmem>>, vector<16xi32>,
          tpu.vector_store_idx %arg4[%get3A_301], %broadcast_in_dim3A_1 {add = true} : memref<40960xf32, #tpu.memory_space<vmem>>[vector<16xi32>], vector<16xf32>,
          %get3A_302 = arith.index_cast %scan3A_223 : i32 to index
          %get3A_303 = arith.constant 416 : index
          %get3A_304 = tpu.vector_load %arg5[%get3A_302, %get3A_303] {strides = array<i32>} : memref<16x512xi32, #tpu.memory_space<vmem>>, vector<16xi32>,
          tpu.vector_store_idx %arg4[%get3A_304], %broadcast_in_dim3A_1 {add = true} : memref<40960xf32, #tpu.memory_space<vmem>>[vector<16xi32>], vector<16xf32>,
          %get3A_305 = arith.index_cast %scan3A_223 : i32 to index
          %get3A_306 = arith.constant 432 : index
          %get3A_307 = tpu.vector_load %arg5[%get3A_305, %get3A_306] {strides = array<i32>} : memref<16x512xi32, #tpu.memory_space<vmem>>, vector<16xi32>,
          tpu.vector_store_idx %arg4[%get3A_307], %broadcast_in_dim3A_1 {add = true} : memref<40960xf32, #tpu.memory_space<vmem>>[vector<16xi32>], vector<16xf32>,
          %get3A_308 = arith.index_cast %scan3A_223 : i32 to index
          %get3A_309 = arith.constant 448 : index
          %get3A_310 = tpu.vector_load %arg5[%get3A_308, %get3A_309] {strides = array<i32>} : memref<16x512xi32, #tpu.memory_space<vmem>>, vector<16xi32>,
          tpu.vector_store_idx %arg4[%get3A_310], %broadcast_in_dim3A_1 {add = true} : memref<40960xf32, #tpu.memory_space<vmem>>[vector<16xi32>], vector<16xf32>,
          %get3A_311 = arith.index_cast %scan3A_223 : i32 to index
          %get3A_312 = arith.constant 464 : index
          %get3A_313 = tpu.vector_load %arg5[%get3A_311, %get3A_312] {strides = array<i32>} : memref<16x512xi32, #tpu.memory_space<vmem>>, vector<16xi32>,
          tpu.vector_store_idx %arg4[%get3A_313], %broadcast_in_dim3A_1 {add = true} : memref<40960xf32, #tpu.memory_space<vmem>>[vector<16xi32>], vector<16xf32>,
          %get3A_314 = arith.index_cast %scan3A_223 : i32 to index
          %get3A_315 = arith.constant 480 : index
          %get3A_316 = tpu.vector_load %arg5[%get3A_314, %get3A_315] {strides = array<i32>} : memref<16x512xi32, #tpu.memory_space<vmem>>, vector<16xi32>,
          tpu.vector_store_idx %arg4[%get3A_316], %broadcast_in_dim3A_1 {add = true} : memref<40960xf32, #tpu.memory_space<vmem>>[vector<16xi32>], vector<16xf32>,
          %get3A_317 = arith.index_cast %scan3A_223 : i32 to index
          %get3A_318 = arith.constant 496 : index
          %get3A_319 = tpu.vector_load %arg5[%get3A_317, %get3A_318] {strides = array<i32>} : memref<16x512xi32, #tpu.memory_space<vmem>>, vector<16xi32>,
          tpu.vector_store_idx %arg4[%get3A_319], %broadcast_in_dim3A_1 {add = true} : memref<40960xf32, #tpu.memory_space<vmem>>[vector<16xi32>], vector<16xf32>,
          %scan3A_320 = arith.constant 0 : i32
          scf.yield %scan3A_320 : i32
        }
        %scan3A_222 = arith.constant 16 : i32
      } else {
      }
      %mul3A_109 = arith.constant 2 : i32
      %mul3A_110 = arith.muli %scan3A_98, %mul3A_109 : i32
      %add3A_111 = arith.constant 1 : i32
      %add3A_112 = arith.addi %mul3A_110, %add3A_111 : i32
      %add3A_113 = arith.constant 1 : i32
      %add3A_114 = arith.addi %add3A_112, %add3A_113 : i32
      %lt3A_115 = arith.constant 19 : i32
      %lt3A_116 = arith.cmpi slt, %add3A_112, %lt3A_115 : i32
      %convert_element_type3A_117 = arith.extui %lt3A_116 : i1 to i32
      %cond3A_118 = arith.constant 0 : i32
      %cond3A_119 = arith.cmpi ne, %convert_element_type3A_117, %cond3A_118 : i32
      scf.if %cond3A_119 {
        %lt3A_121 = arith.constant 19 : i32
        %lt3A_122 = arith.cmpi slt, %add3A_114, %lt3A_121 : i32
        %convert_element_type3A_123 = arith.extui %lt3A_122 : i1 to i32
        %cond3A_124 = arith.constant 0 : i32
        %cond3A_125 = arith.cmpi ne, %convert_element_type3A_123, %cond3A_124 : i32
        scf.if %cond3A_125 {
          %mul3A_223 = arith.constant 19 : i32
          %mul3A_224 = arith.muli %add3A, %mul3A_223 : i32
          %add3A_225 = arith.addi %mul3A_224, %add3A_114 : i32
          %jit3A_226 = arith.constant 608 : i32
          %div3A_227 = arith.divsi %add3A_225, %jit3A_226 : i32
          %sign3A_228 = arith.constant 0 : i32
          %sign3A_229 = arith.cmpi sgt, %add3A_225, %sign3A_228 : i32
          %sign3A_230 = arith.extui %sign3A_229 : i1 to i32
          %sign3A_231 = arith.constant 0 : i32
          %sign3A_232 = arith.cmpi slt, %add3A_225, %sign3A_231 : i32
          %sign3A_233 = arith.extui %sign3A_232 : i1 to i32
          %sign3A_234 = arith.subi %sign3A_230, %sign3A_233 : i32
          %sign3A_235 = arith.constant 0 : i32
          %sign3A_236 = arith.cmpi sgt, %jit3A_226, %sign3A_235 : i32
          %sign3A_237 = arith.extui %sign3A_236 : i1 to i32
          %sign3A_238 = arith.constant 0 : i32
          %sign3A_239 = arith.cmpi slt, %jit3A_226, %sign3A_238 : i32
          %sign3A_240 = arith.extui %sign3A_239 : i1 to i32
          %sign3A_241 = arith.subi %sign3A_237, %sign3A_240 : i32
          %ne3A_242 = arith.cmpi ne, %sign3A_234, %sign3A_241 : i32
          %rem3A_243 = arith.remsi %add3A_225, %jit3A_226 : i32
          %ne3A_244 = arith.constant 0 : i32
          %ne3A_245 = arith.cmpi ne, %rem3A_243, %ne3A_244 : i32
          %and3A_246 = arith.andi %ne3A_242, %ne3A_245 : i1
          %sub3A_247 = arith.constant 1 : i32
          %sub3A_248 = arith.subi %div3A_227, %sub3A_247 : i32
          %select_n3A_249 = arith.select %and3A_246, %sub3A_248, %div3A_227 : i32
          %jit3A_250 = arith.constant 608 : i32
          %eq3A_251 = arith.constant 0 : i32
          %eq3A_252 = arith.cmpi eq, %jit3A_250, %eq3A_251 : i32
          %jit3A_253 = arith.constant 1 : i32
          %select_n3A_254 = arith.select %eq3A_252, %jit3A_253, %jit3A_250 : i32
          %rem3A_255 = arith.remsi %add3A_225, %select_n3A_254 : i32
          %ne3A_256 = arith.constant 0 : i32
          %ne3A_257 = arith.cmpi ne, %rem3A_255, %ne3A_256 : i32
          %lt3A_258 = arith.constant 0 : i32
          %lt3A_259 = arith.cmpi slt, %rem3A_255, %lt3A_258 : i32
          %lt3A_260 = arith.constant 0 : i32
          %lt3A_261 = arith.cmpi slt, %select_n3A_254, %lt3A_260 : i32
          %ne3A_262 = arith.xori %lt3A_259, %lt3A_261 : i1
          %and3A_263 = arith.andi %ne3A_262, %ne3A_257 : i1
          %add3A_264 = arith.addi %rem3A_255, %select_n3A_254 : i32
          %select_n3A_265 = arith.select %and3A_263, %add3A_264, %rem3A_255 : i32
          %jit3A_266 = arith.constant 32 : i32
          %div3A_267 = arith.divsi %select_n3A_265, %jit3A_266 : i32
          %sign3A_268 = arith.constant 0 : i32
          %sign3A_269 = arith.cmpi sgt, %select_n3A_265, %sign3A_268 : i32
          %sign3A_270 = arith.extui %sign3A_269 : i1 to i32
          %sign3A_271 = arith.constant 0 : i32
          %sign3A_272 = arith.cmpi slt, %select_n3A_265, %sign3A_271 : i32
          %sign3A_273 = arith.extui %sign3A_272 : i1 to i32
          %sign3A_274 = arith.subi %sign3A_270, %sign3A_273 : i32
          %sign3A_275 = arith.constant 0 : i32
          %sign3A_276 = arith.cmpi sgt, %jit3A_266, %sign3A_275 : i32
          %sign3A_277 = arith.extui %sign3A_276 : i1 to i32
          %sign3A_278 = arith.constant 0 : i32
          %sign3A_279 = arith.cmpi slt, %jit3A_266, %sign3A_278 : i32
          %sign3A_280 = arith.extui %sign3A_279 : i1 to i32
          %sign3A_281 = arith.subi %sign3A_277, %sign3A_280 : i32
          %ne3A_282 = arith.cmpi ne, %sign3A_274, %sign3A_281 : i32
          %rem3A_283 = arith.remsi %select_n3A_265, %jit3A_266 : i32
          %ne3A_284 = arith.constant 0 : i32
          %ne3A_285 = arith.cmpi ne, %rem3A_283, %ne3A_284 : i32
          %and3A_286 = arith.andi %ne3A_282, %ne3A_285 : i1
          %sub3A_287 = arith.constant 1 : i32
          %sub3A_288 = arith.subi %div3A_267, %sub3A_287 : i32
          %select_n3A_289 = arith.select %and3A_286, %sub3A_288, %div3A_267 : i32
          %jit3A_290 = arith.constant 32 : i32
          %eq3A_291 = arith.constant 0 : i32
          %eq3A_292 = arith.cmpi eq, %jit3A_290, %eq3A_291 : i32
          %jit3A_293 = arith.constant 1 : i32
          %select_n3A_294 = arith.select %eq3A_292, %jit3A_293, %jit3A_290 : i32
          %rem3A_295 = arith.remsi %select_n3A_265, %select_n3A_294 : i32
          %ne3A_296 = arith.constant 0 : i32
          %ne3A_297 = arith.cmpi ne, %rem3A_295, %ne3A_296 : i32
          %lt3A_298 = arith.constant 0 : i32
          %lt3A_299 = arith.cmpi slt, %rem3A_295, %lt3A_298 : i32
          %lt3A_300 = arith.constant 0 : i32
          %lt3A_301 = arith.cmpi slt, %select_n3A_294, %lt3A_300 : i32
          %ne3A_302 = arith.xori %lt3A_299, %lt3A_301 : i1
          %and3A_303 = arith.andi %ne3A_302, %ne3A_297 : i1
          %add3A_304 = arith.addi %rem3A_295, %select_n3A_294 : i32
          %select_n3A_305 = arith.select %and3A_303, %add3A_304, %rem3A_295 : i32
          %mul3A_306 = arith.constant 16 : i32
          %mul3A_307 = arith.muli %select_n3A_305, %mul3A_306 : i32
          %dma_start3A_308 = arith.constant 0 : i32
          %dma_start3A_309 = tpu.memref_slice %arg2[%select_n3A_249, %select_n3A_289, %mul3A_307, %dma_start3A_308] : memref<1x19x512x512xi32, #tpu.memory_space<hbm>> -> memref<1x1x16x512xi32, #tpu.memory_space<hbm>>
          %dma_start3A_310 = tpu.memref_squeeze %dma_start3A_309 : memref<1x1x16x512xi32, #tpu.memory_space<hbm>> -> memref<16x512xi32, #tpu.memory_space<hbm>>
          %dma_start3A_311 = arith.constant 0 : i32
          %dma_start3A_312 = tpu.memref_slice %arg2[%select_n3A_249, %select_n3A_289, %mul3A_307, %dma_start3A_311] : memref<1x19x512x512xi32, #tpu.memory_space<hbm>> -> memref<1x1x16x512xi32, #tpu.memory_space<hbm>>
          %dma_start3A_313 = tpu.memref_squeeze %dma_start3A_312 : memref<1x1x16x512xi32, #tpu.memory_space<hbm>> -> memref<16x512xi32, #tpu.memory_space<hbm>>
          tpu.enqueue_dma source(%dma_start3A_313 : memref<16x512xi32, #tpu.memory_space<hbm>>) target(%arg5 : memref<16x512xi32, #tpu.memory_space<vmem>>) target_semaphore(%arg7 : memref<!tpu.dma_semaphore, #tpu.memory_space<semaphore_mem>>)
        } else {
        }
        %mul3A_126 = arith.constant 19 : i32
        %mul3A_127 = arith.muli %add3A, %mul3A_126 : i32
        %add3A_128 = arith.addi %mul3A_127, %add3A_112 : i32
        %jit3A_129 = arith.constant 608 : i32
        %div3A_130 = arith.divsi %add3A_128, %jit3A_129 : i32
        %sign3A_131 = arith.constant 0 : i32
        %sign3A_132 = arith.cmpi sgt, %add3A_128, %sign3A_131 : i32
        %sign3A_133 = arith.extui %sign3A_132 : i1 to i32
        %sign3A_134 = arith.constant 0 : i32
        %sign3A_135 = arith.cmpi slt, %add3A_128, %sign3A_134 : i32
        %sign3A_136 = arith.extui %sign3A_135 : i1 to i32
        %sign3A_137 = arith.subi %sign3A_133, %sign3A_136 : i32
        %sign3A_138 = arith.constant 0 : i32
        %sign3A_139 = arith.cmpi sgt, %jit3A_129, %sign3A_138 : i32
        %sign3A_140 = arith.extui %sign3A_139 : i1 to i32
        %sign3A_141 = arith.constant 0 : i32
        %sign3A_142 = arith.cmpi slt, %jit3A_129, %sign3A_141 : i32
        %sign3A_143 = arith.extui %sign3A_142 : i1 to i32
        %sign3A_144 = arith.subi %sign3A_140, %sign3A_143 : i32
        %ne3A_145 = arith.cmpi ne, %sign3A_137, %sign3A_144 : i32
        %rem3A_146 = arith.remsi %add3A_128, %jit3A_129 : i32
        %ne3A_147 = arith.constant 0 : i32
        %ne3A_148 = arith.cmpi ne, %rem3A_146, %ne3A_147 : i32
        %and3A_149 = arith.andi %ne3A_145, %ne3A_148 : i1
        %sub3A_150 = arith.constant 1 : i32
        %sub3A_151 = arith.subi %div3A_130, %sub3A_150 : i32
        %select_n3A_152 = arith.select %and3A_149, %sub3A_151, %div3A_130 : i32
        %jit3A_153 = arith.constant 608 : i32
        %eq3A_154 = arith.constant 0 : i32
        %eq3A_155 = arith.cmpi eq, %jit3A_153, %eq3A_154 : i32
        %jit3A_156 = arith.constant 1 : i32
        %select_n3A_157 = arith.select %eq3A_155, %jit3A_156, %jit3A_153 : i32
        %rem3A_158 = arith.remsi %add3A_128, %select_n3A_157 : i32
        %ne3A_159 = arith.constant 0 : i32
        %ne3A_160 = arith.cmpi ne, %rem3A_158, %ne3A_159 : i32
        %lt3A_161 = arith.constant 0 : i32
        %lt3A_162 = arith.cmpi slt, %rem3A_158, %lt3A_161 : i32
        %lt3A_163 = arith.constant 0 : i32
        %lt3A_164 = arith.cmpi slt, %select_n3A_157, %lt3A_163 : i32
        %ne3A_165 = arith.xori %lt3A_162, %lt3A_164 : i1
        %and3A_166 = arith.andi %ne3A_165, %ne3A_160 : i1
        %add3A_167 = arith.addi %rem3A_158, %select_n3A_157 : i32
        %select_n3A_168 = arith.select %and3A_166, %add3A_167, %rem3A_158 : i32
        %jit3A_169 = arith.constant 32 : i32
        %div3A_170 = arith.divsi %select_n3A_168, %jit3A_169 : i32
        %sign3A_171 = arith.constant 0 : i32
        %sign3A_172 = arith.cmpi sgt, %select_n3A_168, %sign3A_171 : i32
        %sign3A_173 = arith.extui %sign3A_172 : i1 to i32
        %sign3A_174 = arith.constant 0 : i32
        %sign3A_175 = arith.cmpi slt, %select_n3A_168, %sign3A_174 : i32
        %sign3A_176 = arith.extui %sign3A_175 : i1 to i32
        %sign3A_177 = arith.subi %sign3A_173, %sign3A_176 : i32
        %sign3A_178 = arith.constant 0 : i32
        %sign3A_179 = arith.cmpi sgt, %jit3A_169, %sign3A_178 : i32
        %sign3A_180 = arith.extui %sign3A_179 : i1 to i32
        %sign3A_181 = arith.constant 0 : i32
        %sign3A_182 = arith.cmpi slt, %jit3A_169, %sign3A_181 : i32
        %sign3A_183 = arith.extui %sign3A_182 : i1 to i32
        %sign3A_184 = arith.subi %sign3A_180, %sign3A_183 : i32
        %ne3A_185 = arith.cmpi ne, %sign3A_177, %sign3A_184 : i32
        %rem3A_186 = arith.remsi %select_n3A_168, %jit3A_169 : i32
        %ne3A_187 = arith.constant 0 : i32
        %ne3A_188 = arith.cmpi ne, %rem3A_186, %ne3A_187 : i32
        %and3A_189 = arith.andi %ne3A_185, %ne3A_188 : i1
        %sub3A_190 = arith.constant 1 : i32
        %sub3A_191 = arith.subi %div3A_170, %sub3A_190 : i32
        %select_n3A_192 = arith.select %and3A_189, %sub3A_191, %div3A_170 : i32
        %jit3A_193 = arith.constant 32 : i32
        %eq3A_194 = arith.constant 0 : i32
        %eq3A_195 = arith.cmpi eq, %jit3A_193, %eq3A_194 : i32
        %jit3A_196 = arith.constant 1 : i32
        %select_n3A_197 = arith.select %eq3A_195, %jit3A_196, %jit3A_193 : i32
        %rem3A_198 = arith.remsi %select_n3A_168, %select_n3A_197 : i32
        %ne3A_199 = arith.constant 0 : i32
        %ne3A_200 = arith.cmpi ne, %rem3A_198, %ne3A_199 : i32
        %lt3A_201 = arith.constant 0 : i32
        %lt3A_202 = arith.cmpi slt, %rem3A_198, %lt3A_201 : i32
        %lt3A_203 = arith.constant 0 : i32
        %lt3A_204 = arith.cmpi slt, %select_n3A_197, %lt3A_203 : i32
        %ne3A_205 = arith.xori %lt3A_202, %lt3A_204 : i1
        %and3A_206 = arith.andi %ne3A_205, %ne3A_200 : i1
        %add3A_207 = arith.addi %rem3A_198, %select_n3A_197 : i32
        %select_n3A_208 = arith.select %and3A_206, %add3A_207, %rem3A_198 : i32
        %mul3A_209 = arith.constant 16 : i32
        %mul3A_210 = arith.muli %select_n3A_208, %mul3A_209 : i32
        %dma_wait3A = arith.constant 0 : i32
        %dma_wait3A_211 = tpu.memref_slice %arg2[%select_n3A_152, %select_n3A_192, %mul3A_210, %dma_wait3A] : memref<1x19x512x512xi32, #tpu.memory_space<hbm>> -> memref<1x1x16x512xi32, #tpu.memory_space<hbm>>
        %dma_wait3A_212 = tpu.memref_squeeze %dma_wait3A_211 : memref<1x1x16x512xi32, #tpu.memory_space<hbm>> -> memref<16x512xi32, #tpu.memory_space<hbm>>
        %dma_wait3A_213 = arith.constant 0 : i32
        %dma_wait3A_214 = tpu.memref_slice %arg2[%select_n3A_152, %select_n3A_192, %mul3A_210, %dma_wait3A_213] : memref<1x19x512x512xi32, #tpu.memory_space<hbm>> -> memref<1x1x16x512xi32, #tpu.memory_space<hbm>>
        %dma_wait3A_215 = tpu.memref_squeeze %dma_wait3A_214 : memref<1x1x16x512xi32, #tpu.memory_space<hbm>> -> memref<16x512xi32, #tpu.memory_space<hbm>>
        tpu.wait_dma2 semaphore(%arg8 : memref<!tpu.dma_semaphore, #tpu.memory_space<semaphore_mem>>) src(%dma_wait3A_215 : memref<16x512xi32, #tpu.memory_space<hbm>>) dst(%arg6 : memref<16x512xi32, #tpu.memory_space<vmem>>)
        %scan3A_216 = arith.constant 0 : i32
        %scan3A_217 = arith.constant 0 : i32
        %scan3A_218 = arith.constant 16 : i32
        %scan3A_219 = arith.addi %scan3A_217, %scan3A_218 : i32
        %scan3A_220 = arith.constant 1 : i32
        %scan3A_221 = scf.for %scan3A_223 = %scan3A_217 to %scan3A_219 step %scan3A_220 iter_args(%scan3A_224 = %scan3A_216) -> (i32)  : i32 {
          %get3A = arith.index_cast %scan3A_223 : i32 to index
          %get3A_225 = arith.constant 0 : index
          %get3A_226 = tpu.vector_load %arg6[%get3A, %get3A_225] {strides = array<i32>} : memref<16x512xi32, #tpu.memory_space<vmem>>, vector<16xi32>,
          tpu.vector_store_idx %arg4[%get3A_226], %broadcast_in_dim3A_1 {add = true} : memref<40960xf32, #tpu.memory_space<vmem>>[vector<16xi32>], vector<16xf32>,
          %get3A_227 = arith.index_cast %scan3A_223 : i32 to index
          %get3A_228 = arith.constant 16 : index
          %get3A_229 = tpu.vector_load %arg6[%get3A_227, %get3A_228] {strides = array<i32>} : memref<16x512xi32, #tpu.memory_space<vmem>>, vector<16xi32>,
          tpu.vector_store_idx %arg4[%get3A_229], %broadcast_in_dim3A_1 {add = true} : memref<40960xf32, #tpu.memory_space<vmem>>[vector<16xi32>], vector<16xf32>,
          %get3A_230 = arith.index_cast %scan3A_223 : i32 to index
          %get3A_231 = arith.constant 32 : index
          %get3A_232 = tpu.vector_load %arg6[%get3A_230, %get3A_231] {strides = array<i32>} : memref<16x512xi32, #tpu.memory_space<vmem>>, vector<16xi32>,
          tpu.vector_store_idx %arg4[%get3A_232], %broadcast_in_dim3A_1 {add = true} : memref<40960xf32, #tpu.memory_space<vmem>>[vector<16xi32>], vector<16xf32>,
          %get3A_233 = arith.index_cast %scan3A_223 : i32 to index
          %get3A_234 = arith.constant 48 : index
          %get3A_235 = tpu.vector_load %arg6[%get3A_233, %get3A_234] {strides = array<i32>} : memref<16x512xi32, #tpu.memory_space<vmem>>, vector<16xi32>,
          tpu.vector_store_idx %arg4[%get3A_235], %broadcast_in_dim3A_1 {add = true} : memref<40960xf32, #tpu.memory_space<vmem>>[vector<16xi32>], vector<16xf32>,
          %get3A_236 = arith.index_cast %scan3A_223 : i32 to index
          %get3A_237 = arith.constant 64 : index
          %get3A_238 = tpu.vector_load %arg6[%get3A_236, %get3A_237] {strides = array<i32>} : memref<16x512xi32, #tpu.memory_space<vmem>>, vector<16xi32>,
          tpu.vector_store_idx %arg4[%get3A_238], %broadcast_in_dim3A_1 {add = true} : memref<40960xf32, #tpu.memory_space<vmem>>[vector<16xi32>], vector<16xf32>,
          %get3A_239 = arith.index_cast %scan3A_223 : i32 to index
          %get3A_240 = arith.constant 80 : index
          %get3A_241 = tpu.vector_load %arg6[%get3A_239, %get3A_240] {strides = array<i32>} : memref<16x512xi32, #tpu.memory_space<vmem>>, vector<16xi32>,
          tpu.vector_store_idx %arg4[%get3A_241], %broadcast_in_dim3A_1 {add = true} : memref<40960xf32, #tpu.memory_space<vmem>>[vector<16xi32>], vector<16xf32>,
          %get3A_242 = arith.index_cast %scan3A_223 : i32 to index
          %get3A_243 = arith.constant 96 : index
          %get3A_244 = tpu.vector_load %arg6[%get3A_242, %get3A_243] {strides = array<i32>} : memref<16x512xi32, #tpu.memory_space<vmem>>, vector<16xi32>,
          tpu.vector_store_idx %arg4[%get3A_244], %broadcast_in_dim3A_1 {add = true} : memref<40960xf32, #tpu.memory_space<vmem>>[vector<16xi32>], vector<16xf32>,
          %get3A_245 = arith.index_cast %scan3A_223 : i32 to index
          %get3A_246 = arith.constant 112 : index
          %get3A_247 = tpu.vector_load %arg6[%get3A_245, %get3A_246] {strides = array<i32>} : memref<16x512xi32, #tpu.memory_space<vmem>>, vector<16xi32>,
          tpu.vector_store_idx %arg4[%get3A_247], %broadcast_in_dim3A_1 {add = true} : memref<40960xf32, #tpu.memory_space<vmem>>[vector<16xi32>], vector<16xf32>,
          %get3A_248 = arith.index_cast %scan3A_223 : i32 to index
          %get3A_249 = arith.constant 128 : index
          %get3A_250 = tpu.vector_load %arg6[%get3A_248, %get3A_249] {strides = array<i32>} : memref<16x512xi32, #tpu.memory_space<vmem>>, vector<16xi32>,
          tpu.vector_store_idx %arg4[%get3A_250], %broadcast_in_dim3A_1 {add = true} : memref<40960xf32, #tpu.memory_space<vmem>>[vector<16xi32>], vector<16xf32>,
          %get3A_251 = arith.index_cast %scan3A_223 : i32 to index
          %get3A_252 = arith.constant 144 : index
          %get3A_253 = tpu.vector_load %arg6[%get3A_251, %get3A_252] {strides = array<i32>} : memref<16x512xi32, #tpu.memory_space<vmem>>, vector<16xi32>,
          tpu.vector_store_idx %arg4[%get3A_253], %broadcast_in_dim3A_1 {add = true} : memref<40960xf32, #tpu.memory_space<vmem>>[vector<16xi32>], vector<16xf32>,
          %get3A_254 = arith.index_cast %scan3A_223 : i32 to index
          %get3A_255 = arith.constant 160 : index
          %get3A_256 = tpu.vector_load %arg6[%get3A_254, %get3A_255] {strides = array<i32>} : memref<16x512xi32, #tpu.memory_space<vmem>>, vector<16xi32>,
          tpu.vector_store_idx %arg4[%get3A_256], %broadcast_in_dim3A_1 {add = true} : memref<40960xf32, #tpu.memory_space<vmem>>[vector<16xi32>], vector<16xf32>,
          %get3A_257 = arith.index_cast %scan3A_223 : i32 to index
          %get3A_258 = arith.constant 176 : index
          %get3A_259 = tpu.vector_load %arg6[%get3A_257, %get3A_258] {strides = array<i32>} : memref<16x512xi32, #tpu.memory_space<vmem>>, vector<16xi32>,
          tpu.vector_store_idx %arg4[%get3A_259], %broadcast_in_dim3A_1 {add = true} : memref<40960xf32, #tpu.memory_space<vmem>>[vector<16xi32>], vector<16xf32>,
          %get3A_260 = arith.index_cast %scan3A_223 : i32 to index
          %get3A_261 = arith.constant 192 : index
          %get3A_262 = tpu.vector_load %arg6[%get3A_260, %get3A_261] {strides = array<i32>} : memref<16x512xi32, #tpu.memory_space<vmem>>, vector<16xi32>,
          tpu.vector_store_idx %arg4[%get3A_262], %broadcast_in_dim3A_1 {add = true} : memref<40960xf32, #tpu.memory_space<vmem>>[vector<16xi32>], vector<16xf32>,
          %get3A_263 = arith.index_cast %scan3A_223 : i32 to index
          %get3A_264 = arith.constant 208 : index
          %get3A_265 = tpu.vector_load %arg6[%get3A_263, %get3A_264] {strides = array<i32>} : memref<16x512xi32, #tpu.memory_space<vmem>>, vector<16xi32>,
          tpu.vector_store_idx %arg4[%get3A_265], %broadcast_in_dim3A_1 {add = true} : memref<40960xf32, #tpu.memory_space<vmem>>[vector<16xi32>], vector<16xf32>,
          %get3A_266 = arith.index_cast %scan3A_223 : i32 to index
          %get3A_267 = arith.constant 224 : index
          %get3A_268 = tpu.vector_load %arg6[%get3A_266, %get3A_267] {strides = array<i32>} : memref<16x512xi32, #tpu.memory_space<vmem>>, vector<16xi32>,
          tpu.vector_store_idx %arg4[%get3A_268], %broadcast_in_dim3A_1 {add = true} : memref<40960xf32, #tpu.memory_space<vmem>>[vector<16xi32>], vector<16xf32>,
          %get3A_269 = arith.index_cast %scan3A_223 : i32 to index
          %get3A_270 = arith.constant 240 : index
          %get3A_271 = tpu.vector_load %arg6[%get3A_269, %get3A_270] {strides = array<i32>} : memref<16x512xi32, #tpu.memory_space<vmem>>, vector<16xi32>,
          tpu.vector_store_idx %arg4[%get3A_271], %broadcast_in_dim3A_1 {add = true} : memref<40960xf32, #tpu.memory_space<vmem>>[vector<16xi32>], vector<16xf32>,
          %get3A_272 = arith.index_cast %scan3A_223 : i32 to index
          %get3A_273 = arith.constant 256 : index
          %get3A_274 = tpu.vector_load %arg6[%get3A_272, %get3A_273] {strides = array<i32>} : memref<16x512xi32, #tpu.memory_space<vmem>>, vector<16xi32>,
          tpu.vector_store_idx %arg4[%get3A_274], %broadcast_in_dim3A_1 {add = true} : memref<40960xf32, #tpu.memory_space<vmem>>[vector<16xi32>], vector<16xf32>,
          %get3A_275 = arith.index_cast %scan3A_223 : i32 to index
          %get3A_276 = arith.constant 272 : index
          %get3A_277 = tpu.vector_load %arg6[%get3A_275, %get3A_276] {strides = array<i32>} : memref<16x512xi32, #tpu.memory_space<vmem>>, vector<16xi32>,
          tpu.vector_store_idx %arg4[%get3A_277], %broadcast_in_dim3A_1 {add = true} : memref<40960xf32, #tpu.memory_space<vmem>>[vector<16xi32>], vector<16xf32>,
          %get3A_278 = arith.index_cast %scan3A_223 : i32 to index
          %get3A_279 = arith.constant 288 : index
          %get3A_280 = tpu.vector_load %arg6[%get3A_278, %get3A_279] {strides = array<i32>} : memref<16x512xi32, #tpu.memory_space<vmem>>, vector<16xi32>,
          tpu.vector_store_idx %arg4[%get3A_280], %broadcast_in_dim3A_1 {add = true} : memref<40960xf32, #tpu.memory_space<vmem>>[vector<16xi32>], vector<16xf32>,
          %get3A_281 = arith.index_cast %scan3A_223 : i32 to index
          %get3A_282 = arith.constant 304 : index
          %get3A_283 = tpu.vector_load %arg6[%get3A_281, %get3A_282] {strides = array<i32>} : memref<16x512xi32, #tpu.memory_space<vmem>>, vector<16xi32>,
          tpu.vector_store_idx %arg4[%get3A_283], %broadcast_in_dim3A_1 {add = true} : memref<40960xf32, #tpu.memory_space<vmem>>[vector<16xi32>], vector<16xf32>,
          %get3A_284 = arith.index_cast %scan3A_223 : i32 to index
          %get3A_285 = arith.constant 320 : index
          %get3A_286 = tpu.vector_load %arg6[%get3A_284, %get3A_285] {strides = array<i32>} : memref<16x512xi32, #tpu.memory_space<vmem>>, vector<16xi32>,
          tpu.vector_store_idx %arg4[%get3A_286], %broadcast_in_dim3A_1 {add = true} : memref<40960xf32, #tpu.memory_space<vmem>>[vector<16xi32>], vector<16xf32>,
          %get3A_287 = arith.index_cast %scan3A_223 : i32 to index
          %get3A_288 = arith.constant 336 : index
          %get3A_289 = tpu.vector_load %arg6[%get3A_287, %get3A_288] {strides = array<i32>} : memref<16x512xi32, #tpu.memory_space<vmem>>, vector<16xi32>,
          tpu.vector_store_idx %arg4[%get3A_289], %broadcast_in_dim3A_1 {add = true} : memref<40960xf32, #tpu.memory_space<vmem>>[vector<16xi32>], vector<16xf32>,
          %get3A_290 = arith.index_cast %scan3A_223 : i32 to index
          %get3A_291 = arith.constant 352 : index
          %get3A_292 = tpu.vector_load %arg6[%get3A_290, %get3A_291] {strides = array<i32>} : memref<16x512xi32, #tpu.memory_space<vmem>>, vector<16xi32>,
          tpu.vector_store_idx %arg4[%get3A_292], %broadcast_in_dim3A_1 {add = true} : memref<40960xf32, #tpu.memory_space<vmem>>[vector<16xi32>], vector<16xf32>,
          %get3A_293 = arith.index_cast %scan3A_223 : i32 to index
          %get3A_294 = arith.constant 368 : index
          %get3A_295 = tpu.vector_load %arg6[%get3A_293, %get3A_294] {strides = array<i32>} : memref<16x512xi32, #tpu.memory_space<vmem>>, vector<16xi32>,
          tpu.vector_store_idx %arg4[%get3A_295], %broadcast_in_dim3A_1 {add = true} : memref<40960xf32, #tpu.memory_space<vmem>>[vector<16xi32>], vector<16xf32>,
          %get3A_296 = arith.index_cast %scan3A_223 : i32 to index
          %get3A_297 = arith.constant 384 : index
          %get3A_298 = tpu.vector_load %arg6[%get3A_296, %get3A_297] {strides = array<i32>} : memref<16x512xi32, #tpu.memory_space<vmem>>, vector<16xi32>,
          tpu.vector_store_idx %arg4[%get3A_298], %broadcast_in_dim3A_1 {add = true} : memref<40960xf32, #tpu.memory_space<vmem>>[vector<16xi32>], vector<16xf32>,
          %get3A_299 = arith.index_cast %scan3A_223 : i32 to index
          %get3A_300 = arith.constant 400 : index
          %get3A_301 = tpu.vector_load %arg6[%get3A_299, %get3A_300] {strides = array<i32>} : memref<16x512xi32, #tpu.memory_space<vmem>>, vector<16xi32>,
          tpu.vector_store_idx %arg4[%get3A_301], %broadcast_in_dim3A_1 {add = true} : memref<40960xf32, #tpu.memory_space<vmem>>[vector<16xi32>], vector<16xf32>,
          %get3A_302 = arith.index_cast %scan3A_223 : i32 to index
          %get3A_303 = arith.constant 416 : index
          %get3A_304 = tpu.vector_load %arg6[%get3A_302, %get3A_303] {strides = array<i32>} : memref<16x512xi32, #tpu.memory_space<vmem>>, vector<16xi32>,
          tpu.vector_store_idx %arg4[%get3A_304], %broadcast_in_dim3A_1 {add = true} : memref<40960xf32, #tpu.memory_space<vmem>>[vector<16xi32>], vector<16xf32>,
          %get3A_305 = arith.index_cast %scan3A_223 : i32 to index
          %get3A_306 = arith.constant 432 : index
          %get3A_307 = tpu.vector_load %arg6[%get3A_305, %get3A_306] {strides = array<i32>} : memref<16x512xi32, #tpu.memory_space<vmem>>, vector<16xi32>,
          tpu.vector_store_idx %arg4[%get3A_307], %broadcast_in_dim3A_1 {add = true} : memref<40960xf32, #tpu.memory_space<vmem>>[vector<16xi32>], vector<16xf32>,
          %get3A_308 = arith.index_cast %scan3A_223 : i32 to index
          %get3A_309 = arith.constant 448 : index
          %get3A_310 = tpu.vector_load %arg6[%get3A_308, %get3A_309] {strides = array<i32>} : memref<16x512xi32, #tpu.memory_space<vmem>>, vector<16xi32>,
          tpu.vector_store_idx %arg4[%get3A_310], %broadcast_in_dim3A_1 {add = true} : memref<40960xf32, #tpu.memory_space<vmem>>[vector<16xi32>], vector<16xf32>,
          %get3A_311 = arith.index_cast %scan3A_223 : i32 to index
          %get3A_312 = arith.constant 464 : index
          %get3A_313 = tpu.vector_load %arg6[%get3A_311, %get3A_312] {strides = array<i32>} : memref<16x512xi32, #tpu.memory_space<vmem>>, vector<16xi32>,
          tpu.vector_store_idx %arg4[%get3A_313], %broadcast_in_dim3A_1 {add = true} : memref<40960xf32, #tpu.memory_space<vmem>>[vector<16xi32>], vector<16xf32>,
          %get3A_314 = arith.index_cast %scan3A_223 : i32 to index
          %get3A_315 = arith.constant 480 : index
          %get3A_316 = tpu.vector_load %arg6[%get3A_314, %get3A_315] {strides = array<i32>} : memref<16x512xi32, #tpu.memory_space<vmem>>, vector<16xi32>,
          tpu.vector_store_idx %arg4[%get3A_316], %broadcast_in_dim3A_1 {add = true} : memref<40960xf32, #tpu.memory_space<vmem>>[vector<16xi32>], vector<16xf32>,
          %get3A_317 = arith.index_cast %scan3A_223 : i32 to index
          %get3A_318 = arith.constant 496 : index
          %get3A_319 = tpu.vector_load %arg6[%get3A_317, %get3A_318] {strides = array<i32>} : memref<16x512xi32, #tpu.memory_space<vmem>>, vector<16xi32>,
          tpu.vector_store_idx %arg4[%get3A_319], %broadcast_in_dim3A_1 {add = true} : memref<40960xf32, #tpu.memory_space<vmem>>[vector<16xi32>], vector<16xf32>,
          %scan3A_320 = arith.constant 0 : i32
          scf.yield %scan3A_320 : i32
        }
        %scan3A_222 = arith.constant 16 : i32
      } else {
      }
      %scan3A_120 = arith.constant 0 : i32
      scf.yield %scan3A_120 : i32
    }
    %scan3A_97 = arith.constant 10 : i32
    "tpu.region"() ({
      %run_scoped3A = tpu.sem_alloc : memref<!tpu.dma_semaphore, #tpu.memory_space<semaphore_mem>>
      %dma_start3A_98 = arith.constant 0 : i32
      %dma_start3A_99 = tpu.memref_slice %arg3[%add3A, %dma_start3A_98] : memref<32x40960xf32, #tpu.memory_space<hbm>> -> memref<1x40960xf32, #tpu.memory_space<hbm>>
      %dma_start3A_100 = tpu.memref_squeeze %dma_start3A_99 : memref<1x40960xf32, #tpu.memory_space<hbm>> -> memref<40960xf32, #tpu.memory_space<hbm>>
      %dma_start3A_101 = arith.constant 0 : i32
      %dma_start3A_102 = tpu.memref_slice %arg3[%add3A, %dma_start3A_101] : memref<32x40960xf32, #tpu.memory_space<hbm>> -> memref<1x40960xf32, #tpu.memory_space<hbm>>
      %dma_start3A_103 = tpu.memref_squeeze %dma_start3A_102 : memref<1x40960xf32, #tpu.memory_space<hbm>> -> memref<40960xf32, #tpu.memory_space<hbm>>
      tpu.enqueue_dma source(%arg4 : memref<40960xf32, #tpu.memory_space<vmem>>) target(%dma_start3A_103 : memref<40960xf32, #tpu.memory_space<hbm>>) target_semaphore(%run_scoped3A : memref<!tpu.dma_semaphore, #tpu.memory_space<semaphore_mem>>)
      %dma_wait3A = arith.constant 0 : i32
      %dma_wait3A_104 = tpu.memref_slice %arg3[%add3A, %dma_wait3A] : memref<32x40960xf32, #tpu.memory_space<hbm>> -> memref<1x40960xf32, #tpu.memory_space<hbm>>
      %dma_wait3A_105 = tpu.memref_squeeze %dma_wait3A_104 : memref<1x40960xf32, #tpu.memory_space<hbm>> -> memref<40960xf32, #tpu.memory_space<hbm>>
      %dma_wait3A_106 = arith.constant 0 : i32
      %dma_wait3A_107 = tpu.memref_slice %arg3[%add3A, %dma_wait3A_106] : memref<32x40960xf32, #tpu.memory_space<hbm>> -> memref<1x40960xf32, #tpu.memory_space<hbm>>
      %dma_wait3A_108 = tpu.memref_squeeze %dma_wait3A_107 : memref<1x40960xf32, #tpu.memory_space<hbm>> -> memref<40960xf32, #tpu.memory_space<hbm>>
      tpu.wait_dma2 semaphore(%run_scoped3A : memref<!tpu.dma_semaphore, #tpu.memory_space<semaphore_mem>>) src(%arg4 : memref<40960xf32, #tpu.memory_space<vmem>>) dst(%dma_wait3A_108 : memref<40960xf32, #tpu.memory_space<hbm>>)
      tpu.yield
    }) : () -> ()
    return
  }
}

module attributes {stable_mosaic.version = 14 : i64} {
  func.func @_bin_kernel(%arg0: i32, %arg1: i32, %arg2: memref<1x19x64x512xf32, #tpu.memory_space<vmem>>, %arg3: memref<1x64x512xi32, #tpu.memory_space<vmem>>, %arg4: memref<1x19x64x512xi32, #tpu.memory_space<vmem>>, %arg5: memref<19x64x512xf32, #tpu.memory_space<vmem>>) attributes {dimension_semantics = [#tpu.dimension_semantics<arbitrary>, #tpu.dimension_semantics<arbitrary>], iteration_bounds = array<i64: 1, 8>, scalar_prefetch = 0 : i64, scratch_operands = 1 : i64, tpu.core_type = #tpu.core_type<tc>, window_params = [{transform_indices = @transform_0, window_bounds = array<i64: 1, 19, 64, 512>}, {transform_indices = @transform_1, window_bounds = array<i64: 1, 64, 512>}, {transform_indices = @transform_2, window_bounds = array<i64: 1, 19, 64, 512>}]} {
    %get3A = arith.constant 0 : index
    %get3A_0 = arith.constant 0 : index
    %get3A_1 = arith.constant 0 : index
    %get3A_2 = vector.load %arg3[%get3A, %get3A_0, %get3A_1] : memref<1x64x512xi32, #tpu.memory_space<vmem>>, vector<1x64x512xi32>
    %get3A_3 = vector.shape_cast %get3A_2 : vector<1x64x512xi32> to vector<64x512xi32>
    %ne3A = arith.constant 0 : i32
    %ne3A_4 = vector.broadcast %ne3A : i32 to vector<64x512xi32>
    %ne3A_5 = arith.cmpi ne, %get3A_3, %ne3A_4 : vector<64x512xi32>
    %broadcast_in_dim3A = arith.constant 0.000000e+00 : f32
    %broadcast_in_dim3A_6 = vector.broadcast %broadcast_in_dim3A : f32 to vector<64x512xf32>
    %scan3A = arith.constant 0 : i32
    %scan3A_7 = arith.constant 19 : i32
    %scan3A_8 = arith.addi %scan3A, %scan3A_7 : i32
    %scan3A_9 = arith.constant 1 : i32
    %scan3A_10 = scf.for %scan3A_36 = %scan3A to %scan3A_8 step %scan3A_9 iter_args(%scan3A_37 = %broadcast_in_dim3A_6) -> (vector<64x512xf32>)  : i32 {
      %get3A_38 = arith.constant 0 : index
      %get3A_39 = arith.index_cast %scan3A_36 : i32 to index
      %get3A_40 = arith.constant 0 : index
      %get3A_41 = arith.constant 0 : index
      %get3A_42 = vector.load %arg2[%get3A_38, %get3A_39, %get3A_40, %get3A_41] : memref<1x19x64x512xf32, #tpu.memory_space<vmem>>, vector<1x1x64x512xf32>
      %get3A_43 = vector.shape_cast %get3A_42 : vector<1x1x64x512xf32> to vector<64x512xf32>
      %exp3A = math.exp %get3A_43 : vector<64x512xf32>
      %swap3A = arith.index_cast %scan3A_36 : i32 to index
      %swap3A_44 = arith.constant 0 : index
      %swap3A_45 = arith.constant 0 : index
      %swap3A_46 = vector.load %arg5[%swap3A, %swap3A_44, %swap3A_45] : memref<19x64x512xf32, #tpu.memory_space<vmem>>, vector<1x64x512xf32>
      %swap3A_47 = vector.shape_cast %swap3A_46 : vector<1x64x512xf32> to vector<64x512xf32>
      %swap3A_48 = vector.shape_cast %exp3A : vector<64x512xf32> to vector<1x64x512xf32>
      tpu.vector_store %arg5[%swap3A, %swap3A_44, %swap3A_45], %swap3A_48 {strides = array<i32>} : memref<19x64x512xf32, #tpu.memory_space<vmem>>, vector<1x64x512xf32>,
      %add3A_49 = arith.addf %scan3A_37, %exp3A : vector<64x512xf32>
      scf.yield %add3A_49 : vector<64x512xf32>
    }
    %scan3A_11 = arith.constant 19 : i32
    %div3A = arith.constant 1.000000e+00 : f32
    %div3A_12 = vector.broadcast %div3A : f32 to vector<64x512xf32>
    %div3A_13 = arith.divf %div3A_12, %scan3A_10 : vector<64x512xf32>
    %iota3A = tpu.iota {dimensions = array<i32: 1>} : vector<64x512xi32>
    %jit3A = arith.constant 16 : i32
    %eq3A = arith.constant 0 : i32
    %eq3A_14 = arith.cmpi eq, %jit3A, %eq3A : i32
    %jit3A_15 = arith.constant 1 : i32
    %select_n3A = arith.select %eq3A_14, %jit3A_15, %jit3A : i32
    %rem3A = vector.broadcast %select_n3A : i32 to vector<64x512xi32>
    %rem3A_16 = arith.remsi %iota3A, %rem3A : vector<64x512xi32>
    %ne3A_17 = arith.constant 0 : i32
    %ne3A_18 = vector.broadcast %ne3A_17 : i32 to vector<64x512xi32>
    %ne3A_19 = arith.cmpi ne, %rem3A_16, %ne3A_18 : vector<64x512xi32>
    %lt3A = arith.constant 0 : i32
    %lt3A_20 = vector.broadcast %lt3A : i32 to vector<64x512xi32>
    %lt3A_21 = arith.cmpi slt, %rem3A_16, %lt3A_20 : vector<64x512xi32>
    %lt3A_22 = arith.constant 0 : i32
    %lt3A_23 = arith.cmpi slt, %select_n3A, %lt3A_22 : i32
    %ne3A_24 = vector.broadcast %lt3A_23 : i1 to vector<64x512xi1>
    %ne3A_25 = vector.broadcast %ne3A_24 : vector<64x512xi1> to vector<64x512xi1>
    %ne3A_26 = arith.xori %lt3A_21, %ne3A_25 : vector<64x512xi1>
    %and3A = arith.andi %ne3A_26, %ne3A_19 : vector<64x512xi1>
    %add3A = vector.broadcast %select_n3A : i32 to vector<64x512xi32>
    %add3A_27 = arith.addi %rem3A_16, %add3A : vector<64x512xi32>
    %select_n3A_28 = arith.select %and3A, %add3A_27, %rem3A_16 : vector<64x512xi1>, vector<64x512xi32>
    %mul3A = arith.constant 2560 : i32
    %mul3A_29 = vector.broadcast %mul3A : i32 to vector<64x512xi32>
    %mul3A_30 = arith.muli %select_n3A_28, %mul3A_29 : vector<64x512xi32>
    %scan3A_31 = arith.constant 0 : i32
    %scan3A_32 = arith.constant 19 : i32
    %scan3A_33 = arith.addi %scan3A_31, %scan3A_32 : i32
    %scan3A_34 = arith.constant 1 : i32
    scf.for %scan3A_36 = %scan3A_31 to %scan3A_33 step %scan3A_34  : i32 {
      %get3A_37 = arith.index_cast %scan3A_36 : i32 to index
      %get3A_38 = arith.constant 0 : index
      %get3A_39 = arith.constant 0 : index
      %get3A_40 = vector.load %arg5[%get3A_37, %get3A_38, %get3A_39] : memref<19x64x512xf32, #tpu.memory_space<vmem>>, vector<1x64x512xf32>
      %get3A_41 = vector.shape_cast %get3A_40 : vector<1x64x512xf32> to vector<64x512xf32>
      %mul3A_42 = arith.mulf %get3A_41, %div3A_13 : vector<64x512xf32>
      %eq3A_43 = vector.broadcast %scan3A_36 : i32 to vector<64x512xi32>
      %eq3A_44 = arith.cmpi eq, %get3A_3, %eq3A_43 : vector<64x512xi32>
      %and3A_45 = arith.andi %ne3A_5, %eq3A_44 : vector<64x512xi1>
      %sub3A = arith.constant 1.000000e+00 : f32
      %sub3A_46 = vector.broadcast %sub3A : f32 to vector<64x512xf32>
      %sub3A_47 = arith.subf %sub3A_46, %mul3A_42 : vector<64x512xf32>
      %select_n3A_48 = arith.select %and3A_45, %sub3A_47, %mul3A_42 : vector<64x512xi1>, vector<64x512xf32>
      %mul3A_49 = arith.constant 6.400000e+01 : f32
      %mul3A_50 = vector.broadcast %mul3A_49 : f32 to vector<64x512xf32>
      %mul3A_51 = arith.mulf %select_n3A_48, %mul3A_50 : vector<64x512xf32>
      %convert_element_type3A = arith.fptosi %mul3A_51 : vector<64x512xf32> to vector<64x512xi32>
      %min3A = arith.constant 63 : i32
      %min3A_52 = vector.broadcast %min3A : i32 to vector<64x512xi32>
      %min3A_53 = arith.minsi %convert_element_type3A, %min3A_52 : vector<64x512xi32>
      %mul3A_54 = arith.constant 64 : i32
      %mul3A_55 = arith.muli %scan3A_36, %mul3A_54 : i32
      %add3A_56 = arith.constant 1216 : i32
      %add3A_57 = arith.addi %mul3A_55, %add3A_56 : i32
      %mul3A_58 = arith.constant 64 : i32
      %mul3A_59 = arith.muli %scan3A_36, %mul3A_58 : i32
      %broadcast_in_dim3A_60 = vector.broadcast %add3A_57 : i32 to vector<64x512xi32>
      %broadcast_in_dim3A_61 = vector.broadcast %mul3A_59 : i32 to vector<64x512xi32>
      %select_n3A_62 = arith.select %and3A_45, %broadcast_in_dim3A_60, %broadcast_in_dim3A_61 : vector<64x512xi1>, vector<64x512xi32>
      %add3A_63 = arith.addi %select_n3A_62, %min3A_53 : vector<64x512xi32>
      %jit3A_64 = arith.constant 2432 : i32
      %broadcast_in_dim3A_65 = vector.broadcast %jit3A_64 : i32 to vector<64x512xi32>
      %select_n3A_66 = arith.select %ne3A_5, %add3A_63, %broadcast_in_dim3A_65 : vector<64x512xi1>, vector<64x512xi32>
      %add3A_67 = arith.addi %select_n3A_66, %mul3A_30 : vector<64x512xi32>
      %swap3A = arith.constant 0 : index
      %swap3A_68 = arith.index_cast %scan3A_36 : i32 to index
      %swap3A_69 = arith.constant 0 : index
      %swap3A_70 = arith.constant 0 : index
      %swap3A_71 = vector.load %arg4[%swap3A, %swap3A_68, %swap3A_69, %swap3A_70] : memref<1x19x64x512xi32, #tpu.memory_space<vmem>>, vector<1x1x64x512xi32>
      %swap3A_72 = vector.shape_cast %swap3A_71 : vector<1x1x64x512xi32> to vector<64x512xi32>
      %swap3A_73 = vector.shape_cast %add3A_67 : vector<64x512xi32> to vector<1x1x64x512xi32>
      tpu.vector_store %arg4[%swap3A, %swap3A_68, %swap3A_69, %swap3A_70], %swap3A_73 {strides = array<i32>} : memref<1x19x64x512xi32, #tpu.memory_space<vmem>>, vector<1x1x64x512xi32>,
    }
    %scan3A_35 = arith.constant 19 : i32
    return
  }
  func.func @transform_0(%arg0: i32, %arg1: i32) -> (i32, i32, i32, i32) {
    %add3A = arith.constant 3 : i32
    %add3A_0 = arith.addi %add3A, %arg0 : i32
    %c0_i32 = arith.constant 0 : i32
    %c0_i32_1 = arith.constant 0 : i32
    %c0_i32_2 = arith.constant 0 : i32
    return %add3A_0, %c0_i32, %arg1, %c0_i32_1 : i32, i32, i32, i32
  }
  func.func @transform_1(%arg0: i32, %arg1: i32) -> (i32, i32, i32) {
    %add3A = arith.constant 3 : i32
    %add3A_0 = arith.addi %add3A, %arg0 : i32
    %c0_i32 = arith.constant 0 : i32
    %c0_i32_1 = arith.constant 0 : i32
    return %add3A_0, %arg1, %c0_i32 : i32, i32, i32
  }
  func.func @transform_2(%arg0: i32, %arg1: i32) -> (i32, i32, i32, i32) {
    %c0_i32 = arith.constant 0 : i32
    %c0_i32_0 = arith.constant 0 : i32
    %c0_i32_1 = arith.constant 0 : i32
    return %arg0, %c0_i32, %arg1, %c0_i32_0 : i32, i32, i32, i32
  }
}

module attributes {stable_mosaic.version = 14 : i64} {
  func.func @_bin_kernel(%arg0: i32, %arg1: i32, %arg2: memref<1x19x64x512xf32, #tpu.memory_space<vmem>>, %arg3: memref<1x64x512xi32, #tpu.memory_space<vmem>>, %arg4: memref<1x19x64x512xi32, #tpu.memory_space<vmem>>, %arg5: memref<19x64x512xf32, #tpu.memory_space<vmem>>) attributes {dimension_semantics = [#tpu.dimension_semantics<arbitrary>, #tpu.dimension_semantics<arbitrary>], iteration_bounds = array<i64: 1, 8>, scalar_prefetch = 0 : i64, scratch_operands = 1 : i64, tpu.core_type = #tpu.core_type<tc>, window_params = [{transform_indices = @transform_0, window_bounds = array<i64: 1, 19, 64, 512>}, {transform_indices = @transform_1, window_bounds = array<i64: 1, 64, 512>}, {transform_indices = @transform_2, window_bounds = array<i64: 1, 19, 64, 512>}]} {
    %get3A = arith.constant 0 : index
    %get3A_0 = arith.constant 0 : index
    %get3A_1 = arith.constant 0 : index
    %get3A_2 = vector.load %arg3[%get3A, %get3A_0, %get3A_1] : memref<1x64x512xi32, #tpu.memory_space<vmem>>, vector<1x64x512xi32>
    %get3A_3 = vector.shape_cast %get3A_2 : vector<1x64x512xi32> to vector<64x512xi32>
    %ne3A = arith.constant 0 : i32
    %ne3A_4 = vector.broadcast %ne3A : i32 to vector<64x512xi32>
    %ne3A_5 = arith.cmpi ne, %get3A_3, %ne3A_4 : vector<64x512xi32>
    %broadcast_in_dim3A = arith.constant 0.000000e+00 : f32
    %broadcast_in_dim3A_6 = vector.broadcast %broadcast_in_dim3A : f32 to vector<64x512xf32>
    %scan3A = arith.constant 0 : i32
    %scan3A_7 = arith.constant 19 : i32
    %scan3A_8 = arith.addi %scan3A, %scan3A_7 : i32
    %scan3A_9 = arith.constant 1 : i32
    %scan3A_10 = scf.for %scan3A_36 = %scan3A to %scan3A_8 step %scan3A_9 iter_args(%scan3A_37 = %broadcast_in_dim3A_6) -> (vector<64x512xf32>)  : i32 {
      %get3A_38 = arith.constant 0 : index
      %get3A_39 = arith.index_cast %scan3A_36 : i32 to index
      %get3A_40 = arith.constant 0 : index
      %get3A_41 = arith.constant 0 : index
      %get3A_42 = vector.load %arg2[%get3A_38, %get3A_39, %get3A_40, %get3A_41] : memref<1x19x64x512xf32, #tpu.memory_space<vmem>>, vector<1x1x64x512xf32>
      %get3A_43 = vector.shape_cast %get3A_42 : vector<1x1x64x512xf32> to vector<64x512xf32>
      %exp3A = math.exp %get3A_43 : vector<64x512xf32>
      %swap3A = arith.index_cast %scan3A_36 : i32 to index
      %swap3A_44 = arith.constant 0 : index
      %swap3A_45 = arith.constant 0 : index
      %swap3A_46 = vector.load %arg5[%swap3A, %swap3A_44, %swap3A_45] : memref<19x64x512xf32, #tpu.memory_space<vmem>>, vector<1x64x512xf32>
      %swap3A_47 = vector.shape_cast %swap3A_46 : vector<1x64x512xf32> to vector<64x512xf32>
      %swap3A_48 = vector.shape_cast %exp3A : vector<64x512xf32> to vector<1x64x512xf32>
      tpu.vector_store %arg5[%swap3A, %swap3A_44, %swap3A_45], %swap3A_48 {strides = array<i32>} : memref<19x64x512xf32, #tpu.memory_space<vmem>>, vector<1x64x512xf32>,
      %add3A_49 = arith.addf %scan3A_37, %exp3A : vector<64x512xf32>
      scf.yield %add3A_49 : vector<64x512xf32>
    }
    %scan3A_11 = arith.constant 19 : i32
    %div3A = arith.constant 1.000000e+00 : f32
    %div3A_12 = vector.broadcast %div3A : f32 to vector<64x512xf32>
    %div3A_13 = arith.divf %div3A_12, %scan3A_10 : vector<64x512xf32>
    %iota3A = tpu.iota {dimensions = array<i32: 1>} : vector<64x512xi32>
    %jit3A = arith.constant 16 : i32
    %eq3A = arith.constant 0 : i32
    %eq3A_14 = arith.cmpi eq, %jit3A, %eq3A : i32
    %jit3A_15 = arith.constant 1 : i32
    %select_n3A = arith.select %eq3A_14, %jit3A_15, %jit3A : i32
    %rem3A = vector.broadcast %select_n3A : i32 to vector<64x512xi32>
    %rem3A_16 = arith.remsi %iota3A, %rem3A : vector<64x512xi32>
    %ne3A_17 = arith.constant 0 : i32
    %ne3A_18 = vector.broadcast %ne3A_17 : i32 to vector<64x512xi32>
    %ne3A_19 = arith.cmpi ne, %rem3A_16, %ne3A_18 : vector<64x512xi32>
    %lt3A = arith.constant 0 : i32
    %lt3A_20 = vector.broadcast %lt3A : i32 to vector<64x512xi32>
    %lt3A_21 = arith.cmpi slt, %rem3A_16, %lt3A_20 : vector<64x512xi32>
    %lt3A_22 = arith.constant 0 : i32
    %lt3A_23 = arith.cmpi slt, %select_n3A, %lt3A_22 : i32
    %ne3A_24 = vector.broadcast %lt3A_23 : i1 to vector<64x512xi1>
    %ne3A_25 = vector.broadcast %ne3A_24 : vector<64x512xi1> to vector<64x512xi1>
    %ne3A_26 = arith.xori %lt3A_21, %ne3A_25 : vector<64x512xi1>
    %and3A = arith.andi %ne3A_26, %ne3A_19 : vector<64x512xi1>
    %add3A = vector.broadcast %select_n3A : i32 to vector<64x512xi32>
    %add3A_27 = arith.addi %rem3A_16, %add3A : vector<64x512xi32>
    %select_n3A_28 = arith.select %and3A, %add3A_27, %rem3A_16 : vector<64x512xi1>, vector<64x512xi32>
    %mul3A = arith.constant 2560 : i32
    %mul3A_29 = vector.broadcast %mul3A : i32 to vector<64x512xi32>
    %mul3A_30 = arith.muli %select_n3A_28, %mul3A_29 : vector<64x512xi32>
    %scan3A_31 = arith.constant 0 : i32
    %scan3A_32 = arith.constant 19 : i32
    %scan3A_33 = arith.addi %scan3A_31, %scan3A_32 : i32
    %scan3A_34 = arith.constant 1 : i32
    scf.for %scan3A_36 = %scan3A_31 to %scan3A_33 step %scan3A_34  : i32 {
      %get3A_37 = arith.index_cast %scan3A_36 : i32 to index
      %get3A_38 = arith.constant 0 : index
      %get3A_39 = arith.constant 0 : index
      %get3A_40 = vector.load %arg5[%get3A_37, %get3A_38, %get3A_39] : memref<19x64x512xf32, #tpu.memory_space<vmem>>, vector<1x64x512xf32>
      %get3A_41 = vector.shape_cast %get3A_40 : vector<1x64x512xf32> to vector<64x512xf32>
      %mul3A_42 = arith.mulf %get3A_41, %div3A_13 : vector<64x512xf32>
      %eq3A_43 = vector.broadcast %scan3A_36 : i32 to vector<64x512xi32>
      %eq3A_44 = arith.cmpi eq, %get3A_3, %eq3A_43 : vector<64x512xi32>
      %and3A_45 = arith.andi %ne3A_5, %eq3A_44 : vector<64x512xi1>
      %sub3A = arith.constant 1.000000e+00 : f32
      %sub3A_46 = vector.broadcast %sub3A : f32 to vector<64x512xf32>
      %sub3A_47 = arith.subf %sub3A_46, %mul3A_42 : vector<64x512xf32>
      %select_n3A_48 = arith.select %and3A_45, %sub3A_47, %mul3A_42 : vector<64x512xi1>, vector<64x512xf32>
      %mul3A_49 = arith.constant 6.400000e+01 : f32
      %mul3A_50 = vector.broadcast %mul3A_49 : f32 to vector<64x512xf32>
      %mul3A_51 = arith.mulf %select_n3A_48, %mul3A_50 : vector<64x512xf32>
      %convert_element_type3A = arith.fptosi %mul3A_51 : vector<64x512xf32> to vector<64x512xi32>
      %min3A = arith.constant 63 : i32
      %min3A_52 = vector.broadcast %min3A : i32 to vector<64x512xi32>
      %min3A_53 = arith.minsi %convert_element_type3A, %min3A_52 : vector<64x512xi32>
      %mul3A_54 = arith.constant 64 : i32
      %mul3A_55 = arith.muli %scan3A_36, %mul3A_54 : i32
      %add3A_56 = arith.constant 1216 : i32
      %add3A_57 = arith.addi %mul3A_55, %add3A_56 : i32
      %mul3A_58 = arith.constant 64 : i32
      %mul3A_59 = arith.muli %scan3A_36, %mul3A_58 : i32
      %broadcast_in_dim3A_60 = vector.broadcast %add3A_57 : i32 to vector<64x512xi32>
      %broadcast_in_dim3A_61 = vector.broadcast %mul3A_59 : i32 to vector<64x512xi32>
      %select_n3A_62 = arith.select %and3A_45, %broadcast_in_dim3A_60, %broadcast_in_dim3A_61 : vector<64x512xi1>, vector<64x512xi32>
      %add3A_63 = arith.addi %select_n3A_62, %min3A_53 : vector<64x512xi32>
      %jit3A_64 = arith.constant 2432 : i32
      %broadcast_in_dim3A_65 = vector.broadcast %jit3A_64 : i32 to vector<64x512xi32>
      %select_n3A_66 = arith.select %ne3A_5, %add3A_63, %broadcast_in_dim3A_65 : vector<64x512xi1>, vector<64x512xi32>
      %add3A_67 = arith.addi %select_n3A_66, %mul3A_30 : vector<64x512xi32>
      %swap3A = arith.constant 0 : index
      %swap3A_68 = arith.index_cast %scan3A_36 : i32 to index
      %swap3A_69 = arith.constant 0 : index
      %swap3A_70 = arith.constant 0 : index
      %swap3A_71 = vector.load %arg4[%swap3A, %swap3A_68, %swap3A_69, %swap3A_70] : memref<1x19x64x512xi32, #tpu.memory_space<vmem>>, vector<1x1x64x512xi32>
      %swap3A_72 = vector.shape_cast %swap3A_71 : vector<1x1x64x512xi32> to vector<64x512xi32>
      %swap3A_73 = vector.shape_cast %add3A_67 : vector<64x512xi32> to vector<1x1x64x512xi32>
      tpu.vector_store %arg4[%swap3A, %swap3A_68, %swap3A_69, %swap3A_70], %swap3A_73 {strides = array<i32>} : memref<1x19x64x512xi32, #tpu.memory_space<vmem>>, vector<1x1x64x512xi32>,
    }
    %scan3A_35 = arith.constant 19 : i32
    return
  }
  func.func @transform_0(%arg0: i32, %arg1: i32) -> (i32, i32, i32, i32) {
    %add3A = arith.constant 0 : i32
    %add3A_0 = arith.addi %add3A, %arg0 : i32
    %c0_i32 = arith.constant 0 : i32
    %c0_i32_1 = arith.constant 0 : i32
    %c0_i32_2 = arith.constant 0 : i32
    return %add3A_0, %c0_i32, %arg1, %c0_i32_1 : i32, i32, i32, i32
  }
  func.func @transform_1(%arg0: i32, %arg1: i32) -> (i32, i32, i32) {
    %add3A = arith.constant 0 : i32
    %add3A_0 = arith.addi %add3A, %arg0 : i32
    %c0_i32 = arith.constant 0 : i32
    %c0_i32_1 = arith.constant 0 : i32
    return %add3A_0, %arg1, %c0_i32 : i32, i32, i32
  }
  func.func @transform_2(%arg0: i32, %arg1: i32) -> (i32, i32, i32, i32) {
    %c0_i32 = arith.constant 0 : i32
    %c0_i32_0 = arith.constant 0 : i32
    %c0_i32_1 = arith.constant 0 : i32
    return %arg0, %c0_i32, %arg1, %c0_i32_0 : i32, i32, i32, i32
  }
}

module attributes {stable_mosaic.version = 14 : i64} {
  func.func @_bin_kernel(%arg0: i32, %arg1: i32, %arg2: memref<1x19x64x512xf32, #tpu.memory_space<vmem>>, %arg3: memref<1x64x512xi32, #tpu.memory_space<vmem>>, %arg4: memref<1x19x64x512xi32, #tpu.memory_space<vmem>>, %arg5: memref<19x64x512xf32, #tpu.memory_space<vmem>>) attributes {dimension_semantics = [#tpu.dimension_semantics<arbitrary>, #tpu.dimension_semantics<arbitrary>], iteration_bounds = array<i64: 1, 8>, scalar_prefetch = 0 : i64, scratch_operands = 1 : i64, tpu.core_type = #tpu.core_type<tc>, window_params = [{transform_indices = @transform_0, window_bounds = array<i64: 1, 19, 64, 512>}, {transform_indices = @transform_1, window_bounds = array<i64: 1, 64, 512>}, {transform_indices = @transform_2, window_bounds = array<i64: 1, 19, 64, 512>}]} {
    %get3A = arith.constant 0 : index
    %get3A_0 = arith.constant 0 : index
    %get3A_1 = arith.constant 0 : index
    %get3A_2 = vector.load %arg3[%get3A, %get3A_0, %get3A_1] : memref<1x64x512xi32, #tpu.memory_space<vmem>>, vector<1x64x512xi32>
    %get3A_3 = vector.shape_cast %get3A_2 : vector<1x64x512xi32> to vector<64x512xi32>
    %ne3A = arith.constant 0 : i32
    %ne3A_4 = vector.broadcast %ne3A : i32 to vector<64x512xi32>
    %ne3A_5 = arith.cmpi ne, %get3A_3, %ne3A_4 : vector<64x512xi32>
    %broadcast_in_dim3A = arith.constant 0.000000e+00 : f32
    %broadcast_in_dim3A_6 = vector.broadcast %broadcast_in_dim3A : f32 to vector<64x512xf32>
    %scan3A = arith.constant 0 : i32
    %scan3A_7 = arith.constant 19 : i32
    %scan3A_8 = arith.addi %scan3A, %scan3A_7 : i32
    %scan3A_9 = arith.constant 1 : i32
    %scan3A_10 = scf.for %scan3A_36 = %scan3A to %scan3A_8 step %scan3A_9 iter_args(%scan3A_37 = %broadcast_in_dim3A_6) -> (vector<64x512xf32>)  : i32 {
      %get3A_38 = arith.constant 0 : index
      %get3A_39 = arith.index_cast %scan3A_36 : i32 to index
      %get3A_40 = arith.constant 0 : index
      %get3A_41 = arith.constant 0 : index
      %get3A_42 = vector.load %arg2[%get3A_38, %get3A_39, %get3A_40, %get3A_41] : memref<1x19x64x512xf32, #tpu.memory_space<vmem>>, vector<1x1x64x512xf32>
      %get3A_43 = vector.shape_cast %get3A_42 : vector<1x1x64x512xf32> to vector<64x512xf32>
      %exp3A = math.exp %get3A_43 : vector<64x512xf32>
      %swap3A = arith.index_cast %scan3A_36 : i32 to index
      %swap3A_44 = arith.constant 0 : index
      %swap3A_45 = arith.constant 0 : index
      %swap3A_46 = vector.load %arg5[%swap3A, %swap3A_44, %swap3A_45] : memref<19x64x512xf32, #tpu.memory_space<vmem>>, vector<1x64x512xf32>
      %swap3A_47 = vector.shape_cast %swap3A_46 : vector<1x64x512xf32> to vector<64x512xf32>
      %swap3A_48 = vector.shape_cast %exp3A : vector<64x512xf32> to vector<1x64x512xf32>
      tpu.vector_store %arg5[%swap3A, %swap3A_44, %swap3A_45], %swap3A_48 {strides = array<i32>} : memref<19x64x512xf32, #tpu.memory_space<vmem>>, vector<1x64x512xf32>,
      %add3A_49 = arith.addf %scan3A_37, %exp3A : vector<64x512xf32>
      scf.yield %add3A_49 : vector<64x512xf32>
    }
    %scan3A_11 = arith.constant 19 : i32
    %div3A = arith.constant 1.000000e+00 : f32
    %div3A_12 = vector.broadcast %div3A : f32 to vector<64x512xf32>
    %div3A_13 = arith.divf %div3A_12, %scan3A_10 : vector<64x512xf32>
    %iota3A = tpu.iota {dimensions = array<i32: 1>} : vector<64x512xi32>
    %jit3A = arith.constant 16 : i32
    %eq3A = arith.constant 0 : i32
    %eq3A_14 = arith.cmpi eq, %jit3A, %eq3A : i32
    %jit3A_15 = arith.constant 1 : i32
    %select_n3A = arith.select %eq3A_14, %jit3A_15, %jit3A : i32
    %rem3A = vector.broadcast %select_n3A : i32 to vector<64x512xi32>
    %rem3A_16 = arith.remsi %iota3A, %rem3A : vector<64x512xi32>
    %ne3A_17 = arith.constant 0 : i32
    %ne3A_18 = vector.broadcast %ne3A_17 : i32 to vector<64x512xi32>
    %ne3A_19 = arith.cmpi ne, %rem3A_16, %ne3A_18 : vector<64x512xi32>
    %lt3A = arith.constant 0 : i32
    %lt3A_20 = vector.broadcast %lt3A : i32 to vector<64x512xi32>
    %lt3A_21 = arith.cmpi slt, %rem3A_16, %lt3A_20 : vector<64x512xi32>
    %lt3A_22 = arith.constant 0 : i32
    %lt3A_23 = arith.cmpi slt, %select_n3A, %lt3A_22 : i32
    %ne3A_24 = vector.broadcast %lt3A_23 : i1 to vector<64x512xi1>
    %ne3A_25 = vector.broadcast %ne3A_24 : vector<64x512xi1> to vector<64x512xi1>
    %ne3A_26 = arith.xori %lt3A_21, %ne3A_25 : vector<64x512xi1>
    %and3A = arith.andi %ne3A_26, %ne3A_19 : vector<64x512xi1>
    %add3A = vector.broadcast %select_n3A : i32 to vector<64x512xi32>
    %add3A_27 = arith.addi %rem3A_16, %add3A : vector<64x512xi32>
    %select_n3A_28 = arith.select %and3A, %add3A_27, %rem3A_16 : vector<64x512xi1>, vector<64x512xi32>
    %mul3A = arith.constant 2560 : i32
    %mul3A_29 = vector.broadcast %mul3A : i32 to vector<64x512xi32>
    %mul3A_30 = arith.muli %select_n3A_28, %mul3A_29 : vector<64x512xi32>
    %scan3A_31 = arith.constant 0 : i32
    %scan3A_32 = arith.constant 19 : i32
    %scan3A_33 = arith.addi %scan3A_31, %scan3A_32 : i32
    %scan3A_34 = arith.constant 1 : i32
    scf.for %scan3A_36 = %scan3A_31 to %scan3A_33 step %scan3A_34  : i32 {
      %get3A_37 = arith.index_cast %scan3A_36 : i32 to index
      %get3A_38 = arith.constant 0 : index
      %get3A_39 = arith.constant 0 : index
      %get3A_40 = vector.load %arg5[%get3A_37, %get3A_38, %get3A_39] : memref<19x64x512xf32, #tpu.memory_space<vmem>>, vector<1x64x512xf32>
      %get3A_41 = vector.shape_cast %get3A_40 : vector<1x64x512xf32> to vector<64x512xf32>
      %mul3A_42 = arith.mulf %get3A_41, %div3A_13 : vector<64x512xf32>
      %eq3A_43 = vector.broadcast %scan3A_36 : i32 to vector<64x512xi32>
      %eq3A_44 = arith.cmpi eq, %get3A_3, %eq3A_43 : vector<64x512xi32>
      %and3A_45 = arith.andi %ne3A_5, %eq3A_44 : vector<64x512xi1>
      %sub3A = arith.constant 1.000000e+00 : f32
      %sub3A_46 = vector.broadcast %sub3A : f32 to vector<64x512xf32>
      %sub3A_47 = arith.subf %sub3A_46, %mul3A_42 : vector<64x512xf32>
      %select_n3A_48 = arith.select %and3A_45, %sub3A_47, %mul3A_42 : vector<64x512xi1>, vector<64x512xf32>
      %mul3A_49 = arith.constant 6.400000e+01 : f32
      %mul3A_50 = vector.broadcast %mul3A_49 : f32 to vector<64x512xf32>
      %mul3A_51 = arith.mulf %select_n3A_48, %mul3A_50 : vector<64x512xf32>
      %convert_element_type3A = arith.fptosi %mul3A_51 : vector<64x512xf32> to vector<64x512xi32>
      %min3A = arith.constant 63 : i32
      %min3A_52 = vector.broadcast %min3A : i32 to vector<64x512xi32>
      %min3A_53 = arith.minsi %convert_element_type3A, %min3A_52 : vector<64x512xi32>
      %mul3A_54 = arith.constant 64 : i32
      %mul3A_55 = arith.muli %scan3A_36, %mul3A_54 : i32
      %add3A_56 = arith.constant 1216 : i32
      %add3A_57 = arith.addi %mul3A_55, %add3A_56 : i32
      %mul3A_58 = arith.constant 64 : i32
      %mul3A_59 = arith.muli %scan3A_36, %mul3A_58 : i32
      %broadcast_in_dim3A_60 = vector.broadcast %add3A_57 : i32 to vector<64x512xi32>
      %broadcast_in_dim3A_61 = vector.broadcast %mul3A_59 : i32 to vector<64x512xi32>
      %select_n3A_62 = arith.select %and3A_45, %broadcast_in_dim3A_60, %broadcast_in_dim3A_61 : vector<64x512xi1>, vector<64x512xi32>
      %add3A_63 = arith.addi %select_n3A_62, %min3A_53 : vector<64x512xi32>
      %jit3A_64 = arith.constant 2432 : i32
      %broadcast_in_dim3A_65 = vector.broadcast %jit3A_64 : i32 to vector<64x512xi32>
      %select_n3A_66 = arith.select %ne3A_5, %add3A_63, %broadcast_in_dim3A_65 : vector<64x512xi1>, vector<64x512xi32>
      %add3A_67 = arith.addi %select_n3A_66, %mul3A_30 : vector<64x512xi32>
      %swap3A = arith.constant 0 : index
      %swap3A_68 = arith.index_cast %scan3A_36 : i32 to index
      %swap3A_69 = arith.constant 0 : index
      %swap3A_70 = arith.constant 0 : index
      %swap3A_71 = vector.load %arg4[%swap3A, %swap3A_68, %swap3A_69, %swap3A_70] : memref<1x19x64x512xi32, #tpu.memory_space<vmem>>, vector<1x1x64x512xi32>
      %swap3A_72 = vector.shape_cast %swap3A_71 : vector<1x1x64x512xi32> to vector<64x512xi32>
      %swap3A_73 = vector.shape_cast %add3A_67 : vector<64x512xi32> to vector<1x1x64x512xi32>
      tpu.vector_store %arg4[%swap3A, %swap3A_68, %swap3A_69, %swap3A_70], %swap3A_73 {strides = array<i32>} : memref<1x19x64x512xi32, #tpu.memory_space<vmem>>, vector<1x1x64x512xi32>,
    }
    %scan3A_35 = arith.constant 19 : i32
    return
  }
  func.func @transform_0(%arg0: i32, %arg1: i32) -> (i32, i32, i32, i32) {
    %add3A = arith.constant 1 : i32
    %add3A_0 = arith.addi %add3A, %arg0 : i32
    %c0_i32 = arith.constant 0 : i32
    %c0_i32_1 = arith.constant 0 : i32
    %c0_i32_2 = arith.constant 0 : i32
    return %add3A_0, %c0_i32, %arg1, %c0_i32_1 : i32, i32, i32, i32
  }
  func.func @transform_1(%arg0: i32, %arg1: i32) -> (i32, i32, i32) {
    %add3A = arith.constant 1 : i32
    %add3A_0 = arith.addi %add3A, %arg0 : i32
    %c0_i32 = arith.constant 0 : i32
    %c0_i32_1 = arith.constant 0 : i32
    return %add3A_0, %arg1, %c0_i32 : i32, i32, i32
  }
  func.func @transform_2(%arg0: i32, %arg1: i32) -> (i32, i32, i32, i32) {
    %c0_i32 = arith.constant 0 : i32
    %c0_i32_0 = arith.constant 0 : i32
    %c0_i32_1 = arith.constant 0 : i32
    return %arg0, %c0_i32, %arg1, %c0_i32_0 : i32, i32, i32, i32
  }
}

module attributes {stable_mosaic.version = 14 : i64} {
  func.func @_bin_kernel(%arg0: i32, %arg1: i32, %arg2: memref<1x19x64x512xf32, #tpu.memory_space<vmem>>, %arg3: memref<1x64x512xi32, #tpu.memory_space<vmem>>, %arg4: memref<1x19x64x512xi32, #tpu.memory_space<vmem>>, %arg5: memref<19x64x512xf32, #tpu.memory_space<vmem>>) attributes {dimension_semantics = [#tpu.dimension_semantics<arbitrary>, #tpu.dimension_semantics<arbitrary>], iteration_bounds = array<i64: 1, 8>, scalar_prefetch = 0 : i64, scratch_operands = 1 : i64, tpu.core_type = #tpu.core_type<tc>, window_params = [{transform_indices = @transform_0, window_bounds = array<i64: 1, 19, 64, 512>}, {transform_indices = @transform_1, window_bounds = array<i64: 1, 64, 512>}, {transform_indices = @transform_2, window_bounds = array<i64: 1, 19, 64, 512>}]} {
    %get3A = arith.constant 0 : index
    %get3A_0 = arith.constant 0 : index
    %get3A_1 = arith.constant 0 : index
    %get3A_2 = vector.load %arg3[%get3A, %get3A_0, %get3A_1] : memref<1x64x512xi32, #tpu.memory_space<vmem>>, vector<1x64x512xi32>
    %get3A_3 = vector.shape_cast %get3A_2 : vector<1x64x512xi32> to vector<64x512xi32>
    %ne3A = arith.constant 0 : i32
    %ne3A_4 = vector.broadcast %ne3A : i32 to vector<64x512xi32>
    %ne3A_5 = arith.cmpi ne, %get3A_3, %ne3A_4 : vector<64x512xi32>
    %broadcast_in_dim3A = arith.constant 0.000000e+00 : f32
    %broadcast_in_dim3A_6 = vector.broadcast %broadcast_in_dim3A : f32 to vector<64x512xf32>
    %scan3A = arith.constant 0 : i32
    %scan3A_7 = arith.constant 19 : i32
    %scan3A_8 = arith.addi %scan3A, %scan3A_7 : i32
    %scan3A_9 = arith.constant 1 : i32
    %scan3A_10 = scf.for %scan3A_36 = %scan3A to %scan3A_8 step %scan3A_9 iter_args(%scan3A_37 = %broadcast_in_dim3A_6) -> (vector<64x512xf32>)  : i32 {
      %get3A_38 = arith.constant 0 : index
      %get3A_39 = arith.index_cast %scan3A_36 : i32 to index
      %get3A_40 = arith.constant 0 : index
      %get3A_41 = arith.constant 0 : index
      %get3A_42 = vector.load %arg2[%get3A_38, %get3A_39, %get3A_40, %get3A_41] : memref<1x19x64x512xf32, #tpu.memory_space<vmem>>, vector<1x1x64x512xf32>
      %get3A_43 = vector.shape_cast %get3A_42 : vector<1x1x64x512xf32> to vector<64x512xf32>
      %exp3A = math.exp %get3A_43 : vector<64x512xf32>
      %swap3A = arith.index_cast %scan3A_36 : i32 to index
      %swap3A_44 = arith.constant 0 : index
      %swap3A_45 = arith.constant 0 : index
      %swap3A_46 = vector.load %arg5[%swap3A, %swap3A_44, %swap3A_45] : memref<19x64x512xf32, #tpu.memory_space<vmem>>, vector<1x64x512xf32>
      %swap3A_47 = vector.shape_cast %swap3A_46 : vector<1x64x512xf32> to vector<64x512xf32>
      %swap3A_48 = vector.shape_cast %exp3A : vector<64x512xf32> to vector<1x64x512xf32>
      tpu.vector_store %arg5[%swap3A, %swap3A_44, %swap3A_45], %swap3A_48 {strides = array<i32>} : memref<19x64x512xf32, #tpu.memory_space<vmem>>, vector<1x64x512xf32>,
      %add3A_49 = arith.addf %scan3A_37, %exp3A : vector<64x512xf32>
      scf.yield %add3A_49 : vector<64x512xf32>
    }
    %scan3A_11 = arith.constant 19 : i32
    %div3A = arith.constant 1.000000e+00 : f32
    %div3A_12 = vector.broadcast %div3A : f32 to vector<64x512xf32>
    %div3A_13 = arith.divf %div3A_12, %scan3A_10 : vector<64x512xf32>
    %iota3A = tpu.iota {dimensions = array<i32: 1>} : vector<64x512xi32>
    %jit3A = arith.constant 16 : i32
    %eq3A = arith.constant 0 : i32
    %eq3A_14 = arith.cmpi eq, %jit3A, %eq3A : i32
    %jit3A_15 = arith.constant 1 : i32
    %select_n3A = arith.select %eq3A_14, %jit3A_15, %jit3A : i32
    %rem3A = vector.broadcast %select_n3A : i32 to vector<64x512xi32>
    %rem3A_16 = arith.remsi %iota3A, %rem3A : vector<64x512xi32>
    %ne3A_17 = arith.constant 0 : i32
    %ne3A_18 = vector.broadcast %ne3A_17 : i32 to vector<64x512xi32>
    %ne3A_19 = arith.cmpi ne, %rem3A_16, %ne3A_18 : vector<64x512xi32>
    %lt3A = arith.constant 0 : i32
    %lt3A_20 = vector.broadcast %lt3A : i32 to vector<64x512xi32>
    %lt3A_21 = arith.cmpi slt, %rem3A_16, %lt3A_20 : vector<64x512xi32>
    %lt3A_22 = arith.constant 0 : i32
    %lt3A_23 = arith.cmpi slt, %select_n3A, %lt3A_22 : i32
    %ne3A_24 = vector.broadcast %lt3A_23 : i1 to vector<64x512xi1>
    %ne3A_25 = vector.broadcast %ne3A_24 : vector<64x512xi1> to vector<64x512xi1>
    %ne3A_26 = arith.xori %lt3A_21, %ne3A_25 : vector<64x512xi1>
    %and3A = arith.andi %ne3A_26, %ne3A_19 : vector<64x512xi1>
    %add3A = vector.broadcast %select_n3A : i32 to vector<64x512xi32>
    %add3A_27 = arith.addi %rem3A_16, %add3A : vector<64x512xi32>
    %select_n3A_28 = arith.select %and3A, %add3A_27, %rem3A_16 : vector<64x512xi1>, vector<64x512xi32>
    %mul3A = arith.constant 2560 : i32
    %mul3A_29 = vector.broadcast %mul3A : i32 to vector<64x512xi32>
    %mul3A_30 = arith.muli %select_n3A_28, %mul3A_29 : vector<64x512xi32>
    %scan3A_31 = arith.constant 0 : i32
    %scan3A_32 = arith.constant 19 : i32
    %scan3A_33 = arith.addi %scan3A_31, %scan3A_32 : i32
    %scan3A_34 = arith.constant 1 : i32
    scf.for %scan3A_36 = %scan3A_31 to %scan3A_33 step %scan3A_34  : i32 {
      %get3A_37 = arith.index_cast %scan3A_36 : i32 to index
      %get3A_38 = arith.constant 0 : index
      %get3A_39 = arith.constant 0 : index
      %get3A_40 = vector.load %arg5[%get3A_37, %get3A_38, %get3A_39] : memref<19x64x512xf32, #tpu.memory_space<vmem>>, vector<1x64x512xf32>
      %get3A_41 = vector.shape_cast %get3A_40 : vector<1x64x512xf32> to vector<64x512xf32>
      %mul3A_42 = arith.mulf %get3A_41, %div3A_13 : vector<64x512xf32>
      %eq3A_43 = vector.broadcast %scan3A_36 : i32 to vector<64x512xi32>
      %eq3A_44 = arith.cmpi eq, %get3A_3, %eq3A_43 : vector<64x512xi32>
      %and3A_45 = arith.andi %ne3A_5, %eq3A_44 : vector<64x512xi1>
      %sub3A = arith.constant 1.000000e+00 : f32
      %sub3A_46 = vector.broadcast %sub3A : f32 to vector<64x512xf32>
      %sub3A_47 = arith.subf %sub3A_46, %mul3A_42 : vector<64x512xf32>
      %select_n3A_48 = arith.select %and3A_45, %sub3A_47, %mul3A_42 : vector<64x512xi1>, vector<64x512xf32>
      %mul3A_49 = arith.constant 6.400000e+01 : f32
      %mul3A_50 = vector.broadcast %mul3A_49 : f32 to vector<64x512xf32>
      %mul3A_51 = arith.mulf %select_n3A_48, %mul3A_50 : vector<64x512xf32>
      %convert_element_type3A = arith.fptosi %mul3A_51 : vector<64x512xf32> to vector<64x512xi32>
      %min3A = arith.constant 63 : i32
      %min3A_52 = vector.broadcast %min3A : i32 to vector<64x512xi32>
      %min3A_53 = arith.minsi %convert_element_type3A, %min3A_52 : vector<64x512xi32>
      %mul3A_54 = arith.constant 64 : i32
      %mul3A_55 = arith.muli %scan3A_36, %mul3A_54 : i32
      %add3A_56 = arith.constant 1216 : i32
      %add3A_57 = arith.addi %mul3A_55, %add3A_56 : i32
      %mul3A_58 = arith.constant 64 : i32
      %mul3A_59 = arith.muli %scan3A_36, %mul3A_58 : i32
      %broadcast_in_dim3A_60 = vector.broadcast %add3A_57 : i32 to vector<64x512xi32>
      %broadcast_in_dim3A_61 = vector.broadcast %mul3A_59 : i32 to vector<64x512xi32>
      %select_n3A_62 = arith.select %and3A_45, %broadcast_in_dim3A_60, %broadcast_in_dim3A_61 : vector<64x512xi1>, vector<64x512xi32>
      %add3A_63 = arith.addi %select_n3A_62, %min3A_53 : vector<64x512xi32>
      %jit3A_64 = arith.constant 2432 : i32
      %broadcast_in_dim3A_65 = vector.broadcast %jit3A_64 : i32 to vector<64x512xi32>
      %select_n3A_66 = arith.select %ne3A_5, %add3A_63, %broadcast_in_dim3A_65 : vector<64x512xi1>, vector<64x512xi32>
      %add3A_67 = arith.addi %select_n3A_66, %mul3A_30 : vector<64x512xi32>
      %swap3A = arith.constant 0 : index
      %swap3A_68 = arith.index_cast %scan3A_36 : i32 to index
      %swap3A_69 = arith.constant 0 : index
      %swap3A_70 = arith.constant 0 : index
      %swap3A_71 = vector.load %arg4[%swap3A, %swap3A_68, %swap3A_69, %swap3A_70] : memref<1x19x64x512xi32, #tpu.memory_space<vmem>>, vector<1x1x64x512xi32>
      %swap3A_72 = vector.shape_cast %swap3A_71 : vector<1x1x64x512xi32> to vector<64x512xi32>
      %swap3A_73 = vector.shape_cast %add3A_67 : vector<64x512xi32> to vector<1x1x64x512xi32>
      tpu.vector_store %arg4[%swap3A, %swap3A_68, %swap3A_69, %swap3A_70], %swap3A_73 {strides = array<i32>} : memref<1x19x64x512xi32, #tpu.memory_space<vmem>>, vector<1x1x64x512xi32>,
    }
    %scan3A_35 = arith.constant 19 : i32
    return
  }
  func.func @transform_0(%arg0: i32, %arg1: i32) -> (i32, i32, i32, i32) {
    %add3A = arith.constant 2 : i32
    %add3A_0 = arith.addi %add3A, %arg0 : i32
    %c0_i32 = arith.constant 0 : i32
    %c0_i32_1 = arith.constant 0 : i32
    %c0_i32_2 = arith.constant 0 : i32
    return %add3A_0, %c0_i32, %arg1, %c0_i32_1 : i32, i32, i32, i32
  }
  func.func @transform_1(%arg0: i32, %arg1: i32) -> (i32, i32, i32) {
    %add3A = arith.constant 2 : i32
    %add3A_0 = arith.addi %add3A, %arg0 : i32
    %c0_i32 = arith.constant 0 : i32
    %c0_i32_1 = arith.constant 0 : i32
    return %add3A_0, %arg1, %c0_i32 : i32, i32, i32
  }
  func.func @transform_2(%arg0: i32, %arg1: i32) -> (i32, i32, i32, i32) {
    %c0_i32 = arith.constant 0 : i32
    %c0_i32_0 = arith.constant 0 : i32
    %c0_i32_1 = arith.constant 0 : i32
    return %arg0, %c0_i32, %arg1, %c0_i32_0 : i32, i32, i32, i32
  }
}

module attributes {stable_mosaic.version = 14 : i64} {
  func.func @_final_kernel(%arg0: memref<512x19x64xf32, #tpu.memory_space<vmem>>, %arg1: memref<512x19x64xf32, #tpu.memory_space<vmem>>, %arg2: memref<512x19x64xf32, #tpu.memory_space<vmem>>, %arg3: memref<512x19x64xf32, #tpu.memory_space<vmem>>, %arg4: memref<512x19x64xf32, #tpu.memory_space<vmem>>, %arg5: memref<512x19x64xf32, #tpu.memory_space<vmem>>, %arg6: memref<512x19x64xf32, #tpu.memory_space<vmem>>, %arg7: memref<512x19x64xf32, #tpu.memory_space<vmem>>, %arg8: memref<1x1xf32, #tpu.memory_space<vmem>>) attributes {dimension_semantics = [], scalar_prefetch = 0 : i64, scratch_operands = 0 : i64, tpu.core_type = #tpu.core_type<tc>} {
    %get3A = arith.constant 0 : index
    %get3A_0 = arith.constant 0 : index
    %get3A_1 = arith.constant 0 : index
    %get3A_2 = vector.load %arg1[%get3A, %get3A_0, %get3A_1] : memref<512x19x64xf32, #tpu.memory_space<vmem>>, vector<512x19x64xf32>
    %reduce_sum3A = arith.constant dense<0.000000e+00> : vector<19x64xf32>
    %reduce_sum3A_3 = vector.multi_reduction <add>, %get3A_2, %reduce_sum3A [0] : vector<512x19x64xf32> to vector<19x64xf32>
    %add3A = arith.constant 0.000000e+00 : f32
    %add3A_4 = vector.broadcast %add3A : f32 to vector<19x64xf32>
    %add3A_5 = arith.addf %add3A_4, %reduce_sum3A_3 : vector<19x64xf32>
    %get3A_6 = arith.constant 0 : index
    %get3A_7 = arith.constant 0 : index
    %get3A_8 = arith.constant 0 : index
    %get3A_9 = vector.load %arg3[%get3A_6, %get3A_7, %get3A_8] : memref<512x19x64xf32, #tpu.memory_space<vmem>>, vector<512x19x64xf32>
    %reduce_sum3A_10 = arith.constant dense<0.000000e+00> : vector<19x64xf32>
    %reduce_sum3A_11 = vector.multi_reduction <add>, %get3A_9, %reduce_sum3A_10 [0] : vector<512x19x64xf32> to vector<19x64xf32>
    %add3A_12 = arith.addf %add3A_5, %reduce_sum3A_11 : vector<19x64xf32>
    %get3A_13 = arith.constant 0 : index
    %get3A_14 = arith.constant 0 : index
    %get3A_15 = arith.constant 0 : index
    %get3A_16 = vector.load %arg5[%get3A_13, %get3A_14, %get3A_15] : memref<512x19x64xf32, #tpu.memory_space<vmem>>, vector<512x19x64xf32>
    %reduce_sum3A_17 = arith.constant dense<0.000000e+00> : vector<19x64xf32>
    %reduce_sum3A_18 = vector.multi_reduction <add>, %get3A_16, %reduce_sum3A_17 [0] : vector<512x19x64xf32> to vector<19x64xf32>
    %add3A_19 = arith.addf %add3A_12, %reduce_sum3A_18 : vector<19x64xf32>
    %get3A_20 = arith.constant 0 : index
    %get3A_21 = arith.constant 0 : index
    %get3A_22 = arith.constant 0 : index
    %get3A_23 = vector.load %arg7[%get3A_20, %get3A_21, %get3A_22] : memref<512x19x64xf32, #tpu.memory_space<vmem>>, vector<512x19x64xf32>
    %reduce_sum3A_24 = arith.constant dense<0.000000e+00> : vector<19x64xf32>
    %reduce_sum3A_25 = vector.multi_reduction <add>, %get3A_23, %reduce_sum3A_24 [0] : vector<512x19x64xf32> to vector<19x64xf32>
    %add3A_26 = arith.addf %add3A_19, %reduce_sum3A_25 : vector<19x64xf32>
    %get3A_27 = arith.constant 0 : index
    %get3A_28 = arith.constant 0 : index
    %get3A_29 = arith.constant 0 : index
    %get3A_30 = vector.load %arg0[%get3A_27, %get3A_28, %get3A_29] : memref<512x19x64xf32, #tpu.memory_space<vmem>>, vector<512x19x64xf32>
    %reduce_sum3A_31 = arith.constant dense<0.000000e+00> : vector<19x64xf32>
    %reduce_sum3A_32 = vector.multi_reduction <add>, %get3A_30, %reduce_sum3A_31 [0] : vector<512x19x64xf32> to vector<19x64xf32>
    %add3A_33 = arith.constant 0.000000e+00 : f32
    %add3A_34 = vector.broadcast %add3A_33 : f32 to vector<19x64xf32>
    %add3A_35 = arith.addf %add3A_34, %reduce_sum3A_32 : vector<19x64xf32>
    %get3A_36 = arith.constant 0 : index
    %get3A_37 = arith.constant 0 : index
    %get3A_38 = arith.constant 0 : index
    %get3A_39 = vector.load %arg2[%get3A_36, %get3A_37, %get3A_38] : memref<512x19x64xf32, #tpu.memory_space<vmem>>, vector<512x19x64xf32>
    %reduce_sum3A_40 = arith.constant dense<0.000000e+00> : vector<19x64xf32>
    %reduce_sum3A_41 = vector.multi_reduction <add>, %get3A_39, %reduce_sum3A_40 [0] : vector<512x19x64xf32> to vector<19x64xf32>
    %add3A_42 = arith.addf %add3A_35, %reduce_sum3A_41 : vector<19x64xf32>
    %get3A_43 = arith.constant 0 : index
    %get3A_44 = arith.constant 0 : index
    %get3A_45 = arith.constant 0 : index
    %get3A_46 = vector.load %arg4[%get3A_43, %get3A_44, %get3A_45] : memref<512x19x64xf32, #tpu.memory_space<vmem>>, vector<512x19x64xf32>
    %reduce_sum3A_47 = arith.constant dense<0.000000e+00> : vector<19x64xf32>
    %reduce_sum3A_48 = vector.multi_reduction <add>, %get3A_46, %reduce_sum3A_47 [0] : vector<512x19x64xf32> to vector<19x64xf32>
    %add3A_49 = arith.addf %add3A_42, %reduce_sum3A_48 : vector<19x64xf32>
    %get3A_50 = arith.constant 0 : index
    %get3A_51 = arith.constant 0 : index
    %get3A_52 = arith.constant 0 : index
    %get3A_53 = vector.load %arg6[%get3A_50, %get3A_51, %get3A_52] : memref<512x19x64xf32, #tpu.memory_space<vmem>>, vector<512x19x64xf32>
    %reduce_sum3A_54 = arith.constant dense<0.000000e+00> : vector<19x64xf32>
    %reduce_sum3A_55 = vector.multi_reduction <add>, %get3A_53, %reduce_sum3A_54 [0] : vector<512x19x64xf32> to vector<19x64xf32>
    %add3A_56 = arith.addf %add3A_49, %reduce_sum3A_55 : vector<19x64xf32>
    %add3A_57 = arith.addf %add3A_56, %add3A_26 : vector<19x64xf32>
    %iota3A = tpu.iota {dimensions = array<i32: 0>} : vector<64x64xi32>
    %iota3A_58 = tpu.iota {dimensions = array<i32: 1>} : vector<64x64xi32>
    %ge3A = arith.cmpi sge, %iota3A, %iota3A_58 : vector<64x64xi32>
    %jit3A = arith.constant 1.000000e+00 : f32
    %jit3A_59 = arith.constant 0.000000e+00 : f32
    %broadcast_in_dim3A = vector.broadcast %jit3A : f32 to vector<64x64xf32>
    %broadcast_in_dim3A_60 = vector.broadcast %jit3A_59 : f32 to vector<64x64xf32>
    %select_n3A = arith.select %ge3A, %broadcast_in_dim3A, %broadcast_in_dim3A_60 : vector<64x64xi1>, vector<64x64xf32>
    %dot_general3A = arith.constant dense<0.000000e+00> : vector<19x64xf32>
    %dot_general3A_61 = tpu.matmul %add3A_57, %select_n3A, %dot_general3A {dimension_numbers = #tpu.dot_dimension_numbers<[1], [0], [0], [1], [0, 0, 1, 1], [], []>, transpose_lhs_hint = false} : vector<19x64xf32>, vector<64x64xf32>, vector<19x64xf32> -> vector<19x64xf32>
    %dot_general3A_62 = arith.constant dense<0.000000e+00> : vector<19x64xf32>
    %dot_general3A_63 = tpu.matmul %add3A_26, %select_n3A, %dot_general3A_62 {dimension_numbers = #tpu.dot_dimension_numbers<[1], [0], [0], [1], [0, 0, 1, 1], [], []>, transpose_lhs_hint = false} : vector<19x64xf32>, vector<64x64xf32>, vector<19x64xf32> -> vector<19x64xf32>
    %slice3A = vector.extract_strided_slice %dot_general3A_63 {offsets = [0, 0], sizes = [19, 1], strides = [1, 1]} : vector<19x64xf32> to vector<19x1xf32>
    %sub3A = vector.broadcast %slice3A : vector<19x1xf32> to vector<19x64xf32>
    %sub3A_64 = arith.subf %sub3A, %dot_general3A_63 : vector<19x64xf32>
    %add3A_65 = vector.broadcast %slice3A : vector<19x1xf32> to vector<19x64xf32>
    %add3A_66 = arith.addf %add3A_65, %dot_general3A_61 : vector<19x64xf32>
    %sub3A_67 = arith.subf %add3A_66, %dot_general3A_63 : vector<19x64xf32>
    %max3A = arith.constant 1.000000e+00 : f32
    %max3A_68 = vector.broadcast %max3A : f32 to vector<19x64xf32>
    %max3A_69 = arith.maximumf %sub3A_67, %max3A_68 : vector<19x64xf32>
    %div3A = arith.divf %sub3A_64, %max3A_69 : vector<19x64xf32>
    %sub3A_70 = arith.constant 1.000000e+00 : f32
    %sub3A_71 = vector.broadcast %sub3A_70 : f32 to vector<19x64xf32>
    %sub3A_72 = arith.subf %sub3A_71, %div3A : vector<19x64xf32>
    %sub3A_73 = arith.subf %dot_general3A_61, %add3A_57 : vector<19x64xf32>
    %sub3A_74 = arith.subf %dot_general3A_63, %add3A_26 : vector<19x64xf32>
    %sub3A_75 = vector.broadcast %slice3A : vector<19x1xf32> to vector<19x64xf32>
    %sub3A_76 = arith.subf %sub3A_75, %sub3A_74 : vector<19x64xf32>
    %add3A_77 = vector.broadcast %slice3A : vector<19x1xf32> to vector<19x64xf32>
    %add3A_78 = arith.addf %add3A_77, %sub3A_73 : vector<19x64xf32>
    %sub3A_79 = arith.subf %add3A_78, %sub3A_74 : vector<19x64xf32>
    %max3A_80 = arith.constant 1.000000e+00 : f32
    %max3A_81 = vector.broadcast %max3A_80 : f32 to vector<19x64xf32>
    %max3A_82 = arith.maximumf %sub3A_79, %max3A_81 : vector<19x64xf32>
    %div3A_83 = arith.divf %sub3A_76, %max3A_82 : vector<19x64xf32>
    %sub3A_84 = arith.constant 1.000000e+00 : f32
    %sub3A_85 = vector.broadcast %sub3A_84 : f32 to vector<19x64xf32>
    %sub3A_86 = arith.subf %sub3A_85, %div3A_83 : vector<19x64xf32>
    %iota3A_87 = tpu.iota {dimensions = array<i32: 1>} : vector<19x64xi32>
    %convert_element_type3A = arith.sitofp %iota3A_87 : vector<19x64xi32> to vector<19x64xf32>
    %add3A_88 = arith.constant 5.000000e-01 : f32
    %add3A_89 = vector.broadcast %add3A_88 : f32 to vector<19x64xf32>
    %add3A_90 = arith.addf %convert_element_type3A, %add3A_89 : vector<19x64xf32>
    %mul3A = arith.constant 1.562500e-02 : f32
    %mul3A_91 = vector.broadcast %mul3A : f32 to vector<19x64xf32>
    %mul3A_92 = arith.mulf %add3A_90, %mul3A_91 : vector<19x64xf32>
    %sub3A_93 = arith.subf %sub3A_72, %sub3A_86 : vector<19x64xf32>
    %mul3A_94 = arith.mulf %mul3A_92, %sub3A_93 : vector<19x64xf32>
    %reduce_sum3A_95 = arith.constant dense<0.000000e+00> : vector<19xf32>
    %reduce_sum3A_96 = vector.multi_reduction <add>, %mul3A_94, %reduce_sum3A_95 [1] : vector<19x64xf32> to vector<19xf32>
    %squeeze3A = vector.shape_cast %slice3A : vector<19x1xf32> to vector<19xf32>
    %gt3A = arith.constant 0.000000e+00 : f32
    %gt3A_97 = vector.broadcast %gt3A : f32 to vector<19xf32>
    %gt3A_98 = arith.cmpf ogt, %squeeze3A, %gt3A_97 : vector<19xf32>
    %jit3A_99 = arith.constant 1.000000e+00 : f32
    %jit3A_100 = arith.constant 0.000000e+00 : f32
    %broadcast_in_dim3A_101 = vector.broadcast %jit3A_99 : f32 to vector<19xf32>
    %broadcast_in_dim3A_102 = vector.broadcast %jit3A_100 : f32 to vector<19xf32>
    %select_n3A_103 = arith.select %gt3A_98, %broadcast_in_dim3A_101, %broadcast_in_dim3A_102 : vector<19xi1>, vector<19xf32>
    %mul3A_104 = arith.mulf %reduce_sum3A_96, %select_n3A_103 : vector<19xf32>
    %reduce_sum3A_105 = vector.shape_cast %mul3A_104 : vector<19xf32> to vector<1x19xf32>
    %reduce_sum3A_106 = arith.constant dense<0.000000e+00> : vector<1xf32>
    %reduce_sum3A_107 = vector.multi_reduction <add>, %reduce_sum3A_105, %reduce_sum3A_106 [1] : vector<1x19xf32> to vector<1xf32>
    %reduce_sum3A_108 = vector.shape_cast %reduce_sum3A_107 : vector<1xf32> to vector<1x1xf32>
    %reduce_sum3A_109 = vector.extract %reduce_sum3A_108[0, 0] : f32 from vector<1x1xf32>
    %reduce_sum3A_110 = vector.shape_cast %select_n3A_103 : vector<19xf32> to vector<1x19xf32>
    %reduce_sum3A_111 = arith.constant dense<0.000000e+00> : vector<1xf32>
    %reduce_sum3A_112 = vector.multi_reduction <add>, %reduce_sum3A_110, %reduce_sum3A_111 [1] : vector<1x19xf32> to vector<1xf32>
    %reduce_sum3A_113 = vector.shape_cast %reduce_sum3A_112 : vector<1xf32> to vector<1x1xf32>
    %reduce_sum3A_114 = vector.extract %reduce_sum3A_113[0, 0] : f32 from vector<1x1xf32>
    %max3A_115 = arith.constant 1.000000e+00 : f32
    %max3A_116 = arith.maximumf %reduce_sum3A_114, %max3A_115 : f32
    %div3A_117 = arith.divf %reduce_sum3A_109, %max3A_116 : f32
    %broadcast_in_dim3A_118 = vector.broadcast %div3A_117 : f32 to vector<1x1xf32>
    %swap3A = arith.constant 0 : index
    %swap3A_119 = arith.constant 0 : index
    %swap3A_120 = vector.load %arg8[%swap3A, %swap3A_119] : memref<1x1xf32, #tpu.memory_space<vmem>>, vector<1x1xf32>
    tpu.vector_store %arg8[%swap3A, %swap3A_119], %broadcast_in_dim3A_118 {strides = array<i32>} : memref<1x1xf32, #tpu.memory_space<vmem>>, vector<1x1xf32>,
    return
  }
}

</mosaic_0001>

<sc_bundles>
// kernel: kernel.11.cloned.1.call-start
scs
__scs_entry_jumppad:
0x0: {  	(pc) =	sbr.rel $0x88, $3  }
0x1: {  	(tag) =	ssettag $0x0;
	lr =	simm.s32 $0x1  }
0x2: {  	[smem:$0x3F9F] =	sst lr;
	_ =	strace $0xD0000000  }
0x3: {  	_ = 	snop  }
0x4: {  	_ = 	snop  }
0x5: {  	_ = 	snop  }
0x6: {  	_ = 	snop  }
0x7: {  	_ = 	snop  }
__scs_overlays_trampoline_lowered:
0x8: {  	[smem:$0x3FAE] =	sst s0  }
0x9: {  	[smem:$0x3FAF] =	sst s1  }
0xa: {  	[smem:$0x3FB0] =	sst s2  }
0xb: {  	[smem:$0x3FB1] =	sst s3  }
0xc: {  	[smem:$0x3FB2] =	sst s4  }
0xd: {  	[smem:$0x3FB3] =	sst s5  }
0xe: {  	[smem:$0x3FB4] =	sst s6  }
0xf: {  	[smem:$0x3FB5] =	sst s7  }
0x10: {  	[smem:$0x3FB6] =	sst s8  }
0x11: {  	[smem:$0x3FB7] =	sst s9;
	s0 =	simm.s32 @!p0 $0x0  }
0x12: {  	s1 =	sld [smem:$0x3F9D];
	s0 =	simm.s32 @p0 $0x1  }
0x13: {  	[smem:$0x3FB8] =	sst s0;
	s0 =	simm.s32 @!p1 $0x0  }
0x14: {  	s2 =	sld [smem:$0x3F9C];
	s0 =	simm.s32 @p1 $0x1  }
0x15: {  	[smem:$0x3FB9] =	sst s0;
	s0 =	simm.s32 @!p2 $0x0  }
0x16: {  	s3 =	sld [smem:$0x3FDB];
	s0 =	simm.s32 @p2 $0x1  }
0x17: {  	s4 =	simm.s32 $0x1BF5;
	[smem:$0x3FBB] =	sst s0  }
0x18: {  	s0 =	sld [smem:$0x3F9E];
	_ =	swait.ge [sflag:s4], $0x0  }
0x19: {  	s7 =	sld [smem:$0x3F9F]  }
0x1a: {  	s8 =	sadd.s32 $0xFFFFE003, lr  }
0x1b: {  	s9 =	sadd.s32 $0xFFFFFEF7, lr;
	s5 =	simm.s32 $0xFFFFFFFF;
	p2 =	slt.u32 s8, $0xFFFFF086  }
0x1c: {  	p1 =	slt.u32 s9, $0xF7A;
	s5 =	simm.s32 @!p2 $0x0  }
0x1d: {  	s5 =	simm.s32 @p1 $0x1;
	p0 =	seq.s32 s7, s2  }
0x1e: {  	s7 =	smul.u32 @!p0 $0xF7A, s2;
	p2 =	seq.s32 @!p0 s5, $0x0  }
0x1f: {  	s9 =	smul.u32 $0xF7A, s1;
	s8 =	simm.s32 @!p0 $0x1BF5;
	p2 =	por !p2, p0  }
0x20: {  	[sflag:s8] =	ssyncset.s32 @!p0 $0xFFFFF086;
	s6 =	sadd.s32 @!p0 s3, s7;
	s7 =	simm.s32 @!p0 $0x108  }
0x21: {  	s3 =	sadd.s32 s3, s9;
	s6 =	sadd.s32 @!p0 $0x88, s6;
	s7 =	simm.s32 @p2 $0x1082  }
0x22: {  	[simem:s7], [sflag:s8] =	dma.local @!p0 [hbm:s6], $0xF7A  }
0x23: {  	s9 =	sor.u32 $0xD0000000, s2;
	s6 =	simm.s32 $0x108;
	_ =	swait.ge @!p0 [sflag:s8], $0x0  }
0x24: {  	s3 =	sadd.s32 $0x88, s3;
	s6 =	simm.s32 @!p1 $0x1082;
	[sflag:s4] =	ssyncset.s32 $0xFFFFF086  }
0x25: {  	[simem:s6], [sflag:s4] =	dma.local [hbm:s3], $0xF7A  }
0x26: {  	[smem:$0x3F9F] =	sst s1;
	(tag) =	ssettag s2;
	_ =	strace s9  }
0x27: {  	s1 =	sld [smem:$0x3FAF]  }
0x28: {  	s2 =	sld [smem:$0x3FB0]  }
0x29: {  	s4 =	sld [smem:$0x3FB2]  }
0x2a: {  	p0 =	seq.s32 s5, $0x0;
	s5 =	sld [smem:$0x3FB3]  }
0x2b: {  	s6 =	sld [smem:$0x3FB4]  }
0x2c: {  	s7 =	sld [smem:$0x3FB5]  }
0x2d: {  	s3 =	simm.s32 $0x108;
	s8 =	sld [smem:$0x3FB6]  }
0x2e: {  	s3 =	simm.s32 @!p0 $0x1082;
	s9 =	sld [smem:$0x3FB7]  }
0x2f: {  	lr =	sadd.s32 s0, s3;
	s0 =	sld [smem:$0x3FAE]  }
0x30: {  	s3 =	sld [smem:$0x3FB1]  }
0x31: {  	[smem:$0x3FBA] =	sst s10  }
0x32: {  	s10 =	sld [smem:$0x3FB8];
	_ =	sdelay $0x3  }
0x33: {  	p0 =	seq.s32 s10, $0x1;
	s10 =	sld [smem:$0x3FBA];
	_ =	sdelay $0x3  }
0x34: {  	[smem:$0x3FBA] =	sst s10  }
0x35: {  	s10 =	sld [smem:$0x3FB9];
	_ =	sdelay $0x3  }
0x36: {  	p1 =	seq.s32 s10, $0x1;
	s10 =	sld [smem:$0x3FBA];
	_ =	sdelay $0x3  }
0x37: {  	[smem:$0x3FBA] =	sst s10  }
0x38: {  	s10 =	sld [smem:$0x3FBB]  }
0x39: {  	_ = 	snop;
	(pc) =	sbr.ind lr, $3  }
0x3a: {  	_ = 	snop  }
0x3b: {  	_ = 	snop  }
0x3c: {  	p2 =	seq.s32 s10, $0x1;
	s10 =	sld [smem:$0x3FBA]  }
0x3d: {  	_ =	shalt  }
0x3e: {  	_ =	shalt  }
0x3f: {  	_ =	shalt  }
0x40: {  	_ =	shalt  }
0x41: {  	_ =	shalt  }
0x42: {  	_ =	shalt  }
0x43: {  	_ =	shalt  }
0x44: {  	_ =	shalt  }
0x45: {  	_ =	shalt  }
0x46: {  	_ =	shalt  }
0x47: {  	_ =	shalt  }
0x48: {  	_ =	shalt  }
0x49: {  	_ =	shalt  }
0x4a: {  	_ =	shalt  }
0x4b: {  	_ =	shalt  }
0x4c: {  	_ =	shalt  }
0x4d: {  	_ =	shalt  }
0x4e: {  	_ =	shalt  }
0x4f: {  	_ =	shalt  }
0x50: {  	_ =	shalt  }
0x51: {  	_ =	shalt  }
0x52: {  	_ =	shalt  }
0x53: {  	_ =	shalt  }
0x54: {  	_ =	shalt  }
0x55: {  	_ =	shalt  }
0x56: {  	_ =	shalt  }
0x57: {  	_ =	shalt  }
0x58: {  	_ =	shalt  }
0x59: {  	_ =	shalt  }
0x5a: {  	_ =	shalt  }
0x5b: {  	_ =	shalt  }
0x5c: {  	_ =	shalt  }
0x5d: {  	_ =	shalt  }
0x5e: {  	_ =	shalt  }
0x5f: {  	_ =	shalt  }
0x60: {  	_ =	shalt  }
0x61: {  	_ =	shalt  }
0x62: {  	_ =	shalt  }
0x63: {  	_ =	shalt  }
0x64: {  	_ =	shalt  }
0x65: {  	_ =	shalt  }
0x66: {  	_ =	shalt  }
0x67: {  	_ =	shalt  }
0x68: {  	_ =	shalt  }
0x69: {  	_ =	shalt  }
0x6a: {  	_ =	shalt  }
0x6b: {  	_ =	shalt  }
0x6c: {  	_ =	shalt  }
0x6d: {  	_ =	shalt  }
0x6e: {  	_ =	shalt  }
0x6f: {  	_ =	shalt  }
0x70: {  	_ =	shalt  }
0x71: {  	_ =	shalt  }
0x72: {  	_ =	shalt  }
0x73: {  	_ =	shalt  }
0x74: {  	_ =	shalt  }
0x75: {  	_ =	shalt  }
0x76: {  	_ =	shalt  }
0x77: {  	_ =	shalt  }
0x78: {  	_ =	shalt  }
0x79: {  	_ =	shalt  }
0x7a: {  	_ =	shalt  }
0x7b: {  	_ =	shalt  }
0x7c: {  	_ =	shalt  }
0x7d: {  	_ =	shalt  }
0x7e: {  	_ =	shalt  }
0x7f: {  	_ =	shalt  }
0x80: {  	_ =	shalt  }
0x81: {  	_ =	shalt  }
0x82: {  	_ =	shalt  }
0x83: {  	_ =	shalt  }
0x84: {  	_ =	shalt  }
0x85: {  	_ =	shalt  }
0x86: {  	_ =	shalt  }
0x87: {  	_ =	shalt  }
.Lfunc_end0:
.L_simem_size_0:
called_computation_lowered:
.L_overlay_start_0:
0x88: {  	s2 =	sld [smem:$0x3FD9]  }
0x89: {  	s3 =	sld [smem:$0x3FFE];
	_ =	sdelay $0x1  }
0x8a: {  	s1 =	srdreg.scid  }
0x8b: {  	s0 =	sand.u32 $0x1, s1  }
0x8c: {  	s17 =	sshll.u32 s0, $0xA;
	s2 =	sadd.s32 s3, s2  }
0x8d: {  	s2 =	sadd.s32 s2, s17  }
0x8e: {  	[smem:$0x3FC6] =	sst s2  }
0x8f: {  	_ = 	snop  }
0x90: {  	(tm) =	ssettm $0x1  }
0x91: {  	s18 =	sld [smem:$0x3FFB];
	_ =	sdelay $0x3  }
0x92: {  	_ =	strace s18  }
0x93: {  	s2 =	sld [smem:$0x3FFC];
	_ =	sdelay $0x3  }
0x94: {  	_ =	strace s2  }
0x95: {  	s2 =	sld [smem:$0x3FFD];
	_ =	sdelay $0x3  }
0x96: {  	_ =	strace s2  }
0x97: {  	_ =	strace $0x8FFFFFFF  }
0x98: {  	s19 =	sld [smem:$0x3FDB];
	_ =	sdelay $0x1  }
0x99: {  	s20 =	simm.s32 $_scs_section_size  }
0x9a: {  	s4 =	simm.s32 $_size__tile_overlayer_lowered;
	s5 =	simm.s32 $_tile_overlayer_lowered  }
0x9b: {  	s6 =	simm.s32 $0x1BFF;
	s21 =	sshll.u32 s5, $0x1;
	s3 =	sadd.s32 s20, s19  }
0x9c: {  	s22 =	simm.s32 $0x0;
	s4 =	sshll.u32 s4, $0x1;
	s5 =	sadd.s32 s21, s3  }
0x9d: {  	[timem:s22], [sflag:s6] =	dma.local [hbm:s5], s4  }
0x9e: {  	_ =	swait.ge [sflag:s6], s4  }
0x9f: {  	s4 =	ssub.s32 $0x0, s4;
	[sflag:s6] =	ssyncset.done $0x0  }
0xa0: {  	[sflag:s6] =	ssyncadd.s32 s4;
	_ =	sdelay $0x1  }
0xa1: {  	s23 =	simm.s32 $0x1B8B  }
0xa2: {  	_ =	swait.ge [sflag:s23], $0x1  }
0xa3: {  	[sflag:s23] =	ssyncset.done $0x0  }
0xa4: {  	[sflag:s23] =	ssyncadd.s32 $0xFFFFFFFF  }
0xa5: {  	s4 =	sld [smem:$0x0]  }
0xa6: {  	s5 =	sand.u32 $0xFFFFFFFE, s1  }
0xa7: {  	p0 =	sne.s32 s1, s5  }
0xa8: {  	s5 =	sshll.u32 @p0 s5, $0xE  }
0xa9: {  	s5 =	sadd.s32 @p0 $0x11B8D, s5;
	s6 =	sshll.u32 @p0 s4, $0x11  }
0xaa: {  	s5 =	sor.u32 @p0 s6, s5  }
0xab: {  	[sflag:s5] =	ssyncadd.remote.s32 @p0 $0x1;
	_ =	sdelay $0x1  }
0xac: {  	s5 =	simm.s32 @p0 $0x1B8D  }
0xad: {  	_ =	swait.eq @p0 [sflag:s5], $0x1  }
0xae: {  	[sflag:s5] =	ssyncadd.s32 @p0 $0xFFFFFFFF  }
0xaf: {  	s6 =	sshll.u32 @!p0 s1, $0xE  }
0xb0: {  	s6 =	sor.u32 @!p0 $0x4000, s6;
	s5 =	simm.s32 @!p0 $0x1B8D  }
0xb1: {  	s4 =	sshll.u32 @!p0 s4, $0x11;
	s6 =	sadd.s32 @!p0 $0x11B8D, s6;
	_ =	swait.eq @!p0 [sflag:s5], $0x1  }
0xb2: {  	s4 =	sor.u32 @!p0 s4, s6;
	[sflag:s5] =	ssyncadd.s32 @!p0 $0xFFFFFFFF  }
0xb3: {  	s25 =	simm.s32 $0x1B8E;
	s24 =	sld [smem:$0x3FFE];
	[sflag:s4] =	ssyncadd.remote.s32 @!p0 $0x1  }
0xb4: {  	s26 =	simm.s32 $execute0_lowered;
	[smem:$0x3FD2] =	sst s25  }
0xb5: {  	s5 =	sshll.u32 s26, $0x1;
	_ =	strace $0x8000004F;
	[dreg:$0x1] =	wrdreg $0xFFFFFFFF  }
0xb6: {  	s28 =	simm.s32 $_size_execute0_lowered;
	s3 =	sadd.s32 s3, s5;
	[dreg:$0x0] =	wrdreg $0x0  }
0xb7: {  	s5 =	sshll.u32 s28, $0x1;
	[dreg:$0x2] =	wrdreg s3  }
0xb8: {  	[dreg:$0x3] =	wrdreg s5  }
0xb9: {  	[dreg:$0x4] =	wrdreg $0xC0  }
0xba: {  	_ =	task [dreg:s22], $0x5FFFF  }
0xbb: {  	[dreg:$0x1] =	wrdreg $0xFFFFFFFF  }
0xbc: {  	[dreg:$0x0] =	wrdreg $0x60  }
0xbd: {  	[dreg:$0x2] =	wrdreg s24  }
0xbe: {  	[dreg:$0x3] =	wrdreg $0x9  }
0xbf: {  	_ =	task.clear_ibuf [dreg:s22], $0x4FFFF;
	_ =	strace $0x9000004F  }
0xc0: {  	s29 =	simm.s32 $0x9;
	_ =	strace $0x80000051  }
0xc1: {  	_ =	swait.ge [sflag:s29], $0x1  }
0xc2: {  	[sflag:s29] =	ssyncadd.s32 $0xFFFFFFFF  }
0xc3: {  	_ =	strace $0x90000051  }
0xc4: {  	_ =	sfence  }
0xc5: {  	s30 =	sld [smem:$0x0];
	_ =	sdelay $0x2  }
0xc6: {  	s31 =	sshll.u32 s1, $0xD;
	s1 =	sshrl.u32 s1, $0x2  }
0xc7: {  	s4 =	sand.u32 $0x4000, s31;
	s1 =	sadd.s32 s1, s30  }
0xc8: {  	s0 =	sor.u32 s4, s0;
	s1 =	sshll.u32 s1, $0x11  }
0xc9: {  	s0 =	sor.u32 s1, s0  }
0xca: {  	s0 =	sadd.s32 $0x8F2B, s0  }
0xcb: {  	[sflag:s0] =	ssyncadd.remote.s32 $0x1  }
0xcc: {  	_ =	sfence.sel $0xFFFF  }
0xcd: {  	[dreg:$0x0] =	wrdreg $0xFFFFFFFF;
	(pc) =	sbr.abs _section_cstart, $3  }
0xce: {  	[dreg:$0x1] =	wrdreg $0xFFFFFFFF  }
0xcf: {  	_ =	task.clear_ibuf [dreg:s22], $0x2FFFF;
	_ =	strace $0x9FFFFFFF  }
0xd0: {  	(tm) =	ssettm $0x7FFFFFFF  }
0xd1: {  	_ =	shalt  }
tec
execute0_lowered:
.L_overlay_start_1:
0x0: {  	(tag) =	ssettag $0x1  }
0x1: {  	s1 =	srdreg.scid;
	s0 =	stileid.u32  }
0x2: {  	s5 =	rddreg [dreg:$0x0];
	s9 =	simm.s32 $0xA000;
	s10 =	simm.s32 $0x1  }
0x3: {  	s11 =	simm.s32 $0x2;
	s12 =	simm.s32 $0x80;
	s13 =	simm.s32 $0x400  }
0x4: {  	s14 =	simm.s32 $0x3;
	s15 =	simm.s32 $0x0;
	s4 =	sand.u32 $0x1, s1  }
0x5: {  	s2 =	sshll.u32 s0, $0x1;
	s1 =	rddreg [dreg:$0x1];
	s3 =	sshrl.u32 s0, $0x2  }
0x6: {  	s6 =	sor.u32 s4, s2;
	s2 =	simm.s32 $0x0;
	s3 =	smul.u32 $0x50000, s3  }
0x7: {  	s8 =	ssub.s32 $0x2, s4;
	s4 =	sadd.s32 $0x241A00, s5;
	s7 =	sshll.u32 s6, $0x7  }
.Ltmp0:
0x8: {  	[smem:$0x7FF] =	sst s2;
	s7 =	sand.u32 $0x380, s7;
	(pc) =	sbr.rel .LBB2_1-.Ltmp0, $4  }
0x9: {  	s31 =	sshrl.u32 s8, $0x1;
	s7 =	sor.u32 s3, s7;
	s3 =	smul.u32 $0x13, s6  }
0xa: {  	s8 =	ssub.s32 s8, s31;
	s6 =	smul.u32 $0x4C00, s6;
	s7 =	sshrl.u32 s7, $0x3  }
0xb: {  	_ =	strace $0x80000050;
	s8 =	smax.u32 s8, $0x1;
	s7 =	sadd.s32 s7, s5  }
0xc: {  	v0 =	vimm.f32 $0.0e+00;
	v1 =	vimm.f32 $1.000000000e+00;
	s5 =	sadd.s32 s4, s6;
	s6 =	sadd.s32 $0x2, s3;
	s7 =	sadd.s32 $0x2D9A00, s7  }
.LBB2_10:
0xd: {  	s15 =	sadd.s32 $0x1, s15  }
0xe: {  	p0 =	sne.s32 s15, s8  }
.Ltmp1:
0xf: {  	_ = 	snop;
	(pc) =	sbr.rel @!p0 .LBB2_11-.Ltmp1, $4  }
0x10: {  	[hbm4b:s7+s12] =	stream.strided.scatter [tilespmem:s2], [sflag:$0x3], $0xA000, s13, s12, $0x38;
	[tilespmem:$0xE000] =	vst v63  }
0x11: {  	_ =	swait.ge [sflag:s14], $0xA000  }
0x12: {  	[sflag:s14] =	ssyncset.done $0x0  }
0x13: {  	[sflag:s14] =	ssyncadd.s32 $0xFFFF6000  }
.LBB2_1:
0x14: {  	s16 =	simm.s32 $0x0;
	s17 =	simm.s32 $0x200  }
.LBB2_2:
0x15: {  	p0 =	sne.s32 s17, $0x27E00;
	[tilespmem:s16+$0x70] =	vst v0  }
0x16: {  	[tilespmem:s16+$0x0] =	vst v0  }
0x17: {  	[tilespmem:s16+$0x10] =	vst v0  }
.Ltmp2:
0x18: {  	[tilespmem:s16+$0x20] =	vst v0;
	(pc) =	sbr.rel @p0 .LBB2_2-.Ltmp2, $4  }
0x19: {  	[tilespmem:s16+$0x30] =	vst v0  }
0x1a: {  	[tilespmem:s16+$0x40] =	vst v0  }
0x1b: {  	[tilespmem:s16+$0x50] =	vst v0  }
0x1c: {  	[tilespmem:s16+$0x60] =	vst v0;
	s16 =	sshra.s32 s17, $0x2;
	s17 =	sadd.s32 $0x200, s17  }
0x1d: {  	[tilespmem:s16+$0x70] =	vst v0  }
0x1e: {  	[tilespmem:s16+$0x0] =	vst v0  }
0x1f: {  	[tilespmem:s16+$0x10] =	vst v0  }
0x20: {  	[tilespmem:s16+$0x20] =	vst v0  }
.Ltmp3:
0x21: {  	[tilespmem:s16+$0x30] =	vst v0;
	(pc) =	sbr.rel .LBB2_4-.Ltmp3, $4  }
0x22: {  	[tilespmem:s16+$0x40] =	vst v0  }
0x23: {  	[tilespmem:s16+$0x50] =	vst v0  }
0x24: {  	[tilespmem:s16+$0x60] =	vst v0;
	s16 =	simm.s32 $0x0  }
0x25: {  	[tilespmem:s9], [sflag:$0x1] =	stream.linear.gather [hbm4b:s5+s16], $0x2000, $0x38;
	[tilespmem:$0xE000] =	vst v63  }
.LBB2_9:
0x26: {  	s16 =	sadd.s32 $0x1, s16  }
0x27: {  	p0 =	sne.s32 s16, $0xA  }
.Ltmp4:
0x28: {  	_ = 	snop;
	(pc) =	sbr.rel @!p0 .LBB2_10-.Ltmp4, $1  }
0x29: {  	_ =	sdelay $0x3  }
.LBB2_4:
0x2a: {  	s17 =	sshllo.u32 s16, $0x1  }
0x2b: {  	p0 =	sgt.u32 s17, $0x12  }
0x2c: {  	s17 =	sadd.s32 @!p0 s3, s17  }
0x2d: {  	s17 =	sshll.u32 @!p0 s17, $0xA  }
0x2e: {  	s17 =	sand.u32 @!p0 $0xFFC00, s17  }
0x2f: {  	s18 =	simm.s32 @!p0 $0x0;
	s19 =	simm.s32 @!p0 $0xC000;
	s17 =	sadd.s32 @!p0 s4, s17  }
0x30: {  	[tilespmem:s19], [sflag:$0x2] =	stream.linear.gather @!p0 [hbm4b:s17+s18], $0x2000, $0x38;
	[tilespmem:$0xE000] =	vst v63  }
0x31: {  	_ =	swait.ge [sflag:s10], $0x2000  }
0x32: {  	s17 =	sshll.u32 s16, $0x1;
	[sflag:s10] =	ssyncset.done $0x0  }
0x33: {  	s18 =	simm.s32 $0x0;
	s19 =	simm.s32 $0x0;
	[sflag:s10] =	ssyncadd.s32 $0xFFFFE000  }
.LBB2_5:
0x34: {  	s20 =	sand.u32 $0x1000, s19;
	s21 =	sand.u32 $0x380, s18  }
0x35: {  	s20 =	sor.u32 s21, s20  }
0x36: {  	v2 =	vld [tilespmem:s20+$0xA000];
	_ =	sdelay $0x7  }
0x37: {  	[tilespmem:v2+s2+$0x0] =	vst.idx.add.f32.msk $0xffff, v1  }
0x38: {  	v2 =	vld [tilespmem:s20+$0xA010];
	_ =	sdelay $0x7  }
0x39: {  	[tilespmem:v2+s2+$0x0] =	vst.idx.add.f32.msk $0xffff, v1  }
0x3a: {  	v2 =	vld [tilespmem:s20+$0xA020];
	_ =	sdelay $0x7  }
0x3b: {  	[tilespmem:v2+s2+$0x0] =	vst.idx.add.f32.msk $0xffff, v1  }
0x3c: {  	v2 =	vld [tilespmem:s20+$0xA030];
	_ =	sdelay $0x7  }
0x3d: {  	[tilespmem:v2+s2+$0x0] =	vst.idx.add.f32.msk $0xffff, v1  }
0x3e: {  	v2 =	vld [tilespmem:s20+$0xA040];
	_ =	sdelay $0x7  }
0x3f: {  	[tilespmem:v2+s2+$0x0] =	vst.idx.add.f32.msk $0xffff, v1  }
0x40: {  	v2 =	vld [tilespmem:s20+$0xA050];
	_ =	sdelay $0x7  }
0x41: {  	[tilespmem:v2+s2+$0x0] =	vst.idx.add.f32.msk $0xffff, v1  }
0x42: {  	v2 =	vld [tilespmem:s20+$0xA060];
	_ =	sdelay $0x7  }
0x43: {  	[tilespmem:v2+s2+$0x0] =	vst.idx.add.f32.msk $0xffff, v1  }
0x44: {  	v2 =	vld [tilespmem:s20+$0xA070];
	_ =	sdelay $0x7  }
0x45: {  	[tilespmem:v2+s2+$0x0] =	vst.idx.add.f32.msk $0xffff, v1  }
0x46: {  	v2 =	vld [tilespmem:s20+$0xA400];
	_ =	sdelay $0x7  }
0x47: {  	[tilespmem:v2+s2+$0x0] =	vst.idx.add.f32.msk $0xffff, v1  }
0x48: {  	v2 =	vld [tilespmem:s20+$0xA410];
	_ =	sdelay $0x7  }
0x49: {  	[tilespmem:v2+s2+$0x0] =	vst.idx.add.f32.msk $0xffff, v1  }
0x4a: {  	v2 =	vld [tilespmem:s20+$0xA420];
	_ =	sdelay $0x7  }
0x4b: {  	[tilespmem:v2+s2+$0x0] =	vst.idx.add.f32.msk $0xffff, v1  }
0x4c: {  	v2 =	vld [tilespmem:s20+$0xA430];
	_ =	sdelay $0x7  }
0x4d: {  	[tilespmem:v2+s2+$0x0] =	vst.idx.add.f32.msk $0xffff, v1  }
0x4e: {  	v2 =	vld [tilespmem:s20+$0xA440];
	_ =	sdelay $0x7  }
0x4f: {  	[tilespmem:v2+s2+$0x0] =	vst.idx.add.f32.msk $0xffff, v1  }
0x50: {  	v2 =	vld [tilespmem:s20+$0xA450];
	_ =	sdelay $0x7  }
0x51: {  	[tilespmem:v2+s2+$0x0] =	vst.idx.add.f32.msk $0xffff, v1  }
0x52: {  	v2 =	vld [tilespmem:s20+$0xA460];
	_ =	sdelay $0x7  }
0x53: {  	[tilespmem:v2+s2+$0x0] =	vst.idx.add.f32.msk $0xffff, v1  }
0x54: {  	v2 =	vld [tilespmem:s20+$0xA470];
	_ =	sdelay $0x7  }
0x55: {  	[tilespmem:v2+s2+$0x0] =	vst.idx.add.f32.msk $0xffff, v1  }
0x56: {  	v2 =	vld [tilespmem:s20+$0xA800];
	_ =	sdelay $0x7  }
0x57: {  	[tilespmem:v2+s2+$0x0] =	vst.idx.add.f32.msk $0xffff, v1  }
0x58: {  	v2 =	vld [tilespmem:s20+$0xA810];
	_ =	sdelay $0x7  }
0x59: {  	[tilespmem:v2+s2+$0x0] =	vst.idx.add.f32.msk $0xffff, v1  }
0x5a: {  	v2 =	vld [tilespmem:s20+$0xA820];
	_ =	sdelay $0x7  }
0x5b: {  	[tilespmem:v2+s2+$0x0] =	vst.idx.add.f32.msk $0xffff, v1  }
0x5c: {  	v2 =	vld [tilespmem:s20+$0xA830];
	_ =	sdelay $0x7  }
0x5d: {  	[tilespmem:v2+s2+$0x0] =	vst.idx.add.f32.msk $0xffff, v1  }
0x5e: {  	v2 =	vld [tilespmem:s20+$0xA840];
	_ =	sdelay $0x7  }
0x5f: {  	[tilespmem:v2+s2+$0x0] =	vst.idx.add.f32.msk $0xffff, v1  }
0x60: {  	v2 =	vld [tilespmem:s20+$0xA850];
	_ =	sdelay $0x7  }
0x61: {  	[tilespmem:v2+s2+$0x0] =	vst.idx.add.f32.msk $0xffff, v1  }
0x62: {  	v2 =	vld [tilespmem:s20+$0xA860];
	_ =	sdelay $0x7  }
0x63: {  	[tilespmem:v2+s2+$0x0] =	vst.idx.add.f32.msk $0xffff, v1  }
0x64: {  	v2 =	vld [tilespmem:s20+$0xA870];
	_ =	sdelay $0x7  }
0x65: {  	[tilespmem:v2+s2+$0x0] =	vst.idx.add.f32.msk $0xffff, v1  }
0x66: {  	v2 =	vld [tilespmem:s20+$0xAC00];
	_ =	sdelay $0x7  }
0x67: {  	[tilespmem:v2+s2+$0x0] =	vst.idx.add.f32.msk $0xffff, v1  }
0x68: {  	v2 =	vld [tilespmem:s20+$0xAC10];
	_ =	sdelay $0x7  }
0x69: {  	[tilespmem:v2+s2+$0x0] =	vst.idx.add.f32.msk $0xffff, v1  }
0x6a: {  	v2 =	vld [tilespmem:s20+$0xAC20];
	_ =	sdelay $0x7  }
0x6b: {  	[tilespmem:v2+s2+$0x0] =	vst.idx.add.f32.msk $0xffff, v1  }
0x6c: {  	v2 =	vld [tilespmem:s20+$0xAC30];
	_ =	sdelay $0x7  }
0x6d: {  	[tilespmem:v2+s2+$0x0] =	vst.idx.add.f32.msk $0xffff, v1  }
0x6e: {  	v2 =	vld [tilespmem:s20+$0xAC40];
	_ =	sdelay $0x7  }
0x6f: {  	[tilespmem:v2+s2+$0x0] =	vst.idx.add.f32.msk $0xffff, v1  }
0x70: {  	v2 =	vld [tilespmem:s20+$0xAC50];
	_ =	sdelay $0x7  }
0x71: {  	[tilespmem:v2+s2+$0x0] =	vst.idx.add.f32.msk $0xffff, v1  }
0x72: {  	v2 =	vld [tilespmem:s20+$0xAC60];
	_ =	sdelay $0x7  }
0x73: {  	[tilespmem:v2+s2+$0x0] =	vst.idx.add.f32.msk $0xffff, v1  }
0x74: {  	v2 =	vld [tilespmem:s20+$0xAC70];
	_ =	sdelay $0x2  }
0x75: {  	p1 =	sne.s32 s19, $0x1E00  }
.Ltmp5:
0x76: {  	_ = 	snop;
	(pc) =	sbr.rel @p1 .LBB2_5-.Ltmp5, $2  }
0x77: {  	_ =	sdelay $0x2  }
0x78: {  	s18 =	sadd.s32 $0x80, s18;
	s19 =	sadd.s32 $0x200, s19;
	[tilespmem:v2+s2+$0x0] =	vst.idx.add.f32.msk $0xffff, v1  }
.Ltmp6:
0x79: {  	(pc) =	sbr.rel @p0 .LBB2_9-.Ltmp6, $1  }
0x7a: {  	_ =	sdelay $0x3  }
0x7b: {  	s17 =	sadd.s32 s17, s6  }
0x7c: {  	s18 =	smulhi.u32 $0x6BCA1AF3, s17;
	_ =	sdelay $0x1  }
0x7d: {  	s18 =	sshrl.u32 s18, $0x8  }
0x7e: {  	s19 =	smul.u32 $0x260, s18;
	_ =	sdelay $0x1  }
0x7f: {  	s17 =	ssub.s32 s17, s19  }
0x80: {  	s18 =	smul.u32 $0x4C0000, s18;
	s17 =	sshll.u32 s17, $0xD  }
0x81: {  	s30 =	sand.u32 $0x7C0000, s17  }
0x82: {  	s17 =	sand.u32 $0x3E000, s17;
	s18 =	sadd.s32 s18, s30  }
0x83: {  	s17 =	sor.u32 s17, s18  }
0x84: {  	s17 =	sshrl.u32 s17, $0x3  }
0x85: {  	s31 =	sadd.s32 s4, s17;
	s17 =	simm.s32 $0x0  }
0x86: {  	[tilespmem:s9], [sflag:$0x1] =	stream.linear.gather [hbm4b:s31+s17], $0x2000, $0x38;
	[tilespmem:$0xE000] =	vst v63  }
0x87: {  	_ =	swait.ge [sflag:s11], $0x2000  }
0x88: {  	[sflag:s11] =	ssyncset.done $0x0  }
0x89: {  	s18 =	simm.s32 $0x0;
	[sflag:s11] =	ssyncadd.s32 $0xFFFFE000  }
.LBB2_8:
0x8a: {  	s19 =	sand.u32 $0x1000, s18;
	s20 =	sand.u32 $0x380, s17  }
0x8b: {  	s19 =	sor.u32 s20, s19  }
0x8c: {  	v2 =	vld [tilespmem:s19+$0xC000];
	_ =	sdelay $0x7  }
0x8d: {  	[tilespmem:v2+s2+$0x0] =	vst.idx.add.f32.msk $0xffff, v1  }
0x8e: {  	v2 =	vld [tilespmem:s19+$0xC010];
	_ =	sdelay $0x7  }
0x8f: {  	[tilespmem:v2+s2+$0x0] =	vst.idx.add.f32.msk $0xffff, v1  }
0x90: {  	v2 =	vld [tilespmem:s19+$0xC020];
	_ =	sdelay $0x7  }
0x91: {  	[tilespmem:v2+s2+$0x0] =	vst.idx.add.f32.msk $0xffff, v1  }
0x92: {  	v2 =	vld [tilespmem:s19+$0xC030];
	_ =	sdelay $0x7  }
0x93: {  	[tilespmem:v2+s2+$0x0] =	vst.idx.add.f32.msk $0xffff, v1  }
0x94: {  	v2 =	vld [tilespmem:s19+$0xC040];
	_ =	sdelay $0x7  }
0x95: {  	[tilespmem:v2+s2+$0x0] =	vst.idx.add.f32.msk $0xffff, v1  }
0x96: {  	v2 =	vld [tilespmem:s19+$0xC050];
	_ =	sdelay $0x7  }
0x97: {  	[tilespmem:v2+s2+$0x0] =	vst.idx.add.f32.msk $0xffff, v1  }
0x98: {  	v2 =	vld [tilespmem:s19+$0xC060];
	_ =	sdelay $0x7  }
0x99: {  	[tilespmem:v2+s2+$0x0] =	vst.idx.add.f32.msk $0xffff, v1  }
0x9a: {  	v2 =	vld [tilespmem:s19+$0xC070];
	_ =	sdelay $0x7  }
0x9b: {  	[tilespmem:v2+s2+$0x0] =	vst.idx.add.f32.msk $0xffff, v1  }
0x9c: {  	v2 =	vld [tilespmem:s19+$0xC400];
	_ =	sdelay $0x7  }
0x9d: {  	[tilespmem:v2+s2+$0x0] =	vst.idx.add.f32.msk $0xffff, v1  }
0x9e: {  	v2 =	vld [tilespmem:s19+$0xC410];
	_ =	sdelay $0x7  }
0x9f: {  	[tilespmem:v2+s2+$0x0] =	vst.idx.add.f32.msk $0xffff, v1  }
0xa0: {  	v2 =	vld [tilespmem:s19+$0xC420];
	_ =	sdelay $0x7  }
0xa1: {  	[tilespmem:v2+s2+$0x0] =	vst.idx.add.f32.msk $0xffff, v1  }
0xa2: {  	v2 =	vld [tilespmem:s19+$0xC430];
	_ =	sdelay $0x7  }
0xa3: {  	[tilespmem:v2+s2+$0x0] =	vst.idx.add.f32.msk $0xffff, v1  }
0xa4: {  	v2 =	vld [tilespmem:s19+$0xC440];
	_ =	sdelay $0x7  }
0xa5: {  	[tilespmem:v2+s2+$0x0] =	vst.idx.add.f32.msk $0xffff, v1  }
0xa6: {  	v2 =	vld [tilespmem:s19+$0xC450];
	_ =	sdelay $0x7  }
0xa7: {  	[tilespmem:v2+s2+$0x0] =	vst.idx.add.f32.msk $0xffff, v1  }
0xa8: {  	v2 =	vld [tilespmem:s19+$0xC460];
	_ =	sdelay $0x7  }
0xa9: {  	[tilespmem:v2+s2+$0x0] =	vst.idx.add.f32.msk $0xffff, v1  }
0xaa: {  	v2 =	vld [tilespmem:s19+$0xC470];
	_ =	sdelay $0x7  }
0xab: {  	[tilespmem:v2+s2+$0x0] =	vst.idx.add.f32.msk $0xffff, v1  }
0xac: {  	v2 =	vld [tilespmem:s19+$0xC800];
	_ =	sdelay $0x7  }
0xad: {  	[tilespmem:v2+s2+$0x0] =	vst.idx.add.f32.msk $0xffff, v1  }
0xae: {  	v2 =	vld [tilespmem:s19+$0xC810];
	_ =	sdelay $0x7  }
0xaf: {  	[tilespmem:v2+s2+$0x0] =	vst.idx.add.f32.msk $0xffff, v1  }
0xb0: {  	v2 =	vld [tilespmem:s19+$0xC820];
	_ =	sdelay $0x7  }
0xb1: {  	[tilespmem:v2+s2+$0x0] =	vst.idx.add.f32.msk $0xffff, v1  }
0xb2: {  	v2 =	vld [tilespmem:s19+$0xC830];
	_ =	sdelay $0x7  }
0xb3: {  	[tilespmem:v2+s2+$0x0] =	vst.idx.add.f32.msk $0xffff, v1  }
0xb4: {  	v2 =	vld [tilespmem:s19+$0xC840];
	_ =	sdelay $0x7  }
0xb5: {  	[tilespmem:v2+s2+$0x0] =	vst.idx.add.f32.msk $0xffff, v1  }
0xb6: {  	v2 =	vld [tilespmem:s19+$0xC850];
	_ =	sdelay $0x7  }
0xb7: {  	[tilespmem:v2+s2+$0x0] =	vst.idx.add.f32.msk $0xffff, v1  }
0xb8: {  	v2 =	vld [tilespmem:s19+$0xC860];
	_ =	sdelay $0x7  }
0xb9: {  	[tilespmem:v2+s2+$0x0] =	vst.idx.add.f32.msk $0xffff, v1  }
0xba: {  	v2 =	vld [tilespmem:s19+$0xC870];
	_ =	sdelay $0x7  }
0xbb: {  	[tilespmem:v2+s2+$0x0] =	vst.idx.add.f32.msk $0xffff, v1  }
0xbc: {  	v2 =	vld [tilespmem:s19+$0xCC00];
	_ =	sdelay $0x7  }
0xbd: {  	[tilespmem:v2+s2+$0x0] =	vst.idx.add.f32.msk $0xffff, v1  }
0xbe: {  	v2 =	vld [tilespmem:s19+$0xCC10];
	_ =	sdelay $0x7  }
0xbf: {  	[tilespmem:v2+s2+$0x0] =	vst.idx.add.f32.msk $0xffff, v1  }
0xc0: {  	v2 =	vld [tilespmem:s19+$0xCC20];
	_ =	sdelay $0x7  }
0xc1: {  	[tilespmem:v2+s2+$0x0] =	vst.idx.add.f32.msk $0xffff, v1  }
0xc2: {  	v2 =	vld [tilespmem:s19+$0xCC30];
	_ =	sdelay $0x7  }
0xc3: {  	[tilespmem:v2+s2+$0x0] =	vst.idx.add.f32.msk $0xffff, v1  }
0xc4: {  	v2 =	vld [tilespmem:s19+$0xCC40];
	_ =	sdelay $0x7  }
0xc5: {  	[tilespmem:v2+s2+$0x0] =	vst.idx.add.f32.msk $0xffff, v1  }
0xc6: {  	v2 =	vld [tilespmem:s19+$0xCC50];
	_ =	sdelay $0x7  }
0xc7: {  	[tilespmem:v2+s2+$0x0] =	vst.idx.add.f32.msk $0xffff, v1  }
0xc8: {  	v2 =	vld [tilespmem:s19+$0xCC60];
	_ =	sdelay $0x7  }
0xc9: {  	[tilespmem:v2+s2+$0x0] =	vst.idx.add.f32.msk $0xffff, v1  }
0xca: {  	v2 =	vld [tilespmem:s19+$0xCC70];
	_ =	sdelay $0x2  }
0xcb: {  	p0 =	sne.s32 s18, $0x1E00  }
.Ltmp7:
0xcc: {  	_ = 	snop;
	(pc) =	sbr.rel @p0 .LBB2_8-.Ltmp7, $2  }
0xcd: {  	_ =	sdelay $0x2  }
0xce: {  	s17 =	sadd.s32 $0x80, s17;
	s18 =	sadd.s32 $0x200, s18;
	[tilespmem:v2+s2+$0x0] =	vst.idx.add.f32.msk $0xffff, v1  }
.Ltmp8:
0xcf: {  	_ = 	snop;
	(pc) =	sbr.rel .LBB2_9-.Ltmp8, $1  }
0xd0: {  	_ =	sdelay $0x3  }
.LBB2_11:
0xd1: {  	_ =	sfence.sel $0x180000  }
0xd2: {  	[bflag:$0x0] =	sbarrier.arrive $0xFFFF  }
0xd3: {  	p0 =	sne.s32 s0, $0x0;
	_ =	strace $0x90000050  }
0xd4: {  	s0 =	sadd.s32 @!p0 $0x100000, s1;
	[bflag:$0x2] =	sbarrier.arrive $0xFFFF  }
0xd5: {  	[sflag:s0] =	ssyncadd.tile.s32 @!p0 $0x1;
	_ =	shalt  }
.Lfunc_end2:
_tile_overlayer_lowered:
.L_overlay_start_2:
0xd6: {  	(tag) =	ssettag $0x2  }
0xd7: {  	s0 =	rddreg [dreg:$0x0];
	s2 =	stileid.u32  }
0xd8: {  	s1 =	rddreg [dreg:$0x1];
	p0 =	sne.s32 s2, $0x0  }
0xd9: {  	s3 =	rddreg [dreg:$0x2];
	[bflag:$0x3] =	sbarrier.arrive $0xFFFF;
	s2 =	simm.s32 @!p0 $0x1C03  }
0xda: {  	[timem:s3], [sflag:s2] =	dma.local @!p0 [hbm:s0], s1  }
0xdb: {  	s0 =	simm.s32 @!p0 $0x3  }
0xdc: {  	_ =	swait.ge @!p0 [sflag:s0], s1  }
0xdd: {  	s1 =	ssub.s32 @!p0 $0x0, s1;
	[sflag:s0] =	ssyncset.done @!p0 $0x0  }
0xde: {  	[sflag:s0] =	ssyncadd.s32 @!p0 s1  }
0xdf: {  	[bflag:$0x3] =	sbarrier.arrive $0xFFFF  }
0xe0: {  	_ =	shalt  }

// kernel: kernel.14.cloned.1.call-start
scs
__scs_entry_jumppad:
0x0: {  	(pc) =	sbr.rel $0x88, $3  }
0x1: {  	(tag) =	ssettag $0x0;
	lr =	simm.s32 $0x1  }
0x2: {  	[smem:$0x3F9F] =	sst lr;
	_ =	strace $0xD0000000  }
0x3: {  	_ = 	snop  }
0x4: {  	_ = 	snop  }
0x5: {  	_ = 	snop  }
0x6: {  	_ = 	snop  }
0x7: {  	_ = 	snop  }
__scs_overlays_trampoline_lowered:
0x8: {  	[smem:$0x3FAE] =	sst s0  }
0x9: {  	[smem:$0x3FAF] =	sst s1  }
0xa: {  	[smem:$0x3FB0] =	sst s2  }
0xb: {  	[smem:$0x3FB1] =	sst s3  }
0xc: {  	[smem:$0x3FB2] =	sst s4  }
0xd: {  	[smem:$0x3FB3] =	sst s5  }
0xe: {  	[smem:$0x3FB4] =	sst s6  }
0xf: {  	[smem:$0x3FB5] =	sst s7  }
0x10: {  	[smem:$0x3FB6] =	sst s8  }
0x11: {  	[smem:$0x3FB7] =	sst s9;
	s0 =	simm.s32 @!p0 $0x0  }
0x12: {  	s1 =	sld [smem:$0x3F9D];
	s0 =	simm.s32 @p0 $0x1  }
0x13: {  	[smem:$0x3FB8] =	sst s0;
	s0 =	simm.s32 @!p1 $0x0  }
0x14: {  	s2 =	sld [smem:$0x3F9C];
	s0 =	simm.s32 @p1 $0x1  }
0x15: {  	[smem:$0x3FB9] =	sst s0;
	s0 =	simm.s32 @!p2 $0x0  }
0x16: {  	s3 =	sld [smem:$0x3FDB];
	s0 =	simm.s32 @p2 $0x1  }
0x17: {  	s4 =	simm.s32 $0x1BF5;
	[smem:$0x3FBB] =	sst s0  }
0x18: {  	s0 =	sld [smem:$0x3F9E];
	_ =	swait.ge [sflag:s4], $0x0  }
0x19: {  	s7 =	sld [smem:$0x3F9F]  }
0x1a: {  	s8 =	sadd.s32 $0xFFFFE003, lr  }
0x1b: {  	s9 =	sadd.s32 $0xFFFFFEF7, lr;
	s5 =	simm.s32 $0xFFFFFFFF;
	p2 =	slt.u32 s8, $0xFFFFF086  }
0x1c: {  	p1 =	slt.u32 s9, $0xF7A;
	s5 =	simm.s32 @!p2 $0x0  }
0x1d: {  	s5 =	simm.s32 @p1 $0x1;
	p0 =	seq.s32 s7, s2  }
0x1e: {  	s7 =	smul.u32 @!p0 $0xF7A, s2;
	p2 =	seq.s32 @!p0 s5, $0x0  }
0x1f: {  	s9 =	smul.u32 $0xF7A, s1;
	s8 =	simm.s32 @!p0 $0x1BF5;
	p2 =	por !p2, p0  }
0x20: {  	[sflag:s8] =	ssyncset.s32 @!p0 $0xFFFFF086;
	s6 =	sadd.s32 @!p0 s3, s7;
	s7 =	simm.s32 @!p0 $0x108  }
0x21: {  	s3 =	sadd.s32 s3, s9;
	s6 =	sadd.s32 @!p0 $0x88, s6;
	s7 =	simm.s32 @p2 $0x1082  }
0x22: {  	[simem:s7], [sflag:s8] =	dma.local @!p0 [hbm:s6], $0xF7A  }
0x23: {  	s9 =	sor.u32 $0xD0000000, s2;
	s6 =	simm.s32 $0x108;
	_ =	swait.ge @!p0 [sflag:s8], $0x0  }
0x24: {  	s3 =	sadd.s32 $0x88, s3;
	s6 =	simm.s32 @!p1 $0x1082;
	[sflag:s4] =	ssyncset.s32 $0xFFFFF086  }
0x25: {  	[simem:s6], [sflag:s4] =	dma.local [hbm:s3], $0xF7A  }
0x26: {  	[smem:$0x3F9F] =	sst s1;
	(tag) =	ssettag s2;
	_ =	strace s9  }
0x27: {  	s1 =	sld [smem:$0x3FAF]  }
0x28: {  	s2 =	sld [smem:$0x3FB0]  }
0x29: {  	s4 =	sld [smem:$0x3FB2]  }
0x2a: {  	p0 =	seq.s32 s5, $0x0;
	s5 =	sld [smem:$0x3FB3]  }
0x2b: {  	s6 =	sld [smem:$0x3FB4]  }
0x2c: {  	s7 =	sld [smem:$0x3FB5]  }
0x2d: {  	s3 =	simm.s32 $0x108;
	s8 =	sld [smem:$0x3FB6]  }
0x2e: {  	s3 =	simm.s32 @!p0 $0x1082;
	s9 =	sld [smem:$0x3FB7]  }
0x2f: {  	lr =	sadd.s32 s0, s3;
	s0 =	sld [smem:$0x3FAE]  }
0x30: {  	s3 =	sld [smem:$0x3FB1]  }
0x31: {  	[smem:$0x3FBA] =	sst s10  }
0x32: {  	s10 =	sld [smem:$0x3FB8];
	_ =	sdelay $0x3  }
0x33: {  	p0 =	seq.s32 s10, $0x1;
	s10 =	sld [smem:$0x3FBA];
	_ =	sdelay $0x3  }
0x34: {  	[smem:$0x3FBA] =	sst s10  }
0x35: {  	s10 =	sld [smem:$0x3FB9];
	_ =	sdelay $0x3  }
0x36: {  	p1 =	seq.s32 s10, $0x1;
	s10 =	sld [smem:$0x3FBA];
	_ =	sdelay $0x3  }
0x37: {  	[smem:$0x3FBA] =	sst s10  }
0x38: {  	s10 =	sld [smem:$0x3FBB]  }
0x39: {  	_ = 	snop;
	(pc) =	sbr.ind lr, $3  }
0x3a: {  	_ = 	snop  }
0x3b: {  	_ = 	snop  }
0x3c: {  	p2 =	seq.s32 s10, $0x1;
	s10 =	sld [smem:$0x3FBA]  }
0x3d: {  	_ =	shalt  }
0x3e: {  	_ =	shalt  }
0x3f: {  	_ =	shalt  }
0x40: {  	_ =	shalt  }
0x41: {  	_ =	shalt  }
0x42: {  	_ =	shalt  }
0x43: {  	_ =	shalt  }
0x44: {  	_ =	shalt  }
0x45: {  	_ =	shalt  }
0x46: {  	_ =	shalt  }
0x47: {  	_ =	shalt  }
0x48: {  	_ =	shalt  }
0x49: {  	_ =	shalt  }
0x4a: {  	_ =	shalt  }
0x4b: {  	_ =	shalt  }
0x4c: {  	_ =	shalt  }
0x4d: {  	_ =	shalt  }
0x4e: {  	_ =	shalt  }
0x4f: {  	_ =	shalt  }
0x50: {  	_ =	shalt  }
0x51: {  	_ =	shalt  }
0x52: {  	_ =	shalt  }
0x53: {  	_ =	shalt  }
0x54: {  	_ =	shalt  }
0x55: {  	_ =	shalt  }
0x56: {  	_ =	shalt  }
0x57: {  	_ =	shalt  }
0x58: {  	_ =	shalt  }
0x59: {  	_ =	shalt  }
0x5a: {  	_ =	shalt  }
0x5b: {  	_ =	shalt  }
0x5c: {  	_ =	shalt  }
0x5d: {  	_ =	shalt  }
0x5e: {  	_ =	shalt  }
0x5f: {  	_ =	shalt  }
0x60: {  	_ =	shalt  }
0x61: {  	_ =	shalt  }
0x62: {  	_ =	shalt  }
0x63: {  	_ =	shalt  }
0x64: {  	_ =	shalt  }
0x65: {  	_ =	shalt  }
0x66: {  	_ =	shalt  }
0x67: {  	_ =	shalt  }
0x68: {  	_ =	shalt  }
0x69: {  	_ =	shalt  }
0x6a: {  	_ =	shalt  }
0x6b: {  	_ =	shalt  }
0x6c: {  	_ =	shalt  }
0x6d: {  	_ =	shalt  }
0x6e: {  	_ =	shalt  }
0x6f: {  	_ =	shalt  }
0x70: {  	_ =	shalt  }
0x71: {  	_ =	shalt  }
0x72: {  	_ =	shalt  }
0x73: {  	_ =	shalt  }
0x74: {  	_ =	shalt  }
0x75: {  	_ =	shalt  }
0x76: {  	_ =	shalt  }
0x77: {  	_ =	shalt  }
0x78: {  	_ =	shalt  }
0x79: {  	_ =	shalt  }
0x7a: {  	_ =	shalt  }
0x7b: {  	_ =	shalt  }
0x7c: {  	_ =	shalt  }
0x7d: {  	_ =	shalt  }
0x7e: {  	_ =	shalt  }
0x7f: {  	_ =	shalt  }
0x80: {  	_ =	shalt  }
0x81: {  	_ =	shalt  }
0x82: {  	_ =	shalt  }
0x83: {  	_ =	shalt  }
0x84: {  	_ =	shalt  }
0x85: {  	_ =	shalt  }
0x86: {  	_ =	shalt  }
0x87: {  	_ =	shalt  }
.Lfunc_end0:
.L_simem_size_0:
called_computation.1_lowered:
.L_overlay_start_0:
0x88: {  	s2 =	sld [smem:$0x3FD9]  }
0x89: {  	s3 =	sld [smem:$0x3FFE];
	_ =	sdelay $0x1  }
0x8a: {  	s1 =	srdreg.scid  }
0x8b: {  	s0 =	sand.u32 $0x1, s1  }
0x8c: {  	s17 =	sshll.u32 s0, $0xA;
	s2 =	sadd.s32 s3, s2  }
0x8d: {  	s2 =	sadd.s32 s2, s17  }
0x8e: {  	[smem:$0x3FC6] =	sst s2  }
0x8f: {  	_ = 	snop  }
0x90: {  	(tm) =	ssettm $0x1  }
0x91: {  	s18 =	sld [smem:$0x3FFB];
	_ =	sdelay $0x3  }
0x92: {  	_ =	strace s18  }
0x93: {  	s2 =	sld [smem:$0x3FFC];
	_ =	sdelay $0x3  }
0x94: {  	_ =	strace s2  }
0x95: {  	s2 =	sld [smem:$0x3FFD];
	_ =	sdelay $0x3  }
0x96: {  	_ =	strace s2  }
0x97: {  	_ =	strace $0x8FFFFFFF  }
0x98: {  	s19 =	sld [smem:$0x3FDB];
	_ =	sdelay $0x1  }
0x99: {  	s20 =	simm.s32 $_scs_section_size  }
0x9a: {  	s4 =	simm.s32 $_size__tile_overlayer_lowered;
	s5 =	simm.s32 $_tile_overlayer_lowered  }
0x9b: {  	s6 =	simm.s32 $0x1BFF;
	s21 =	sshll.u32 s5, $0x1;
	s3 =	sadd.s32 s20, s19  }
0x9c: {  	s22 =	simm.s32 $0x0;
	s4 =	sshll.u32 s4, $0x1;
	s5 =	sadd.s32 s21, s3  }
0x9d: {  	[timem:s22], [sflag:s6] =	dma.local [hbm:s5], s4  }
0x9e: {  	_ =	swait.ge [sflag:s6], s4  }
0x9f: {  	s4 =	ssub.s32 $0x0, s4;
	[sflag:s6] =	ssyncset.done $0x0  }
0xa0: {  	[sflag:s6] =	ssyncadd.s32 s4;
	_ =	sdelay $0x1  }
0xa1: {  	s23 =	simm.s32 $0x1B8B  }
0xa2: {  	_ =	swait.ge [sflag:s23], $0x1  }
0xa3: {  	[sflag:s23] =	ssyncset.done $0x0  }
0xa4: {  	[sflag:s23] =	ssyncadd.s32 $0xFFFFFFFF  }
0xa5: {  	s4 =	sld [smem:$0x0]  }
0xa6: {  	s5 =	sand.u32 $0xFFFFFFFE, s1  }
0xa7: {  	p0 =	sne.s32 s1, s5  }
0xa8: {  	s5 =	sshll.u32 @p0 s5, $0xE  }
0xa9: {  	s5 =	sadd.s32 @p0 $0x11B8D, s5;
	s6 =	sshll.u32 @p0 s4, $0x11  }
0xaa: {  	s5 =	sor.u32 @p0 s6, s5  }
0xab: {  	[sflag:s5] =	ssyncadd.remote.s32 @p0 $0x1;
	_ =	sdelay $0x1  }
0xac: {  	s5 =	simm.s32 @p0 $0x1B8D  }
0xad: {  	_ =	swait.eq @p0 [sflag:s5], $0x1  }
0xae: {  	[sflag:s5] =	ssyncadd.s32 @p0 $0xFFFFFFFF  }
0xaf: {  	s6 =	sshll.u32 @!p0 s1, $0xE  }
0xb0: {  	s6 =	sor.u32 @!p0 $0x4000, s6;
	s5 =	simm.s32 @!p0 $0x1B8D  }
0xb1: {  	s4 =	sshll.u32 @!p0 s4, $0x11;
	s6 =	sadd.s32 @!p0 $0x11B8D, s6;
	_ =	swait.eq @!p0 [sflag:s5], $0x1  }
0xb2: {  	s4 =	sor.u32 @!p0 s4, s6;
	[sflag:s5] =	ssyncadd.s32 @!p0 $0xFFFFFFFF  }
0xb3: {  	s25 =	simm.s32 $0x1B8E;
	s24 =	sld [smem:$0x3FFE];
	[sflag:s4] =	ssyncadd.remote.s32 @!p0 $0x1  }
0xb4: {  	s26 =	simm.s32 $execute0_lowered;
	[smem:$0x3FD2] =	sst s25  }
0xb5: {  	s5 =	sshll.u32 s26, $0x1;
	_ =	strace $0x8000004C;
	[dreg:$0x1] =	wrdreg $0xFFFFFFFF  }
0xb6: {  	s28 =	simm.s32 $_size_execute0_lowered;
	s3 =	sadd.s32 s3, s5;
	[dreg:$0x0] =	wrdreg $0x0  }
0xb7: {  	s5 =	sshll.u32 s28, $0x1;
	[dreg:$0x2] =	wrdreg s3  }
0xb8: {  	[dreg:$0x3] =	wrdreg s5  }
0xb9: {  	[dreg:$0x4] =	wrdreg $0xC0  }
0xba: {  	_ =	task [dreg:s22], $0x5FFFF  }
0xbb: {  	[dreg:$0x1] =	wrdreg $0xFFFFFFFF  }
0xbc: {  	[dreg:$0x0] =	wrdreg $0x60  }
0xbd: {  	[dreg:$0x2] =	wrdreg s24  }
0xbe: {  	[dreg:$0x3] =	wrdreg $0xA  }
0xbf: {  	_ =	task.clear_ibuf [dreg:s22], $0x4FFFF;
	_ =	strace $0x9000004C  }
0xc0: {  	s29 =	simm.s32 $0xA;
	_ =	strace $0x8000004E  }
0xc1: {  	_ =	swait.ge [sflag:s29], $0x1  }
0xc2: {  	[sflag:s29] =	ssyncadd.s32 $0xFFFFFFFF  }
0xc3: {  	_ =	strace $0x9000004E  }
0xc4: {  	_ =	sfence  }
0xc5: {  	s30 =	sld [smem:$0x0];
	_ =	sdelay $0x2  }
0xc6: {  	s31 =	sshll.u32 s1, $0xD;
	s1 =	sshrl.u32 s1, $0x2  }
0xc7: {  	s4 =	sand.u32 $0x4000, s31;
	s1 =	sadd.s32 s1, s30  }
0xc8: {  	s0 =	sor.u32 s4, s0;
	s1 =	sshll.u32 s1, $0x11  }
0xc9: {  	s0 =	sor.u32 s1, s0  }
0xca: {  	s0 =	sadd.s32 $0x8F2B, s0  }
0xcb: {  	[sflag:s0] =	ssyncadd.remote.s32 $0x1  }
0xcc: {  	_ =	sfence.sel $0xFFFF  }
0xcd: {  	[dreg:$0x0] =	wrdreg $0xFFFFFFFF;
	(pc) =	sbr.abs _section_cstart, $3  }
0xce: {  	[dreg:$0x1] =	wrdreg $0xFFFFFFFF  }
0xcf: {  	_ =	task.clear_ibuf [dreg:s22], $0x2FFFF;
	_ =	strace $0x9FFFFFFF  }
0xd0: {  	(tm) =	ssettm $0x7FFFFFFF  }
0xd1: {  	_ =	shalt  }
tec
execute0_lowered:
.L_overlay_start_1:
0x0: {  	(tag) =	ssettag $0x1  }
0x1: {  	s1 =	srdreg.scid;
	s0 =	stileid.u32  }
0x2: {  	s5 =	rddreg [dreg:$0x0];
	s9 =	simm.s32 $0xA000;
	s10 =	simm.s32 $0x1  }
0x3: {  	s11 =	simm.s32 $0x2;
	s12 =	simm.s32 $0x80;
	s13 =	simm.s32 $0x400  }
0x4: {  	s14 =	simm.s32 $0x3;
	s15 =	simm.s32 $0x0;
	s4 =	sand.u32 $0x1, s1  }
0x5: {  	s2 =	sshll.u32 s0, $0x1;
	s1 =	rddreg [dreg:$0x1];
	s3 =	sshrl.u32 s0, $0x2  }
0x6: {  	s6 =	sor.u32 s4, s2;
	s2 =	simm.s32 $0x0;
	s3 =	smul.u32 $0x50000, s3  }
0x7: {  	s8 =	ssub.s32 $0x2, s4;
	s4 =	sadd.s32 $0x181A00, s5;
	s7 =	sshll.u32 s6, $0x7  }
.Ltmp0:
0x8: {  	[smem:$0x7FF] =	sst s2;
	s7 =	sand.u32 $0x380, s7;
	(pc) =	sbr.rel .LBB2_1-.Ltmp0, $4  }
0x9: {  	s31 =	sshrl.u32 s8, $0x1;
	s7 =	sor.u32 s3, s7;
	s3 =	smul.u32 $0x13, s6  }
0xa: {  	s8 =	ssub.s32 s8, s31;
	s6 =	smul.u32 $0x4C00, s6;
	s7 =	sshrl.u32 s7, $0x3  }
0xb: {  	_ =	strace $0x8000004D;
	s8 =	smax.u32 s8, $0x1;
	s7 =	sadd.s32 s7, s5  }
0xc: {  	v0 =	vimm.f32 $0.0e+00;
	v1 =	vimm.f32 $1.000000000e+00;
	s5 =	sadd.s32 s4, s6;
	s6 =	sadd.s32 $0x2, s3;
	s7 =	sadd.s32 $0x219A00, s7  }
.LBB2_10:
0xd: {  	s15 =	sadd.s32 $0x1, s15  }
0xe: {  	p0 =	sne.s32 s15, s8  }
.Ltmp1:
0xf: {  	_ = 	snop;
	(pc) =	sbr.rel @!p0 .LBB2_11-.Ltmp1, $4  }
0x10: {  	[hbm4b:s7+s12] =	stream.strided.scatter [tilespmem:s2], [sflag:$0x3], $0xA000, s13, s12, $0x38;
	[tilespmem:$0xE000] =	vst v63  }
0x11: {  	_ =	swait.ge [sflag:s14], $0xA000  }
0x12: {  	[sflag:s14] =	ssyncset.done $0x0  }
0x13: {  	[sflag:s14] =	ssyncadd.s32 $0xFFFF6000  }
.LBB2_1:
0x14: {  	s16 =	simm.s32 $0x0;
	s17 =	simm.s32 $0x200  }
.LBB2_2:
0x15: {  	p0 =	sne.s32 s17, $0x27E00;
	[tilespmem:s16+$0x70] =	vst v0  }
0x16: {  	[tilespmem:s16+$0x0] =	vst v0  }
0x17: {  	[tilespmem:s16+$0x10] =	vst v0  }
.Ltmp2:
0x18: {  	[tilespmem:s16+$0x20] =	vst v0;
	(pc) =	sbr.rel @p0 .LBB2_2-.Ltmp2, $4  }
0x19: {  	[tilespmem:s16+$0x30] =	vst v0  }
0x1a: {  	[tilespmem:s16+$0x40] =	vst v0  }
0x1b: {  	[tilespmem:s16+$0x50] =	vst v0  }
0x1c: {  	[tilespmem:s16+$0x60] =	vst v0;
	s16 =	sshra.s32 s17, $0x2;
	s17 =	sadd.s32 $0x200, s17  }
0x1d: {  	[tilespmem:s16+$0x70] =	vst v0  }
0x1e: {  	[tilespmem:s16+$0x0] =	vst v0  }
0x1f: {  	[tilespmem:s16+$0x10] =	vst v0  }
0x20: {  	[tilespmem:s16+$0x20] =	vst v0  }
.Ltmp3:
0x21: {  	[tilespmem:s16+$0x30] =	vst v0;
	(pc) =	sbr.rel .LBB2_4-.Ltmp3, $4  }
0x22: {  	[tilespmem:s16+$0x40] =	vst v0  }
0x23: {  	[tilespmem:s16+$0x50] =	vst v0  }
0x24: {  	[tilespmem:s16+$0x60] =	vst v0;
	s16 =	simm.s32 $0x0  }
0x25: {  	[tilespmem:s9], [sflag:$0x1] =	stream.linear.gather [hbm4b:s5+s16], $0x2000, $0x38;
	[tilespmem:$0xE000] =	vst v63  }
.LBB2_9:
0x26: {  	s16 =	sadd.s32 $0x1, s16  }
0x27: {  	p0 =	sne.s32 s16, $0xA  }
.Ltmp4:
0x28: {  	_ = 	snop;
	(pc) =	sbr.rel @!p0 .LBB2_10-.Ltmp4, $1  }
0x29: {  	_ =	sdelay $0x3  }
.LBB2_4:
0x2a: {  	s17 =	sshllo.u32 s16, $0x1  }
0x2b: {  	p0 =	sgt.u32 s17, $0x12  }
0x2c: {  	s17 =	sadd.s32 @!p0 s3, s17  }
0x2d: {  	s17 =	sshll.u32 @!p0 s17, $0xA  }
0x2e: {  	s17 =	sand.u32 @!p0 $0xFFC00, s17  }
0x2f: {  	s18 =	simm.s32 @!p0 $0x0;
	s19 =	simm.s32 @!p0 $0xC000;
	s17 =	sadd.s32 @!p0 s4, s17  }
0x30: {  	[tilespmem:s19], [sflag:$0x2] =	stream.linear.gather @!p0 [hbm4b:s17+s18], $0x2000, $0x38;
	[tilespmem:$0xE000] =	vst v63  }
0x31: {  	_ =	swait.ge [sflag:s10], $0x2000  }
0x32: {  	s17 =	sshll.u32 s16, $0x1;
	[sflag:s10] =	ssyncset.done $0x0  }
0x33: {  	s18 =	simm.s32 $0x0;
	s19 =	simm.s32 $0x0;
	[sflag:s10] =	ssyncadd.s32 $0xFFFFE000  }
.LBB2_5:
0x34: {  	s20 =	sand.u32 $0x1000, s19;
	s21 =	sand.u32 $0x380, s18  }
0x35: {  	s20 =	sor.u32 s21, s20  }
0x36: {  	v2 =	vld [tilespmem:s20+$0xA000];
	_ =	sdelay $0x7  }
0x37: {  	[tilespmem:v2+s2+$0x0] =	vst.idx.add.f32.msk $0xffff, v1  }
0x38: {  	v2 =	vld [tilespmem:s20+$0xA010];
	_ =	sdelay $0x7  }
0x39: {  	[tilespmem:v2+s2+$0x0] =	vst.idx.add.f32.msk $0xffff, v1  }
0x3a: {  	v2 =	vld [tilespmem:s20+$0xA020];
	_ =	sdelay $0x7  }
0x3b: {  	[tilespmem:v2+s2+$0x0] =	vst.idx.add.f32.msk $0xffff, v1  }
0x3c: {  	v2 =	vld [tilespmem:s20+$0xA030];
	_ =	sdelay $0x7  }
0x3d: {  	[tilespmem:v2+s2+$0x0] =	vst.idx.add.f32.msk $0xffff, v1  }
0x3e: {  	v2 =	vld [tilespmem:s20+$0xA040];
	_ =	sdelay $0x7  }
0x3f: {  	[tilespmem:v2+s2+$0x0] =	vst.idx.add.f32.msk $0xffff, v1  }
0x40: {  	v2 =	vld [tilespmem:s20+$0xA050];
	_ =	sdelay $0x7  }
0x41: {  	[tilespmem:v2+s2+$0x0] =	vst.idx.add.f32.msk $0xffff, v1  }
0x42: {  	v2 =	vld [tilespmem:s20+$0xA060];
	_ =	sdelay $0x7  }
0x43: {  	[tilespmem:v2+s2+$0x0] =	vst.idx.add.f32.msk $0xffff, v1  }
0x44: {  	v2 =	vld [tilespmem:s20+$0xA070];
	_ =	sdelay $0x7  }
0x45: {  	[tilespmem:v2+s2+$0x0] =	vst.idx.add.f32.msk $0xffff, v1  }
0x46: {  	v2 =	vld [tilespmem:s20+$0xA400];
	_ =	sdelay $0x7  }
0x47: {  	[tilespmem:v2+s2+$0x0] =	vst.idx.add.f32.msk $0xffff, v1  }
0x48: {  	v2 =	vld [tilespmem:s20+$0xA410];
	_ =	sdelay $0x7  }
0x49: {  	[tilespmem:v2+s2+$0x0] =	vst.idx.add.f32.msk $0xffff, v1  }
0x4a: {  	v2 =	vld [tilespmem:s20+$0xA420];
	_ =	sdelay $0x7  }
0x4b: {  	[tilespmem:v2+s2+$0x0] =	vst.idx.add.f32.msk $0xffff, v1  }
0x4c: {  	v2 =	vld [tilespmem:s20+$0xA430];
	_ =	sdelay $0x7  }
0x4d: {  	[tilespmem:v2+s2+$0x0] =	vst.idx.add.f32.msk $0xffff, v1  }
0x4e: {  	v2 =	vld [tilespmem:s20+$0xA440];
	_ =	sdelay $0x7  }
0x4f: {  	[tilespmem:v2+s2+$0x0] =	vst.idx.add.f32.msk $0xffff, v1  }
0x50: {  	v2 =	vld [tilespmem:s20+$0xA450];
	_ =	sdelay $0x7  }
0x51: {  	[tilespmem:v2+s2+$0x0] =	vst.idx.add.f32.msk $0xffff, v1  }
0x52: {  	v2 =	vld [tilespmem:s20+$0xA460];
	_ =	sdelay $0x7  }
0x53: {  	[tilespmem:v2+s2+$0x0] =	vst.idx.add.f32.msk $0xffff, v1  }
0x54: {  	v2 =	vld [tilespmem:s20+$0xA470];
	_ =	sdelay $0x7  }
0x55: {  	[tilespmem:v2+s2+$0x0] =	vst.idx.add.f32.msk $0xffff, v1  }
0x56: {  	v2 =	vld [tilespmem:s20+$0xA800];
	_ =	sdelay $0x7  }
0x57: {  	[tilespmem:v2+s2+$0x0] =	vst.idx.add.f32.msk $0xffff, v1  }
0x58: {  	v2 =	vld [tilespmem:s20+$0xA810];
	_ =	sdelay $0x7  }
0x59: {  	[tilespmem:v2+s2+$0x0] =	vst.idx.add.f32.msk $0xffff, v1  }
0x5a: {  	v2 =	vld [tilespmem:s20+$0xA820];
	_ =	sdelay $0x7  }
0x5b: {  	[tilespmem:v2+s2+$0x0] =	vst.idx.add.f32.msk $0xffff, v1  }
0x5c: {  	v2 =	vld [tilespmem:s20+$0xA830];
	_ =	sdelay $0x7  }
0x5d: {  	[tilespmem:v2+s2+$0x0] =	vst.idx.add.f32.msk $0xffff, v1  }
0x5e: {  	v2 =	vld [tilespmem:s20+$0xA840];
	_ =	sdelay $0x7  }
0x5f: {  	[tilespmem:v2+s2+$0x0] =	vst.idx.add.f32.msk $0xffff, v1  }
0x60: {  	v2 =	vld [tilespmem:s20+$0xA850];
	_ =	sdelay $0x7  }
0x61: {  	[tilespmem:v2+s2+$0x0] =	vst.idx.add.f32.msk $0xffff, v1  }
0x62: {  	v2 =	vld [tilespmem:s20+$0xA860];
	_ =	sdelay $0x7  }
0x63: {  	[tilespmem:v2+s2+$0x0] =	vst.idx.add.f32.msk $0xffff, v1  }
0x64: {  	v2 =	vld [tilespmem:s20+$0xA870];
	_ =	sdelay $0x7  }
0x65: {  	[tilespmem:v2+s2+$0x0] =	vst.idx.add.f32.msk $0xffff, v1  }
0x66: {  	v2 =	vld [tilespmem:s20+$0xAC00];
	_ =	sdelay $0x7  }
0x67: {  	[tilespmem:v2+s2+$0x0] =	vst.idx.add.f32.msk $0xffff, v1  }
0x68: {  	v2 =	vld [tilespmem:s20+$0xAC10];
	_ =	sdelay $0x7  }
0x69: {  	[tilespmem:v2+s2+$0x0] =	vst.idx.add.f32.msk $0xffff, v1  }
0x6a: {  	v2 =	vld [tilespmem:s20+$0xAC20];
	_ =	sdelay $0x7  }
0x6b: {  	[tilespmem:v2+s2+$0x0] =	vst.idx.add.f32.msk $0xffff, v1  }
0x6c: {  	v2 =	vld [tilespmem:s20+$0xAC30];
	_ =	sdelay $0x7  }
0x6d: {  	[tilespmem:v2+s2+$0x0] =	vst.idx.add.f32.msk $0xffff, v1  }
0x6e: {  	v2 =	vld [tilespmem:s20+$0xAC40];
	_ =	sdelay $0x7  }
0x6f: {  	[tilespmem:v2+s2+$0x0] =	vst.idx.add.f32.msk $0xffff, v1  }
0x70: {  	v2 =	vld [tilespmem:s20+$0xAC50];
	_ =	sdelay $0x7  }
0x71: {  	[tilespmem:v2+s2+$0x0] =	vst.idx.add.f32.msk $0xffff, v1  }
0x72: {  	v2 =	vld [tilespmem:s20+$0xAC60];
	_ =	sdelay $0x7  }
0x73: {  	[tilespmem:v2+s2+$0x0] =	vst.idx.add.f32.msk $0xffff, v1  }
0x74: {  	v2 =	vld [tilespmem:s20+$0xAC70];
	_ =	sdelay $0x2  }
0x75: {  	p1 =	sne.s32 s19, $0x1E00  }
.Ltmp5:
0x76: {  	_ = 	snop;
	(pc) =	sbr.rel @p1 .LBB2_5-.Ltmp5, $2  }
0x77: {  	_ =	sdelay $0x2  }
0x78: {  	s18 =	sadd.s32 $0x80, s18;
	s19 =	sadd.s32 $0x200, s19;
	[tilespmem:v2+s2+$0x0] =	vst.idx.add.f32.msk $0xffff, v1  }
.Ltmp6:
0x79: {  	(pc) =	sbr.rel @p0 .LBB2_9-.Ltmp6, $1  }
0x7a: {  	_ =	sdelay $0x3  }
0x7b: {  	s17 =	sadd.s32 s17, s6  }
0x7c: {  	s18 =	smulhi.u32 $0x6BCA1AF3, s17;
	_ =	sdelay $0x1  }
0x7d: {  	s18 =	sshrl.u32 s18, $0x8  }
0x7e: {  	s19 =	smul.u32 $0x260, s18;
	_ =	sdelay $0x1  }
0x7f: {  	s17 =	ssub.s32 s17, s19  }
0x80: {  	s18 =	smul.u32 $0x4C0000, s18;
	s17 =	sshll.u32 s17, $0xD  }
0x81: {  	s30 =	sand.u32 $0x7C0000, s17  }
0x82: {  	s17 =	sand.u32 $0x3E000, s17;
	s18 =	sadd.s32 s18, s30  }
0x83: {  	s17 =	sor.u32 s17, s18  }
0x84: {  	s17 =	sshrl.u32 s17, $0x3  }
0x85: {  	s31 =	sadd.s32 s4, s17;
	s17 =	simm.s32 $0x0  }
0x86: {  	[tilespmem:s9], [sflag:$0x1] =	stream.linear.gather [hbm4b:s31+s17], $0x2000, $0x38;
	[tilespmem:$0xE000] =	vst v63  }
0x87: {  	_ =	swait.ge [sflag:s11], $0x2000  }
0x88: {  	[sflag:s11] =	ssyncset.done $0x0  }
0x89: {  	s18 =	simm.s32 $0x0;
	[sflag:s11] =	ssyncadd.s32 $0xFFFFE000  }
.LBB2_8:
0x8a: {  	s19 =	sand.u32 $0x1000, s18;
	s20 =	sand.u32 $0x380, s17  }
0x8b: {  	s19 =	sor.u32 s20, s19  }
0x8c: {  	v2 =	vld [tilespmem:s19+$0xC000];
	_ =	sdelay $0x7  }
0x8d: {  	[tilespmem:v2+s2+$0x0] =	vst.idx.add.f32.msk $0xffff, v1  }
0x8e: {  	v2 =	vld [tilespmem:s19+$0xC010];
	_ =	sdelay $0x7  }
0x8f: {  	[tilespmem:v2+s2+$0x0] =	vst.idx.add.f32.msk $0xffff, v1  }
0x90: {  	v2 =	vld [tilespmem:s19+$0xC020];
	_ =	sdelay $0x7  }
0x91: {  	[tilespmem:v2+s2+$0x0] =	vst.idx.add.f32.msk $0xffff, v1  }
0x92: {  	v2 =	vld [tilespmem:s19+$0xC030];
	_ =	sdelay $0x7  }
0x93: {  	[tilespmem:v2+s2+$0x0] =	vst.idx.add.f32.msk $0xffff, v1  }
0x94: {  	v2 =	vld [tilespmem:s19+$0xC040];
	_ =	sdelay $0x7  }
0x95: {  	[tilespmem:v2+s2+$0x0] =	vst.idx.add.f32.msk $0xffff, v1  }
0x96: {  	v2 =	vld [tilespmem:s19+$0xC050];
	_ =	sdelay $0x7  }
0x97: {  	[tilespmem:v2+s2+$0x0] =	vst.idx.add.f32.msk $0xffff, v1  }
0x98: {  	v2 =	vld [tilespmem:s19+$0xC060];
	_ =	sdelay $0x7  }
0x99: {  	[tilespmem:v2+s2+$0x0] =	vst.idx.add.f32.msk $0xffff, v1  }
0x9a: {  	v2 =	vld [tilespmem:s19+$0xC070];
	_ =	sdelay $0x7  }
0x9b: {  	[tilespmem:v2+s2+$0x0] =	vst.idx.add.f32.msk $0xffff, v1  }
0x9c: {  	v2 =	vld [tilespmem:s19+$0xC400];
	_ =	sdelay $0x7  }
0x9d: {  	[tilespmem:v2+s2+$0x0] =	vst.idx.add.f32.msk $0xffff, v1  }
0x9e: {  	v2 =	vld [tilespmem:s19+$0xC410];
	_ =	sdelay $0x7  }
0x9f: {  	[tilespmem:v2+s2+$0x0] =	vst.idx.add.f32.msk $0xffff, v1  }
0xa0: {  	v2 =	vld [tilespmem:s19+$0xC420];
	_ =	sdelay $0x7  }
0xa1: {  	[tilespmem:v2+s2+$0x0] =	vst.idx.add.f32.msk $0xffff, v1  }
0xa2: {  	v2 =	vld [tilespmem:s19+$0xC430];
	_ =	sdelay $0x7  }
0xa3: {  	[tilespmem:v2+s2+$0x0] =	vst.idx.add.f32.msk $0xffff, v1  }
0xa4: {  	v2 =	vld [tilespmem:s19+$0xC440];
	_ =	sdelay $0x7  }
0xa5: {  	[tilespmem:v2+s2+$0x0] =	vst.idx.add.f32.msk $0xffff, v1  }
0xa6: {  	v2 =	vld [tilespmem:s19+$0xC450];
	_ =	sdelay $0x7  }
0xa7: {  	[tilespmem:v2+s2+$0x0] =	vst.idx.add.f32.msk $0xffff, v1  }
0xa8: {  	v2 =	vld [tilespmem:s19+$0xC460];
	_ =	sdelay $0x7  }
0xa9: {  	[tilespmem:v2+s2+$0x0] =	vst.idx.add.f32.msk $0xffff, v1  }
0xaa: {  	v2 =	vld [tilespmem:s19+$0xC470];
	_ =	sdelay $0x7  }
0xab: {  	[tilespmem:v2+s2+$0x0] =	vst.idx.add.f32.msk $0xffff, v1  }
0xac: {  	v2 =	vld [tilespmem:s19+$0xC800];
	_ =	sdelay $0x7  }
0xad: {  	[tilespmem:v2+s2+$0x0] =	vst.idx.add.f32.msk $0xffff, v1  }
0xae: {  	v2 =	vld [tilespmem:s19+$0xC810];
	_ =	sdelay $0x7  }
0xaf: {  	[tilespmem:v2+s2+$0x0] =	vst.idx.add.f32.msk $0xffff, v1  }
0xb0: {  	v2 =	vld [tilespmem:s19+$0xC820];
	_ =	sdelay $0x7  }
0xb1: {  	[tilespmem:v2+s2+$0x0] =	vst.idx.add.f32.msk $0xffff, v1  }
0xb2: {  	v2 =	vld [tilespmem:s19+$0xC830];
	_ =	sdelay $0x7  }
0xb3: {  	[tilespmem:v2+s2+$0x0] =	vst.idx.add.f32.msk $0xffff, v1  }
0xb4: {  	v2 =	vld [tilespmem:s19+$0xC840];
	_ =	sdelay $0x7  }
0xb5: {  	[tilespmem:v2+s2+$0x0] =	vst.idx.add.f32.msk $0xffff, v1  }
0xb6: {  	v2 =	vld [tilespmem:s19+$0xC850];
	_ =	sdelay $0x7  }
0xb7: {  	[tilespmem:v2+s2+$0x0] =	vst.idx.add.f32.msk $0xffff, v1  }
0xb8: {  	v2 =	vld [tilespmem:s19+$0xC860];
	_ =	sdelay $0x7  }
0xb9: {  	[tilespmem:v2+s2+$0x0] =	vst.idx.add.f32.msk $0xffff, v1  }
0xba: {  	v2 =	vld [tilespmem:s19+$0xC870];
	_ =	sdelay $0x7  }
0xbb: {  	[tilespmem:v2+s2+$0x0] =	vst.idx.add.f32.msk $0xffff, v1  }
0xbc: {  	v2 =	vld [tilespmem:s19+$0xCC00];
	_ =	sdelay $0x7  }
0xbd: {  	[tilespmem:v2+s2+$0x0] =	vst.idx.add.f32.msk $0xffff, v1  }
0xbe: {  	v2 =	vld [tilespmem:s19+$0xCC10];
	_ =	sdelay $0x7  }
0xbf: {  	[tilespmem:v2+s2+$0x0] =	vst.idx.add.f32.msk $0xffff, v1  }
0xc0: {  	v2 =	vld [tilespmem:s19+$0xCC20];
	_ =	sdelay $0x7  }
0xc1: {  	[tilespmem:v2+s2+$0x0] =	vst.idx.add.f32.msk $0xffff, v1  }
0xc2: {  	v2 =	vld [tilespmem:s19+$0xCC30];
	_ =	sdelay $0x7  }
0xc3: {  	[tilespmem:v2+s2+$0x0] =	vst.idx.add.f32.msk $0xffff, v1  }
0xc4: {  	v2 =	vld [tilespmem:s19+$0xCC40];
	_ =	sdelay $0x7  }
0xc5: {  	[tilespmem:v2+s2+$0x0] =	vst.idx.add.f32.msk $0xffff, v1  }
0xc6: {  	v2 =	vld [tilespmem:s19+$0xCC50];
	_ =	sdelay $0x7  }
0xc7: {  	[tilespmem:v2+s2+$0x0] =	vst.idx.add.f32.msk $0xffff, v1  }
0xc8: {  	v2 =	vld [tilespmem:s19+$0xCC60];
	_ =	sdelay $0x7  }
0xc9: {  	[tilespmem:v2+s2+$0x0] =	vst.idx.add.f32.msk $0xffff, v1  }
0xca: {  	v2 =	vld [tilespmem:s19+$0xCC70];
	_ =	sdelay $0x2  }
0xcb: {  	p0 =	sne.s32 s18, $0x1E00  }
.Ltmp7:
0xcc: {  	_ = 	snop;
	(pc) =	sbr.rel @p0 .LBB2_8-.Ltmp7, $2  }
0xcd: {  	_ =	sdelay $0x2  }
0xce: {  	s17 =	sadd.s32 $0x80, s17;
	s18 =	sadd.s32 $0x200, s18;
	[tilespmem:v2+s2+$0x0] =	vst.idx.add.f32.msk $0xffff, v1  }
.Ltmp8:
0xcf: {  	_ = 	snop;
	(pc) =	sbr.rel .LBB2_9-.Ltmp8, $1  }
0xd0: {  	_ =	sdelay $0x3  }
.LBB2_11:
0xd1: {  	_ =	sfence.sel $0x180000  }
0xd2: {  	[bflag:$0x0] =	sbarrier.arrive $0xFFFF  }
0xd3: {  	p0 =	sne.s32 s0, $0x0;
	_ =	strace $0x9000004D  }
0xd4: {  	s0 =	sadd.s32 @!p0 $0x100000, s1;
	[bflag:$0x2] =	sbarrier.arrive $0xFFFF  }
0xd5: {  	[sflag:s0] =	ssyncadd.tile.s32 @!p0 $0x1;
	_ =	shalt  }
.Lfunc_end2:
_tile_overlayer_lowered:
.L_overlay_start_2:
0xd6: {  	(tag) =	ssettag $0x2  }
0xd7: {  	s0 =	rddreg [dreg:$0x0];
	s2 =	stileid.u32  }
0xd8: {  	s1 =	rddreg [dreg:$0x1];
	p0 =	sne.s32 s2, $0x0  }
0xd9: {  	s3 =	rddreg [dreg:$0x2];
	[bflag:$0x3] =	sbarrier.arrive $0xFFFF;
	s2 =	simm.s32 @!p0 $0x1C03  }
0xda: {  	[timem:s3], [sflag:s2] =	dma.local @!p0 [hbm:s0], s1  }
0xdb: {  	s0 =	simm.s32 @!p0 $0x3  }
0xdc: {  	_ =	swait.ge @!p0 [sflag:s0], s1  }
0xdd: {  	s1 =	ssub.s32 @!p0 $0x0, s1;
	[sflag:s0] =	ssyncset.done @!p0 $0x0  }
0xde: {  	[sflag:s0] =	ssyncadd.s32 @!p0 s1  }
0xdf: {  	[bflag:$0x3] =	sbarrier.arrive $0xFFFF  }
0xe0: {  	_ =	shalt  }

// kernel: kernel.17.cloned.1.call-start
scs
__scs_entry_jumppad:
0x0: {  	(pc) =	sbr.rel $0x88, $3  }
0x1: {  	(tag) =	ssettag $0x0;
	lr =	simm.s32 $0x1  }
0x2: {  	[smem:$0x3F9F] =	sst lr;
	_ =	strace $0xD0000000  }
0x3: {  	_ = 	snop  }
0x4: {  	_ = 	snop  }
0x5: {  	_ = 	snop  }
0x6: {  	_ = 	snop  }
0x7: {  	_ = 	snop  }
__scs_overlays_trampoline_lowered:
0x8: {  	[smem:$0x3FAE] =	sst s0  }
0x9: {  	[smem:$0x3FAF] =	sst s1  }
0xa: {  	[smem:$0x3FB0] =	sst s2  }
0xb: {  	[smem:$0x3FB1] =	sst s3  }
0xc: {  	[smem:$0x3FB2] =	sst s4  }
0xd: {  	[smem:$0x3FB3] =	sst s5  }
0xe: {  	[smem:$0x3FB4] =	sst s6  }
0xf: {  	[smem:$0x3FB5] =	sst s7  }
0x10: {  	[smem:$0x3FB6] =	sst s8  }
0x11: {  	[smem:$0x3FB7] =	sst s9;
	s0 =	simm.s32 @!p0 $0x0  }
0x12: {  	s1 =	sld [smem:$0x3F9D];
	s0 =	simm.s32 @p0 $0x1  }
0x13: {  	[smem:$0x3FB8] =	sst s0;
	s0 =	simm.s32 @!p1 $0x0  }
0x14: {  	s2 =	sld [smem:$0x3F9C];
	s0 =	simm.s32 @p1 $0x1  }
0x15: {  	[smem:$0x3FB9] =	sst s0;
	s0 =	simm.s32 @!p2 $0x0  }
0x16: {  	s3 =	sld [smem:$0x3FDB];
	s0 =	simm.s32 @p2 $0x1  }
0x17: {  	s4 =	simm.s32 $0x1BF5;
	[smem:$0x3FBB] =	sst s0  }
0x18: {  	s0 =	sld [smem:$0x3F9E];
	_ =	swait.ge [sflag:s4], $0x0  }
0x19: {  	s7 =	sld [smem:$0x3F9F]  }
0x1a: {  	s8 =	sadd.s32 $0xFFFFE003, lr  }
0x1b: {  	s9 =	sadd.s32 $0xFFFFFEF7, lr;
	s5 =	simm.s32 $0xFFFFFFFF;
	p2 =	slt.u32 s8, $0xFFFFF086  }
0x1c: {  	p1 =	slt.u32 s9, $0xF7A;
	s5 =	simm.s32 @!p2 $0x0  }
0x1d: {  	s5 =	simm.s32 @p1 $0x1;
	p0 =	seq.s32 s7, s2  }
0x1e: {  	s7 =	smul.u32 @!p0 $0xF7A, s2;
	p2 =	seq.s32 @!p0 s5, $0x0  }
0x1f: {  	s9 =	smul.u32 $0xF7A, s1;
	s8 =	simm.s32 @!p0 $0x1BF5;
	p2 =	por !p2, p0  }
0x20: {  	[sflag:s8] =	ssyncset.s32 @!p0 $0xFFFFF086;
	s6 =	sadd.s32 @!p0 s3, s7;
	s7 =	simm.s32 @!p0 $0x108  }
0x21: {  	s3 =	sadd.s32 s3, s9;
	s6 =	sadd.s32 @!p0 $0x88, s6;
	s7 =	simm.s32 @p2 $0x1082  }
0x22: {  	[simem:s7], [sflag:s8] =	dma.local @!p0 [hbm:s6], $0xF7A  }
0x23: {  	s9 =	sor.u32 $0xD0000000, s2;
	s6 =	simm.s32 $0x108;
	_ =	swait.ge @!p0 [sflag:s8], $0x0  }
0x24: {  	s3 =	sadd.s32 $0x88, s3;
	s6 =	simm.s32 @!p1 $0x1082;
	[sflag:s4] =	ssyncset.s32 $0xFFFFF086  }
0x25: {  	[simem:s6], [sflag:s4] =	dma.local [hbm:s3], $0xF7A  }
0x26: {  	[smem:$0x3F9F] =	sst s1;
	(tag) =	ssettag s2;
	_ =	strace s9  }
0x27: {  	s1 =	sld [smem:$0x3FAF]  }
0x28: {  	s2 =	sld [smem:$0x3FB0]  }
0x29: {  	s4 =	sld [smem:$0x3FB2]  }
0x2a: {  	p0 =	seq.s32 s5, $0x0;
	s5 =	sld [smem:$0x3FB3]  }
0x2b: {  	s6 =	sld [smem:$0x3FB4]  }
0x2c: {  	s7 =	sld [smem:$0x3FB5]  }
0x2d: {  	s3 =	simm.s32 $0x108;
	s8 =	sld [smem:$0x3FB6]  }
0x2e: {  	s3 =	simm.s32 @!p0 $0x1082;
	s9 =	sld [smem:$0x3FB7]  }
0x2f: {  	lr =	sadd.s32 s0, s3;
	s0 =	sld [smem:$0x3FAE]  }
0x30: {  	s3 =	sld [smem:$0x3FB1]  }
0x31: {  	[smem:$0x3FBA] =	sst s10  }
0x32: {  	s10 =	sld [smem:$0x3FB8];
	_ =	sdelay $0x3  }
0x33: {  	p0 =	seq.s32 s10, $0x1;
	s10 =	sld [smem:$0x3FBA];
	_ =	sdelay $0x3  }
0x34: {  	[smem:$0x3FBA] =	sst s10  }
0x35: {  	s10 =	sld [smem:$0x3FB9];
	_ =	sdelay $0x3  }
0x36: {  	p1 =	seq.s32 s10, $0x1;
	s10 =	sld [smem:$0x3FBA];
	_ =	sdelay $0x3  }
0x37: {  	[smem:$0x3FBA] =	sst s10  }
0x38: {  	s10 =	sld [smem:$0x3FBB]  }
0x39: {  	_ = 	snop;
	(pc) =	sbr.ind lr, $3  }
0x3a: {  	_ = 	snop  }
0x3b: {  	_ = 	snop  }
0x3c: {  	p2 =	seq.s32 s10, $0x1;
	s10 =	sld [smem:$0x3FBA]  }
0x3d: {  	_ =	shalt  }
0x3e: {  	_ =	shalt  }
0x3f: {  	_ =	shalt  }
0x40: {  	_ =	shalt  }
0x41: {  	_ =	shalt  }
0x42: {  	_ =	shalt  }
0x43: {  	_ =	shalt  }
0x44: {  	_ =	shalt  }
0x45: {  	_ =	shalt  }
0x46: {  	_ =	shalt  }
0x47: {  	_ =	shalt  }
0x48: {  	_ =	shalt  }
0x49: {  	_ =	shalt  }
0x4a: {  	_ =	shalt  }
0x4b: {  	_ =	shalt  }
0x4c: {  	_ =	shalt  }
0x4d: {  	_ =	shalt  }
0x4e: {  	_ =	shalt  }
0x4f: {  	_ =	shalt  }
0x50: {  	_ =	shalt  }
0x51: {  	_ =	shalt  }
0x52: {  	_ =	shalt  }
0x53: {  	_ =	shalt  }
0x54: {  	_ =	shalt  }
0x55: {  	_ =	shalt  }
0x56: {  	_ =	shalt  }
0x57: {  	_ =	shalt  }
0x58: {  	_ =	shalt  }
0x59: {  	_ =	shalt  }
0x5a: {  	_ =	shalt  }
0x5b: {  	_ =	shalt  }
0x5c: {  	_ =	shalt  }
0x5d: {  	_ =	shalt  }
0x5e: {  	_ =	shalt  }
0x5f: {  	_ =	shalt  }
0x60: {  	_ =	shalt  }
0x61: {  	_ =	shalt  }
0x62: {  	_ =	shalt  }
0x63: {  	_ =	shalt  }
0x64: {  	_ =	shalt  }
0x65: {  	_ =	shalt  }
0x66: {  	_ =	shalt  }
0x67: {  	_ =	shalt  }
0x68: {  	_ =	shalt  }
0x69: {  	_ =	shalt  }
0x6a: {  	_ =	shalt  }
0x6b: {  	_ =	shalt  }
0x6c: {  	_ =	shalt  }
0x6d: {  	_ =	shalt  }
0x6e: {  	_ =	shalt  }
0x6f: {  	_ =	shalt  }
0x70: {  	_ =	shalt  }
0x71: {  	_ =	shalt  }
0x72: {  	_ =	shalt  }
0x73: {  	_ =	shalt  }
0x74: {  	_ =	shalt  }
0x75: {  	_ =	shalt  }
0x76: {  	_ =	shalt  }
0x77: {  	_ =	shalt  }
0x78: {  	_ =	shalt  }
0x79: {  	_ =	shalt  }
0x7a: {  	_ =	shalt  }
0x7b: {  	_ =	shalt  }
0x7c: {  	_ =	shalt  }
0x7d: {  	_ =	shalt  }
0x7e: {  	_ =	shalt  }
0x7f: {  	_ =	shalt  }
0x80: {  	_ =	shalt  }
0x81: {  	_ =	shalt  }
0x82: {  	_ =	shalt  }
0x83: {  	_ =	shalt  }
0x84: {  	_ =	shalt  }
0x85: {  	_ =	shalt  }
0x86: {  	_ =	shalt  }
0x87: {  	_ =	shalt  }
.Lfunc_end0:
.L_simem_size_0:
called_computation.2_lowered:
.L_overlay_start_0:
0x88: {  	s2 =	sld [smem:$0x3FD9]  }
0x89: {  	s3 =	sld [smem:$0x3FFE];
	_ =	sdelay $0x1  }
0x8a: {  	s1 =	srdreg.scid  }
0x8b: {  	s0 =	sand.u32 $0x1, s1  }
0x8c: {  	s17 =	sshll.u32 s0, $0xA;
	s2 =	sadd.s32 s3, s2  }
0x8d: {  	s2 =	sadd.s32 s2, s17  }
0x8e: {  	[smem:$0x3FC6] =	sst s2  }
0x8f: {  	_ = 	snop  }
0x90: {  	(tm) =	ssettm $0x1  }
0x91: {  	s18 =	sld [smem:$0x3FFB];
	_ =	sdelay $0x3  }
0x92: {  	_ =	strace s18  }
0x93: {  	s2 =	sld [smem:$0x3FFC];
	_ =	sdelay $0x3  }
0x94: {  	_ =	strace s2  }
0x95: {  	s2 =	sld [smem:$0x3FFD];
	_ =	sdelay $0x3  }
0x96: {  	_ =	strace s2  }
0x97: {  	_ =	strace $0x8FFFFFFF  }
0x98: {  	s19 =	sld [smem:$0x3FDB];
	_ =	sdelay $0x1  }
0x99: {  	s20 =	simm.s32 $_scs_section_size  }
0x9a: {  	s4 =	simm.s32 $_size__tile_overlayer_lowered;
	s5 =	simm.s32 $_tile_overlayer_lowered  }
0x9b: {  	s6 =	simm.s32 $0x1BFF;
	s21 =	sshll.u32 s5, $0x1;
	s3 =	sadd.s32 s20, s19  }
0x9c: {  	s22 =	simm.s32 $0x0;
	s4 =	sshll.u32 s4, $0x1;
	s5 =	sadd.s32 s21, s3  }
0x9d: {  	[timem:s22], [sflag:s6] =	dma.local [hbm:s5], s4  }
0x9e: {  	_ =	swait.ge [sflag:s6], s4  }
0x9f: {  	s4 =	ssub.s32 $0x0, s4;
	[sflag:s6] =	ssyncset.done $0x0  }
0xa0: {  	[sflag:s6] =	ssyncadd.s32 s4;
	_ =	sdelay $0x1  }
0xa1: {  	s23 =	simm.s32 $0x1B8B  }
0xa2: {  	_ =	swait.ge [sflag:s23], $0x1  }
0xa3: {  	[sflag:s23] =	ssyncset.done $0x0  }
0xa4: {  	[sflag:s23] =	ssyncadd.s32 $0xFFFFFFFF  }
0xa5: {  	s4 =	sld [smem:$0x0]  }
0xa6: {  	s5 =	sand.u32 $0xFFFFFFFE, s1  }
0xa7: {  	p0 =	sne.s32 s1, s5  }
0xa8: {  	s5 =	sshll.u32 @p0 s5, $0xE  }
0xa9: {  	s5 =	sadd.s32 @p0 $0x11B8D, s5;
	s6 =	sshll.u32 @p0 s4, $0x11  }
0xaa: {  	s5 =	sor.u32 @p0 s6, s5  }
0xab: {  	[sflag:s5] =	ssyncadd.remote.s32 @p0 $0x1;
	_ =	sdelay $0x1  }
0xac: {  	s5 =	simm.s32 @p0 $0x1B8D  }
0xad: {  	_ =	swait.eq @p0 [sflag:s5], $0x1  }
0xae: {  	[sflag:s5] =	ssyncadd.s32 @p0 $0xFFFFFFFF  }
0xaf: {  	s6 =	sshll.u32 @!p0 s1, $0xE  }
0xb0: {  	s6 =	sor.u32 @!p0 $0x4000, s6;
	s5 =	simm.s32 @!p0 $0x1B8D  }
0xb1: {  	s4 =	sshll.u32 @!p0 s4, $0x11;
	s6 =	sadd.s32 @!p0 $0x11B8D, s6;
	_ =	swait.eq @!p0 [sflag:s5], $0x1  }
0xb2: {  	s4 =	sor.u32 @!p0 s4, s6;
	[sflag:s5] =	ssyncadd.s32 @!p0 $0xFFFFFFFF  }
0xb3: {  	s25 =	simm.s32 $0x1B8E;
	s24 =	sld [smem:$0x3FFE];
	[sflag:s4] =	ssyncadd.remote.s32 @!p0 $0x1  }
0xb4: {  	s26 =	simm.s32 $execute0_lowered;
	[smem:$0x3FD2] =	sst s25  }
0xb5: {  	s5 =	sshll.u32 s26, $0x1;
	_ =	strace $0x80000049;
	[dreg:$0x1] =	wrdreg $0xFFFFFFFF  }
0xb6: {  	s28 =	simm.s32 $_size_execute0_lowered;
	s3 =	sadd.s32 s3, s5;
	[dreg:$0x0] =	wrdreg $0x0  }
0xb7: {  	s5 =	sshll.u32 s28, $0x1;
	[dreg:$0x2] =	wrdreg s3  }
0xb8: {  	[dreg:$0x3] =	wrdreg s5  }
0xb9: {  	[dreg:$0x4] =	wrdreg $0xC0  }
0xba: {  	_ =	task [dreg:s22], $0x5FFFF  }
0xbb: {  	[dreg:$0x1] =	wrdreg $0xFFFFFFFF  }
0xbc: {  	[dreg:$0x0] =	wrdreg $0x60  }
0xbd: {  	[dreg:$0x2] =	wrdreg s24  }
0xbe: {  	[dreg:$0x3] =	wrdreg $0xB  }
0xbf: {  	_ =	task.clear_ibuf [dreg:s22], $0x4FFFF;
	_ =	strace $0x90000049  }
0xc0: {  	s29 =	simm.s32 $0xB;
	_ =	strace $0x8000004B  }
0xc1: {  	_ =	swait.ge [sflag:s29], $0x1  }
0xc2: {  	[sflag:s29] =	ssyncadd.s32 $0xFFFFFFFF  }
0xc3: {  	_ =	strace $0x9000004B  }
0xc4: {  	_ =	sfence  }
0xc5: {  	s30 =	sld [smem:$0x0];
	_ =	sdelay $0x2  }
0xc6: {  	s31 =	sshll.u32 s1, $0xD;
	s1 =	sshrl.u32 s1, $0x2  }
0xc7: {  	s4 =	sand.u32 $0x4000, s31;
	s1 =	sadd.s32 s1, s30  }
0xc8: {  	s0 =	sor.u32 s4, s0;
	s1 =	sshll.u32 s1, $0x11  }
0xc9: {  	s0 =	sor.u32 s1, s0  }
0xca: {  	s0 =	sadd.s32 $0x8F2B, s0  }
0xcb: {  	[sflag:s0] =	ssyncadd.remote.s32 $0x1  }
0xcc: {  	_ =	sfence.sel $0xFFFF  }
0xcd: {  	[dreg:$0x0] =	wrdreg $0xFFFFFFFF;
	(pc) =	sbr.abs _section_cstart, $3  }
0xce: {  	[dreg:$0x1] =	wrdreg $0xFFFFFFFF  }
0xcf: {  	_ =	task.clear_ibuf [dreg:s22], $0x2FFFF;
	_ =	strace $0x9FFFFFFF  }
0xd0: {  	(tm) =	ssettm $0x7FFFFFFF  }
0xd1: {  	_ =	shalt  }
tec
execute0_lowered:
.L_overlay_start_1:
0x0: {  	(tag) =	ssettag $0x1  }
0x1: {  	s1 =	srdreg.scid;
	s0 =	stileid.u32  }
0x2: {  	s5 =	rddreg [dreg:$0x0];
	s9 =	simm.s32 $0xA000;
	s10 =	simm.s32 $0x1  }
0x3: {  	s11 =	simm.s32 $0x2;
	s12 =	simm.s32 $0x80;
	s13 =	simm.s32 $0x400  }
0x4: {  	s14 =	simm.s32 $0x3;
	s15 =	simm.s32 $0x0;
	s4 =	sand.u32 $0x1, s1  }
0x5: {  	s2 =	sshll.u32 s0, $0x1;
	s1 =	rddreg [dreg:$0x1];
	s3 =	sshrl.u32 s0, $0x2  }
0x6: {  	s6 =	sor.u32 s4, s2;
	s2 =	simm.s32 $0x0;
	s3 =	smul.u32 $0x50000, s3  }
0x7: {  	s8 =	ssub.s32 $0x2, s4;
	s4 =	sadd.s32 $0xC1A00, s5;
	s7 =	sshll.u32 s6, $0x7  }
.Ltmp0:
0x8: {  	[smem:$0x7FF] =	sst s2;
	s7 =	sand.u32 $0x380, s7;
	(pc) =	sbr.rel .LBB2_1-.Ltmp0, $4  }
0x9: {  	s31 =	sshrl.u32 s8, $0x1;
	s7 =	sor.u32 s3, s7;
	s3 =	smul.u32 $0x13, s6  }
0xa: {  	s8 =	ssub.s32 s8, s31;
	s6 =	smul.u32 $0x4C00, s6;
	s7 =	sshrl.u32 s7, $0x3  }
0xb: {  	_ =	strace $0x8000004A;
	s8 =	smax.u32 s8, $0x1;
	s7 =	sadd.s32 s7, s5  }
0xc: {  	v0 =	vimm.f32 $0.0e+00;
	v1 =	vimm.f32 $1.000000000e+00;
	s5 =	sadd.s32 s4, s6;
	s6 =	sadd.s32 $0x2, s3;
	s7 =	sadd.s32 $0x159A00, s7  }
.LBB2_10:
0xd: {  	s15 =	sadd.s32 $0x1, s15  }
0xe: {  	p0 =	sne.s32 s15, s8  }
.Ltmp1:
0xf: {  	_ = 	snop;
	(pc) =	sbr.rel @!p0 .LBB2_11-.Ltmp1, $4  }
0x10: {  	[hbm4b:s7+s12] =	stream.strided.scatter [tilespmem:s2], [sflag:$0x3], $0xA000, s13, s12, $0x38;
	[tilespmem:$0xE000] =	vst v63  }
0x11: {  	_ =	swait.ge [sflag:s14], $0xA000  }
0x12: {  	[sflag:s14] =	ssyncset.done $0x0  }
0x13: {  	[sflag:s14] =	ssyncadd.s32 $0xFFFF6000  }
.LBB2_1:
0x14: {  	s16 =	simm.s32 $0x0;
	s17 =	simm.s32 $0x200  }
.LBB2_2:
0x15: {  	p0 =	sne.s32 s17, $0x27E00;
	[tilespmem:s16+$0x70] =	vst v0  }
0x16: {  	[tilespmem:s16+$0x0] =	vst v0  }
0x17: {  	[tilespmem:s16+$0x10] =	vst v0  }
.Ltmp2:
0x18: {  	[tilespmem:s16+$0x20] =	vst v0;
	(pc) =	sbr.rel @p0 .LBB2_2-.Ltmp2, $4  }
0x19: {  	[tilespmem:s16+$0x30] =	vst v0  }
0x1a: {  	[tilespmem:s16+$0x40] =	vst v0  }
0x1b: {  	[tilespmem:s16+$0x50] =	vst v0  }
0x1c: {  	[tilespmem:s16+$0x60] =	vst v0;
	s16 =	sshra.s32 s17, $0x2;
	s17 =	sadd.s32 $0x200, s17  }
0x1d: {  	[tilespmem:s16+$0x70] =	vst v0  }
0x1e: {  	[tilespmem:s16+$0x0] =	vst v0  }
0x1f: {  	[tilespmem:s16+$0x10] =	vst v0  }
0x20: {  	[tilespmem:s16+$0x20] =	vst v0  }
.Ltmp3:
0x21: {  	[tilespmem:s16+$0x30] =	vst v0;
	(pc) =	sbr.rel .LBB2_4-.Ltmp3, $4  }
0x22: {  	[tilespmem:s16+$0x40] =	vst v0  }
0x23: {  	[tilespmem:s16+$0x50] =	vst v0  }
0x24: {  	[tilespmem:s16+$0x60] =	vst v0;
	s16 =	simm.s32 $0x0  }
0x25: {  	[tilespmem:s9], [sflag:$0x1] =	stream.linear.gather [hbm4b:s5+s16], $0x2000, $0x38;
	[tilespmem:$0xE000] =	vst v63  }
.LBB2_9:
0x26: {  	s16 =	sadd.s32 $0x1, s16  }
0x27: {  	p0 =	sne.s32 s16, $0xA  }
.Ltmp4:
0x28: {  	_ = 	snop;
	(pc) =	sbr.rel @!p0 .LBB2_10-.Ltmp4, $1  }
0x29: {  	_ =	sdelay $0x3  }
.LBB2_4:
0x2a: {  	s17 =	sshllo.u32 s16, $0x1  }
0x2b: {  	p0 =	sgt.u32 s17, $0x12  }
0x2c: {  	s17 =	sadd.s32 @!p0 s3, s17  }
0x2d: {  	s17 =	sshll.u32 @!p0 s17, $0xA  }
0x2e: {  	s17 =	sand.u32 @!p0 $0xFFC00, s17  }
0x2f: {  	s18 =	simm.s32 @!p0 $0x0;
	s19 =	simm.s32 @!p0 $0xC000;
	s17 =	sadd.s32 @!p0 s4, s17  }
0x30: {  	[tilespmem:s19], [sflag:$0x2] =	stream.linear.gather @!p0 [hbm4b:s17+s18], $0x2000, $0x38;
	[tilespmem:$0xE000] =	vst v63  }
0x31: {  	_ =	swait.ge [sflag:s10], $0x2000  }
0x32: {  	s17 =	sshll.u32 s16, $0x1;
	[sflag:s10] =	ssyncset.done $0x0  }
0x33: {  	s18 =	simm.s32 $0x0;
	s19 =	simm.s32 $0x0;
	[sflag:s10] =	ssyncadd.s32 $0xFFFFE000  }
.LBB2_5:
0x34: {  	s20 =	sand.u32 $0x1000, s19;
	s21 =	sand.u32 $0x380, s18  }
0x35: {  	s20 =	sor.u32 s21, s20  }
0x36: {  	v2 =	vld [tilespmem:s20+$0xA000];
	_ =	sdelay $0x7  }
0x37: {  	[tilespmem:v2+s2+$0x0] =	vst.idx.add.f32.msk $0xffff, v1  }
0x38: {  	v2 =	vld [tilespmem:s20+$0xA010];
	_ =	sdelay $0x7  }
0x39: {  	[tilespmem:v2+s2+$0x0] =	vst.idx.add.f32.msk $0xffff, v1  }
0x3a: {  	v2 =	vld [tilespmem:s20+$0xA020];
	_ =	sdelay $0x7  }
0x3b: {  	[tilespmem:v2+s2+$0x0] =	vst.idx.add.f32.msk $0xffff, v1  }
0x3c: {  	v2 =	vld [tilespmem:s20+$0xA030];
	_ =	sdelay $0x7  }
0x3d: {  	[tilespmem:v2+s2+$0x0] =	vst.idx.add.f32.msk $0xffff, v1  }
0x3e: {  	v2 =	vld [tilespmem:s20+$0xA040];
	_ =	sdelay $0x7  }
0x3f: {  	[tilespmem:v2+s2+$0x0] =	vst.idx.add.f32.msk $0xffff, v1  }
0x40: {  	v2 =	vld [tilespmem:s20+$0xA050];
	_ =	sdelay $0x7  }
0x41: {  	[tilespmem:v2+s2+$0x0] =	vst.idx.add.f32.msk $0xffff, v1  }
0x42: {  	v2 =	vld [tilespmem:s20+$0xA060];
	_ =	sdelay $0x7  }
0x43: {  	[tilespmem:v2+s2+$0x0] =	vst.idx.add.f32.msk $0xffff, v1  }
0x44: {  	v2 =	vld [tilespmem:s20+$0xA070];
	_ =	sdelay $0x7  }
0x45: {  	[tilespmem:v2+s2+$0x0] =	vst.idx.add.f32.msk $0xffff, v1  }
0x46: {  	v2 =	vld [tilespmem:s20+$0xA400];
	_ =	sdelay $0x7  }
0x47: {  	[tilespmem:v2+s2+$0x0] =	vst.idx.add.f32.msk $0xffff, v1  }
0x48: {  	v2 =	vld [tilespmem:s20+$0xA410];
	_ =	sdelay $0x7  }
0x49: {  	[tilespmem:v2+s2+$0x0] =	vst.idx.add.f32.msk $0xffff, v1  }
0x4a: {  	v2 =	vld [tilespmem:s20+$0xA420];
	_ =	sdelay $0x7  }
0x4b: {  	[tilespmem:v2+s2+$0x0] =	vst.idx.add.f32.msk $0xffff, v1  }
0x4c: {  	v2 =	vld [tilespmem:s20+$0xA430];
	_ =	sdelay $0x7  }
0x4d: {  	[tilespmem:v2+s2+$0x0] =	vst.idx.add.f32.msk $0xffff, v1  }
0x4e: {  	v2 =	vld [tilespmem:s20+$0xA440];
	_ =	sdelay $0x7  }
0x4f: {  	[tilespmem:v2+s2+$0x0] =	vst.idx.add.f32.msk $0xffff, v1  }
0x50: {  	v2 =	vld [tilespmem:s20+$0xA450];
	_ =	sdelay $0x7  }
0x51: {  	[tilespmem:v2+s2+$0x0] =	vst.idx.add.f32.msk $0xffff, v1  }
0x52: {  	v2 =	vld [tilespmem:s20+$0xA460];
	_ =	sdelay $0x7  }
0x53: {  	[tilespmem:v2+s2+$0x0] =	vst.idx.add.f32.msk $0xffff, v1  }
0x54: {  	v2 =	vld [tilespmem:s20+$0xA470];
	_ =	sdelay $0x7  }
0x55: {  	[tilespmem:v2+s2+$0x0] =	vst.idx.add.f32.msk $0xffff, v1  }
0x56: {  	v2 =	vld [tilespmem:s20+$0xA800];
	_ =	sdelay $0x7  }
0x57: {  	[tilespmem:v2+s2+$0x0] =	vst.idx.add.f32.msk $0xffff, v1  }
0x58: {  	v2 =	vld [tilespmem:s20+$0xA810];
	_ =	sdelay $0x7  }
0x59: {  	[tilespmem:v2+s2+$0x0] =	vst.idx.add.f32.msk $0xffff, v1  }
0x5a: {  	v2 =	vld [tilespmem:s20+$0xA820];
	_ =	sdelay $0x7  }
0x5b: {  	[tilespmem:v2+s2+$0x0] =	vst.idx.add.f32.msk $0xffff, v1  }
0x5c: {  	v2 =	vld [tilespmem:s20+$0xA830];
	_ =	sdelay $0x7  }
0x5d: {  	[tilespmem:v2+s2+$0x0] =	vst.idx.add.f32.msk $0xffff, v1  }
0x5e: {  	v2 =	vld [tilespmem:s20+$0xA840];
	_ =	sdelay $0x7  }
0x5f: {  	[tilespmem:v2+s2+$0x0] =	vst.idx.add.f32.msk $0xffff, v1  }
0x60: {  	v2 =	vld [tilespmem:s20+$0xA850];
	_ =	sdelay $0x7  }
0x61: {  	[tilespmem:v2+s2+$0x0] =	vst.idx.add.f32.msk $0xffff, v1  }
0x62: {  	v2 =	vld [tilespmem:s20+$0xA860];
	_ =	sdelay $0x7  }
0x63: {  	[tilespmem:v2+s2+$0x0] =	vst.idx.add.f32.msk $0xffff, v1  }
0x64: {  	v2 =	vld [tilespmem:s20+$0xA870];
	_ =	sdelay $0x7  }
0x65: {  	[tilespmem:v2+s2+$0x0] =	vst.idx.add.f32.msk $0xffff, v1  }
0x66: {  	v2 =	vld [tilespmem:s20+$0xAC00];
	_ =	sdelay $0x7  }
0x67: {  	[tilespmem:v2+s2+$0x0] =	vst.idx.add.f32.msk $0xffff, v1  }
0x68: {  	v2 =	vld [tilespmem:s20+$0xAC10];
	_ =	sdelay $0x7  }
0x69: {  	[tilespmem:v2+s2+$0x0] =	vst.idx.add.f32.msk $0xffff, v1  }
0x6a: {  	v2 =	vld [tilespmem:s20+$0xAC20];
	_ =	sdelay $0x7  }
0x6b: {  	[tilespmem:v2+s2+$0x0] =	vst.idx.add.f32.msk $0xffff, v1  }
0x6c: {  	v2 =	vld [tilespmem:s20+$0xAC30];
	_ =	sdelay $0x7  }
0x6d: {  	[tilespmem:v2+s2+$0x0] =	vst.idx.add.f32.msk $0xffff, v1  }
0x6e: {  	v2 =	vld [tilespmem:s20+$0xAC40];
	_ =	sdelay $0x7  }
0x6f: {  	[tilespmem:v2+s2+$0x0] =	vst.idx.add.f32.msk $0xffff, v1  }
0x70: {  	v2 =	vld [tilespmem:s20+$0xAC50];
	_ =	sdelay $0x7  }
0x71: {  	[tilespmem:v2+s2+$0x0] =	vst.idx.add.f32.msk $0xffff, v1  }
0x72: {  	v2 =	vld [tilespmem:s20+$0xAC60];
	_ =	sdelay $0x7  }
0x73: {  	[tilespmem:v2+s2+$0x0] =	vst.idx.add.f32.msk $0xffff, v1  }
0x74: {  	v2 =	vld [tilespmem:s20+$0xAC70];
	_ =	sdelay $0x2  }
0x75: {  	p1 =	sne.s32 s19, $0x1E00  }
.Ltmp5:
0x76: {  	_ = 	snop;
	(pc) =	sbr.rel @p1 .LBB2_5-.Ltmp5, $2  }
0x77: {  	_ =	sdelay $0x2  }
0x78: {  	s18 =	sadd.s32 $0x80, s18;
	s19 =	sadd.s32 $0x200, s19;
	[tilespmem:v2+s2+$0x0] =	vst.idx.add.f32.msk $0xffff, v1  }
.Ltmp6:
0x79: {  	(pc) =	sbr.rel @p0 .LBB2_9-.Ltmp6, $1  }
0x7a: {  	_ =	sdelay $0x3  }
0x7b: {  	s17 =	sadd.s32 s17, s6  }
0x7c: {  	s18 =	smulhi.u32 $0x6BCA1AF3, s17;
	_ =	sdelay $0x1  }
0x7d: {  	s18 =	sshrl.u32 s18, $0x8  }
0x7e: {  	s19 =	smul.u32 $0x260, s18;
	_ =	sdelay $0x1  }
0x7f: {  	s17 =	ssub.s32 s17, s19  }
0x80: {  	s18 =	smul.u32 $0x4C0000, s18;
	s17 =	sshll.u32 s17, $0xD  }
0x81: {  	s30 =	sand.u32 $0x7C0000, s17  }
0x82: {  	s17 =	sand.u32 $0x3E000, s17;
	s18 =	sadd.s32 s18, s30  }
0x83: {  	s17 =	sor.u32 s17, s18  }
0x84: {  	s17 =	sshrl.u32 s17, $0x3  }
0x85: {  	s31 =	sadd.s32 s4, s17;
	s17 =	simm.s32 $0x0  }
0x86: {  	[tilespmem:s9], [sflag:$0x1] =	stream.linear.gather [hbm4b:s31+s17], $0x2000, $0x38;
	[tilespmem:$0xE000] =	vst v63  }
0x87: {  	_ =	swait.ge [sflag:s11], $0x2000  }
0x88: {  	[sflag:s11] =	ssyncset.done $0x0  }
0x89: {  	s18 =	simm.s32 $0x0;
	[sflag:s11] =	ssyncadd.s32 $0xFFFFE000  }
.LBB2_8:
0x8a: {  	s19 =	sand.u32 $0x1000, s18;
	s20 =	sand.u32 $0x380, s17  }
0x8b: {  	s19 =	sor.u32 s20, s19  }
0x8c: {  	v2 =	vld [tilespmem:s19+$0xC000];
	_ =	sdelay $0x7  }
0x8d: {  	[tilespmem:v2+s2+$0x0] =	vst.idx.add.f32.msk $0xffff, v1  }
0x8e: {  	v2 =	vld [tilespmem:s19+$0xC010];
	_ =	sdelay $0x7  }
0x8f: {  	[tilespmem:v2+s2+$0x0] =	vst.idx.add.f32.msk $0xffff, v1  }
0x90: {  	v2 =	vld [tilespmem:s19+$0xC020];
	_ =	sdelay $0x7  }
0x91: {  	[tilespmem:v2+s2+$0x0] =	vst.idx.add.f32.msk $0xffff, v1  }
0x92: {  	v2 =	vld [tilespmem:s19+$0xC030];
	_ =	sdelay $0x7  }
0x93: {  	[tilespmem:v2+s2+$0x0] =	vst.idx.add.f32.msk $0xffff, v1  }
0x94: {  	v2 =	vld [tilespmem:s19+$0xC040];
	_ =	sdelay $0x7  }
0x95: {  	[tilespmem:v2+s2+$0x0] =	vst.idx.add.f32.msk $0xffff, v1  }
0x96: {  	v2 =	vld [tilespmem:s19+$0xC050];
	_ =	sdelay $0x7  }
0x97: {  	[tilespmem:v2+s2+$0x0] =	vst.idx.add.f32.msk $0xffff, v1  }
0x98: {  	v2 =	vld [tilespmem:s19+$0xC060];
	_ =	sdelay $0x7  }
0x99: {  	[tilespmem:v2+s2+$0x0] =	vst.idx.add.f32.msk $0xffff, v1  }
0x9a: {  	v2 =	vld [tilespmem:s19+$0xC070];
	_ =	sdelay $0x7  }
0x9b: {  	[tilespmem:v2+s2+$0x0] =	vst.idx.add.f32.msk $0xffff, v1  }
0x9c: {  	v2 =	vld [tilespmem:s19+$0xC400];
	_ =	sdelay $0x7  }
0x9d: {  	[tilespmem:v2+s2+$0x0] =	vst.idx.add.f32.msk $0xffff, v1  }
0x9e: {  	v2 =	vld [tilespmem:s19+$0xC410];
	_ =	sdelay $0x7  }
0x9f: {  	[tilespmem:v2+s2+$0x0] =	vst.idx.add.f32.msk $0xffff, v1  }
0xa0: {  	v2 =	vld [tilespmem:s19+$0xC420];
	_ =	sdelay $0x7  }
0xa1: {  	[tilespmem:v2+s2+$0x0] =	vst.idx.add.f32.msk $0xffff, v1  }
0xa2: {  	v2 =	vld [tilespmem:s19+$0xC430];
	_ =	sdelay $0x7  }
0xa3: {  	[tilespmem:v2+s2+$0x0] =	vst.idx.add.f32.msk $0xffff, v1  }
0xa4: {  	v2 =	vld [tilespmem:s19+$0xC440];
	_ =	sdelay $0x7  }
0xa5: {  	[tilespmem:v2+s2+$0x0] =	vst.idx.add.f32.msk $0xffff, v1  }
0xa6: {  	v2 =	vld [tilespmem:s19+$0xC450];
	_ =	sdelay $0x7  }
0xa7: {  	[tilespmem:v2+s2+$0x0] =	vst.idx.add.f32.msk $0xffff, v1  }
0xa8: {  	v2 =	vld [tilespmem:s19+$0xC460];
	_ =	sdelay $0x7  }
0xa9: {  	[tilespmem:v2+s2+$0x0] =	vst.idx.add.f32.msk $0xffff, v1  }
0xaa: {  	v2 =	vld [tilespmem:s19+$0xC470];
	_ =	sdelay $0x7  }
0xab: {  	[tilespmem:v2+s2+$0x0] =	vst.idx.add.f32.msk $0xffff, v1  }
0xac: {  	v2 =	vld [tilespmem:s19+$0xC800];
	_ =	sdelay $0x7  }
0xad: {  	[tilespmem:v2+s2+$0x0] =	vst.idx.add.f32.msk $0xffff, v1  }
0xae: {  	v2 =	vld [tilespmem:s19+$0xC810];
	_ =	sdelay $0x7  }
0xaf: {  	[tilespmem:v2+s2+$0x0] =	vst.idx.add.f32.msk $0xffff, v1  }
0xb0: {  	v2 =	vld [tilespmem:s19+$0xC820];
	_ =	sdelay $0x7  }
0xb1: {  	[tilespmem:v2+s2+$0x0] =	vst.idx.add.f32.msk $0xffff, v1  }
0xb2: {  	v2 =	vld [tilespmem:s19+$0xC830];
	_ =	sdelay $0x7  }
0xb3: {  	[tilespmem:v2+s2+$0x0] =	vst.idx.add.f32.msk $0xffff, v1  }
0xb4: {  	v2 =	vld [tilespmem:s19+$0xC840];
	_ =	sdelay $0x7  }
0xb5: {  	[tilespmem:v2+s2+$0x0] =	vst.idx.add.f32.msk $0xffff, v1  }
0xb6: {  	v2 =	vld [tilespmem:s19+$0xC850];
	_ =	sdelay $0x7  }
0xb7: {  	[tilespmem:v2+s2+$0x0] =	vst.idx.add.f32.msk $0xffff, v1  }
0xb8: {  	v2 =	vld [tilespmem:s19+$0xC860];
	_ =	sdelay $0x7  }
0xb9: {  	[tilespmem:v2+s2+$0x0] =	vst.idx.add.f32.msk $0xffff, v1  }
0xba: {  	v2 =	vld [tilespmem:s19+$0xC870];
	_ =	sdelay $0x7  }
0xbb: {  	[tilespmem:v2+s2+$0x0] =	vst.idx.add.f32.msk $0xffff, v1  }
0xbc: {  	v2 =	vld [tilespmem:s19+$0xCC00];
	_ =	sdelay $0x7  }
0xbd: {  	[tilespmem:v2+s2+$0x0] =	vst.idx.add.f32.msk $0xffff, v1  }
0xbe: {  	v2 =	vld [tilespmem:s19+$0xCC10];
	_ =	sdelay $0x7  }
0xbf: {  	[tilespmem:v2+s2+$0x0] =	vst.idx.add.f32.msk $0xffff, v1  }
0xc0: {  	v2 =	vld [tilespmem:s19+$0xCC20];
	_ =	sdelay $0x7  }
0xc1: {  	[tilespmem:v2+s2+$0x0] =	vst.idx.add.f32.msk $0xffff, v1  }
0xc2: {  	v2 =	vld [tilespmem:s19+$0xCC30];
	_ =	sdelay $0x7  }
0xc3: {  	[tilespmem:v2+s2+$0x0] =	vst.idx.add.f32.msk $0xffff, v1  }
0xc4: {  	v2 =	vld [tilespmem:s19+$0xCC40];
	_ =	sdelay $0x7  }
0xc5: {  	[tilespmem:v2+s2+$0x0] =	vst.idx.add.f32.msk $0xffff, v1  }
0xc6: {  	v2 =	vld [tilespmem:s19+$0xCC50];
	_ =	sdelay $0x7  }
0xc7: {  	[tilespmem:v2+s2+$0x0] =	vst.idx.add.f32.msk $0xffff, v1  }
0xc8: {  	v2 =	vld [tilespmem:s19+$0xCC60];
	_ =	sdelay $0x7  }
0xc9: {  	[tilespmem:v2+s2+$0x0] =	vst.idx.add.f32.msk $0xffff, v1  }
0xca: {  	v2 =	vld [tilespmem:s19+$0xCC70];
	_ =	sdelay $0x2  }
0xcb: {  	p0 =	sne.s32 s18, $0x1E00  }
.Ltmp7:
0xcc: {  	_ = 	snop;
	(pc) =	sbr.rel @p0 .LBB2_8-.Ltmp7, $2  }
0xcd: {  	_ =	sdelay $0x2  }
0xce: {  	s17 =	sadd.s32 $0x80, s17;
	s18 =	sadd.s32 $0x200, s18;
	[tilespmem:v2+s2+$0x0] =	vst.idx.add.f32.msk $0xffff, v1  }
.Ltmp8:
0xcf: {  	_ = 	snop;
	(pc) =	sbr.rel .LBB2_9-.Ltmp8, $1  }
0xd0: {  	_ =	sdelay $0x3  }
.LBB2_11:
0xd1: {  	_ =	sfence.sel $0x180000  }
0xd2: {  	[bflag:$0x0] =	sbarrier.arrive $0xFFFF  }
0xd3: {  	p0 =	sne.s32 s0, $0x0;
	_ =	strace $0x9000004A  }
0xd4: {  	s0 =	sadd.s32 @!p0 $0x100000, s1;
	[bflag:$0x2] =	sbarrier.arrive $0xFFFF  }
0xd5: {  	[sflag:s0] =	ssyncadd.tile.s32 @!p0 $0x1;
	_ =	shalt  }
.Lfunc_end2:
_tile_overlayer_lowered:
.L_overlay_start_2:
0xd6: {  	(tag) =	ssettag $0x2  }
0xd7: {  	s0 =	rddreg [dreg:$0x0];
	s2 =	stileid.u32  }
0xd8: {  	s1 =	rddreg [dreg:$0x1];
	p0 =	sne.s32 s2, $0x0  }
0xd9: {  	s3 =	rddreg [dreg:$0x2];
	[bflag:$0x3] =	sbarrier.arrive $0xFFFF;
	s2 =	simm.s32 @!p0 $0x1C03  }
0xda: {  	[timem:s3], [sflag:s2] =	dma.local @!p0 [hbm:s0], s1  }
0xdb: {  	s0 =	simm.s32 @!p0 $0x3  }
0xdc: {  	_ =	swait.ge @!p0 [sflag:s0], s1  }
0xdd: {  	s1 =	ssub.s32 @!p0 $0x0, s1;
	[sflag:s0] =	ssyncset.done @!p0 $0x0  }
0xde: {  	[sflag:s0] =	ssyncadd.s32 @!p0 s1  }
0xdf: {  	[bflag:$0x3] =	sbarrier.arrive $0xFFFF  }
0xe0: {  	_ =	shalt  }

// kernel: kernel.20.cloned.1.call-start
scs
__scs_entry_jumppad:
0x0: {  	(pc) =	sbr.rel $0x88, $3  }
0x1: {  	(tag) =	ssettag $0x0;
	lr =	simm.s32 $0x1  }
0x2: {  	[smem:$0x3F9F] =	sst lr;
	_ =	strace $0xD0000000  }
0x3: {  	_ = 	snop  }
0x4: {  	_ = 	snop  }
0x5: {  	_ = 	snop  }
0x6: {  	_ = 	snop  }
0x7: {  	_ = 	snop  }
__scs_overlays_trampoline_lowered:
0x8: {  	[smem:$0x3FAE] =	sst s0  }
0x9: {  	[smem:$0x3FAF] =	sst s1  }
0xa: {  	[smem:$0x3FB0] =	sst s2  }
0xb: {  	[smem:$0x3FB1] =	sst s3  }
0xc: {  	[smem:$0x3FB2] =	sst s4  }
0xd: {  	[smem:$0x3FB3] =	sst s5  }
0xe: {  	[smem:$0x3FB4] =	sst s6  }
0xf: {  	[smem:$0x3FB5] =	sst s7  }
0x10: {  	[smem:$0x3FB6] =	sst s8  }
0x11: {  	[smem:$0x3FB7] =	sst s9;
	s0 =	simm.s32 @!p0 $0x0  }
0x12: {  	s1 =	sld [smem:$0x3F9D];
	s0 =	simm.s32 @p0 $0x1  }
0x13: {  	[smem:$0x3FB8] =	sst s0;
	s0 =	simm.s32 @!p1 $0x0  }
0x14: {  	s2 =	sld [smem:$0x3F9C];
	s0 =	simm.s32 @p1 $0x1  }
0x15: {  	[smem:$0x3FB9] =	sst s0;
	s0 =	simm.s32 @!p2 $0x0  }
0x16: {  	s3 =	sld [smem:$0x3FDB];
	s0 =	simm.s32 @p2 $0x1  }
0x17: {  	s4 =	simm.s32 $0x1BF5;
	[smem:$0x3FBB] =	sst s0  }
0x18: {  	s0 =	sld [smem:$0x3F9E];
	_ =	swait.ge [sflag:s4], $0x0  }
0x19: {  	s7 =	sld [smem:$0x3F9F]  }
0x1a: {  	s8 =	sadd.s32 $0xFFFFE003, lr  }
0x1b: {  	s9 =	sadd.s32 $0xFFFFFEF7, lr;
	s5 =	simm.s32 $0xFFFFFFFF;
	p2 =	slt.u32 s8, $0xFFFFF086  }
0x1c: {  	p1 =	slt.u32 s9, $0xF7A;
	s5 =	simm.s32 @!p2 $0x0  }
0x1d: {  	s5 =	simm.s32 @p1 $0x1;
	p0 =	seq.s32 s7, s2  }
0x1e: {  	s7 =	smul.u32 @!p0 $0xF7A, s2;
	p2 =	seq.s32 @!p0 s5, $0x0  }
0x1f: {  	s9 =	smul.u32 $0xF7A, s1;
	s8 =	simm.s32 @!p0 $0x1BF5;
	p2 =	por !p2, p0  }
0x20: {  	[sflag:s8] =	ssyncset.s32 @!p0 $0xFFFFF086;
	s6 =	sadd.s32 @!p0 s3, s7;
	s7 =	simm.s32 @!p0 $0x108  }
0x21: {  	s3 =	sadd.s32 s3, s9;
	s6 =	sadd.s32 @!p0 $0x88, s6;
	s7 =	simm.s32 @p2 $0x1082  }
0x22: {  	[simem:s7], [sflag:s8] =	dma.local @!p0 [hbm:s6], $0xF7A  }
0x23: {  	s9 =	sor.u32 $0xD0000000, s2;
	s6 =	simm.s32 $0x108;
	_ =	swait.ge @!p0 [sflag:s8], $0x0  }
0x24: {  	s3 =	sadd.s32 $0x88, s3;
	s6 =	simm.s32 @!p1 $0x1082;
	[sflag:s4] =	ssyncset.s32 $0xFFFFF086  }
0x25: {  	[simem:s6], [sflag:s4] =	dma.local [hbm:s3], $0xF7A  }
0x26: {  	[smem:$0x3F9F] =	sst s1;
	(tag) =	ssettag s2;
	_ =	strace s9  }
0x27: {  	s1 =	sld [smem:$0x3FAF]  }
0x28: {  	s2 =	sld [smem:$0x3FB0]  }
0x29: {  	s4 =	sld [smem:$0x3FB2]  }
0x2a: {  	p0 =	seq.s32 s5, $0x0;
	s5 =	sld [smem:$0x3FB3]  }
0x2b: {  	s6 =	sld [smem:$0x3FB4]  }
0x2c: {  	s7 =	sld [smem:$0x3FB5]  }
0x2d: {  	s3 =	simm.s32 $0x108;
	s8 =	sld [smem:$0x3FB6]  }
0x2e: {  	s3 =	simm.s32 @!p0 $0x1082;
	s9 =	sld [smem:$0x3FB7]  }
0x2f: {  	lr =	sadd.s32 s0, s3;
	s0 =	sld [smem:$0x3FAE]  }
0x30: {  	s3 =	sld [smem:$0x3FB1]  }
0x31: {  	[smem:$0x3FBA] =	sst s10  }
0x32: {  	s10 =	sld [smem:$0x3FB8];
	_ =	sdelay $0x3  }
0x33: {  	p0 =	seq.s32 s10, $0x1;
	s10 =	sld [smem:$0x3FBA];
	_ =	sdelay $0x3  }
0x34: {  	[smem:$0x3FBA] =	sst s10  }
0x35: {  	s10 =	sld [smem:$0x3FB9];
	_ =	sdelay $0x3  }
0x36: {  	p1 =	seq.s32 s10, $0x1;
	s10 =	sld [smem:$0x3FBA];
	_ =	sdelay $0x3  }
0x37: {  	[smem:$0x3FBA] =	sst s10  }
0x38: {  	s10 =	sld [smem:$0x3FBB]  }
0x39: {  	_ = 	snop;
	(pc) =	sbr.ind lr, $3  }
0x3a: {  	_ = 	snop  }
0x3b: {  	_ = 	snop  }
0x3c: {  	p2 =	seq.s32 s10, $0x1;
	s10 =	sld [smem:$0x3FBA]  }
0x3d: {  	_ =	shalt  }
0x3e: {  	_ =	shalt  }
0x3f: {  	_ =	shalt  }
0x40: {  	_ =	shalt  }
0x41: {  	_ =	shalt  }
0x42: {  	_ =	shalt  }
0x43: {  	_ =	shalt  }
0x44: {  	_ =	shalt  }
0x45: {  	_ =	shalt  }
0x46: {  	_ =	shalt  }
0x47: {  	_ =	shalt  }
0x48: {  	_ =	shalt  }
0x49: {  	_ =	shalt  }
0x4a: {  	_ =	shalt  }
0x4b: {  	_ =	shalt  }
0x4c: {  	_ =	shalt  }
0x4d: {  	_ =	shalt  }
0x4e: {  	_ =	shalt  }
0x4f: {  	_ =	shalt  }
0x50: {  	_ =	shalt  }
0x51: {  	_ =	shalt  }
0x52: {  	_ =	shalt  }
0x53: {  	_ =	shalt  }
0x54: {  	_ =	shalt  }
0x55: {  	_ =	shalt  }
0x56: {  	_ =	shalt  }
0x57: {  	_ =	shalt  }
0x58: {  	_ =	shalt  }
0x59: {  	_ =	shalt  }
0x5a: {  	_ =	shalt  }
0x5b: {  	_ =	shalt  }
0x5c: {  	_ =	shalt  }
0x5d: {  	_ =	shalt  }
0x5e: {  	_ =	shalt  }
0x5f: {  	_ =	shalt  }
0x60: {  	_ =	shalt  }
0x61: {  	_ =	shalt  }
0x62: {  	_ =	shalt  }
0x63: {  	_ =	shalt  }
0x64: {  	_ =	shalt  }
0x65: {  	_ =	shalt  }
0x66: {  	_ =	shalt  }
0x67: {  	_ =	shalt  }
0x68: {  	_ =	shalt  }
0x69: {  	_ =	shalt  }
0x6a: {  	_ =	shalt  }
0x6b: {  	_ =	shalt  }
0x6c: {  	_ =	shalt  }
0x6d: {  	_ =	shalt  }
0x6e: {  	_ =	shalt  }
0x6f: {  	_ =	shalt  }
0x70: {  	_ =	shalt  }
0x71: {  	_ =	shalt  }
0x72: {  	_ =	shalt  }
0x73: {  	_ =	shalt  }
0x74: {  	_ =	shalt  }
0x75: {  	_ =	shalt  }
0x76: {  	_ =	shalt  }
0x77: {  	_ =	shalt  }
0x78: {  	_ =	shalt  }
0x79: {  	_ =	shalt  }
0x7a: {  	_ =	shalt  }
0x7b: {  	_ =	shalt  }
0x7c: {  	_ =	shalt  }
0x7d: {  	_ =	shalt  }
0x7e: {  	_ =	shalt  }
0x7f: {  	_ =	shalt  }
0x80: {  	_ =	shalt  }
0x81: {  	_ =	shalt  }
0x82: {  	_ =	shalt  }
0x83: {  	_ =	shalt  }
0x84: {  	_ =	shalt  }
0x85: {  	_ =	shalt  }
0x86: {  	_ =	shalt  }
0x87: {  	_ =	shalt  }
.Lfunc_end0:
.L_simem_size_0:
called_computation.3_lowered:
.L_overlay_start_0:
0x88: {  	s2 =	sld [smem:$0x3FD9]  }
0x89: {  	s3 =	sld [smem:$0x3FFE];
	_ =	sdelay $0x1  }
0x8a: {  	s1 =	srdreg.scid  }
0x8b: {  	s0 =	sand.u32 $0x1, s1  }
0x8c: {  	s16 =	sshll.u32 s0, $0xA;
	s2 =	sadd.s32 s3, s2  }
0x8d: {  	s2 =	sadd.s32 s2, s16  }
0x8e: {  	[smem:$0x3FC6] =	sst s2  }
0x8f: {  	_ = 	snop  }
0x90: {  	(tm) =	ssettm $0x1  }
0x91: {  	s17 =	sld [smem:$0x3FFB];
	_ =	sdelay $0x3  }
0x92: {  	_ =	strace s17  }
0x93: {  	s2 =	sld [smem:$0x3FFC];
	_ =	sdelay $0x3  }
0x94: {  	_ =	strace s2  }
0x95: {  	s2 =	sld [smem:$0x3FFD];
	_ =	sdelay $0x3  }
0x96: {  	_ =	strace s2  }
0x97: {  	_ =	strace $0x8FFFFFFF  }
0x98: {  	s18 =	sld [smem:$0x3FDB];
	_ =	sdelay $0x1  }
0x99: {  	s19 =	simm.s32 $_scs_section_size  }
0x9a: {  	s4 =	simm.s32 $_size__tile_overlayer_lowered;
	s5 =	simm.s32 $_tile_overlayer_lowered  }
0x9b: {  	s22 =	simm.s32 $0x1BFF;
	s21 =	sshll.u32 s5, $0x1;
	s2 =	sadd.s32 s19, s18  }
0x9c: {  	s6 =	simm.s32 $0x0;
	s20 =	sshll.u32 s4, $0x1;
	s4 =	sadd.s32 s21, s2  }
0x9d: {  	[timem:s6], [sflag:s22] =	dma.local [hbm:s4], s20  }
0x9e: {  	_ =	swait.ge [sflag:s22], s20  }
0x9f: {  	s3 =	ssub.s32 $0x0, s20;
	[sflag:s22] =	ssyncset.done $0x0  }
0xa0: {  	[sflag:s22] =	ssyncadd.s32 s3;
	_ =	sdelay $0x1  }
0xa1: {  	s23 =	simm.s32 $0x1B8B  }
0xa2: {  	_ =	swait.ge [sflag:s23], $0x1  }
0xa3: {  	[sflag:s23] =	ssyncset.done $0x0  }
0xa4: {  	s25 =	simm.s32 $0x1B8E;
	s24 =	sld [smem:$0x3FFE];
	[sflag:s23] =	ssyncadd.s32 $0xFFFFFFFF  }
0xa5: {  	s26 =	simm.s32 $execute0_lowered;
	[smem:$0x3FD2] =	sst s25  }
0xa6: {  	s4 =	sshll.u32 s26, $0x1;
	_ =	strace $0x80000046;
	[dreg:$0x1] =	wrdreg $0xFFFFFFFF  }
0xa7: {  	s28 =	simm.s32 $_size_execute0_lowered;
	s2 =	sadd.s32 s2, s4;
	[dreg:$0x0] =	wrdreg $0x0  }
0xa8: {  	s4 =	sshll.u32 s28, $0x1;
	[dreg:$0x2] =	wrdreg s2  }
0xa9: {  	[dreg:$0x3] =	wrdreg s4  }
0xaa: {  	[dreg:$0x4] =	wrdreg $0xC0  }
0xab: {  	_ =	task [dreg:s6], $0x5FFFF  }
0xac: {  	[dreg:$0x1] =	wrdreg $0xFFFFFFFF  }
0xad: {  	[dreg:$0x0] =	wrdreg $0x60  }
0xae: {  	[dreg:$0x2] =	wrdreg s24  }
0xaf: {  	[dreg:$0x3] =	wrdreg $0xC  }
0xb0: {  	_ =	task.clear_ibuf [dreg:s6], $0x4FFFF;
	_ =	strace $0x90000046  }
0xb1: {  	s29 =	simm.s32 $0xC;
	_ =	strace $0x80000048  }
0xb2: {  	_ =	swait.ge [sflag:s29], $0x1  }
0xb3: {  	[sflag:s29] =	ssyncadd.s32 $0xFFFFFFFF  }
0xb4: {  	_ =	strace $0x90000048  }
0xb5: {  	_ =	sfence  }
0xb6: {  	s30 =	sld [smem:$0x0];
	_ =	sdelay $0x2  }
0xb7: {  	s31 =	sshll.u32 s1, $0xD;
	s1 =	sshrl.u32 s1, $0x2  }
0xb8: {  	s3 =	sand.u32 $0x4000, s31;
	s1 =	sadd.s32 s1, s30  }
0xb9: {  	s0 =	sor.u32 s3, s0;
	s1 =	sshll.u32 s1, $0x11  }
0xba: {  	s0 =	sor.u32 s1, s0  }
0xbb: {  	s0 =	sadd.s32 $0x8F2B, s0  }
0xbc: {  	[sflag:s0] =	ssyncadd.remote.s32 $0x1  }
0xbd: {  	_ =	sfence.sel $0xFFFF  }
0xbe: {  	[dreg:$0x0] =	wrdreg $0xFFFFFFFF;
	(pc) =	sbr.abs _section_cstart, $3  }
0xbf: {  	[dreg:$0x1] =	wrdreg $0xFFFFFFFF  }
0xc0: {  	_ =	task.clear_ibuf [dreg:s6], $0x2FFFF;
	_ =	strace $0x9FFFFFFF  }
0xc1: {  	(tm) =	ssettm $0x7FFFFFFF  }
tec
execute0_lowered:
.L_overlay_start_1:
0x0: {  	(tag) =	ssettag $0x1  }
0x1: {  	s1 =	srdreg.scid;
	s0 =	stileid.u32  }
0x2: {  	s5 =	rddreg [dreg:$0x0];
	s9 =	simm.s32 $0xA000;
	s10 =	simm.s32 $0x1  }
0x3: {  	s11 =	simm.s32 $0x2;
	s12 =	simm.s32 $0x80;
	s13 =	simm.s32 $0x400  }
0x4: {  	s14 =	simm.s32 $0x3;
	s15 =	simm.s32 $0x0;
	s4 =	sand.u32 $0x1, s1  }
0x5: {  	s2 =	sshll.u32 s0, $0x1;
	s1 =	rddreg [dreg:$0x1];
	s3 =	sshrl.u32 s0, $0x2  }
0x6: {  	s6 =	sor.u32 s4, s2;
	s2 =	simm.s32 $0x0;
	s3 =	smul.u32 $0x50000, s3  }
0x7: {  	s8 =	ssub.s32 $0x2, s4;
	s4 =	sadd.s32 $0x1A00, s5;
	s7 =	sshll.u32 s6, $0x7  }
.Ltmp0:
0x8: {  	[smem:$0x7FF] =	sst s2;
	s7 =	sand.u32 $0x380, s7;
	(pc) =	sbr.rel .LBB2_1-.Ltmp0, $4  }
0x9: {  	s31 =	sshrl.u32 s8, $0x1;
	s7 =	sor.u32 s3, s7;
	s3 =	smul.u32 $0x13, s6  }
0xa: {  	s8 =	ssub.s32 s8, s31;
	s6 =	smul.u32 $0x4C00, s6;
	s7 =	sshrl.u32 s7, $0x3  }
0xb: {  	_ =	strace $0x80000047;
	s8 =	smax.u32 s8, $0x1;
	s7 =	sadd.s32 s7, s5  }
0xc: {  	v0 =	vimm.f32 $0.0e+00;
	v1 =	vimm.f32 $1.000000000e+00;
	s5 =	sadd.s32 s4, s6;
	s6 =	sadd.s32 $0x2, s3;
	s7 =	sadd.s32 $0x99A00, s7  }
.LBB2_10:
0xd: {  	s15 =	sadd.s32 $0x1, s15  }
0xe: {  	p0 =	sne.s32 s15, s8  }
.Ltmp1:
0xf: {  	_ = 	snop;
	(pc) =	sbr.rel @!p0 .LBB2_11-.Ltmp1, $4  }
0x10: {  	[hbm4b:s7+s12] =	stream.strided.scatter [tilespmem:s2], [sflag:$0x3], $0xA000, s13, s12, $0x38;
	[tilespmem:$0xE000] =	vst v63  }
0x11: {  	_ =	swait.ge [sflag:s14], $0xA000  }
0x12: {  	[sflag:s14] =	ssyncset.done $0x0  }
0x13: {  	[sflag:s14] =	ssyncadd.s32 $0xFFFF6000  }
.LBB2_1:
0x14: {  	s16 =	simm.s32 $0x0;
	s17 =	simm.s32 $0x200  }
.LBB2_2:
0x15: {  	p0 =	sne.s32 s17, $0x27E00;
	[tilespmem:s16+$0x70] =	vst v0  }
0x16: {  	[tilespmem:s16+$0x0] =	vst v0  }
0x17: {  	[tilespmem:s16+$0x10] =	vst v0  }
.Ltmp2:
0x18: {  	[tilespmem:s16+$0x20] =	vst v0;
	(pc) =	sbr.rel @p0 .LBB2_2-.Ltmp2, $4  }
0x19: {  	[tilespmem:s16+$0x30] =	vst v0  }
0x1a: {  	[tilespmem:s16+$0x40] =	vst v0  }
0x1b: {  	[tilespmem:s16+$0x50] =	vst v0  }
0x1c: {  	[tilespmem:s16+$0x60] =	vst v0;
	s16 =	sshra.s32 s17, $0x2;
	s17 =	sadd.s32 $0x200, s17  }
0x1d: {  	[tilespmem:s16+$0x70] =	vst v0  }
0x1e: {  	[tilespmem:s16+$0x0] =	vst v0  }
0x1f: {  	[tilespmem:s16+$0x10] =	vst v0  }
0x20: {  	[tilespmem:s16+$0x20] =	vst v0  }
.Ltmp3:
0x21: {  	[tilespmem:s16+$0x30] =	vst v0;
	(pc) =	sbr.rel .LBB2_4-.Ltmp3, $4  }
0x22: {  	[tilespmem:s16+$0x40] =	vst v0  }
0x23: {  	[tilespmem:s16+$0x50] =	vst v0  }
0x24: {  	[tilespmem:s16+$0x60] =	vst v0;
	s16 =	simm.s32 $0x0  }
0x25: {  	[tilespmem:s9], [sflag:$0x1] =	stream.linear.gather [hbm4b:s5+s16], $0x2000, $0x38;
	[tilespmem:$0xE000] =	vst v63  }
.LBB2_9:
0x26: {  	s16 =	sadd.s32 $0x1, s16  }
0x27: {  	p0 =	sne.s32 s16, $0xA  }
.Ltmp4:
0x28: {  	_ = 	snop;
	(pc) =	sbr.rel @!p0 .LBB2_10-.Ltmp4, $1  }
0x29: {  	_ =	sdelay $0x3  }
.LBB2_4:
0x2a: {  	s17 =	sshllo.u32 s16, $0x1  }
0x2b: {  	p0 =	sgt.u32 s17, $0x12  }
0x2c: {  	s17 =	sadd.s32 @!p0 s3, s17  }
0x2d: {  	s17 =	sshll.u32 @!p0 s17, $0xA  }
0x2e: {  	s17 =	sand.u32 @!p0 $0xFFC00, s17  }
0x2f: {  	s18 =	simm.s32 @!p0 $0x0;
	s19 =	simm.s32 @!p0 $0xC000;
	s17 =	sadd.s32 @!p0 s4, s17  }
0x30: {  	[tilespmem:s19], [sflag:$0x2] =	stream.linear.gather @!p0 [hbm4b:s17+s18], $0x2000, $0x38;
	[tilespmem:$0xE000] =	vst v63  }
0x31: {  	_ =	swait.ge [sflag:s10], $0x2000  }
0x32: {  	s17 =	sshll.u32 s16, $0x1;
	[sflag:s10] =	ssyncset.done $0x0  }
0x33: {  	s18 =	simm.s32 $0x0;
	s19 =	simm.s32 $0x0;
	[sflag:s10] =	ssyncadd.s32 $0xFFFFE000  }
.LBB2_5:
0x34: {  	s20 =	sand.u32 $0x1000, s19;
	s21 =	sand.u32 $0x380, s18  }
0x35: {  	s20 =	sor.u32 s21, s20  }
0x36: {  	v2 =	vld [tilespmem:s20+$0xA000];
	_ =	sdelay $0x7  }
0x37: {  	[tilespmem:v2+s2+$0x0] =	vst.idx.add.f32.msk $0xffff, v1  }
0x38: {  	v2 =	vld [tilespmem:s20+$0xA010];
	_ =	sdelay $0x7  }
0x39: {  	[tilespmem:v2+s2+$0x0] =	vst.idx.add.f32.msk $0xffff, v1  }
0x3a: {  	v2 =	vld [tilespmem:s20+$0xA020];
	_ =	sdelay $0x7  }
0x3b: {  	[tilespmem:v2+s2+$0x0] =	vst.idx.add.f32.msk $0xffff, v1  }
0x3c: {  	v2 =	vld [tilespmem:s20+$0xA030];
	_ =	sdelay $0x7  }
0x3d: {  	[tilespmem:v2+s2+$0x0] =	vst.idx.add.f32.msk $0xffff, v1  }
0x3e: {  	v2 =	vld [tilespmem:s20+$0xA040];
	_ =	sdelay $0x7  }
0x3f: {  	[tilespmem:v2+s2+$0x0] =	vst.idx.add.f32.msk $0xffff, v1  }
0x40: {  	v2 =	vld [tilespmem:s20+$0xA050];
	_ =	sdelay $0x7  }
0x41: {  	[tilespmem:v2+s2+$0x0] =	vst.idx.add.f32.msk $0xffff, v1  }
0x42: {  	v2 =	vld [tilespmem:s20+$0xA060];
	_ =	sdelay $0x7  }
0x43: {  	[tilespmem:v2+s2+$0x0] =	vst.idx.add.f32.msk $0xffff, v1  }
0x44: {  	v2 =	vld [tilespmem:s20+$0xA070];
	_ =	sdelay $0x7  }
0x45: {  	[tilespmem:v2+s2+$0x0] =	vst.idx.add.f32.msk $0xffff, v1  }
0x46: {  	v2 =	vld [tilespmem:s20+$0xA400];
	_ =	sdelay $0x7  }
0x47: {  	[tilespmem:v2+s2+$0x0] =	vst.idx.add.f32.msk $0xffff, v1  }
0x48: {  	v2 =	vld [tilespmem:s20+$0xA410];
	_ =	sdelay $0x7  }
0x49: {  	[tilespmem:v2+s2+$0x0] =	vst.idx.add.f32.msk $0xffff, v1  }
0x4a: {  	v2 =	vld [tilespmem:s20+$0xA420];
	_ =	sdelay $0x7  }
0x4b: {  	[tilespmem:v2+s2+$0x0] =	vst.idx.add.f32.msk $0xffff, v1  }
0x4c: {  	v2 =	vld [tilespmem:s20+$0xA430];
	_ =	sdelay $0x7  }
0x4d: {  	[tilespmem:v2+s2+$0x0] =	vst.idx.add.f32.msk $0xffff, v1  }
0x4e: {  	v2 =	vld [tilespmem:s20+$0xA440];
	_ =	sdelay $0x7  }
0x4f: {  	[tilespmem:v2+s2+$0x0] =	vst.idx.add.f32.msk $0xffff, v1  }
0x50: {  	v2 =	vld [tilespmem:s20+$0xA450];
	_ =	sdelay $0x7  }
0x51: {  	[tilespmem:v2+s2+$0x0] =	vst.idx.add.f32.msk $0xffff, v1  }
0x52: {  	v2 =	vld [tilespmem:s20+$0xA460];
	_ =	sdelay $0x7  }
0x53: {  	[tilespmem:v2+s2+$0x0] =	vst.idx.add.f32.msk $0xffff, v1  }
0x54: {  	v2 =	vld [tilespmem:s20+$0xA470];
	_ =	sdelay $0x7  }
0x55: {  	[tilespmem:v2+s2+$0x0] =	vst.idx.add.f32.msk $0xffff, v1  }
0x56: {  	v2 =	vld [tilespmem:s20+$0xA800];
	_ =	sdelay $0x7  }
0x57: {  	[tilespmem:v2+s2+$0x0] =	vst.idx.add.f32.msk $0xffff, v1  }
0x58: {  	v2 =	vld [tilespmem:s20+$0xA810];
	_ =	sdelay $0x7  }
0x59: {  	[tilespmem:v2+s2+$0x0] =	vst.idx.add.f32.msk $0xffff, v1  }
0x5a: {  	v2 =	vld [tilespmem:s20+$0xA820];
	_ =	sdelay $0x7  }
0x5b: {  	[tilespmem:v2+s2+$0x0] =	vst.idx.add.f32.msk $0xffff, v1  }
0x5c: {  	v2 =	vld [tilespmem:s20+$0xA830];
	_ =	sdelay $0x7  }
0x5d: {  	[tilespmem:v2+s2+$0x0] =	vst.idx.add.f32.msk $0xffff, v1  }
0x5e: {  	v2 =	vld [tilespmem:s20+$0xA840];
	_ =	sdelay $0x7  }
0x5f: {  	[tilespmem:v2+s2+$0x0] =	vst.idx.add.f32.msk $0xffff, v1  }
0x60: {  	v2 =	vld [tilespmem:s20+$0xA850];
	_ =	sdelay $0x7  }
0x61: {  	[tilespmem:v2+s2+$0x0] =	vst.idx.add.f32.msk $0xffff, v1  }
0x62: {  	v2 =	vld [tilespmem:s20+$0xA860];
	_ =	sdelay $0x7  }
0x63: {  	[tilespmem:v2+s2+$0x0] =	vst.idx.add.f32.msk $0xffff, v1  }
0x64: {  	v2 =	vld [tilespmem:s20+$0xA870];
	_ =	sdelay $0x7  }
0x65: {  	[tilespmem:v2+s2+$0x0] =	vst.idx.add.f32.msk $0xffff, v1  }
0x66: {  	v2 =	vld [tilespmem:s20+$0xAC00];
	_ =	sdelay $0x7  }
0x67: {  	[tilespmem:v2+s2+$0x0] =	vst.idx.add.f32.msk $0xffff, v1  }
0x68: {  	v2 =	vld [tilespmem:s20+$0xAC10];
	_ =	sdelay $0x7  }
0x69: {  	[tilespmem:v2+s2+$0x0] =	vst.idx.add.f32.msk $0xffff, v1  }
0x6a: {  	v2 =	vld [tilespmem:s20+$0xAC20];
	_ =	sdelay $0x7  }
0x6b: {  	[tilespmem:v2+s2+$0x0] =	vst.idx.add.f32.msk $0xffff, v1  }
0x6c: {  	v2 =	vld [tilespmem:s20+$0xAC30];
	_ =	sdelay $0x7  }
0x6d: {  	[tilespmem:v2+s2+$0x0] =	vst.idx.add.f32.msk $0xffff, v1  }
0x6e: {  	v2 =	vld [tilespmem:s20+$0xAC40];
	_ =	sdelay $0x7  }
0x6f: {  	[tilespmem:v2+s2+$0x0] =	vst.idx.add.f32.msk $0xffff, v1  }
0x70: {  	v2 =	vld [tilespmem:s20+$0xAC50];
	_ =	sdelay $0x7  }
0x71: {  	[tilespmem:v2+s2+$0x0] =	vst.idx.add.f32.msk $0xffff, v1  }
0x72: {  	v2 =	vld [tilespmem:s20+$0xAC60];
	_ =	sdelay $0x7  }
0x73: {  	[tilespmem:v2+s2+$0x0] =	vst.idx.add.f32.msk $0xffff, v1  }
0x74: {  	v2 =	vld [tilespmem:s20+$0xAC70];
	_ =	sdelay $0x2  }
0x75: {  	p1 =	sne.s32 s19, $0x1E00  }
.Ltmp5:
0x76: {  	_ = 	snop;
	(pc) =	sbr.rel @p1 .LBB2_5-.Ltmp5, $2  }
0x77: {  	_ =	sdelay $0x2  }
0x78: {  	s18 =	sadd.s32 $0x80, s18;
	s19 =	sadd.s32 $0x200, s19;
	[tilespmem:v2+s2+$0x0] =	vst.idx.add.f32.msk $0xffff, v1  }
.Ltmp6:
0x79: {  	(pc) =	sbr.rel @p0 .LBB2_9-.Ltmp6, $1  }
0x7a: {  	_ =	sdelay $0x3  }
0x7b: {  	s17 =	sadd.s32 s17, s6  }
0x7c: {  	s18 =	smulhi.u32 $0x6BCA1AF3, s17;
	_ =	sdelay $0x1  }
0x7d: {  	s18 =	sshrl.u32 s18, $0x8  }
0x7e: {  	s19 =	smul.u32 $0x260, s18;
	_ =	sdelay $0x1  }
0x7f: {  	s17 =	ssub.s32 s17, s19  }
0x80: {  	s18 =	smul.u32 $0x4C0000, s18;
	s17 =	sshll.u32 s17, $0xD  }
0x81: {  	s30 =	sand.u32 $0x7C0000, s17  }
0x82: {  	s17 =	sand.u32 $0x3E000, s17;
	s18 =	sadd.s32 s18, s30  }
0x83: {  	s17 =	sor.u32 s17, s18  }
0x84: {  	s17 =	sshrl.u32 s17, $0x3  }
0x85: {  	s31 =	sadd.s32 s4, s17;
	s17 =	simm.s32 $0x0  }
0x86: {  	[tilespmem:s9], [sflag:$0x1] =	stream.linear.gather [hbm4b:s31+s17], $0x2000, $0x38;
	[tilespmem:$0xE000] =	vst v63  }
0x87: {  	_ =	swait.ge [sflag:s11], $0x2000  }
0x88: {  	[sflag:s11] =	ssyncset.done $0x0  }
0x89: {  	s18 =	simm.s32 $0x0;
	[sflag:s11] =	ssyncadd.s32 $0xFFFFE000  }
.LBB2_8:
0x8a: {  	s19 =	sand.u32 $0x1000, s18;
	s20 =	sand.u32 $0x380, s17  }
0x8b: {  	s19 =	sor.u32 s20, s19  }
0x8c: {  	v2 =	vld [tilespmem:s19+$0xC000];
	_ =	sdelay $0x7  }
0x8d: {  	[tilespmem:v2+s2+$0x0] =	vst.idx.add.f32.msk $0xffff, v1  }
0x8e: {  	v2 =	vld [tilespmem:s19+$0xC010];
	_ =	sdelay $0x7  }
0x8f: {  	[tilespmem:v2+s2+$0x0] =	vst.idx.add.f32.msk $0xffff, v1  }
0x90: {  	v2 =	vld [tilespmem:s19+$0xC020];
	_ =	sdelay $0x7  }
0x91: {  	[tilespmem:v2+s2+$0x0] =	vst.idx.add.f32.msk $0xffff, v1  }
0x92: {  	v2 =	vld [tilespmem:s19+$0xC030];
	_ =	sdelay $0x7  }
0x93: {  	[tilespmem:v2+s2+$0x0] =	vst.idx.add.f32.msk $0xffff, v1  }
0x94: {  	v2 =	vld [tilespmem:s19+$0xC040];
	_ =	sdelay $0x7  }
0x95: {  	[tilespmem:v2+s2+$0x0] =	vst.idx.add.f32.msk $0xffff, v1  }
0x96: {  	v2 =	vld [tilespmem:s19+$0xC050];
	_ =	sdelay $0x7  }
0x97: {  	[tilespmem:v2+s2+$0x0] =	vst.idx.add.f32.msk $0xffff, v1  }
0x98: {  	v2 =	vld [tilespmem:s19+$0xC060];
	_ =	sdelay $0x7  }
0x99: {  	[tilespmem:v2+s2+$0x0] =	vst.idx.add.f32.msk $0xffff, v1  }
0x9a: {  	v2 =	vld [tilespmem:s19+$0xC070];
	_ =	sdelay $0x7  }
0x9b: {  	[tilespmem:v2+s2+$0x0] =	vst.idx.add.f32.msk $0xffff, v1  }
0x9c: {  	v2 =	vld [tilespmem:s19+$0xC400];
	_ =	sdelay $0x7  }
0x9d: {  	[tilespmem:v2+s2+$0x0] =	vst.idx.add.f32.msk $0xffff, v1  }
0x9e: {  	v2 =	vld [tilespmem:s19+$0xC410];
	_ =	sdelay $0x7  }
0x9f: {  	[tilespmem:v2+s2+$0x0] =	vst.idx.add.f32.msk $0xffff, v1  }
0xa0: {  	v2 =	vld [tilespmem:s19+$0xC420];
	_ =	sdelay $0x7  }
0xa1: {  	[tilespmem:v2+s2+$0x0] =	vst.idx.add.f32.msk $0xffff, v1  }
0xa2: {  	v2 =	vld [tilespmem:s19+$0xC430];
	_ =	sdelay $0x7  }
0xa3: {  	[tilespmem:v2+s2+$0x0] =	vst.idx.add.f32.msk $0xffff, v1  }
0xa4: {  	v2 =	vld [tilespmem:s19+$0xC440];
	_ =	sdelay $0x7  }
0xa5: {  	[tilespmem:v2+s2+$0x0] =	vst.idx.add.f32.msk $0xffff, v1  }
0xa6: {  	v2 =	vld [tilespmem:s19+$0xC450];
	_ =	sdelay $0x7  }
0xa7: {  	[tilespmem:v2+s2+$0x0] =	vst.idx.add.f32.msk $0xffff, v1  }
0xa8: {  	v2 =	vld [tilespmem:s19+$0xC460];
	_ =	sdelay $0x7  }
0xa9: {  	[tilespmem:v2+s2+$0x0] =	vst.idx.add.f32.msk $0xffff, v1  }
0xaa: {  	v2 =	vld [tilespmem:s19+$0xC470];
	_ =	sdelay $0x7  }
0xab: {  	[tilespmem:v2+s2+$0x0] =	vst.idx.add.f32.msk $0xffff, v1  }
0xac: {  	v2 =	vld [tilespmem:s19+$0xC800];
	_ =	sdelay $0x7  }
0xad: {  	[tilespmem:v2+s2+$0x0] =	vst.idx.add.f32.msk $0xffff, v1  }
0xae: {  	v2 =	vld [tilespmem:s19+$0xC810];
	_ =	sdelay $0x7  }
0xaf: {  	[tilespmem:v2+s2+$0x0] =	vst.idx.add.f32.msk $0xffff, v1  }
0xb0: {  	v2 =	vld [tilespmem:s19+$0xC820];
	_ =	sdelay $0x7  }
0xb1: {  	[tilespmem:v2+s2+$0x0] =	vst.idx.add.f32.msk $0xffff, v1  }
0xb2: {  	v2 =	vld [tilespmem:s19+$0xC830];
	_ =	sdelay $0x7  }
0xb3: {  	[tilespmem:v2+s2+$0x0] =	vst.idx.add.f32.msk $0xffff, v1  }
0xb4: {  	v2 =	vld [tilespmem:s19+$0xC840];
	_ =	sdelay $0x7  }
0xb5: {  	[tilespmem:v2+s2+$0x0] =	vst.idx.add.f32.msk $0xffff, v1  }
0xb6: {  	v2 =	vld [tilespmem:s19+$0xC850];
	_ =	sdelay $0x7  }
0xb7: {  	[tilespmem:v2+s2+$0x0] =	vst.idx.add.f32.msk $0xffff, v1  }
0xb8: {  	v2 =	vld [tilespmem:s19+$0xC860];
	_ =	sdelay $0x7  }
0xb9: {  	[tilespmem:v2+s2+$0x0] =	vst.idx.add.f32.msk $0xffff, v1  }
0xba: {  	v2 =	vld [tilespmem:s19+$0xC870];
	_ =	sdelay $0x7  }
0xbb: {  	[tilespmem:v2+s2+$0x0] =	vst.idx.add.f32.msk $0xffff, v1  }
0xbc: {  	v2 =	vld [tilespmem:s19+$0xCC00];
	_ =	sdelay $0x7  }
0xbd: {  	[tilespmem:v2+s2+$0x0] =	vst.idx.add.f32.msk $0xffff, v1  }
0xbe: {  	v2 =	vld [tilespmem:s19+$0xCC10];
	_ =	sdelay $0x7  }
0xbf: {  	[tilespmem:v2+s2+$0x0] =	vst.idx.add.f32.msk $0xffff, v1  }
0xc0: {  	v2 =	vld [tilespmem:s19+$0xCC20];
	_ =	sdelay $0x7  }
0xc1: {  	[tilespmem:v2+s2+$0x0] =	vst.idx.add.f32.msk $0xffff, v1  }
0xc2: {  	v2 =	vld [tilespmem:s19+$0xCC30];
	_ =	sdelay $0x7  }
0xc3: {  	[tilespmem:v2+s2+$0x0] =	vst.idx.add.f32.msk $0xffff, v1  }
0xc4: {  	v2 =	vld [tilespmem:s19+$0xCC40];
	_ =	sdelay $0x7  }
0xc5: {  	[tilespmem:v2+s2+$0x0] =	vst.idx.add.f32.msk $0xffff, v1  }
0xc6: {  	v2 =	vld [tilespmem:s19+$0xCC50];
	_ =	sdelay $0x7  }
0xc7: {  	[tilespmem:v2+s2+$0x0] =	vst.idx.add.f32.msk $0xffff, v1  }
0xc8: {  	v2 =	vld [tilespmem:s19+$0xCC60];
	_ =	sdelay $0x7  }
0xc9: {  	[tilespmem:v2+s2+$0x0] =	vst.idx.add.f32.msk $0xffff, v1  }
0xca: {  	v2 =	vld [tilespmem:s19+$0xCC70];
	_ =	sdelay $0x2  }
0xcb: {  	p0 =	sne.s32 s18, $0x1E00  }
.Ltmp7:
0xcc: {  	_ = 	snop;
	(pc) =	sbr.rel @p0 .LBB2_8-.Ltmp7, $2  }
0xcd: {  	_ =	sdelay $0x2  }
0xce: {  	s17 =	sadd.s32 $0x80, s17;
	s18 =	sadd.s32 $0x200, s18;
	[tilespmem:v2+s2+$0x0] =	vst.idx.add.f32.msk $0xffff, v1  }
.Ltmp8:
0xcf: {  	_ = 	snop;
	(pc) =	sbr.rel .LBB2_9-.Ltmp8, $1  }
0xd0: {  	_ =	sdelay $0x3  }
.LBB2_11:
0xd1: {  	_ =	sfence.sel $0x180000  }
0xd2: {  	[bflag:$0x0] =	sbarrier.arrive $0xFFFF  }
0xd3: {  	p0 =	sne.s32 s0, $0x0;
	_ =	strace $0x90000047  }
0xd4: {  	s0 =	sadd.s32 @!p0 $0x100000, s1;
	[bflag:$0x2] =	sbarrier.arrive $0xFFFF  }
0xd5: {  	[sflag:s0] =	ssyncadd.tile.s32 @!p0 $0x1;
	_ =	shalt  }
.Lfunc_end2:
_tile_overlayer_lowered:
.L_overlay_start_2:
0xd6: {  	(tag) =	ssettag $0x2  }
0xd7: {  	s0 =	rddreg [dreg:$0x0];
	s2 =	stileid.u32  }
0xd8: {  	s1 =	rddreg [dreg:$0x1];
	p0 =	sne.s32 s2, $0x0  }
0xd9: {  	s3 =	rddreg [dreg:$0x2];
	[bflag:$0x3] =	sbarrier.arrive $0xFFFF;
	s2 =	simm.s32 @!p0 $0x1C03  }
0xda: {  	[timem:s3], [sflag:s2] =	dma.local @!p0 [hbm:s0], s1  }
0xdb: {  	s0 =	simm.s32 @!p0 $0x3  }
0xdc: {  	_ =	swait.ge @!p0 [sflag:s0], s1  }
0xdd: {  	s1 =	ssub.s32 @!p0 $0x0, s1;
	[sflag:s0] =	ssyncset.done @!p0 $0x0  }
0xde: {  	[sflag:s0] =	ssyncadd.s32 @!p0 s1  }
0xdf: {  	[bflag:$0x3] =	sbarrier.arrive $0xFFFF  }
0xe0: {  	_ =	shalt  }

</sc_bundles>
